<compile_context>
chip_gen: v7x
topology: tpu7x:2x2x1
jax: 0.10.2.dev20260603
libtpu: 0.0.44.dev20260713+nightly
codegen_flags: <defaults>
</compile_context>

<pallas_src>
import jax
import jax.numpy as jnp
from jax import lax
from jax.experimental import pallas as pl
from jax.experimental.pallas import tpu as pltpu
from jax.experimental.pallas import tpu_sc as plsc

E = 8
D = 2048
DH = D // 2
DHW = DH // 2
DFF = 1408
T = 8192
TK = 2 * T
BS = 512
NB = TK // BS + E
NBP = NB + 8
P = NB * BS
RT = 1024

NC = 2
NS = 16
NW = NC * NS
SROWS = 64
WROWS = SROWS // NW


def _pack_pair(xf32):
    h = xf32.shape[1] // 2
    lo = lax.bitcast_convert_type(
        xf32[:, :h].astype(jnp.bfloat16).astype(jnp.float32), jnp.int32)
    hi = lax.bitcast_convert_type(
        xf32[:, h:].astype(jnp.bfloat16).astype(jnp.float32), jnp.int32)
    return lax.shift_right_logical(lo, 16) | (hi & (-65536))


def _unpack2(w):
    lo = lax.bitcast_convert_type(lax.shift_left(w, 16), jnp.float32)
    hi = lax.bitcast_convert_type(w & (-65536), jnp.float32)
    return lo, hi


def _router_body(x_ref, gw_ref, aux_ref, xa_ref, xb_ref):
    x = x_ref[...]
    logits = lax.dot_general(x, gw_ref[...], (((1,), (0,)), ((), ())),
                             preferred_element_type=jnp.float32)
    p = jax.nn.softmax(logits, axis=-1)
    lane = lax.broadcasted_iota(jnp.int32, p.shape, 1)
    m1 = jnp.max(p, axis=-1, keepdims=True)
    idx1 = jnp.min(jnp.where(p == m1, lane, E), axis=-1, keepdims=True)
    pex = jnp.where(lane == idx1, -1.0, p)
    m2 = jnp.max(pex, axis=-1, keepdims=True)
    idx2 = jnp.min(jnp.where(pex == m2, lane, E), axis=-1, keepdims=True)
    denom = m1 + m2
    swap = idx2 < idx1
    elo = jnp.where(swap, idx2, idx1).astype(jnp.float32)
    ehi = jnp.where(swap, idx1, idx2).astype(jnp.float32)
    wlo = jnp.where(swap, m2, m1) / denom
    whi = jnp.where(swap, m1, m2) / denom
    aux_ref[...] = (jnp.where(lane == 0, elo, 0.0)
                    + jnp.where(lane == 1, ehi, 0.0)
                    + jnp.where(lane == 2, wlo, 0.0)
                    + jnp.where(lane == 3, whi, 0.0))
    xa_ref[...] = _pack_pair(x[:, :DH])
    xb_ref[...] = _pack_pair(x[:, DH:])


def _slots_body(aux_ref, slo_ref, shi_ref, bexp_ref):
    aux = aux_ref[...]
    lane = lax.broadcasted_iota(jnp.int32, (T, E), 1)
    oh_lo = (lane == aux[:, 0:1].astype(jnp.int32)).astype(jnp.float32)
    oh_hi = (lane == aux[:, 1:2].astype(jnp.int32)).astype(jnp.float32)
    v_lo = oh_lo.reshape(SROWS, 128, E)
    v_hi = oh_hi.reshape(SROWS, 128, E)

    r_i = lax.broadcasted_iota(jnp.int32, (SROWS, 128, 128), 1)
    r_j = lax.broadcasted_iota(jnp.int32, (SROWS, 128, 128), 2)
    ltri = (r_j < r_i).astype(jnp.float32)

    def pancum(v):
        return lax.dot_general(ltri, v, (((2,), (1,)), ((0,), (0,))),
                               preferred_element_type=jnp.float32)

    w_lo, w_hi = pancum(v_lo), pancum(v_hi)
    s_lo = jnp.sum(v_lo, axis=1)
    s_hi = jnp.sum(v_hi, axis=1)
    p_i = lax.broadcasted_iota(jnp.int32, (SROWS, SROWS), 0)
    p_j = lax.broadcasted_iota(jnp.int32, (SROWS, SROWS), 1)
    l64 = (p_j < p_i).astype(jnp.float32)
    off_lo = lax.dot_general(l64, s_lo, (((1,), (0,)), ((), ())),
                             preferred_element_type=jnp.float32)
    off_hi = lax.dot_general(l64, s_hi, (((1,), (0,)), ((), ())),
                             preferred_element_type=jnp.float32)
    tot_lo = jnp.sum(s_lo, axis=0, keepdims=True)
    tot_hi = jnp.sum(s_hi, axis=0, keepdims=True)

    counts = (tot_lo + tot_hi).astype(jnp.int32)
    padded = (((counts + BS - 1) // BS) * BS).astype(jnp.float32)
    e_i = lax.broadcasted_iota(jnp.int32, (E, E), 0)
    e_j = lax.broadcasted_iota(jnp.int32, (E, E), 1)
    m8 = (e_i < e_j).astype(jnp.float32)
    gstart = lax.dot_general(padded, m8, (((1,), (0,)), ((), ())),
                             preferred_element_type=jnp.float32)

    c_lo = w_lo + off_lo.reshape(SROWS, 1, E)
    c_hi = w_hi + off_hi.reshape(SROWS, 1, E) + tot_lo.reshape(1, 1, E)
    base = gstart.reshape(1, 1, E)
    slot_lo = jnp.sum((c_lo + base) * v_lo, axis=2)
    slot_hi = jnp.sum((c_hi + base) * v_hi, axis=2)
    slo_ref[...] = slot_lo.astype(jnp.int32)
    shi_ref[...] = slot_hi.astype(jnp.int32)

    tot_pad = jnp.sum(padded, axis=1, keepdims=True)
    b_i = (lax.broadcasted_iota(jnp.int32, (NBP, E), 0) * BS).astype(jnp.float32)
    b_c = jnp.minimum(b_i, tot_pad - BS)
    nle = jnp.sum((gstart <= b_c).astype(jnp.float32), axis=1,
                  keepdims=True) - 1.0
    row = lax.broadcasted_iota(jnp.int32, (NBP, 1), 0)
    val = jnp.where(row < NB, nle, tot_pad / BS)
    bexp_ref[...] = jnp.broadcast_to(val, (NBP, 128))


def _dispatch_body(xa_hbm, xb_hbm, slo_hbm, shi_hbm, oa_hbm, ob_hbm,
                   slot_v, buf_v):
    wid = lax.axis_index("s") * NC + lax.axis_index("c")
    for slot_hbm in (slo_hbm, shi_hbm):
        for r in range(WROWS):
            tok0 = (wid * WROWS + r) * 128
            pltpu.sync_copy(slot_hbm.at[pl.ds(tok0, 128)], slot_v)
            pltpu.sync_copy(xa_hbm.at[pl.ds(tok0, 128)], buf_v)
            pltpu.sync_copy(buf_v, oa_hbm.at[slot_v])
            pltpu.sync_copy(xb_hbm.at[pl.ds(tok0, 128)], buf_v)
            pltpu.sync_copy(buf_v, ob_hbm.at[slot_v])


def _mlp_body(bexp_ref, xa_ref, xb_ref, gup_ref, dwn_ref, ya_ref, yb_ref):
    @pl.when(pl.program_id(0) < bexp_ref[NB])
    def _():
        _mlp_compute(xa_ref, xb_ref, gup_ref, dwn_ref, ya_ref, yb_ref)


def _mlp_compute(xa_ref, xb_ref, gup_ref, dwn_ref, ya_ref, yb_ref):
    la, ha = _unpack2(xa_ref[...])
    lb, hb = _unpack2(xb_ref[...])
    b16 = jnp.bfloat16
    x = jnp.concatenate([la.astype(b16), ha.astype(b16),
                         lb.astype(b16), hb.astype(b16)], axis=1)
    gg = lax.dot_general(x, gup_ref[0, :, :DFF], (((1,), (0,)), ((), ())),
                         preferred_element_type=jnp.float32)
    gu = lax.dot_general(x, gup_ref[0, :, DFF:], (((1,), (0,)), ((), ())),
                         preferred_element_type=jnp.float32)
    a = (jax.nn.silu(gg) * gu).astype(jnp.bfloat16)
    y = lax.dot_general(a, dwn_ref[0].astype(jnp.bfloat16),
                        (((1,), (0,)), ((), ())),
                        preferred_element_type=jnp.float32)
    ya_ref[...] = _pack_pair(y[:, :DH])
    yb_ref[...] = _pack_pair(y[:, DH:])


def _gather_body(ya_hbm, yb_hbm, slo_hbm, shi_hbm,
                 la_hbm, lb_hbm, ha_hbm, hb_hbm,
                 i0, i1, i2, i3, i4, i5, i6, i7,
                 buf0, buf1, sg0, sg1, sw0, sw1):
    wid = lax.axis_index("s") * NC + lax.axis_index("c")
    idx_refs = (i0, i1, i2, i3, i4, i5, i6, i7)
    items = []
    k = 0
    for slot_hbm, da_hbm, db_hbm in ((slo_hbm, la_hbm, lb_hbm),
                                     (shi_hbm, ha_hbm, hb_hbm)):
        for r in range(WROWS):
            for c in range(2):
                tok = (wid * WROWS + r) * 128 + c * 64
                pltpu.sync_copy(slot_hbm.at[pl.ds(tok, 64)], idx_refs[k])
                items.append((idx_refs[k], ya_hbm, da_hbm, tok))
                items.append((idx_refs[k], yb_hbm, db_hbm, tok))
                k += 1
    bufs, sgs, sws = (buf0, buf1), (sg0, sg1), (sw0, sw1)
    gops = [None, None]
    wops = [None, None]
    n = len(items)
    for i in range(n + 1):
        if i < n:
            if i >= 2:
                wops[i % 2].wait()
            idx, src, _, _ = items[i]
            gops[i % 2] = pltpu.make_async_copy(src.at[idx], bufs[i % 2],
                                                sgs[i % 2])
            gops[i % 2].start()
        if i >= 1:
            j = i - 1
            gops[j % 2].wait()
            _, _, dst, tok = items[j]
            wops[j % 2] = pltpu.make_async_copy(
                bufs[j % 2], dst.at[pl.ds(tok, 64)], sws[j % 2])
            wops[j % 2].start()
    wops[(n - 1) % 2].wait()
    wops[(n - 2) % 2].wait()


def _combine_body(aux_ref, la_ref, lb_ref, ha_ref, hb_ref, out_ref):
    aux = aux_ref[...]
    lane = lax.broadcasted_iota(jnp.int32, aux.shape, 1)
    wlo = jnp.sum(jnp.where(lane == 2, aux, 0.0), axis=1, keepdims=True)
    whi = jnp.sum(jnp.where(lane == 3, aux, 0.0), axis=1, keepdims=True)
    l0, l1 = _unpack2(la_ref[...])
    l2, l3 = _unpack2(lb_ref[...])
    h0, h1 = _unpack2(ha_ref[...])
    h2, h3 = _unpack2(hb_ref[...])
    for i, (lv, hv) in enumerate(((l0, h0), (l1, h1), (l2, h2), (l3, h3))):
        out_ref[:, i * DHW:(i + 1) * DHW] = wlo * lv + whi * hv


def kernel(hidden_states, gate_w, gate_up_w, down_w):
    f32 = jnp.float32
    bf16 = jnp.bfloat16

    aux, xa, xb = pl.pallas_call(
        _router_body,
        grid=(T // RT,),
        in_specs=[
            pl.BlockSpec((RT, D), lambda t: (t, 0)),
            pl.BlockSpec((D, E), lambda t: (0, 0)),
        ],
        out_specs=[
            pl.BlockSpec((RT, E), lambda t: (t, 0)),
            pl.BlockSpec((RT, DHW), lambda t: (t, 0)),
            pl.BlockSpec((RT, DHW), lambda t: (t, 0)),
        ],
        out_shape=[
            jax.ShapeDtypeStruct((T, E), f32),
            jax.ShapeDtypeStruct((T, DHW), jnp.int32),
            jax.ShapeDtypeStruct((T, DHW), jnp.int32),
        ],
    )(hidden_states, gate_w)

    slo3, shi3, bexpf = pl.pallas_call(
        _slots_body,
        out_shape=[
            jax.ShapeDtypeStruct((SROWS, 128), jnp.int32),
            jax.ShapeDtypeStruct((SROWS, 128), jnp.int32),
            jax.ShapeDtypeStruct((NBP, 128), f32),
        ],
    )(aux)
    slo1 = slo3.reshape(T)
    shi1 = shi3.reshape(T)
    bexp = bexpf[:, 0].astype(jnp.int32)

    mesh = plsc.VectorSubcoreMesh(core_axis_name="c", subcore_axis_name="s")

    dispatch = pl.kernel(
        _dispatch_body,
        out_type=[
            jax.ShapeDtypeStruct((P, DHW), jnp.int32),
            jax.ShapeDtypeStruct((P, DHW), jnp.int32),
        ],
        mesh=mesh,
        scratch_types=[
            pltpu.VMEM((128,), jnp.int32),
            pltpu.VMEM((128, DHW), jnp.int32),
        ],
    )
    xsa3, xsb3 = dispatch(xa, xb, slo1, shi1)

    gup_bf = gate_up_w.astype(bf16)

    ya, yb = pl.pallas_call(
        _mlp_body,
        grid_spec=pltpu.PrefetchScalarGridSpec(
            num_scalar_prefetch=1,
            grid=(NB,),
            in_specs=[
                pl.BlockSpec((BS, DHW), lambda b, be: (b, 0)),
                pl.BlockSpec((BS, DHW), lambda b, be: (b, 0)),
                pl.BlockSpec((1, D, 2 * DFF), lambda b, be: (be[b], 0, 0)),
                pl.BlockSpec((1, DFF, D), lambda b, be: (be[b], 0, 0)),
            ],
            out_specs=[
                pl.BlockSpec((BS, DHW), lambda b, be: (b, 0)),
                pl.BlockSpec((BS, DHW), lambda b, be: (b, 0)),
            ],
        ),
        out_shape=[
            jax.ShapeDtypeStruct((P, DHW), jnp.int32),
            jax.ShapeDtypeStruct((P, DHW), jnp.int32),
        ],
        compiler_params=pltpu.CompilerParams(
            dimension_semantics=("arbitrary",),
            vmem_limit_bytes=100 * 1024 * 1024,
        ),
    )(bexp, xsa3, xsb3, gup_bf, down_w)

    gather = pl.kernel(
        _gather_body,
        out_type=[
            jax.ShapeDtypeStruct((T, DHW), jnp.int32),
            jax.ShapeDtypeStruct((T, DHW), jnp.int32),
            jax.ShapeDtypeStruct((T, DHW), jnp.int32),
            jax.ShapeDtypeStruct((T, DHW), jnp.int32),
        ],
        mesh=mesh,
        scratch_types=(
            [pltpu.VMEM((64,), jnp.int32) for _ in range(8)]
            + [pltpu.VMEM((64, DHW), jnp.int32) for _ in range(2)]
            + [pltpu.SemaphoreType.DMA for _ in range(4)]
        ),
    )
    la3, lb3, ha3, hb3 = gather(ya, yb, slo1, shi1)

    out = pl.pallas_call(
        _combine_body,
        grid=(T // RT,),
        in_specs=[
            pl.BlockSpec((RT, E), lambda t: (t, 0)),
            pl.BlockSpec((RT, DHW), lambda t: (t, 0)),
            pl.BlockSpec((RT, DHW), lambda t: (t, 0)),
            pl.BlockSpec((RT, DHW), lambda t: (t, 0)),
            pl.BlockSpec((RT, DHW), lambda t: (t, 0)),
        ],
        out_specs=pl.BlockSpec((RT, D), lambda t: (t, 0)),
        out_shape=jax.ShapeDtypeStruct((T, D), f32),
    )(aux, la3, lb3, ha3, hb3)
    return out

# --- scband reference (transcript-rebuilt; emitter-appended) ---
"""Pipeline reference for scband-qwen3-moe-sparse-moe-block-old-46909632807483 (READ-ONLY COPY).

The authoritative reference and input builder live on the scoring server;
editing this copy changes nothing except your own understanding.
"""

import jax, jax.numpy as jnp
import numpy as np

NUM_EXPERTS = 8
TOP_K = 2
D_MODEL = 2048
D_FF = 1408
T = 8192

def setup_inputs(seed: int = 0) -> dict:
    key = jax.random.key(seed)
    k1, k2, k3, k4 = jax.random.split(key, 4)
    hidden_states = jax.random.normal(k1, (T, D_MODEL), dtype=jnp.float32)
    gate_w = jax.random.normal(k2, (D_MODEL, NUM_EXPERTS), dtype=jnp.float32) * 0.02
    gate_up_w = jax.random.normal(k3, (NUM_EXPERTS, D_MODEL, 2 * D_FF), dtype=jnp.float32) * 0.02
    down_w = jax.random.normal(k4, (NUM_EXPERTS, D_FF, D_MODEL), dtype=jnp.float32) * 0.02
    return {"hidden_states": hidden_states, "gate_w": gate_w, "gate_up_w": gate_up_w, "down_w": down_w}

def reference(hidden_states, gate_w, gate_up_w, down_w):
    # router
    router_logits = hidden_states @ gate_w  # [T, E]
    routing_weights = jax.nn.softmax(router_logits, axis=-1)
    topk_w, selected_experts = jax.lax.top_k(routing_weights, TOP_K)  # [T, k]
    topk_w = topk_w / jnp.sum(topk_w, axis=-1, keepdims=True)
    final_hidden_states = jnp.zeros_like(hidden_states)
    for expert_idx in range(NUM_EXPERTS):
        per_token_expert_mask = (selected_experts == expert_idx)  # [T, k]
        per_token_weights = jnp.sum(topk_w * per_token_expert_mask.astype(topk_w.dtype), axis=-1)  # [T]
        # Qwen3MoeMLP: gate_up_proj -> SiluAndMul -> down_proj
        gate_up = hidden_states @ gate_up_w[expert_idx]  # [T, 2*D_FF]
        act = jax.nn.silu(gate_up[:, :D_FF]) * gate_up[:, D_FF:]
        expert_out = act @ down_w[expert_idx]  # [T, D_MODEL]
        final_hidden_states = final_hidden_states + per_token_weights[:, None] * expert_out
    return final_hidden_states

if __name__ == "__main__":
    import jax
    _d = setup_inputs()
    print(jax.jit(kernel)(*tuple(_d.values())))

</pallas_src>

<mosaic_0001>
#map = affine_map<(d0, d1) -> (0, 0)>
#map1 = affine_map<(d0, d1) -> (0)>
module attributes {stable_mosaic.version = 14 : i64} {
  func.func @_gather_body(%arg0: i32, %arg1: i32, %arg2: memref<20480x512xi32, #tpu.memory_space<hbm>>, %arg3: memref<20480x512xi32, #tpu.memory_space<hbm>>, %arg4: memref<8192xi32, #tpu.memory_space<hbm>>, %arg5: memref<8192xi32, #tpu.memory_space<hbm>>, %arg6: memref<8192x512xi32, #tpu.memory_space<hbm>>, %arg7: memref<8192x512xi32, #tpu.memory_space<hbm>>, %arg8: memref<8192x512xi32, #tpu.memory_space<hbm>>, %arg9: memref<8192x512xi32, #tpu.memory_space<hbm>>, %arg10: memref<64xi32, #tpu.memory_space<vmem>>, %arg11: memref<64xi32, #tpu.memory_space<vmem>>, %arg12: memref<64xi32, #tpu.memory_space<vmem>>, %arg13: memref<64xi32, #tpu.memory_space<vmem>>, %arg14: memref<64xi32, #tpu.memory_space<vmem>>, %arg15: memref<64xi32, #tpu.memory_space<vmem>>, %arg16: memref<64xi32, #tpu.memory_space<vmem>>, %arg17: memref<64xi32, #tpu.memory_space<vmem>>, %arg18: memref<64x512xi32, #tpu.memory_space<vmem>>, %arg19: memref<64x512xi32, #tpu.memory_space<vmem>>, %arg20: memref<!tpu.dma_semaphore, #tpu.memory_space<semaphore_mem>>, %arg21: memref<!tpu.dma_semaphore, #tpu.memory_space<semaphore_mem>>, %arg22: memref<!tpu.dma_semaphore, #tpu.memory_space<semaphore_mem>>, %arg23: memref<!tpu.dma_semaphore, #tpu.memory_space<semaphore_mem>>) attributes {dimension_semantics = [#tpu.dimension_semantics<core_parallel>, #tpu.dimension_semantics<subcore_parallel>], iteration_bounds = array<i64: 2, 16>, scalar_prefetch = 0 : i64, scratch_operands = 14 : i64, tpu.core_type = #tpu.core_type<sc_vector_subcore>, window_params = [{transform_indices = #map}, {transform_indices = #map}, {transform_indices = #map1}, {transform_indices = #map1}, {transform_indices = #map}, {transform_indices = #map}, {transform_indices = #map}, {transform_indices = #map}]} {
    %mul3A = arith.constant 2 : i32
    %mul3A_0 = arith.muli %arg1, %mul3A : i32
    %add3A = arith.addi %mul3A_0, %arg0 : i32
    %mul3A_1 = arith.constant 2 : i32
    %mul3A_2 = arith.muli %add3A, %mul3A_1 : i32
    %add3A_3 = arith.constant 0 : i32
    %add3A_4 = arith.addi %mul3A_2, %add3A_3 : i32
    %mul3A_5 = arith.constant 128 : i32
    %mul3A_6 = arith.muli %add3A_4, %mul3A_5 : i32
    %add3A_7 = arith.constant 0 : i32
    %add3A_8 = arith.addi %mul3A_6, %add3A_7 : i32
    "tpu.region"() ({
      %run_scoped3A = tpu.sem_alloc : memref<!tpu.dma_semaphore, #tpu.memory_space<semaphore_mem>>
      %dma_start3A_287 = tpu.memref_slice %arg4[%add3A_8] : memref<8192xi32, #tpu.memory_space<hbm>> -> memref<64xi32, #tpu.memory_space<hbm>>
      %dma_start3A_288 = tpu.memref_slice %arg4[%add3A_8] : memref<8192xi32, #tpu.memory_space<hbm>> -> memref<64xi32, #tpu.memory_space<hbm>>
      tpu.enqueue_dma source(%dma_start3A_288 : memref<64xi32, #tpu.memory_space<hbm>>) target(%arg10 : memref<64xi32, #tpu.memory_space<vmem>>) target_semaphore(%run_scoped3A : memref<!tpu.dma_semaphore, #tpu.memory_space<semaphore_mem>>)
      %dma_wait3A_289 = tpu.memref_slice %arg4[%add3A_8] : memref<8192xi32, #tpu.memory_space<hbm>> -> memref<64xi32, #tpu.memory_space<hbm>>
      %dma_wait3A_290 = tpu.memref_slice %arg4[%add3A_8] : memref<8192xi32, #tpu.memory_space<hbm>> -> memref<64xi32, #tpu.memory_space<hbm>>
      tpu.wait_dma2 semaphore(%run_scoped3A : memref<!tpu.dma_semaphore, #tpu.memory_space<semaphore_mem>>) src(%dma_wait3A_290 : memref<64xi32, #tpu.memory_space<hbm>>) dst(%arg10 : memref<64xi32, #tpu.memory_space<vmem>>)
      tpu.yield
    }) : () -> ()
    %mul3A_9 = arith.constant 2 : i32
    %mul3A_10 = arith.muli %add3A, %mul3A_9 : i32
    %add3A_11 = arith.constant 0 : i32
    %add3A_12 = arith.addi %mul3A_10, %add3A_11 : i32
    %mul3A_13 = arith.constant 128 : i32
    %mul3A_14 = arith.muli %add3A_12, %mul3A_13 : i32
    %add3A_15 = arith.constant 64 : i32
    %add3A_16 = arith.addi %mul3A_14, %add3A_15 : i32
    "tpu.region"() ({
      %run_scoped3A = tpu.sem_alloc : memref<!tpu.dma_semaphore, #tpu.memory_space<semaphore_mem>>
      %dma_start3A_287 = tpu.memref_slice %arg4[%add3A_16] : memref<8192xi32, #tpu.memory_space<hbm>> -> memref<64xi32, #tpu.memory_space<hbm>>
      %dma_start3A_288 = tpu.memref_slice %arg4[%add3A_16] : memref<8192xi32, #tpu.memory_space<hbm>> -> memref<64xi32, #tpu.memory_space<hbm>>
      tpu.enqueue_dma source(%dma_start3A_288 : memref<64xi32, #tpu.memory_space<hbm>>) target(%arg11 : memref<64xi32, #tpu.memory_space<vmem>>) target_semaphore(%run_scoped3A : memref<!tpu.dma_semaphore, #tpu.memory_space<semaphore_mem>>)
      %dma_wait3A_289 = tpu.memref_slice %arg4[%add3A_16] : memref<8192xi32, #tpu.memory_space<hbm>> -> memref<64xi32, #tpu.memory_space<hbm>>
      %dma_wait3A_290 = tpu.memref_slice %arg4[%add3A_16] : memref<8192xi32, #tpu.memory_space<hbm>> -> memref<64xi32, #tpu.memory_space<hbm>>
      tpu.wait_dma2 semaphore(%run_scoped3A : memref<!tpu.dma_semaphore, #tpu.memory_space<semaphore_mem>>) src(%dma_wait3A_290 : memref<64xi32, #tpu.memory_space<hbm>>) dst(%arg11 : memref<64xi32, #tpu.memory_space<vmem>>)
      tpu.yield
    }) : () -> ()
    %mul3A_17 = arith.constant 2 : i32
    %mul3A_18 = arith.muli %add3A, %mul3A_17 : i32
    %add3A_19 = arith.constant 1 : i32
    %add3A_20 = arith.addi %mul3A_18, %add3A_19 : i32
    %mul3A_21 = arith.constant 128 : i32
    %mul3A_22 = arith.muli %add3A_20, %mul3A_21 : i32
    %add3A_23 = arith.constant 0 : i32
    %add3A_24 = arith.addi %mul3A_22, %add3A_23 : i32
    "tpu.region"() ({
      %run_scoped3A = tpu.sem_alloc : memref<!tpu.dma_semaphore, #tpu.memory_space<semaphore_mem>>
      %dma_start3A_287 = tpu.memref_slice %arg4[%add3A_24] : memref<8192xi32, #tpu.memory_space<hbm>> -> memref<64xi32, #tpu.memory_space<hbm>>
      %dma_start3A_288 = tpu.memref_slice %arg4[%add3A_24] : memref<8192xi32, #tpu.memory_space<hbm>> -> memref<64xi32, #tpu.memory_space<hbm>>
      tpu.enqueue_dma source(%dma_start3A_288 : memref<64xi32, #tpu.memory_space<hbm>>) target(%arg12 : memref<64xi32, #tpu.memory_space<vmem>>) target_semaphore(%run_scoped3A : memref<!tpu.dma_semaphore, #tpu.memory_space<semaphore_mem>>)
      %dma_wait3A_289 = tpu.memref_slice %arg4[%add3A_24] : memref<8192xi32, #tpu.memory_space<hbm>> -> memref<64xi32, #tpu.memory_space<hbm>>
      %dma_wait3A_290 = tpu.memref_slice %arg4[%add3A_24] : memref<8192xi32, #tpu.memory_space<hbm>> -> memref<64xi32, #tpu.memory_space<hbm>>
      tpu.wait_dma2 semaphore(%run_scoped3A : memref<!tpu.dma_semaphore, #tpu.memory_space<semaphore_mem>>) src(%dma_wait3A_290 : memref<64xi32, #tpu.memory_space<hbm>>) dst(%arg12 : memref<64xi32, #tpu.memory_space<vmem>>)
      tpu.yield
    }) : () -> ()
    %mul3A_25 = arith.constant 2 : i32
    %mul3A_26 = arith.muli %add3A, %mul3A_25 : i32
    %add3A_27 = arith.constant 1 : i32
    %add3A_28 = arith.addi %mul3A_26, %add3A_27 : i32
    %mul3A_29 = arith.constant 128 : i32
    %mul3A_30 = arith.muli %add3A_28, %mul3A_29 : i32
    %add3A_31 = arith.constant 64 : i32
    %add3A_32 = arith.addi %mul3A_30, %add3A_31 : i32
    "tpu.region"() ({
      %run_scoped3A = tpu.sem_alloc : memref<!tpu.dma_semaphore, #tpu.memory_space<semaphore_mem>>
      %dma_start3A_287 = tpu.memref_slice %arg4[%add3A_32] : memref<8192xi32, #tpu.memory_space<hbm>> -> memref<64xi32, #tpu.memory_space<hbm>>
      %dma_start3A_288 = tpu.memref_slice %arg4[%add3A_32] : memref<8192xi32, #tpu.memory_space<hbm>> -> memref<64xi32, #tpu.memory_space<hbm>>
      tpu.enqueue_dma source(%dma_start3A_288 : memref<64xi32, #tpu.memory_space<hbm>>) target(%arg13 : memref<64xi32, #tpu.memory_space<vmem>>) target_semaphore(%run_scoped3A : memref<!tpu.dma_semaphore, #tpu.memory_space<semaphore_mem>>)
      %dma_wait3A_289 = tpu.memref_slice %arg4[%add3A_32] : memref<8192xi32, #tpu.memory_space<hbm>> -> memref<64xi32, #tpu.memory_space<hbm>>
      %dma_wait3A_290 = tpu.memref_slice %arg4[%add3A_32] : memref<8192xi32, #tpu.memory_space<hbm>> -> memref<64xi32, #tpu.memory_space<hbm>>
      tpu.wait_dma2 semaphore(%run_scoped3A : memref<!tpu.dma_semaphore, #tpu.memory_space<semaphore_mem>>) src(%dma_wait3A_290 : memref<64xi32, #tpu.memory_space<hbm>>) dst(%arg13 : memref<64xi32, #tpu.memory_space<vmem>>)
      tpu.yield
    }) : () -> ()
    %mul3A_33 = arith.constant 2 : i32
    %mul3A_34 = arith.muli %add3A, %mul3A_33 : i32
    %add3A_35 = arith.constant 0 : i32
    %add3A_36 = arith.addi %mul3A_34, %add3A_35 : i32
    %mul3A_37 = arith.constant 128 : i32
    %mul3A_38 = arith.muli %add3A_36, %mul3A_37 : i32
    %add3A_39 = arith.constant 0 : i32
    %add3A_40 = arith.addi %mul3A_38, %add3A_39 : i32
    "tpu.region"() ({
      %run_scoped3A = tpu.sem_alloc : memref<!tpu.dma_semaphore, #tpu.memory_space<semaphore_mem>>
      %dma_start3A_287 = tpu.memref_slice %arg5[%add3A_40] : memref<8192xi32, #tpu.memory_space<hbm>> -> memref<64xi32, #tpu.memory_space<hbm>>
      %dma_start3A_288 = tpu.memref_slice %arg5[%add3A_40] : memref<8192xi32, #tpu.memory_space<hbm>> -> memref<64xi32, #tpu.memory_space<hbm>>
      tpu.enqueue_dma source(%dma_start3A_288 : memref<64xi32, #tpu.memory_space<hbm>>) target(%arg14 : memref<64xi32, #tpu.memory_space<vmem>>) target_semaphore(%run_scoped3A : memref<!tpu.dma_semaphore, #tpu.memory_space<semaphore_mem>>)
      %dma_wait3A_289 = tpu.memref_slice %arg5[%add3A_40] : memref<8192xi32, #tpu.memory_space<hbm>> -> memref<64xi32, #tpu.memory_space<hbm>>
      %dma_wait3A_290 = tpu.memref_slice %arg5[%add3A_40] : memref<8192xi32, #tpu.memory_space<hbm>> -> memref<64xi32, #tpu.memory_space<hbm>>
      tpu.wait_dma2 semaphore(%run_scoped3A : memref<!tpu.dma_semaphore, #tpu.memory_space<semaphore_mem>>) src(%dma_wait3A_290 : memref<64xi32, #tpu.memory_space<hbm>>) dst(%arg14 : memref<64xi32, #tpu.memory_space<vmem>>)
      tpu.yield
    }) : () -> ()
    %mul3A_41 = arith.constant 2 : i32
    %mul3A_42 = arith.muli %add3A, %mul3A_41 : i32
    %add3A_43 = arith.constant 0 : i32
    %add3A_44 = arith.addi %mul3A_42, %add3A_43 : i32
    %mul3A_45 = arith.constant 128 : i32
    %mul3A_46 = arith.muli %add3A_44, %mul3A_45 : i32
    %add3A_47 = arith.constant 64 : i32
    %add3A_48 = arith.addi %mul3A_46, %add3A_47 : i32
    "tpu.region"() ({
      %run_scoped3A = tpu.sem_alloc : memref<!tpu.dma_semaphore, #tpu.memory_space<semaphore_mem>>
      %dma_start3A_287 = tpu.memref_slice %arg5[%add3A_48] : memref<8192xi32, #tpu.memory_space<hbm>> -> memref<64xi32, #tpu.memory_space<hbm>>
      %dma_start3A_288 = tpu.memref_slice %arg5[%add3A_48] : memref<8192xi32, #tpu.memory_space<hbm>> -> memref<64xi32, #tpu.memory_space<hbm>>
      tpu.enqueue_dma source(%dma_start3A_288 : memref<64xi32, #tpu.memory_space<hbm>>) target(%arg15 : memref<64xi32, #tpu.memory_space<vmem>>) target_semaphore(%run_scoped3A : memref<!tpu.dma_semaphore, #tpu.memory_space<semaphore_mem>>)
      %dma_wait3A_289 = tpu.memref_slice %arg5[%add3A_48] : memref<8192xi32, #tpu.memory_space<hbm>> -> memref<64xi32, #tpu.memory_space<hbm>>
      %dma_wait3A_290 = tpu.memref_slice %arg5[%add3A_48] : memref<8192xi32, #tpu.memory_space<hbm>> -> memref<64xi32, #tpu.memory_space<hbm>>
      tpu.wait_dma2 semaphore(%run_scoped3A : memref<!tpu.dma_semaphore, #tpu.memory_space<semaphore_mem>>) src(%dma_wait3A_290 : memref<64xi32, #tpu.memory_space<hbm>>) dst(%arg15 : memref<64xi32, #tpu.memory_space<vmem>>)
      tpu.yield
    }) : () -> ()
    %mul3A_49 = arith.constant 2 : i32
    %mul3A_50 = arith.muli %add3A, %mul3A_49 : i32
    %add3A_51 = arith.constant 1 : i32
    %add3A_52 = arith.addi %mul3A_50, %add3A_51 : i32
    %mul3A_53 = arith.constant 128 : i32
    %mul3A_54 = arith.muli %add3A_52, %mul3A_53 : i32
    %add3A_55 = arith.constant 0 : i32
    %add3A_56 = arith.addi %mul3A_54, %add3A_55 : i32
    "tpu.region"() ({
      %run_scoped3A = tpu.sem_alloc : memref<!tpu.dma_semaphore, #tpu.memory_space<semaphore_mem>>
      %dma_start3A_287 = tpu.memref_slice %arg5[%add3A_56] : memref<8192xi32, #tpu.memory_space<hbm>> -> memref<64xi32, #tpu.memory_space<hbm>>
      %dma_start3A_288 = tpu.memref_slice %arg5[%add3A_56] : memref<8192xi32, #tpu.memory_space<hbm>> -> memref<64xi32, #tpu.memory_space<hbm>>
      tpu.enqueue_dma source(%dma_start3A_288 : memref<64xi32, #tpu.memory_space<hbm>>) target(%arg16 : memref<64xi32, #tpu.memory_space<vmem>>) target_semaphore(%run_scoped3A : memref<!tpu.dma_semaphore, #tpu.memory_space<semaphore_mem>>)
      %dma_wait3A_289 = tpu.memref_slice %arg5[%add3A_56] : memref<8192xi32, #tpu.memory_space<hbm>> -> memref<64xi32, #tpu.memory_space<hbm>>
      %dma_wait3A_290 = tpu.memref_slice %arg5[%add3A_56] : memref<8192xi32, #tpu.memory_space<hbm>> -> memref<64xi32, #tpu.memory_space<hbm>>
      tpu.wait_dma2 semaphore(%run_scoped3A : memref<!tpu.dma_semaphore, #tpu.memory_space<semaphore_mem>>) src(%dma_wait3A_290 : memref<64xi32, #tpu.memory_space<hbm>>) dst(%arg16 : memref<64xi32, #tpu.memory_space<vmem>>)
      tpu.yield
    }) : () -> ()
    %mul3A_57 = arith.constant 2 : i32
    %mul3A_58 = arith.muli %add3A, %mul3A_57 : i32
    %add3A_59 = arith.constant 1 : i32
    %add3A_60 = arith.addi %mul3A_58, %add3A_59 : i32
    %mul3A_61 = arith.constant 128 : i32
    %mul3A_62 = arith.muli %add3A_60, %mul3A_61 : i32
    %add3A_63 = arith.constant 64 : i32
    %add3A_64 = arith.addi %mul3A_62, %add3A_63 : i32
    "tpu.region"() ({
      %run_scoped3A = tpu.sem_alloc : memref<!tpu.dma_semaphore, #tpu.memory_space<semaphore_mem>>
      %dma_start3A_287 = tpu.memref_slice %arg5[%add3A_64] : memref<8192xi32, #tpu.memory_space<hbm>> -> memref<64xi32, #tpu.memory_space<hbm>>
      %dma_start3A_288 = tpu.memref_slice %arg5[%add3A_64] : memref<8192xi32, #tpu.memory_space<hbm>> -> memref<64xi32, #tpu.memory_space<hbm>>
      tpu.enqueue_dma source(%dma_start3A_288 : memref<64xi32, #tpu.memory_space<hbm>>) target(%arg17 : memref<64xi32, #tpu.memory_space<vmem>>) target_semaphore(%run_scoped3A : memref<!tpu.dma_semaphore, #tpu.memory_space<semaphore_mem>>)
      %dma_wait3A_289 = tpu.memref_slice %arg5[%add3A_64] : memref<8192xi32, #tpu.memory_space<hbm>> -> memref<64xi32, #tpu.memory_space<hbm>>
      %dma_wait3A_290 = tpu.memref_slice %arg5[%add3A_64] : memref<8192xi32, #tpu.memory_space<hbm>> -> memref<64xi32, #tpu.memory_space<hbm>>
      tpu.wait_dma2 semaphore(%run_scoped3A : memref<!tpu.dma_semaphore, #tpu.memory_space<semaphore_mem>>) src(%dma_wait3A_290 : memref<64xi32, #tpu.memory_space<hbm>>) dst(%arg17 : memref<64xi32, #tpu.memory_space<vmem>>)
      tpu.yield
    }) : () -> ()
    %dma_start3A = arith.constant 0 : i32
    %dma_start3A_65 = arith.constant 0 : i32
    %dma_start3A_66 = tpu.memref_slice %arg2[%dma_start3A, %dma_start3A_65] : memref<20480x512xi32, #tpu.memory_space<hbm>> -> memref<20480x512xi32, #tpu.memory_space<hbm>>
    tpu.enqueue_indirect_dma source(%dma_start3A_66 : memref<20480x512xi32, #tpu.memory_space<hbm>>) target(%arg18 : memref<64x512xi32, #tpu.memory_space<vmem>>) offsets(%arg10 : memref<64xi32, #tpu.memory_space<vmem>>) semaphore(%arg20 : memref<!tpu.dma_semaphore, #tpu.memory_space<semaphore_mem>>)
    %dma_start3A_67 = arith.constant 0 : i32
    %dma_start3A_68 = arith.constant 0 : i32
    %dma_start3A_69 = tpu.memref_slice %arg3[%dma_start3A_67, %dma_start3A_68] : memref<20480x512xi32, #tpu.memory_space<hbm>> -> memref<20480x512xi32, #tpu.memory_space<hbm>>
    tpu.enqueue_indirect_dma source(%dma_start3A_69 : memref<20480x512xi32, #tpu.memory_space<hbm>>) target(%arg19 : memref<64x512xi32, #tpu.memory_space<vmem>>) offsets(%arg10 : memref<64xi32, #tpu.memory_space<vmem>>) semaphore(%arg21 : memref<!tpu.dma_semaphore, #tpu.memory_space<semaphore_mem>>)
    %dma_wait3A = arith.constant 0 : i32
    %dma_wait3A_70 = arith.constant 0 : i32
    %dma_wait3A_71 = tpu.memref_slice %arg2[%dma_wait3A, %dma_wait3A_70] : memref<20480x512xi32, #tpu.memory_space<hbm>> -> memref<20480x512xi32, #tpu.memory_space<hbm>>
    tpu.wait_indirect_dma semaphore(%arg20 : memref<!tpu.dma_semaphore, #tpu.memory_space<semaphore_mem>>) src(%dma_wait3A_71 : memref<20480x512xi32, #tpu.memory_space<hbm>>) dst(%arg18 : memref<64x512xi32, #tpu.memory_space<vmem>>)
    %dma_start3A_72 = arith.constant 0 : i32
    %dma_start3A_73 = tpu.memref_slice %arg6[%add3A_8, %dma_start3A_72] : memref<8192x512xi32, #tpu.memory_space<hbm>> -> memref<64x512xi32, #tpu.memory_space<hbm>>
    %dma_start3A_74 = arith.constant 0 : i32
    %dma_start3A_75 = tpu.memref_slice %arg6[%add3A_8, %dma_start3A_74] : memref<8192x512xi32, #tpu.memory_space<hbm>> -> memref<64x512xi32, #tpu.memory_space<hbm>>
    tpu.enqueue_dma source(%arg18 : memref<64x512xi32, #tpu.memory_space<vmem>>) target(%dma_start3A_75 : memref<64x512xi32, #tpu.memory_space<hbm>>) target_semaphore(%arg22 : memref<!tpu.dma_semaphore, #tpu.memory_space<semaphore_mem>>)
    %dma_wait3A_76 = arith.constant 0 : i32
    %dma_wait3A_77 = tpu.memref_slice %arg6[%add3A_8, %dma_wait3A_76] : memref<8192x512xi32, #tpu.memory_space<hbm>> -> memref<64x512xi32, #tpu.memory_space<hbm>>
    %dma_wait3A_78 = arith.constant 0 : i32
    %dma_wait3A_79 = tpu.memref_slice %arg6[%add3A_8, %dma_wait3A_78] : memref<8192x512xi32, #tpu.memory_space<hbm>> -> memref<64x512xi32, #tpu.memory_space<hbm>>
    tpu.wait_dma2 semaphore(%arg22 : memref<!tpu.dma_semaphore, #tpu.memory_space<semaphore_mem>>) src(%arg18 : memref<64x512xi32, #tpu.memory_space<vmem>>) dst(%dma_wait3A_79 : memref<64x512xi32, #tpu.memory_space<hbm>>)
    %dma_start3A_80 = arith.constant 0 : i32
    %dma_start3A_81 = arith.constant 0 : i32
    %dma_start3A_82 = tpu.memref_slice %arg2[%dma_start3A_80, %dma_start3A_81] : memref<20480x512xi32, #tpu.memory_space<hbm>> -> memref<20480x512xi32, #tpu.memory_space<hbm>>
    tpu.enqueue_indirect_dma source(%dma_start3A_82 : memref<20480x512xi32, #tpu.memory_space<hbm>>) target(%arg18 : memref<64x512xi32, #tpu.memory_space<vmem>>) offsets(%arg11 : memref<64xi32, #tpu.memory_space<vmem>>) semaphore(%arg20 : memref<!tpu.dma_semaphore, #tpu.memory_space<semaphore_mem>>)
    %dma_wait3A_83 = arith.constant 0 : i32
    %dma_wait3A_84 = arith.constant 0 : i32
    %dma_wait3A_85 = tpu.memref_slice %arg3[%dma_wait3A_83, %dma_wait3A_84] : memref<20480x512xi32, #tpu.memory_space<hbm>> -> memref<20480x512xi32, #tpu.memory_space<hbm>>
    tpu.wait_indirect_dma semaphore(%arg21 : memref<!tpu.dma_semaphore, #tpu.memory_space<semaphore_mem>>) src(%dma_wait3A_85 : memref<20480x512xi32, #tpu.memory_space<hbm>>) dst(%arg19 : memref<64x512xi32, #tpu.memory_space<vmem>>)
    %dma_start3A_86 = arith.constant 0 : i32
    %dma_start3A_87 = tpu.memref_slice %arg7[%add3A_8, %dma_start3A_86] : memref<8192x512xi32, #tpu.memory_space<hbm>> -> memref<64x512xi32, #tpu.memory_space<hbm>>
    %dma_start3A_88 = arith.constant 0 : i32
    %dma_start3A_89 = tpu.memref_slice %arg7[%add3A_8, %dma_start3A_88] : memref<8192x512xi32, #tpu.memory_space<hbm>> -> memref<64x512xi32, #tpu.memory_space<hbm>>
    tpu.enqueue_dma source(%arg19 : memref<64x512xi32, #tpu.memory_space<vmem>>) target(%dma_start3A_89 : memref<64x512xi32, #tpu.memory_space<hbm>>) target_semaphore(%arg23 : memref<!tpu.dma_semaphore, #tpu.memory_space<semaphore_mem>>)
    %dma_wait3A_90 = arith.constant 0 : i32
    %dma_wait3A_91 = tpu.memref_slice %arg7[%add3A_8, %dma_wait3A_90] : memref<8192x512xi32, #tpu.memory_space<hbm>> -> memref<64x512xi32, #tpu.memory_space<hbm>>
    %dma_wait3A_92 = arith.constant 0 : i32
    %dma_wait3A_93 = tpu.memref_slice %arg7[%add3A_8, %dma_wait3A_92] : memref<8192x512xi32, #tpu.memory_space<hbm>> -> memref<64x512xi32, #tpu.memory_space<hbm>>
    tpu.wait_dma2 semaphore(%arg23 : memref<!tpu.dma_semaphore, #tpu.memory_space<semaphore_mem>>) src(%arg19 : memref<64x512xi32, #tpu.memory_space<vmem>>) dst(%dma_wait3A_93 : memref<64x512xi32, #tpu.memory_space<hbm>>)
    %dma_start3A_94 = arith.constant 0 : i32
    %dma_start3A_95 = arith.constant 0 : i32
    %dma_start3A_96 = tpu.memref_slice %arg3[%dma_start3A_94, %dma_start3A_95] : memref<20480x512xi32, #tpu.memory_space<hbm>> -> memref<20480x512xi32, #tpu.memory_space<hbm>>
    tpu.enqueue_indirect_dma source(%dma_start3A_96 : memref<20480x512xi32, #tpu.memory_space<hbm>>) target(%arg19 : memref<64x512xi32, #tpu.memory_space<vmem>>) offsets(%arg11 : memref<64xi32, #tpu.memory_space<vmem>>) semaphore(%arg21 : memref<!tpu.dma_semaphore, #tpu.memory_space<semaphore_mem>>)
    %dma_wait3A_97 = arith.constant 0 : i32
    %dma_wait3A_98 = arith.constant 0 : i32
    %dma_wait3A_99 = tpu.memref_slice %arg2[%dma_wait3A_97, %dma_wait3A_98] : memref<20480x512xi32, #tpu.memory_space<hbm>> -> memref<20480x512xi32, #tpu.memory_space<hbm>>
    tpu.wait_indirect_dma semaphore(%arg20 : memref<!tpu.dma_semaphore, #tpu.memory_space<semaphore_mem>>) src(%dma_wait3A_99 : memref<20480x512xi32, #tpu.memory_space<hbm>>) dst(%arg18 : memref<64x512xi32, #tpu.memory_space<vmem>>)
    %dma_start3A_100 = arith.constant 0 : i32
    %dma_start3A_101 = tpu.memref_slice %arg6[%add3A_16, %dma_start3A_100] : memref<8192x512xi32, #tpu.memory_space<hbm>> -> memref<64x512xi32, #tpu.memory_space<hbm>>
    %dma_start3A_102 = arith.constant 0 : i32
    %dma_start3A_103 = tpu.memref_slice %arg6[%add3A_16, %dma_start3A_102] : memref<8192x512xi32, #tpu.memory_space<hbm>> -> memref<64x512xi32, #tpu.memory_space<hbm>>
    tpu.enqueue_dma source(%arg18 : memref<64x512xi32, #tpu.memory_space<vmem>>) target(%dma_start3A_103 : memref<64x512xi32, #tpu.memory_space<hbm>>) target_semaphore(%arg22 : memref<!tpu.dma_semaphore, #tpu.memory_space<semaphore_mem>>)
    %dma_wait3A_104 = arith.constant 0 : i32
    %dma_wait3A_105 = tpu.memref_slice %arg6[%add3A_16, %dma_wait3A_104] : memref<8192x512xi32, #tpu.memory_space<hbm>> -> memref<64x512xi32, #tpu.memory_space<hbm>>
    %dma_wait3A_106 = arith.constant 0 : i32
    %dma_wait3A_107 = tpu.memref_slice %arg6[%add3A_16, %dma_wait3A_106] : memref<8192x512xi32, #tpu.memory_space<hbm>> -> memref<64x512xi32, #tpu.memory_space<hbm>>
    tpu.wait_dma2 semaphore(%arg22 : memref<!tpu.dma_semaphore, #tpu.memory_space<semaphore_mem>>) src(%arg18 : memref<64x512xi32, #tpu.memory_space<vmem>>) dst(%dma_wait3A_107 : memref<64x512xi32, #tpu.memory_space<hbm>>)
    %dma_start3A_108 = arith.constant 0 : i32
    %dma_start3A_109 = arith.constant 0 : i32
    %dma_start3A_110 = tpu.memref_slice %arg2[%dma_start3A_108, %dma_start3A_109] : memref<20480x512xi32, #tpu.memory_space<hbm>> -> memref<20480x512xi32, #tpu.memory_space<hbm>>
    tpu.enqueue_indirect_dma source(%dma_start3A_110 : memref<20480x512xi32, #tpu.memory_space<hbm>>) target(%arg18 : memref<64x512xi32, #tpu.memory_space<vmem>>) offsets(%arg12 : memref<64xi32, #tpu.memory_space<vmem>>) semaphore(%arg20 : memref<!tpu.dma_semaphore, #tpu.memory_space<semaphore_mem>>)
    %dma_wait3A_111 = arith.constant 0 : i32
    %dma_wait3A_112 = arith.constant 0 : i32
    %dma_wait3A_113 = tpu.memref_slice %arg3[%dma_wait3A_111, %dma_wait3A_112] : memref<20480x512xi32, #tpu.memory_space<hbm>> -> memref<20480x512xi32, #tpu.memory_space<hbm>>
    tpu.wait_indirect_dma semaphore(%arg21 : memref<!tpu.dma_semaphore, #tpu.memory_space<semaphore_mem>>) src(%dma_wait3A_113 : memref<20480x512xi32, #tpu.memory_space<hbm>>) dst(%arg19 : memref<64x512xi32, #tpu.memory_space<vmem>>)
    %dma_start3A_114 = arith.constant 0 : i32
    %dma_start3A_115 = tpu.memref_slice %arg7[%add3A_16, %dma_start3A_114] : memref<8192x512xi32, #tpu.memory_space<hbm>> -> memref<64x512xi32, #tpu.memory_space<hbm>>
    %dma_start3A_116 = arith.constant 0 : i32
    %dma_start3A_117 = tpu.memref_slice %arg7[%add3A_16, %dma_start3A_116] : memref<8192x512xi32, #tpu.memory_space<hbm>> -> memref<64x512xi32, #tpu.memory_space<hbm>>
    tpu.enqueue_dma source(%arg19 : memref<64x512xi32, #tpu.memory_space<vmem>>) target(%dma_start3A_117 : memref<64x512xi32, #tpu.memory_space<hbm>>) target_semaphore(%arg23 : memref<!tpu.dma_semaphore, #tpu.memory_space<semaphore_mem>>)
    %dma_wait3A_118 = arith.constant 0 : i32
    %dma_wait3A_119 = tpu.memref_slice %arg7[%add3A_16, %dma_wait3A_118] : memref<8192x512xi32, #tpu.memory_space<hbm>> -> memref<64x512xi32, #tpu.memory_space<hbm>>
    %dma_wait3A_120 = arith.constant 0 : i32
    %dma_wait3A_121 = tpu.memref_slice %arg7[%add3A_16, %dma_wait3A_120] : memref<8192x512xi32, #tpu.memory_space<hbm>> -> memref<64x512xi32, #tpu.memory_space<hbm>>
    tpu.wait_dma2 semaphore(%arg23 : memref<!tpu.dma_semaphore, #tpu.memory_space<semaphore_mem>>) src(%arg19 : memref<64x512xi32, #tpu.memory_space<vmem>>) dst(%dma_wait3A_121 : memref<64x512xi32, #tpu.memory_space<hbm>>)
    %dma_start3A_122 = arith.constant 0 : i32
    %dma_start3A_123 = arith.constant 0 : i32
    %dma_start3A_124 = tpu.memref_slice %arg3[%dma_start3A_122, %dma_start3A_123] : memref<20480x512xi32, #tpu.memory_space<hbm>> -> memref<20480x512xi32, #tpu.memory_space<hbm>>
    tpu.enqueue_indirect_dma source(%dma_start3A_124 : memref<20480x512xi32, #tpu.memory_space<hbm>>) target(%arg19 : memref<64x512xi32, #tpu.memory_space<vmem>>) offsets(%arg12 : memref<64xi32, #tpu.memory_space<vmem>>) semaphore(%arg21 : memref<!tpu.dma_semaphore, #tpu.memory_space<semaphore_mem>>)
    %dma_wait3A_125 = arith.constant 0 : i32
    %dma_wait3A_126 = arith.constant 0 : i32
    %dma_wait3A_127 = tpu.memref_slice %arg2[%dma_wait3A_125, %dma_wait3A_126] : memref<20480x512xi32, #tpu.memory_space<hbm>> -> memref<20480x512xi32, #tpu.memory_space<hbm>>
    tpu.wait_indirect_dma semaphore(%arg20 : memref<!tpu.dma_semaphore, #tpu.memory_space<semaphore_mem>>) src(%dma_wait3A_127 : memref<20480x512xi32, #tpu.memory_space<hbm>>) dst(%arg18 : memref<64x512xi32, #tpu.memory_space<vmem>>)
    %dma_start3A_128 = arith.constant 0 : i32
    %dma_start3A_129 = tpu.memref_slice %arg6[%add3A_24, %dma_start3A_128] : memref<8192x512xi32, #tpu.memory_space<hbm>> -> memref<64x512xi32, #tpu.memory_space<hbm>>
    %dma_start3A_130 = arith.constant 0 : i32
    %dma_start3A_131 = tpu.memref_slice %arg6[%add3A_24, %dma_start3A_130] : memref<8192x512xi32, #tpu.memory_space<hbm>> -> memref<64x512xi32, #tpu.memory_space<hbm>>
    tpu.enqueue_dma source(%arg18 : memref<64x512xi32, #tpu.memory_space<vmem>>) target(%dma_start3A_131 : memref<64x512xi32, #tpu.memory_space<hbm>>) target_semaphore(%arg22 : memref<!tpu.dma_semaphore, #tpu.memory_space<semaphore_mem>>)
    %dma_wait3A_132 = arith.constant 0 : i32
    %dma_wait3A_133 = tpu.memref_slice %arg6[%add3A_24, %dma_wait3A_132] : memref<8192x512xi32, #tpu.memory_space<hbm>> -> memref<64x512xi32, #tpu.memory_space<hbm>>
    %dma_wait3A_134 = arith.constant 0 : i32
    %dma_wait3A_135 = tpu.memref_slice %arg6[%add3A_24, %dma_wait3A_134] : memref<8192x512xi32, #tpu.memory_space<hbm>> -> memref<64x512xi32, #tpu.memory_space<hbm>>
    tpu.wait_dma2 semaphore(%arg22 : memref<!tpu.dma_semaphore, #tpu.memory_space<semaphore_mem>>) src(%arg18 : memref<64x512xi32, #tpu.memory_space<vmem>>) dst(%dma_wait3A_135 : memref<64x512xi32, #tpu.memory_space<hbm>>)
    %dma_start3A_136 = arith.constant 0 : i32
    %dma_start3A_137 = arith.constant 0 : i32
    %dma_start3A_138 = tpu.memref_slice %arg2[%dma_start3A_136, %dma_start3A_137] : memref<20480x512xi32, #tpu.memory_space<hbm>> -> memref<20480x512xi32, #tpu.memory_space<hbm>>
    tpu.enqueue_indirect_dma source(%dma_start3A_138 : memref<20480x512xi32, #tpu.memory_space<hbm>>) target(%arg18 : memref<64x512xi32, #tpu.memory_space<vmem>>) offsets(%arg13 : memref<64xi32, #tpu.memory_space<vmem>>) semaphore(%arg20 : memref<!tpu.dma_semaphore, #tpu.memory_space<semaphore_mem>>)
    %dma_wait3A_139 = arith.constant 0 : i32
    %dma_wait3A_140 = arith.constant 0 : i32
    %dma_wait3A_141 = tpu.memref_slice %arg3[%dma_wait3A_139, %dma_wait3A_140] : memref<20480x512xi32, #tpu.memory_space<hbm>> -> memref<20480x512xi32, #tpu.memory_space<hbm>>
    tpu.wait_indirect_dma semaphore(%arg21 : memref<!tpu.dma_semaphore, #tpu.memory_space<semaphore_mem>>) src(%dma_wait3A_141 : memref<20480x512xi32, #tpu.memory_space<hbm>>) dst(%arg19 : memref<64x512xi32, #tpu.memory_space<vmem>>)
    %dma_start3A_142 = arith.constant 0 : i32
    %dma_start3A_143 = tpu.memref_slice %arg7[%add3A_24, %dma_start3A_142] : memref<8192x512xi32, #tpu.memory_space<hbm>> -> memref<64x512xi32, #tpu.memory_space<hbm>>
    %dma_start3A_144 = arith.constant 0 : i32
    %dma_start3A_145 = tpu.memref_slice %arg7[%add3A_24, %dma_start3A_144] : memref<8192x512xi32, #tpu.memory_space<hbm>> -> memref<64x512xi32, #tpu.memory_space<hbm>>
    tpu.enqueue_dma source(%arg19 : memref<64x512xi32, #tpu.memory_space<vmem>>) target(%dma_start3A_145 : memref<64x512xi32, #tpu.memory_space<hbm>>) target_semaphore(%arg23 : memref<!tpu.dma_semaphore, #tpu.memory_space<semaphore_mem>>)
    %dma_wait3A_146 = arith.constant 0 : i32
    %dma_wait3A_147 = tpu.memref_slice %arg7[%add3A_24, %dma_wait3A_146] : memref<8192x512xi32, #tpu.memory_space<hbm>> -> memref<64x512xi32, #tpu.memory_space<hbm>>
    %dma_wait3A_148 = arith.constant 0 : i32
    %dma_wait3A_149 = tpu.memref_slice %arg7[%add3A_24, %dma_wait3A_148] : memref<8192x512xi32, #tpu.memory_space<hbm>> -> memref<64x512xi32, #tpu.memory_space<hbm>>
    tpu.wait_dma2 semaphore(%arg23 : memref<!tpu.dma_semaphore, #tpu.memory_space<semaphore_mem>>) src(%arg19 : memref<64x512xi32, #tpu.memory_space<vmem>>) dst(%dma_wait3A_149 : memref<64x512xi32, #tpu.memory_space<hbm>>)
    %dma_start3A_150 = arith.constant 0 : i32
    %dma_start3A_151 = arith.constant 0 : i32
    %dma_start3A_152 = tpu.memref_slice %arg3[%dma_start3A_150, %dma_start3A_151] : memref<20480x512xi32, #tpu.memory_space<hbm>> -> memref<20480x512xi32, #tpu.memory_space<hbm>>
    tpu.enqueue_indirect_dma source(%dma_start3A_152 : memref<20480x512xi32, #tpu.memory_space<hbm>>) target(%arg19 : memref<64x512xi32, #tpu.memory_space<vmem>>) offsets(%arg13 : memref<64xi32, #tpu.memory_space<vmem>>) semaphore(%arg21 : memref<!tpu.dma_semaphore, #tpu.memory_space<semaphore_mem>>)
    %dma_wait3A_153 = arith.constant 0 : i32
    %dma_wait3A_154 = arith.constant 0 : i32
    %dma_wait3A_155 = tpu.memref_slice %arg2[%dma_wait3A_153, %dma_wait3A_154] : memref<20480x512xi32, #tpu.memory_space<hbm>> -> memref<20480x512xi32, #tpu.memory_space<hbm>>
    tpu.wait_indirect_dma semaphore(%arg20 : memref<!tpu.dma_semaphore, #tpu.memory_space<semaphore_mem>>) src(%dma_wait3A_155 : memref<20480x512xi32, #tpu.memory_space<hbm>>) dst(%arg18 : memref<64x512xi32, #tpu.memory_space<vmem>>)
    %dma_start3A_156 = arith.constant 0 : i32
    %dma_start3A_157 = tpu.memref_slice %arg6[%add3A_32, %dma_start3A_156] : memref<8192x512xi32, #tpu.memory_space<hbm>> -> memref<64x512xi32, #tpu.memory_space<hbm>>
    %dma_start3A_158 = arith.constant 0 : i32
    %dma_start3A_159 = tpu.memref_slice %arg6[%add3A_32, %dma_start3A_158] : memref<8192x512xi32, #tpu.memory_space<hbm>> -> memref<64x512xi32, #tpu.memory_space<hbm>>
    tpu.enqueue_dma source(%arg18 : memref<64x512xi32, #tpu.memory_space<vmem>>) target(%dma_start3A_159 : memref<64x512xi32, #tpu.memory_space<hbm>>) target_semaphore(%arg22 : memref<!tpu.dma_semaphore, #tpu.memory_space<semaphore_mem>>)
    %dma_wait3A_160 = arith.constant 0 : i32
    %dma_wait3A_161 = tpu.memref_slice %arg6[%add3A_32, %dma_wait3A_160] : memref<8192x512xi32, #tpu.memory_space<hbm>> -> memref<64x512xi32, #tpu.memory_space<hbm>>
    %dma_wait3A_162 = arith.constant 0 : i32
    %dma_wait3A_163 = tpu.memref_slice %arg6[%add3A_32, %dma_wait3A_162] : memref<8192x512xi32, #tpu.memory_space<hbm>> -> memref<64x512xi32, #tpu.memory_space<hbm>>
    tpu.wait_dma2 semaphore(%arg22 : memref<!tpu.dma_semaphore, #tpu.memory_space<semaphore_mem>>) src(%arg18 : memref<64x512xi32, #tpu.memory_space<vmem>>) dst(%dma_wait3A_163 : memref<64x512xi32, #tpu.memory_space<hbm>>)
    %dma_start3A_164 = arith.constant 0 : i32
    %dma_start3A_165 = arith.constant 0 : i32
    %dma_start3A_166 = tpu.memref_slice %arg2[%dma_start3A_164, %dma_start3A_165] : memref<20480x512xi32, #tpu.memory_space<hbm>> -> memref<20480x512xi32, #tpu.memory_space<hbm>>
    tpu.enqueue_indirect_dma source(%dma_start3A_166 : memref<20480x512xi32, #tpu.memory_space<hbm>>) target(%arg18 : memref<64x512xi32, #tpu.memory_space<vmem>>) offsets(%arg14 : memref<64xi32, #tpu.memory_space<vmem>>) semaphore(%arg20 : memref<!tpu.dma_semaphore, #tpu.memory_space<semaphore_mem>>)
    %dma_wait3A_167 = arith.constant 0 : i32
    %dma_wait3A_168 = arith.constant 0 : i32
    %dma_wait3A_169 = tpu.memref_slice %arg3[%dma_wait3A_167, %dma_wait3A_168] : memref<20480x512xi32, #tpu.memory_space<hbm>> -> memref<20480x512xi32, #tpu.memory_space<hbm>>
    tpu.wait_indirect_dma semaphore(%arg21 : memref<!tpu.dma_semaphore, #tpu.memory_space<semaphore_mem>>) src(%dma_wait3A_169 : memref<20480x512xi32, #tpu.memory_space<hbm>>) dst(%arg19 : memref<64x512xi32, #tpu.memory_space<vmem>>)
    %dma_start3A_170 = arith.constant 0 : i32
    %dma_start3A_171 = tpu.memref_slice %arg7[%add3A_32, %dma_start3A_170] : memref<8192x512xi32, #tpu.memory_space<hbm>> -> memref<64x512xi32, #tpu.memory_space<hbm>>
    %dma_start3A_172 = arith.constant 0 : i32
    %dma_start3A_173 = tpu.memref_slice %arg7[%add3A_32, %dma_start3A_172] : memref<8192x512xi32, #tpu.memory_space<hbm>> -> memref<64x512xi32, #tpu.memory_space<hbm>>
    tpu.enqueue_dma source(%arg19 : memref<64x512xi32, #tpu.memory_space<vmem>>) target(%dma_start3A_173 : memref<64x512xi32, #tpu.memory_space<hbm>>) target_semaphore(%arg23 : memref<!tpu.dma_semaphore, #tpu.memory_space<semaphore_mem>>)
    %dma_wait3A_174 = arith.constant 0 : i32
    %dma_wait3A_175 = tpu.memref_slice %arg7[%add3A_32, %dma_wait3A_174] : memref<8192x512xi32, #tpu.memory_space<hbm>> -> memref<64x512xi32, #tpu.memory_space<hbm>>
    %dma_wait3A_176 = arith.constant 0 : i32
    %dma_wait3A_177 = tpu.memref_slice %arg7[%add3A_32, %dma_wait3A_176] : memref<8192x512xi32, #tpu.memory_space<hbm>> -> memref<64x512xi32, #tpu.memory_space<hbm>>
    tpu.wait_dma2 semaphore(%arg23 : memref<!tpu.dma_semaphore, #tpu.memory_space<semaphore_mem>>) src(%arg19 : memref<64x512xi32, #tpu.memory_space<vmem>>) dst(%dma_wait3A_177 : memref<64x512xi32, #tpu.memory_space<hbm>>)
    %dma_start3A_178 = arith.constant 0 : i32
    %dma_start3A_179 = arith.constant 0 : i32
    %dma_start3A_180 = tpu.memref_slice %arg3[%dma_start3A_178, %dma_start3A_179] : memref<20480x512xi32, #tpu.memory_space<hbm>> -> memref<20480x512xi32, #tpu.memory_space<hbm>>
    tpu.enqueue_indirect_dma source(%dma_start3A_180 : memref<20480x512xi32, #tpu.memory_space<hbm>>) target(%arg19 : memref<64x512xi32, #tpu.memory_space<vmem>>) offsets(%arg14 : memref<64xi32, #tpu.memory_space<vmem>>) semaphore(%arg21 : memref<!tpu.dma_semaphore, #tpu.memory_space<semaphore_mem>>)
    %dma_wait3A_181 = arith.constant 0 : i32
    %dma_wait3A_182 = arith.constant 0 : i32
    %dma_wait3A_183 = tpu.memref_slice %arg2[%dma_wait3A_181, %dma_wait3A_182] : memref<20480x512xi32, #tpu.memory_space<hbm>> -> memref<20480x512xi32, #tpu.memory_space<hbm>>
    tpu.wait_indirect_dma semaphore(%arg20 : memref<!tpu.dma_semaphore, #tpu.memory_space<semaphore_mem>>) src(%dma_wait3A_183 : memref<20480x512xi32, #tpu.memory_space<hbm>>) dst(%arg18 : memref<64x512xi32, #tpu.memory_space<vmem>>)
    %dma_start3A_184 = arith.constant 0 : i32
    %dma_start3A_185 = tpu.memref_slice %arg8[%add3A_40, %dma_start3A_184] : memref<8192x512xi32, #tpu.memory_space<hbm>> -> memref<64x512xi32, #tpu.memory_space<hbm>>
    %dma_start3A_186 = arith.constant 0 : i32
    %dma_start3A_187 = tpu.memref_slice %arg8[%add3A_40, %dma_start3A_186] : memref<8192x512xi32, #tpu.memory_space<hbm>> -> memref<64x512xi32, #tpu.memory_space<hbm>>
    tpu.enqueue_dma source(%arg18 : memref<64x512xi32, #tpu.memory_space<vmem>>) target(%dma_start3A_187 : memref<64x512xi32, #tpu.memory_space<hbm>>) target_semaphore(%arg22 : memref<!tpu.dma_semaphore, #tpu.memory_space<semaphore_mem>>)
    %dma_wait3A_188 = arith.constant 0 : i32
    %dma_wait3A_189 = tpu.memref_slice %arg8[%add3A_40, %dma_wait3A_188] : memref<8192x512xi32, #tpu.memory_space<hbm>> -> memref<64x512xi32, #tpu.memory_space<hbm>>
    %dma_wait3A_190 = arith.constant 0 : i32
    %dma_wait3A_191 = tpu.memref_slice %arg8[%add3A_40, %dma_wait3A_190] : memref<8192x512xi32, #tpu.memory_space<hbm>> -> memref<64x512xi32, #tpu.memory_space<hbm>>
    tpu.wait_dma2 semaphore(%arg22 : memref<!tpu.dma_semaphore, #tpu.memory_space<semaphore_mem>>) src(%arg18 : memref<64x512xi32, #tpu.memory_space<vmem>>) dst(%dma_wait3A_191 : memref<64x512xi32, #tpu.memory_space<hbm>>)
    %dma_start3A_192 = arith.constant 0 : i32
    %dma_start3A_193 = arith.constant 0 : i32
    %dma_start3A_194 = tpu.memref_slice %arg2[%dma_start3A_192, %dma_start3A_193] : memref<20480x512xi32, #tpu.memory_space<hbm>> -> memref<20480x512xi32, #tpu.memory_space<hbm>>
    tpu.enqueue_indirect_dma source(%dma_start3A_194 : memref<20480x512xi32, #tpu.memory_space<hbm>>) target(%arg18 : memref<64x512xi32, #tpu.memory_space<vmem>>) offsets(%arg15 : memref<64xi32, #tpu.memory_space<vmem>>) semaphore(%arg20 : memref<!tpu.dma_semaphore, #tpu.memory_space<semaphore_mem>>)
    %dma_wait3A_195 = arith.constant 0 : i32
    %dma_wait3A_196 = arith.constant 0 : i32
    %dma_wait3A_197 = tpu.memref_slice %arg3[%dma_wait3A_195, %dma_wait3A_196] : memref<20480x512xi32, #tpu.memory_space<hbm>> -> memref<20480x512xi32, #tpu.memory_space<hbm>>
    tpu.wait_indirect_dma semaphore(%arg21 : memref<!tpu.dma_semaphore, #tpu.memory_space<semaphore_mem>>) src(%dma_wait3A_197 : memref<20480x512xi32, #tpu.memory_space<hbm>>) dst(%arg19 : memref<64x512xi32, #tpu.memory_space<vmem>>)
    %dma_start3A_198 = arith.constant 0 : i32
    %dma_start3A_199 = tpu.memref_slice %arg9[%add3A_40, %dma_start3A_198] : memref<8192x512xi32, #tpu.memory_space<hbm>> -> memref<64x512xi32, #tpu.memory_space<hbm>>
    %dma_start3A_200 = arith.constant 0 : i32
    %dma_start3A_201 = tpu.memref_slice %arg9[%add3A_40, %dma_start3A_200] : memref<8192x512xi32, #tpu.memory_space<hbm>> -> memref<64x512xi32, #tpu.memory_space<hbm>>
    tpu.enqueue_dma source(%arg19 : memref<64x512xi32, #tpu.memory_space<vmem>>) target(%dma_start3A_201 : memref<64x512xi32, #tpu.memory_space<hbm>>) target_semaphore(%arg23 : memref<!tpu.dma_semaphore, #tpu.memory_space<semaphore_mem>>)
    %dma_wait3A_202 = arith.constant 0 : i32
    %dma_wait3A_203 = tpu.memref_slice %arg9[%add3A_40, %dma_wait3A_202] : memref<8192x512xi32, #tpu.memory_space<hbm>> -> memref<64x512xi32, #tpu.memory_space<hbm>>
    %dma_wait3A_204 = arith.constant 0 : i32
    %dma_wait3A_205 = tpu.memref_slice %arg9[%add3A_40, %dma_wait3A_204] : memref<8192x512xi32, #tpu.memory_space<hbm>> -> memref<64x512xi32, #tpu.memory_space<hbm>>
    tpu.wait_dma2 semaphore(%arg23 : memref<!tpu.dma_semaphore, #tpu.memory_space<semaphore_mem>>) src(%arg19 : memref<64x512xi32, #tpu.memory_space<vmem>>) dst(%dma_wait3A_205 : memref<64x512xi32, #tpu.memory_space<hbm>>)
    %dma_start3A_206 = arith.constant 0 : i32
    %dma_start3A_207 = arith.constant 0 : i32
    %dma_start3A_208 = tpu.memref_slice %arg3[%dma_start3A_206, %dma_start3A_207] : memref<20480x512xi32, #tpu.memory_space<hbm>> -> memref<20480x512xi32, #tpu.memory_space<hbm>>
    tpu.enqueue_indirect_dma source(%dma_start3A_208 : memref<20480x512xi32, #tpu.memory_space<hbm>>) target(%arg19 : memref<64x512xi32, #tpu.memory_space<vmem>>) offsets(%arg15 : memref<64xi32, #tpu.memory_space<vmem>>) semaphore(%arg21 : memref<!tpu.dma_semaphore, #tpu.memory_space<semaphore_mem>>)
    %dma_wait3A_209 = arith.constant 0 : i32
    %dma_wait3A_210 = arith.constant 0 : i32
    %dma_wait3A_211 = tpu.memref_slice %arg2[%dma_wait3A_209, %dma_wait3A_210] : memref<20480x512xi32, #tpu.memory_space<hbm>> -> memref<20480x512xi32, #tpu.memory_space<hbm>>
    tpu.wait_indirect_dma semaphore(%arg20 : memref<!tpu.dma_semaphore, #tpu.memory_space<semaphore_mem>>) src(%dma_wait3A_211 : memref<20480x512xi32, #tpu.memory_space<hbm>>) dst(%arg18 : memref<64x512xi32, #tpu.memory_space<vmem>>)
    %dma_start3A_212 = arith.constant 0 : i32
    %dma_start3A_213 = tpu.memref_slice %arg8[%add3A_48, %dma_start3A_212] : memref<8192x512xi32, #tpu.memory_space<hbm>> -> memref<64x512xi32, #tpu.memory_space<hbm>>
    %dma_start3A_214 = arith.constant 0 : i32
    %dma_start3A_215 = tpu.memref_slice %arg8[%add3A_48, %dma_start3A_214] : memref<8192x512xi32, #tpu.memory_space<hbm>> -> memref<64x512xi32, #tpu.memory_space<hbm>>
    tpu.enqueue_dma source(%arg18 : memref<64x512xi32, #tpu.memory_space<vmem>>) target(%dma_start3A_215 : memref<64x512xi32, #tpu.memory_space<hbm>>) target_semaphore(%arg22 : memref<!tpu.dma_semaphore, #tpu.memory_space<semaphore_mem>>)
    %dma_wait3A_216 = arith.constant 0 : i32
    %dma_wait3A_217 = tpu.memref_slice %arg8[%add3A_48, %dma_wait3A_216] : memref<8192x512xi32, #tpu.memory_space<hbm>> -> memref<64x512xi32, #tpu.memory_space<hbm>>
    %dma_wait3A_218 = arith.constant 0 : i32
    %dma_wait3A_219 = tpu.memref_slice %arg8[%add3A_48, %dma_wait3A_218] : memref<8192x512xi32, #tpu.memory_space<hbm>> -> memref<64x512xi32, #tpu.memory_space<hbm>>
    tpu.wait_dma2 semaphore(%arg22 : memref<!tpu.dma_semaphore, #tpu.memory_space<semaphore_mem>>) src(%arg18 : memref<64x512xi32, #tpu.memory_space<vmem>>) dst(%dma_wait3A_219 : memref<64x512xi32, #tpu.memory_space<hbm>>)
    %dma_start3A_220 = arith.constant 0 : i32
    %dma_start3A_221 = arith.constant 0 : i32
    %dma_start3A_222 = tpu.memref_slice %arg2[%dma_start3A_220, %dma_start3A_221] : memref<20480x512xi32, #tpu.memory_space<hbm>> -> memref<20480x512xi32, #tpu.memory_space<hbm>>
    tpu.enqueue_indirect_dma source(%dma_start3A_222 : memref<20480x512xi32, #tpu.memory_space<hbm>>) target(%arg18 : memref<64x512xi32, #tpu.memory_space<vmem>>) offsets(%arg16 : memref<64xi32, #tpu.memory_space<vmem>>) semaphore(%arg20 : memref<!tpu.dma_semaphore, #tpu.memory_space<semaphore_mem>>)
    %dma_wait3A_223 = arith.constant 0 : i32
    %dma_wait3A_224 = arith.constant 0 : i32
    %dma_wait3A_225 = tpu.memref_slice %arg3[%dma_wait3A_223, %dma_wait3A_224] : memref<20480x512xi32, #tpu.memory_space<hbm>> -> memref<20480x512xi32, #tpu.memory_space<hbm>>
    tpu.wait_indirect_dma semaphore(%arg21 : memref<!tpu.dma_semaphore, #tpu.memory_space<semaphore_mem>>) src(%dma_wait3A_225 : memref<20480x512xi32, #tpu.memory_space<hbm>>) dst(%arg19 : memref<64x512xi32, #tpu.memory_space<vmem>>)
    %dma_start3A_226 = arith.constant 0 : i32
    %dma_start3A_227 = tpu.memref_slice %arg9[%add3A_48, %dma_start3A_226] : memref<8192x512xi32, #tpu.memory_space<hbm>> -> memref<64x512xi32, #tpu.memory_space<hbm>>
    %dma_start3A_228 = arith.constant 0 : i32
    %dma_start3A_229 = tpu.memref_slice %arg9[%add3A_48, %dma_start3A_228] : memref<8192x512xi32, #tpu.memory_space<hbm>> -> memref<64x512xi32, #tpu.memory_space<hbm>>
    tpu.enqueue_dma source(%arg19 : memref<64x512xi32, #tpu.memory_space<vmem>>) target(%dma_start3A_229 : memref<64x512xi32, #tpu.memory_space<hbm>>) target_semaphore(%arg23 : memref<!tpu.dma_semaphore, #tpu.memory_space<semaphore_mem>>)
    %dma_wait3A_230 = arith.constant 0 : i32
    %dma_wait3A_231 = tpu.memref_slice %arg9[%add3A_48, %dma_wait3A_230] : memref<8192x512xi32, #tpu.memory_space<hbm>> -> memref<64x512xi32, #tpu.memory_space<hbm>>
    %dma_wait3A_232 = arith.constant 0 : i32
    %dma_wait3A_233 = tpu.memref_slice %arg9[%add3A_48, %dma_wait3A_232] : memref<8192x512xi32, #tpu.memory_space<hbm>> -> memref<64x512xi32, #tpu.memory_space<hbm>>
    tpu.wait_dma2 semaphore(%arg23 : memref<!tpu.dma_semaphore, #tpu.memory_space<semaphore_mem>>) src(%arg19 : memref<64x512xi32, #tpu.memory_space<vmem>>) dst(%dma_wait3A_233 : memref<64x512xi32, #tpu.memory_space<hbm>>)
    %dma_start3A_234 = arith.constant 0 : i32
    %dma_start3A_235 = arith.constant 0 : i32
    %dma_start3A_236 = tpu.memref_slice %arg3[%dma_start3A_234, %dma_start3A_235] : memref<20480x512xi32, #tpu.memory_space<hbm>> -> memref<20480x512xi32, #tpu.memory_space<hbm>>
    tpu.enqueue_indirect_dma source(%dma_start3A_236 : memref<20480x512xi32, #tpu.memory_space<hbm>>) target(%arg19 : memref<64x512xi32, #tpu.memory_space<vmem>>) offsets(%arg16 : memref<64xi32, #tpu.memory_space<vmem>>) semaphore(%arg21 : memref<!tpu.dma_semaphore, #tpu.memory_space<semaphore_mem>>)
    %dma_wait3A_237 = arith.constant 0 : i32
    %dma_wait3A_238 = arith.constant 0 : i32
    %dma_wait3A_239 = tpu.memref_slice %arg2[%dma_wait3A_237, %dma_wait3A_238] : memref<20480x512xi32, #tpu.memory_space<hbm>> -> memref<20480x512xi32, #tpu.memory_space<hbm>>
    tpu.wait_indirect_dma semaphore(%arg20 : memref<!tpu.dma_semaphore, #tpu.memory_space<semaphore_mem>>) src(%dma_wait3A_239 : memref<20480x512xi32, #tpu.memory_space<hbm>>) dst(%arg18 : memref<64x512xi32, #tpu.memory_space<vmem>>)
    %dma_start3A_240 = arith.constant 0 : i32
    %dma_start3A_241 = tpu.memref_slice %arg8[%add3A_56, %dma_start3A_240] : memref<8192x512xi32, #tpu.memory_space<hbm>> -> memref<64x512xi32, #tpu.memory_space<hbm>>
    %dma_start3A_242 = arith.constant 0 : i32
    %dma_start3A_243 = tpu.memref_slice %arg8[%add3A_56, %dma_start3A_242] : memref<8192x512xi32, #tpu.memory_space<hbm>> -> memref<64x512xi32, #tpu.memory_space<hbm>>
    tpu.enqueue_dma source(%arg18 : memref<64x512xi32, #tpu.memory_space<vmem>>) target(%dma_start3A_243 : memref<64x512xi32, #tpu.memory_space<hbm>>) target_semaphore(%arg22 : memref<!tpu.dma_semaphore, #tpu.memory_space<semaphore_mem>>)
    %dma_wait3A_244 = arith.constant 0 : i32
    %dma_wait3A_245 = tpu.memref_slice %arg8[%add3A_56, %dma_wait3A_244] : memref<8192x512xi32, #tpu.memory_space<hbm>> -> memref<64x512xi32, #tpu.memory_space<hbm>>
    %dma_wait3A_246 = arith.constant 0 : i32
    %dma_wait3A_247 = tpu.memref_slice %arg8[%add3A_56, %dma_wait3A_246] : memref<8192x512xi32, #tpu.memory_space<hbm>> -> memref<64x512xi32, #tpu.memory_space<hbm>>
    tpu.wait_dma2 semaphore(%arg22 : memref<!tpu.dma_semaphore, #tpu.memory_space<semaphore_mem>>) src(%arg18 : memref<64x512xi32, #tpu.memory_space<vmem>>) dst(%dma_wait3A_247 : memref<64x512xi32, #tpu.memory_space<hbm>>)
    %dma_start3A_248 = arith.constant 0 : i32
    %dma_start3A_249 = arith.constant 0 : i32
    %dma_start3A_250 = tpu.memref_slice %arg2[%dma_start3A_248, %dma_start3A_249] : memref<20480x512xi32, #tpu.memory_space<hbm>> -> memref<20480x512xi32, #tpu.memory_space<hbm>>
    tpu.enqueue_indirect_dma source(%dma_start3A_250 : memref<20480x512xi32, #tpu.memory_space<hbm>>) target(%arg18 : memref<64x512xi32, #tpu.memory_space<vmem>>) offsets(%arg17 : memref<64xi32, #tpu.memory_space<vmem>>) semaphore(%arg20 : memref<!tpu.dma_semaphore, #tpu.memory_space<semaphore_mem>>)
    %dma_wait3A_251 = arith.constant 0 : i32
    %dma_wait3A_252 = arith.constant 0 : i32
    %dma_wait3A_253 = tpu.memref_slice %arg3[%dma_wait3A_251, %dma_wait3A_252] : memref<20480x512xi32, #tpu.memory_space<hbm>> -> memref<20480x512xi32, #tpu.memory_space<hbm>>
    tpu.wait_indirect_dma semaphore(%arg21 : memref<!tpu.dma_semaphore, #tpu.memory_space<semaphore_mem>>) src(%dma_wait3A_253 : memref<20480x512xi32, #tpu.memory_space<hbm>>) dst(%arg19 : memref<64x512xi32, #tpu.memory_space<vmem>>)
    %dma_start3A_254 = arith.constant 0 : i32
    %dma_start3A_255 = tpu.memref_slice %arg9[%add3A_56, %dma_start3A_254] : memref<8192x512xi32, #tpu.memory_space<hbm>> -> memref<64x512xi32, #tpu.memory_space<hbm>>
    %dma_start3A_256 = arith.constant 0 : i32
    %dma_start3A_257 = tpu.memref_slice %arg9[%add3A_56, %dma_start3A_256] : memref<8192x512xi32, #tpu.memory_space<hbm>> -> memref<64x512xi32, #tpu.memory_space<hbm>>
    tpu.enqueue_dma source(%arg19 : memref<64x512xi32, #tpu.memory_space<vmem>>) target(%dma_start3A_257 : memref<64x512xi32, #tpu.memory_space<hbm>>) target_semaphore(%arg23 : memref<!tpu.dma_semaphore, #tpu.memory_space<semaphore_mem>>)
    %dma_wait3A_258 = arith.constant 0 : i32
    %dma_wait3A_259 = tpu.memref_slice %arg9[%add3A_56, %dma_wait3A_258] : memref<8192x512xi32, #tpu.memory_space<hbm>> -> memref<64x512xi32, #tpu.memory_space<hbm>>
    %dma_wait3A_260 = arith.constant 0 : i32
    %dma_wait3A_261 = tpu.memref_slice %arg9[%add3A_56, %dma_wait3A_260] : memref<8192x512xi32, #tpu.memory_space<hbm>> -> memref<64x512xi32, #tpu.memory_space<hbm>>
    tpu.wait_dma2 semaphore(%arg23 : memref<!tpu.dma_semaphore, #tpu.memory_space<semaphore_mem>>) src(%arg19 : memref<64x512xi32, #tpu.memory_space<vmem>>) dst(%dma_wait3A_261 : memref<64x512xi32, #tpu.memory_space<hbm>>)
    %dma_start3A_262 = arith.constant 0 : i32
    %dma_start3A_263 = arith.constant 0 : i32
    %dma_start3A_264 = tpu.memref_slice %arg3[%dma_start3A_262, %dma_start3A_263] : memref<20480x512xi32, #tpu.memory_space<hbm>> -> memref<20480x512xi32, #tpu.memory_space<hbm>>
    tpu.enqueue_indirect_dma source(%dma_start3A_264 : memref<20480x512xi32, #tpu.memory_space<hbm>>) target(%arg19 : memref<64x512xi32, #tpu.memory_space<vmem>>) offsets(%arg17 : memref<64xi32, #tpu.memory_space<vmem>>) semaphore(%arg21 : memref<!tpu.dma_semaphore, #tpu.memory_space<semaphore_mem>>)
    %dma_wait3A_265 = arith.constant 0 : i32
    %dma_wait3A_266 = arith.constant 0 : i32
    %dma_wait3A_267 = tpu.memref_slice %arg2[%dma_wait3A_265, %dma_wait3A_266] : memref<20480x512xi32, #tpu.memory_space<hbm>> -> memref<20480x512xi32, #tpu.memory_space<hbm>>
    tpu.wait_indirect_dma semaphore(%arg20 : memref<!tpu.dma_semaphore, #tpu.memory_space<semaphore_mem>>) src(%dma_wait3A_267 : memref<20480x512xi32, #tpu.memory_space<hbm>>) dst(%arg18 : memref<64x512xi32, #tpu.memory_space<vmem>>)
    %dma_start3A_268 = arith.constant 0 : i32
    %dma_start3A_269 = tpu.memref_slice %arg8[%add3A_64, %dma_start3A_268] : memref<8192x512xi32, #tpu.memory_space<hbm>> -> memref<64x512xi32, #tpu.memory_space<hbm>>
    %dma_start3A_270 = arith.constant 0 : i32
    %dma_start3A_271 = tpu.memref_slice %arg8[%add3A_64, %dma_start3A_270] : memref<8192x512xi32, #tpu.memory_space<hbm>> -> memref<64x512xi32, #tpu.memory_space<hbm>>
    tpu.enqueue_dma source(%arg18 : memref<64x512xi32, #tpu.memory_space<vmem>>) target(%dma_start3A_271 : memref<64x512xi32, #tpu.memory_space<hbm>>) target_semaphore(%arg22 : memref<!tpu.dma_semaphore, #tpu.memory_space<semaphore_mem>>)
    %dma_wait3A_272 = arith.constant 0 : i32
    %dma_wait3A_273 = arith.constant 0 : i32
    %dma_wait3A_274 = tpu.memref_slice %arg3[%dma_wait3A_272, %dma_wait3A_273] : memref<20480x512xi32, #tpu.memory_space<hbm>> -> memref<20480x512xi32, #tpu.memory_space<hbm>>
    tpu.wait_indirect_dma semaphore(%arg21 : memref<!tpu.dma_semaphore, #tpu.memory_space<semaphore_mem>>) src(%dma_wait3A_274 : memref<20480x512xi32, #tpu.memory_space<hbm>>) dst(%arg19 : memref<64x512xi32, #tpu.memory_space<vmem>>)
    %dma_start3A_275 = arith.constant 0 : i32
    %dma_start3A_276 = tpu.memref_slice %arg9[%add3A_64, %dma_start3A_275] : memref<8192x512xi32, #tpu.memory_space<hbm>> -> memref<64x512xi32, #tpu.memory_space<hbm>>
    %dma_start3A_277 = arith.constant 0 : i32
    %dma_start3A_278 = tpu.memref_slice %arg9[%add3A_64, %dma_start3A_277] : memref<8192x512xi32, #tpu.memory_space<hbm>> -> memref<64x512xi32, #tpu.memory_space<hbm>>
    tpu.enqueue_dma source(%arg19 : memref<64x512xi32, #tpu.memory_space<vmem>>) target(%dma_start3A_278 : memref<64x512xi32, #tpu.memory_space<hbm>>) target_semaphore(%arg23 : memref<!tpu.dma_semaphore, #tpu.memory_space<semaphore_mem>>)
    %dma_wait3A_279 = arith.constant 0 : i32
    %dma_wait3A_280 = tpu.memref_slice %arg9[%add3A_64, %dma_wait3A_279] : memref<8192x512xi32, #tpu.memory_space<hbm>> -> memref<64x512xi32, #tpu.memory_space<hbm>>
    %dma_wait3A_281 = arith.constant 0 : i32
    %dma_wait3A_282 = tpu.memref_slice %arg9[%add3A_64, %dma_wait3A_281] : memref<8192x512xi32, #tpu.memory_space<hbm>> -> memref<64x512xi32, #tpu.memory_space<hbm>>
    tpu.wait_dma2 semaphore(%arg23 : memref<!tpu.dma_semaphore, #tpu.memory_space<semaphore_mem>>) src(%arg19 : memref<64x512xi32, #tpu.memory_space<vmem>>) dst(%dma_wait3A_282 : memref<64x512xi32, #tpu.memory_space<hbm>>)
    %dma_wait3A_283 = arith.constant 0 : i32
    %dma_wait3A_284 = tpu.memref_slice %arg8[%add3A_64, %dma_wait3A_283] : memref<8192x512xi32, #tpu.memory_space<hbm>> -> memref<64x512xi32, #tpu.memory_space<hbm>>
    %dma_wait3A_285 = arith.constant 0 : i32
    %dma_wait3A_286 = tpu.memref_slice %arg8[%add3A_64, %dma_wait3A_285] : memref<8192x512xi32, #tpu.memory_space<hbm>> -> memref<64x512xi32, #tpu.memory_space<hbm>>
    tpu.wait_dma2 semaphore(%arg22 : memref<!tpu.dma_semaphore, #tpu.memory_space<semaphore_mem>>) src(%arg18 : memref<64x512xi32, #tpu.memory_space<vmem>>) dst(%dma_wait3A_286 : memref<64x512xi32, #tpu.memory_space<hbm>>)
    return
  }
}

#map = affine_map<(d0, d1) -> (0, 0)>
#map1 = affine_map<(d0, d1) -> (0)>
module attributes {stable_mosaic.version = 14 : i64} {
  func.func @_dispatch_body(%arg0: i32, %arg1: i32, %arg2: memref<8192x512xi32, #tpu.memory_space<hbm>>, %arg3: memref<8192x512xi32, #tpu.memory_space<hbm>>, %arg4: memref<8192xi32, #tpu.memory_space<hbm>>, %arg5: memref<8192xi32, #tpu.memory_space<hbm>>, %arg6: memref<20480x512xi32, #tpu.memory_space<hbm>>, %arg7: memref<20480x512xi32, #tpu.memory_space<hbm>>, %arg8: memref<128xi32, #tpu.memory_space<vmem>>, %arg9: memref<128x512xi32, #tpu.memory_space<vmem>>) attributes {dimension_semantics = [#tpu.dimension_semantics<core_parallel>, #tpu.dimension_semantics<subcore_parallel>], iteration_bounds = array<i64: 2, 16>, scalar_prefetch = 0 : i64, scratch_operands = 2 : i64, tpu.core_type = #tpu.core_type<sc_vector_subcore>, window_params = [{transform_indices = #map}, {transform_indices = #map}, {transform_indices = #map1}, {transform_indices = #map1}, {transform_indices = #map}, {transform_indices = #map}]} {
    %mul3A = arith.constant 2 : i32
    %mul3A_0 = arith.muli %arg1, %mul3A : i32
    %add3A = arith.addi %mul3A_0, %arg0 : i32
    %mul3A_1 = arith.constant 2 : i32
    %mul3A_2 = arith.muli %add3A, %mul3A_1 : i32
    %add3A_3 = arith.constant 0 : i32
    %add3A_4 = arith.addi %mul3A_2, %add3A_3 : i32
    %mul3A_5 = arith.constant 128 : i32
    %mul3A_6 = arith.muli %add3A_4, %mul3A_5 : i32
    "tpu.region"() ({
      %run_scoped3A = tpu.sem_alloc : memref<!tpu.dma_semaphore, #tpu.memory_space<semaphore_mem>>
      %dma_start3A = tpu.memref_slice %arg4[%mul3A_6] : memref<8192xi32, #tpu.memory_space<hbm>> -> memref<128xi32, #tpu.memory_space<hbm>>
      %dma_start3A_25 = tpu.memref_slice %arg4[%mul3A_6] : memref<8192xi32, #tpu.memory_space<hbm>> -> memref<128xi32, #tpu.memory_space<hbm>>
      tpu.enqueue_dma source(%dma_start3A_25 : memref<128xi32, #tpu.memory_space<hbm>>) target(%arg8 : memref<128xi32, #tpu.memory_space<vmem>>) target_semaphore(%run_scoped3A : memref<!tpu.dma_semaphore, #tpu.memory_space<semaphore_mem>>)
      %dma_wait3A = tpu.memref_slice %arg4[%mul3A_6] : memref<8192xi32, #tpu.memory_space<hbm>> -> memref<128xi32, #tpu.memory_space<hbm>>
      %dma_wait3A_26 = tpu.memref_slice %arg4[%mul3A_6] : memref<8192xi32, #tpu.memory_space<hbm>> -> memref<128xi32, #tpu.memory_space<hbm>>
      tpu.wait_dma2 semaphore(%run_scoped3A : memref<!tpu.dma_semaphore, #tpu.memory_space<semaphore_mem>>) src(%dma_wait3A_26 : memref<128xi32, #tpu.memory_space<hbm>>) dst(%arg8 : memref<128xi32, #tpu.memory_space<vmem>>)
      tpu.yield
    }) : () -> ()
    "tpu.region"() ({
      %run_scoped3A = tpu.sem_alloc : memref<!tpu.dma_semaphore, #tpu.memory_space<semaphore_mem>>
      %dma_start3A = arith.constant 0 : i32
      %dma_start3A_25 = tpu.memref_slice %arg2[%mul3A_6, %dma_start3A] : memref<8192x512xi32, #tpu.memory_space<hbm>> -> memref<128x512xi32, #tpu.memory_space<hbm>>
      %dma_start3A_26 = arith.constant 0 : i32
      %dma_start3A_27 = tpu.memref_slice %arg2[%mul3A_6, %dma_start3A_26] : memref<8192x512xi32, #tpu.memory_space<hbm>> -> memref<128x512xi32, #tpu.memory_space<hbm>>
      tpu.enqueue_dma source(%dma_start3A_27 : memref<128x512xi32, #tpu.memory_space<hbm>>) target(%arg9 : memref<128x512xi32, #tpu.memory_space<vmem>>) target_semaphore(%run_scoped3A : memref<!tpu.dma_semaphore, #tpu.memory_space<semaphore_mem>>)
      %dma_wait3A = arith.constant 0 : i32
      %dma_wait3A_28 = tpu.memref_slice %arg2[%mul3A_6, %dma_wait3A] : memref<8192x512xi32, #tpu.memory_space<hbm>> -> memref<128x512xi32, #tpu.memory_space<hbm>>
      %dma_wait3A_29 = arith.constant 0 : i32
      %dma_wait3A_30 = tpu.memref_slice %arg2[%mul3A_6, %dma_wait3A_29] : memref<8192x512xi32, #tpu.memory_space<hbm>> -> memref<128x512xi32, #tpu.memory_space<hbm>>
      tpu.wait_dma2 semaphore(%run_scoped3A : memref<!tpu.dma_semaphore, #tpu.memory_space<semaphore_mem>>) src(%dma_wait3A_30 : memref<128x512xi32, #tpu.memory_space<hbm>>) dst(%arg9 : memref<128x512xi32, #tpu.memory_space<vmem>>)
      tpu.yield
    }) : () -> ()
    "tpu.region"() ({
      %run_scoped3A = tpu.sem_alloc : memref<!tpu.dma_semaphore, #tpu.memory_space<semaphore_mem>>
      %dma_start3A = arith.constant 0 : i32
      %dma_start3A_25 = arith.constant 0 : i32
      %dma_start3A_26 = tpu.memref_slice %arg6[%dma_start3A, %dma_start3A_25] : memref<20480x512xi32, #tpu.memory_space<hbm>> -> memref<20480x512xi32, #tpu.memory_space<hbm>>
      tpu.enqueue_indirect_dma source(%arg9 : memref<128x512xi32, #tpu.memory_space<vmem>>) target(%dma_start3A_26 : memref<20480x512xi32, #tpu.memory_space<hbm>>) offsets(%arg8 : memref<128xi32, #tpu.memory_space<vmem>>) semaphore(%run_scoped3A : memref<!tpu.dma_semaphore, #tpu.memory_space<semaphore_mem>>)
      %dma_wait3A = arith.constant 0 : i32
      %dma_wait3A_27 = arith.constant 0 : i32
      %dma_wait3A_28 = tpu.memref_slice %arg6[%dma_wait3A, %dma_wait3A_27] : memref<20480x512xi32, #tpu.memory_space<hbm>> -> memref<20480x512xi32, #tpu.memory_space<hbm>>
      tpu.wait_indirect_dma semaphore(%run_scoped3A : memref<!tpu.dma_semaphore, #tpu.memory_space<semaphore_mem>>) src(%arg9 : memref<128x512xi32, #tpu.memory_space<vmem>>) dst(%dma_wait3A_28 : memref<20480x512xi32, #tpu.memory_space<hbm>>)
      tpu.yield
    }) : () -> ()
    "tpu.region"() ({
      %run_scoped3A = tpu.sem_alloc : memref<!tpu.dma_semaphore, #tpu.memory_space<semaphore_mem>>
      %dma_start3A = arith.constant 0 : i32
      %dma_start3A_25 = tpu.memref_slice %arg3[%mul3A_6, %dma_start3A] : memref<8192x512xi32, #tpu.memory_space<hbm>> -> memref<128x512xi32, #tpu.memory_space<hbm>>
      %dma_start3A_26 = arith.constant 0 : i32
      %dma_start3A_27 = tpu.memref_slice %arg3[%mul3A_6, %dma_start3A_26] : memref<8192x512xi32, #tpu.memory_space<hbm>> -> memref<128x512xi32, #tpu.memory_space<hbm>>
      tpu.enqueue_dma source(%dma_start3A_27 : memref<128x512xi32, #tpu.memory_space<hbm>>) target(%arg9 : memref<128x512xi32, #tpu.memory_space<vmem>>) target_semaphore(%run_scoped3A : memref<!tpu.dma_semaphore, #tpu.memory_space<semaphore_mem>>)
      %dma_wait3A = arith.constant 0 : i32
      %dma_wait3A_28 = tpu.memref_slice %arg3[%mul3A_6, %dma_wait3A] : memref<8192x512xi32, #tpu.memory_space<hbm>> -> memref<128x512xi32, #tpu.memory_space<hbm>>
      %dma_wait3A_29 = arith.constant 0 : i32
      %dma_wait3A_30 = tpu.memref_slice %arg3[%mul3A_6, %dma_wait3A_29] : memref<8192x512xi32, #tpu.memory_space<hbm>> -> memref<128x512xi32, #tpu.memory_space<hbm>>
      tpu.wait_dma2 semaphore(%run_scoped3A : memref<!tpu.dma_semaphore, #tpu.memory_space<semaphore_mem>>) src(%dma_wait3A_30 : memref<128x512xi32, #tpu.memory_space<hbm>>) dst(%arg9 : memref<128x512xi32, #tpu.memory_space<vmem>>)
      tpu.yield
    }) : () -> ()
    "tpu.region"() ({
      %run_scoped3A = tpu.sem_alloc : memref<!tpu.dma_semaphore, #tpu.memory_space<semaphore_mem>>
      %dma_start3A = arith.constant 0 : i32
      %dma_start3A_25 = arith.constant 0 : i32
      %dma_start3A_26 = tpu.memref_slice %arg7[%dma_start3A, %dma_start3A_25] : memref<20480x512xi32, #tpu.memory_space<hbm>> -> memref<20480x512xi32, #tpu.memory_space<hbm>>
      tpu.enqueue_indirect_dma source(%arg9 : memref<128x512xi32, #tpu.memory_space<vmem>>) target(%dma_start3A_26 : memref<20480x512xi32, #tpu.memory_space<hbm>>) offsets(%arg8 : memref<128xi32, #tpu.memory_space<vmem>>) semaphore(%run_scoped3A : memref<!tpu.dma_semaphore, #tpu.memory_space<semaphore_mem>>)
      %dma_wait3A = arith.constant 0 : i32
      %dma_wait3A_27 = arith.constant 0 : i32
      %dma_wait3A_28 = tpu.memref_slice %arg7[%dma_wait3A, %dma_wait3A_27] : memref<20480x512xi32, #tpu.memory_space<hbm>> -> memref<20480x512xi32, #tpu.memory_space<hbm>>
      tpu.wait_indirect_dma semaphore(%run_scoped3A : memref<!tpu.dma_semaphore, #tpu.memory_space<semaphore_mem>>) src(%arg9 : memref<128x512xi32, #tpu.memory_space<vmem>>) dst(%dma_wait3A_28 : memref<20480x512xi32, #tpu.memory_space<hbm>>)
      tpu.yield
    }) : () -> ()
    %mul3A_7 = arith.constant 2 : i32
    %mul3A_8 = arith.muli %add3A, %mul3A_7 : i32
    %add3A_9 = arith.constant 1 : i32
    %add3A_10 = arith.addi %mul3A_8, %add3A_9 : i32
    %mul3A_11 = arith.constant 128 : i32
    %mul3A_12 = arith.muli %add3A_10, %mul3A_11 : i32
    "tpu.region"() ({
      %run_scoped3A = tpu.sem_alloc : memref<!tpu.dma_semaphore, #tpu.memory_space<semaphore_mem>>
      %dma_start3A = tpu.memref_slice %arg4[%mul3A_12] : memref<8192xi32, #tpu.memory_space<hbm>> -> memref<128xi32, #tpu.memory_space<hbm>>
      %dma_start3A_25 = tpu.memref_slice %arg4[%mul3A_12] : memref<8192xi32, #tpu.memory_space<hbm>> -> memref<128xi32, #tpu.memory_space<hbm>>
      tpu.enqueue_dma source(%dma_start3A_25 : memref<128xi32, #tpu.memory_space<hbm>>) target(%arg8 : memref<128xi32, #tpu.memory_space<vmem>>) target_semaphore(%run_scoped3A : memref<!tpu.dma_semaphore, #tpu.memory_space<semaphore_mem>>)
      %dma_wait3A = tpu.memref_slice %arg4[%mul3A_12] : memref<8192xi32, #tpu.memory_space<hbm>> -> memref<128xi32, #tpu.memory_space<hbm>>
      %dma_wait3A_26 = tpu.memref_slice %arg4[%mul3A_12] : memref<8192xi32, #tpu.memory_space<hbm>> -> memref<128xi32, #tpu.memory_space<hbm>>
      tpu.wait_dma2 semaphore(%run_scoped3A : memref<!tpu.dma_semaphore, #tpu.memory_space<semaphore_mem>>) src(%dma_wait3A_26 : memref<128xi32, #tpu.memory_space<hbm>>) dst(%arg8 : memref<128xi32, #tpu.memory_space<vmem>>)
      tpu.yield
    }) : () -> ()
    "tpu.region"() ({
      %run_scoped3A = tpu.sem_alloc : memref<!tpu.dma_semaphore, #tpu.memory_space<semaphore_mem>>
      %dma_start3A = arith.constant 0 : i32
      %dma_start3A_25 = tpu.memref_slice %arg2[%mul3A_12, %dma_start3A] : memref<8192x512xi32, #tpu.memory_space<hbm>> -> memref<128x512xi32, #tpu.memory_space<hbm>>
      %dma_start3A_26 = arith.constant 0 : i32
      %dma_start3A_27 = tpu.memref_slice %arg2[%mul3A_12, %dma_start3A_26] : memref<8192x512xi32, #tpu.memory_space<hbm>> -> memref<128x512xi32, #tpu.memory_space<hbm>>
      tpu.enqueue_dma source(%dma_start3A_27 : memref<128x512xi32, #tpu.memory_space<hbm>>) target(%arg9 : memref<128x512xi32, #tpu.memory_space<vmem>>) target_semaphore(%run_scoped3A : memref<!tpu.dma_semaphore, #tpu.memory_space<semaphore_mem>>)
      %dma_wait3A = arith.constant 0 : i32
      %dma_wait3A_28 = tpu.memref_slice %arg2[%mul3A_12, %dma_wait3A] : memref<8192x512xi32, #tpu.memory_space<hbm>> -> memref<128x512xi32, #tpu.memory_space<hbm>>
      %dma_wait3A_29 = arith.constant 0 : i32
      %dma_wait3A_30 = tpu.memref_slice %arg2[%mul3A_12, %dma_wait3A_29] : memref<8192x512xi32, #tpu.memory_space<hbm>> -> memref<128x512xi32, #tpu.memory_space<hbm>>
      tpu.wait_dma2 semaphore(%run_scoped3A : memref<!tpu.dma_semaphore, #tpu.memory_space<semaphore_mem>>) src(%dma_wait3A_30 : memref<128x512xi32, #tpu.memory_space<hbm>>) dst(%arg9 : memref<128x512xi32, #tpu.memory_space<vmem>>)
      tpu.yield
    }) : () -> ()
    "tpu.region"() ({
      %run_scoped3A = tpu.sem_alloc : memref<!tpu.dma_semaphore, #tpu.memory_space<semaphore_mem>>
      %dma_start3A = arith.constant 0 : i32
      %dma_start3A_25 = arith.constant 0 : i32
      %dma_start3A_26 = tpu.memref_slice %arg6[%dma_start3A, %dma_start3A_25] : memref<20480x512xi32, #tpu.memory_space<hbm>> -> memref<20480x512xi32, #tpu.memory_space<hbm>>
      tpu.enqueue_indirect_dma source(%arg9 : memref<128x512xi32, #tpu.memory_space<vmem>>) target(%dma_start3A_26 : memref<20480x512xi32, #tpu.memory_space<hbm>>) offsets(%arg8 : memref<128xi32, #tpu.memory_space<vmem>>) semaphore(%run_scoped3A : memref<!tpu.dma_semaphore, #tpu.memory_space<semaphore_mem>>)
      %dma_wait3A = arith.constant 0 : i32
      %dma_wait3A_27 = arith.constant 0 : i32
      %dma_wait3A_28 = tpu.memref_slice %arg6[%dma_wait3A, %dma_wait3A_27] : memref<20480x512xi32, #tpu.memory_space<hbm>> -> memref<20480x512xi32, #tpu.memory_space<hbm>>
      tpu.wait_indirect_dma semaphore(%run_scoped3A : memref<!tpu.dma_semaphore, #tpu.memory_space<semaphore_mem>>) src(%arg9 : memref<128x512xi32, #tpu.memory_space<vmem>>) dst(%dma_wait3A_28 : memref<20480x512xi32, #tpu.memory_space<hbm>>)
      tpu.yield
    }) : () -> ()
    "tpu.region"() ({
      %run_scoped3A = tpu.sem_alloc : memref<!tpu.dma_semaphore, #tpu.memory_space<semaphore_mem>>
      %dma_start3A = arith.constant 0 : i32
      %dma_start3A_25 = tpu.memref_slice %arg3[%mul3A_12, %dma_start3A] : memref<8192x512xi32, #tpu.memory_space<hbm>> -> memref<128x512xi32, #tpu.memory_space<hbm>>
      %dma_start3A_26 = arith.constant 0 : i32
      %dma_start3A_27 = tpu.memref_slice %arg3[%mul3A_12, %dma_start3A_26] : memref<8192x512xi32, #tpu.memory_space<hbm>> -> memref<128x512xi32, #tpu.memory_space<hbm>>
      tpu.enqueue_dma source(%dma_start3A_27 : memref<128x512xi32, #tpu.memory_space<hbm>>) target(%arg9 : memref<128x512xi32, #tpu.memory_space<vmem>>) target_semaphore(%run_scoped3A : memref<!tpu.dma_semaphore, #tpu.memory_space<semaphore_mem>>)
      %dma_wait3A = arith.constant 0 : i32
      %dma_wait3A_28 = tpu.memref_slice %arg3[%mul3A_12, %dma_wait3A] : memref<8192x512xi32, #tpu.memory_space<hbm>> -> memref<128x512xi32, #tpu.memory_space<hbm>>
      %dma_wait3A_29 = arith.constant 0 : i32
      %dma_wait3A_30 = tpu.memref_slice %arg3[%mul3A_12, %dma_wait3A_29] : memref<8192x512xi32, #tpu.memory_space<hbm>> -> memref<128x512xi32, #tpu.memory_space<hbm>>
      tpu.wait_dma2 semaphore(%run_scoped3A : memref<!tpu.dma_semaphore, #tpu.memory_space<semaphore_mem>>) src(%dma_wait3A_30 : memref<128x512xi32, #tpu.memory_space<hbm>>) dst(%arg9 : memref<128x512xi32, #tpu.memory_space<vmem>>)
      tpu.yield
    }) : () -> ()
    "tpu.region"() ({
      %run_scoped3A = tpu.sem_alloc : memref<!tpu.dma_semaphore, #tpu.memory_space<semaphore_mem>>
      %dma_start3A = arith.constant 0 : i32
      %dma_start3A_25 = arith.constant 0 : i32
      %dma_start3A_26 = tpu.memref_slice %arg7[%dma_start3A, %dma_start3A_25] : memref<20480x512xi32, #tpu.memory_space<hbm>> -> memref<20480x512xi32, #tpu.memory_space<hbm>>
      tpu.enqueue_indirect_dma source(%arg9 : memref<128x512xi32, #tpu.memory_space<vmem>>) target(%dma_start3A_26 : memref<20480x512xi32, #tpu.memory_space<hbm>>) offsets(%arg8 : memref<128xi32, #tpu.memory_space<vmem>>) semaphore(%run_scoped3A : memref<!tpu.dma_semaphore, #tpu.memory_space<semaphore_mem>>)
      %dma_wait3A = arith.constant 0 : i32
      %dma_wait3A_27 = arith.constant 0 : i32
      %dma_wait3A_28 = tpu.memref_slice %arg7[%dma_wait3A, %dma_wait3A_27] : memref<20480x512xi32, #tpu.memory_space<hbm>> -> memref<20480x512xi32, #tpu.memory_space<hbm>>
      tpu.wait_indirect_dma semaphore(%run_scoped3A : memref<!tpu.dma_semaphore, #tpu.memory_space<semaphore_mem>>) src(%arg9 : memref<128x512xi32, #tpu.memory_space<vmem>>) dst(%dma_wait3A_28 : memref<20480x512xi32, #tpu.memory_space<hbm>>)
      tpu.yield
    }) : () -> ()
    %mul3A_13 = arith.constant 2 : i32
    %mul3A_14 = arith.muli %add3A, %mul3A_13 : i32
    %add3A_15 = arith.constant 0 : i32
    %add3A_16 = arith.addi %mul3A_14, %add3A_15 : i32
    %mul3A_17 = arith.constant 128 : i32
    %mul3A_18 = arith.muli %add3A_16, %mul3A_17 : i32
    "tpu.region"() ({
      %run_scoped3A = tpu.sem_alloc : memref<!tpu.dma_semaphore, #tpu.memory_space<semaphore_mem>>
      %dma_start3A = tpu.memref_slice %arg5[%mul3A_18] : memref<8192xi32, #tpu.memory_space<hbm>> -> memref<128xi32, #tpu.memory_space<hbm>>
      %dma_start3A_25 = tpu.memref_slice %arg5[%mul3A_18] : memref<8192xi32, #tpu.memory_space<hbm>> -> memref<128xi32, #tpu.memory_space<hbm>>
      tpu.enqueue_dma source(%dma_start3A_25 : memref<128xi32, #tpu.memory_space<hbm>>) target(%arg8 : memref<128xi32, #tpu.memory_space<vmem>>) target_semaphore(%run_scoped3A : memref<!tpu.dma_semaphore, #tpu.memory_space<semaphore_mem>>)
      %dma_wait3A = tpu.memref_slice %arg5[%mul3A_18] : memref<8192xi32, #tpu.memory_space<hbm>> -> memref<128xi32, #tpu.memory_space<hbm>>
      %dma_wait3A_26 = tpu.memref_slice %arg5[%mul3A_18] : memref<8192xi32, #tpu.memory_space<hbm>> -> memref<128xi32, #tpu.memory_space<hbm>>
      tpu.wait_dma2 semaphore(%run_scoped3A : memref<!tpu.dma_semaphore, #tpu.memory_space<semaphore_mem>>) src(%dma_wait3A_26 : memref<128xi32, #tpu.memory_space<hbm>>) dst(%arg8 : memref<128xi32, #tpu.memory_space<vmem>>)
      tpu.yield
    }) : () -> ()
    "tpu.region"() ({
      %run_scoped3A = tpu.sem_alloc : memref<!tpu.dma_semaphore, #tpu.memory_space<semaphore_mem>>
      %dma_start3A = arith.constant 0 : i32
      %dma_start3A_25 = tpu.memref_slice %arg2[%mul3A_18, %dma_start3A] : memref<8192x512xi32, #tpu.memory_space<hbm>> -> memref<128x512xi32, #tpu.memory_space<hbm>>
      %dma_start3A_26 = arith.constant 0 : i32
      %dma_start3A_27 = tpu.memref_slice %arg2[%mul3A_18, %dma_start3A_26] : memref<8192x512xi32, #tpu.memory_space<hbm>> -> memref<128x512xi32, #tpu.memory_space<hbm>>
      tpu.enqueue_dma source(%dma_start3A_27 : memref<128x512xi32, #tpu.memory_space<hbm>>) target(%arg9 : memref<128x512xi32, #tpu.memory_space<vmem>>) target_semaphore(%run_scoped3A : memref<!tpu.dma_semaphore, #tpu.memory_space<semaphore_mem>>)
      %dma_wait3A = arith.constant 0 : i32
      %dma_wait3A_28 = tpu.memref_slice %arg2[%mul3A_18, %dma_wait3A] : memref<8192x512xi32, #tpu.memory_space<hbm>> -> memref<128x512xi32, #tpu.memory_space<hbm>>
      %dma_wait3A_29 = arith.constant 0 : i32
      %dma_wait3A_30 = tpu.memref_slice %arg2[%mul3A_18, %dma_wait3A_29] : memref<8192x512xi32, #tpu.memory_space<hbm>> -> memref<128x512xi32, #tpu.memory_space<hbm>>
      tpu.wait_dma2 semaphore(%run_scoped3A : memref<!tpu.dma_semaphore, #tpu.memory_space<semaphore_mem>>) src(%dma_wait3A_30 : memref<128x512xi32, #tpu.memory_space<hbm>>) dst(%arg9 : memref<128x512xi32, #tpu.memory_space<vmem>>)
      tpu.yield
    }) : () -> ()
    "tpu.region"() ({
      %run_scoped3A = tpu.sem_alloc : memref<!tpu.dma_semaphore, #tpu.memory_space<semaphore_mem>>
      %dma_start3A = arith.constant 0 : i32
      %dma_start3A_25 = arith.constant 0 : i32
      %dma_start3A_26 = tpu.memref_slice %arg6[%dma_start3A, %dma_start3A_25] : memref<20480x512xi32, #tpu.memory_space<hbm>> -> memref<20480x512xi32, #tpu.memory_space<hbm>>
      tpu.enqueue_indirect_dma source(%arg9 : memref<128x512xi32, #tpu.memory_space<vmem>>) target(%dma_start3A_26 : memref<20480x512xi32, #tpu.memory_space<hbm>>) offsets(%arg8 : memref<128xi32, #tpu.memory_space<vmem>>) semaphore(%run_scoped3A : memref<!tpu.dma_semaphore, #tpu.memory_space<semaphore_mem>>)
      %dma_wait3A = arith.constant 0 : i32
      %dma_wait3A_27 = arith.constant 0 : i32
      %dma_wait3A_28 = tpu.memref_slice %arg6[%dma_wait3A, %dma_wait3A_27] : memref<20480x512xi32, #tpu.memory_space<hbm>> -> memref<20480x512xi32, #tpu.memory_space<hbm>>
      tpu.wait_indirect_dma semaphore(%run_scoped3A : memref<!tpu.dma_semaphore, #tpu.memory_space<semaphore_mem>>) src(%arg9 : memref<128x512xi32, #tpu.memory_space<vmem>>) dst(%dma_wait3A_28 : memref<20480x512xi32, #tpu.memory_space<hbm>>)
      tpu.yield
    }) : () -> ()
    "tpu.region"() ({
      %run_scoped3A = tpu.sem_alloc : memref<!tpu.dma_semaphore, #tpu.memory_space<semaphore_mem>>
      %dma_start3A = arith.constant 0 : i32
      %dma_start3A_25 = tpu.memref_slice %arg3[%mul3A_18, %dma_start3A] : memref<8192x512xi32, #tpu.memory_space<hbm>> -> memref<128x512xi32, #tpu.memory_space<hbm>>
      %dma_start3A_26 = arith.constant 0 : i32
      %dma_start3A_27 = tpu.memref_slice %arg3[%mul3A_18, %dma_start3A_26] : memref<8192x512xi32, #tpu.memory_space<hbm>> -> memref<128x512xi32, #tpu.memory_space<hbm>>
      tpu.enqueue_dma source(%dma_start3A_27 : memref<128x512xi32, #tpu.memory_space<hbm>>) target(%arg9 : memref<128x512xi32, #tpu.memory_space<vmem>>) target_semaphore(%run_scoped3A : memref<!tpu.dma_semaphore, #tpu.memory_space<semaphore_mem>>)
      %dma_wait3A = arith.constant 0 : i32
      %dma_wait3A_28 = tpu.memref_slice %arg3[%mul3A_18, %dma_wait3A] : memref<8192x512xi32, #tpu.memory_space<hbm>> -> memref<128x512xi32, #tpu.memory_space<hbm>>
      %dma_wait3A_29 = arith.constant 0 : i32
      %dma_wait3A_30 = tpu.memref_slice %arg3[%mul3A_18, %dma_wait3A_29] : memref<8192x512xi32, #tpu.memory_space<hbm>> -> memref<128x512xi32, #tpu.memory_space<hbm>>
      tpu.wait_dma2 semaphore(%run_scoped3A : memref<!tpu.dma_semaphore, #tpu.memory_space<semaphore_mem>>) src(%dma_wait3A_30 : memref<128x512xi32, #tpu.memory_space<hbm>>) dst(%arg9 : memref<128x512xi32, #tpu.memory_space<vmem>>)
      tpu.yield
    }) : () -> ()
    "tpu.region"() ({
      %run_scoped3A = tpu.sem_alloc : memref<!tpu.dma_semaphore, #tpu.memory_space<semaphore_mem>>
      %dma_start3A = arith.constant 0 : i32
      %dma_start3A_25 = arith.constant 0 : i32
      %dma_start3A_26 = tpu.memref_slice %arg7[%dma_start3A, %dma_start3A_25] : memref<20480x512xi32, #tpu.memory_space<hbm>> -> memref<20480x512xi32, #tpu.memory_space<hbm>>
      tpu.enqueue_indirect_dma source(%arg9 : memref<128x512xi32, #tpu.memory_space<vmem>>) target(%dma_start3A_26 : memref<20480x512xi32, #tpu.memory_space<hbm>>) offsets(%arg8 : memref<128xi32, #tpu.memory_space<vmem>>) semaphore(%run_scoped3A : memref<!tpu.dma_semaphore, #tpu.memory_space<semaphore_mem>>)
      %dma_wait3A = arith.constant 0 : i32
      %dma_wait3A_27 = arith.constant 0 : i32
      %dma_wait3A_28 = tpu.memref_slice %arg7[%dma_wait3A, %dma_wait3A_27] : memref<20480x512xi32, #tpu.memory_space<hbm>> -> memref<20480x512xi32, #tpu.memory_space<hbm>>
      tpu.wait_indirect_dma semaphore(%run_scoped3A : memref<!tpu.dma_semaphore, #tpu.memory_space<semaphore_mem>>) src(%arg9 : memref<128x512xi32, #tpu.memory_space<vmem>>) dst(%dma_wait3A_28 : memref<20480x512xi32, #tpu.memory_space<hbm>>)
      tpu.yield
    }) : () -> ()
    %mul3A_19 = arith.constant 2 : i32
    %mul3A_20 = arith.muli %add3A, %mul3A_19 : i32
    %add3A_21 = arith.constant 1 : i32
    %add3A_22 = arith.addi %mul3A_20, %add3A_21 : i32
    %mul3A_23 = arith.constant 128 : i32
    %mul3A_24 = arith.muli %add3A_22, %mul3A_23 : i32
    "tpu.region"() ({
      %run_scoped3A = tpu.sem_alloc : memref<!tpu.dma_semaphore, #tpu.memory_space<semaphore_mem>>
      %dma_start3A = tpu.memref_slice %arg5[%mul3A_24] : memref<8192xi32, #tpu.memory_space<hbm>> -> memref<128xi32, #tpu.memory_space<hbm>>
      %dma_start3A_25 = tpu.memref_slice %arg5[%mul3A_24] : memref<8192xi32, #tpu.memory_space<hbm>> -> memref<128xi32, #tpu.memory_space<hbm>>
      tpu.enqueue_dma source(%dma_start3A_25 : memref<128xi32, #tpu.memory_space<hbm>>) target(%arg8 : memref<128xi32, #tpu.memory_space<vmem>>) target_semaphore(%run_scoped3A : memref<!tpu.dma_semaphore, #tpu.memory_space<semaphore_mem>>)
      %dma_wait3A = tpu.memref_slice %arg5[%mul3A_24] : memref<8192xi32, #tpu.memory_space<hbm>> -> memref<128xi32, #tpu.memory_space<hbm>>
      %dma_wait3A_26 = tpu.memref_slice %arg5[%mul3A_24] : memref<8192xi32, #tpu.memory_space<hbm>> -> memref<128xi32, #tpu.memory_space<hbm>>
      tpu.wait_dma2 semaphore(%run_scoped3A : memref<!tpu.dma_semaphore, #tpu.memory_space<semaphore_mem>>) src(%dma_wait3A_26 : memref<128xi32, #tpu.memory_space<hbm>>) dst(%arg8 : memref<128xi32, #tpu.memory_space<vmem>>)
      tpu.yield
    }) : () -> ()
    "tpu.region"() ({
      %run_scoped3A = tpu.sem_alloc : memref<!tpu.dma_semaphore, #tpu.memory_space<semaphore_mem>>
      %dma_start3A = arith.constant 0 : i32
      %dma_start3A_25 = tpu.memref_slice %arg2[%mul3A_24, %dma_start3A] : memref<8192x512xi32, #tpu.memory_space<hbm>> -> memref<128x512xi32, #tpu.memory_space<hbm>>
      %dma_start3A_26 = arith.constant 0 : i32
      %dma_start3A_27 = tpu.memref_slice %arg2[%mul3A_24, %dma_start3A_26] : memref<8192x512xi32, #tpu.memory_space<hbm>> -> memref<128x512xi32, #tpu.memory_space<hbm>>
      tpu.enqueue_dma source(%dma_start3A_27 : memref<128x512xi32, #tpu.memory_space<hbm>>) target(%arg9 : memref<128x512xi32, #tpu.memory_space<vmem>>) target_semaphore(%run_scoped3A : memref<!tpu.dma_semaphore, #tpu.memory_space<semaphore_mem>>)
      %dma_wait3A = arith.constant 0 : i32
      %dma_wait3A_28 = tpu.memref_slice %arg2[%mul3A_24, %dma_wait3A] : memref<8192x512xi32, #tpu.memory_space<hbm>> -> memref<128x512xi32, #tpu.memory_space<hbm>>
      %dma_wait3A_29 = arith.constant 0 : i32
      %dma_wait3A_30 = tpu.memref_slice %arg2[%mul3A_24, %dma_wait3A_29] : memref<8192x512xi32, #tpu.memory_space<hbm>> -> memref<128x512xi32, #tpu.memory_space<hbm>>
      tpu.wait_dma2 semaphore(%run_scoped3A : memref<!tpu.dma_semaphore, #tpu.memory_space<semaphore_mem>>) src(%dma_wait3A_30 : memref<128x512xi32, #tpu.memory_space<hbm>>) dst(%arg9 : memref<128x512xi32, #tpu.memory_space<vmem>>)
      tpu.yield
    }) : () -> ()
    "tpu.region"() ({
      %run_scoped3A = tpu.sem_alloc : memref<!tpu.dma_semaphore, #tpu.memory_space<semaphore_mem>>
      %dma_start3A = arith.constant 0 : i32
      %dma_start3A_25 = arith.constant 0 : i32
      %dma_start3A_26 = tpu.memref_slice %arg6[%dma_start3A, %dma_start3A_25] : memref<20480x512xi32, #tpu.memory_space<hbm>> -> memref<20480x512xi32, #tpu.memory_space<hbm>>
      tpu.enqueue_indirect_dma source(%arg9 : memref<128x512xi32, #tpu.memory_space<vmem>>) target(%dma_start3A_26 : memref<20480x512xi32, #tpu.memory_space<hbm>>) offsets(%arg8 : memref<128xi32, #tpu.memory_space<vmem>>) semaphore(%run_scoped3A : memref<!tpu.dma_semaphore, #tpu.memory_space<semaphore_mem>>)
      %dma_wait3A = arith.constant 0 : i32
      %dma_wait3A_27 = arith.constant 0 : i32
      %dma_wait3A_28 = tpu.memref_slice %arg6[%dma_wait3A, %dma_wait3A_27] : memref<20480x512xi32, #tpu.memory_space<hbm>> -> memref<20480x512xi32, #tpu.memory_space<hbm>>
      tpu.wait_indirect_dma semaphore(%run_scoped3A : memref<!tpu.dma_semaphore, #tpu.memory_space<semaphore_mem>>) src(%arg9 : memref<128x512xi32, #tpu.memory_space<vmem>>) dst(%dma_wait3A_28 : memref<20480x512xi32, #tpu.memory_space<hbm>>)
      tpu.yield
    }) : () -> ()
    "tpu.region"() ({
      %run_scoped3A = tpu.sem_alloc : memref<!tpu.dma_semaphore, #tpu.memory_space<semaphore_mem>>
      %dma_start3A = arith.constant 0 : i32
      %dma_start3A_25 = tpu.memref_slice %arg3[%mul3A_24, %dma_start3A] : memref<8192x512xi32, #tpu.memory_space<hbm>> -> memref<128x512xi32, #tpu.memory_space<hbm>>
      %dma_start3A_26 = arith.constant 0 : i32
      %dma_start3A_27 = tpu.memref_slice %arg3[%mul3A_24, %dma_start3A_26] : memref<8192x512xi32, #tpu.memory_space<hbm>> -> memref<128x512xi32, #tpu.memory_space<hbm>>
      tpu.enqueue_dma source(%dma_start3A_27 : memref<128x512xi32, #tpu.memory_space<hbm>>) target(%arg9 : memref<128x512xi32, #tpu.memory_space<vmem>>) target_semaphore(%run_scoped3A : memref<!tpu.dma_semaphore, #tpu.memory_space<semaphore_mem>>)
      %dma_wait3A = arith.constant 0 : i32
      %dma_wait3A_28 = tpu.memref_slice %arg3[%mul3A_24, %dma_wait3A] : memref<8192x512xi32, #tpu.memory_space<hbm>> -> memref<128x512xi32, #tpu.memory_space<hbm>>
      %dma_wait3A_29 = arith.constant 0 : i32
      %dma_wait3A_30 = tpu.memref_slice %arg3[%mul3A_24, %dma_wait3A_29] : memref<8192x512xi32, #tpu.memory_space<hbm>> -> memref<128x512xi32, #tpu.memory_space<hbm>>
      tpu.wait_dma2 semaphore(%run_scoped3A : memref<!tpu.dma_semaphore, #tpu.memory_space<semaphore_mem>>) src(%dma_wait3A_30 : memref<128x512xi32, #tpu.memory_space<hbm>>) dst(%arg9 : memref<128x512xi32, #tpu.memory_space<vmem>>)
      tpu.yield
    }) : () -> ()
    "tpu.region"() ({
      %run_scoped3A = tpu.sem_alloc : memref<!tpu.dma_semaphore, #tpu.memory_space<semaphore_mem>>
      %dma_start3A = arith.constant 0 : i32
      %dma_start3A_25 = arith.constant 0 : i32
      %dma_start3A_26 = tpu.memref_slice %arg7[%dma_start3A, %dma_start3A_25] : memref<20480x512xi32, #tpu.memory_space<hbm>> -> memref<20480x512xi32, #tpu.memory_space<hbm>>
      tpu.enqueue_indirect_dma source(%arg9 : memref<128x512xi32, #tpu.memory_space<vmem>>) target(%dma_start3A_26 : memref<20480x512xi32, #tpu.memory_space<hbm>>) offsets(%arg8 : memref<128xi32, #tpu.memory_space<vmem>>) semaphore(%run_scoped3A : memref<!tpu.dma_semaphore, #tpu.memory_space<semaphore_mem>>)
      %dma_wait3A = arith.constant 0 : i32
      %dma_wait3A_27 = arith.constant 0 : i32
      %dma_wait3A_28 = tpu.memref_slice %arg7[%dma_wait3A, %dma_wait3A_27] : memref<20480x512xi32, #tpu.memory_space<hbm>> -> memref<20480x512xi32, #tpu.memory_space<hbm>>
      tpu.wait_indirect_dma semaphore(%run_scoped3A : memref<!tpu.dma_semaphore, #tpu.memory_space<semaphore_mem>>) src(%arg9 : memref<128x512xi32, #tpu.memory_space<vmem>>) dst(%dma_wait3A_28 : memref<20480x512xi32, #tpu.memory_space<hbm>>)
      tpu.yield
    }) : () -> ()
    return
  }
}

module attributes {stable_mosaic.version = 14 : i64} {
  func.func @_router_body(%arg0: i32, %arg1: memref<1024x2048xf32, #tpu.memory_space<vmem>>, %arg2: memref<2048x8xf32, #tpu.memory_space<vmem>>, %arg3: memref<1024x8xf32, #tpu.memory_space<vmem>>, %arg4: memref<1024x512xi32, #tpu.memory_space<vmem>>, %arg5: memref<1024x512xi32, #tpu.memory_space<vmem>>) attributes {dimension_semantics = [#tpu.dimension_semantics<arbitrary>], iteration_bounds = array<i64: 8>, scalar_prefetch = 0 : i64, scratch_operands = 0 : i64, tpu.core_type = #tpu.core_type<tc>, window_params = [{transform_indices = @transform_0, window_bounds = array<i64: 1024, 2048>}, {pipeline_mode = #tpu.pipeline_mode<synchronous>, transform_indices = @transform_1, window_bounds = array<i64: 2048, 8>}, {transform_indices = @transform_2, window_bounds = array<i64: 1024, 8>}, {transform_indices = @transform_3, window_bounds = array<i64: 1024, 512>}, {transform_indices = @transform_4, window_bounds = array<i64: 1024, 512>}]} {
    %get3A = arith.constant 0 : index
    %get3A_0 = arith.constant 0 : index
    %get3A_1 = vector.load %arg1[%get3A, %get3A_0] : memref<1024x2048xf32, #tpu.memory_space<vmem>>, vector<1024x2048xf32>
    %get3A_2 = arith.constant 0 : index
    %get3A_3 = arith.constant 0 : index
    %get3A_4 = vector.load %arg2[%get3A_2, %get3A_3] : memref<2048x8xf32, #tpu.memory_space<vmem>>, vector<2048x8xf32>
    %dot_general3A = arith.constant dense<0.000000e+00> : vector<1024x8xf32>
    %dot_general3A_5 = tpu.matmul %get3A_1, %get3A_4, %dot_general3A {dimension_numbers = #tpu.dot_dimension_numbers<[1], [0], [0], [1], [0, 0, 1, 1], [], []>, transpose_lhs_hint = false} : vector<1024x2048xf32>, vector<2048x8xf32>, vector<1024x8xf32> -> vector<1024x8xf32>
    %reduce_max3A = arith.constant dense<0xFF800000> : vector<1024xf32>
    %reduce_max3A_6 = vector.multi_reduction <maximumf>, %dot_general3A_5, %reduce_max3A [1] : vector<1024x8xf32> to vector<1024xf32>
    %max3A = arith.constant 0xFF800000 : f32
    %max3A_7 = vector.broadcast %max3A : f32 to vector<1024xf32>
    %max3A_8 = arith.maximumf %max3A_7, %reduce_max3A_6 : vector<1024xf32>
    %broadcast_in_dim3A = vector.shape_cast %max3A_8 : vector<1024xf32> to vector<1024x1xf32>
    %sub3A = vector.broadcast %broadcast_in_dim3A : vector<1024x1xf32> to vector<1024x8xf32>
    %sub3A_9 = arith.subf %dot_general3A_5, %sub3A : vector<1024x8xf32>
    %exp3A = math.exp %sub3A_9 : vector<1024x8xf32>
    %reduce_sum3A = arith.constant dense<0.000000e+00> : vector<1024xf32>
    %reduce_sum3A_10 = vector.multi_reduction <add>, %exp3A, %reduce_sum3A [1] : vector<1024x8xf32> to vector<1024xf32>
    %broadcast_in_dim3A_11 = vector.shape_cast %reduce_sum3A_10 : vector<1024xf32> to vector<1024x1xf32>
    %div3A = vector.broadcast %broadcast_in_dim3A_11 : vector<1024x1xf32> to vector<1024x8xf32>
    %div3A_12 = arith.divf %exp3A, %div3A : vector<1024x8xf32>
    %iota3A = tpu.iota {dimensions = array<i32: 1>} : vector<1024x8xi32>
    %reduce_max3A_13 = arith.constant dense<0xFF800000> : vector<1024xf32>
    %reduce_max3A_14 = vector.multi_reduction <maximumf>, %div3A_12, %reduce_max3A_13 [1] : vector<1024x8xf32> to vector<1024xf32>
    %broadcast_in_dim3A_15 = vector.shape_cast %reduce_max3A_14 : vector<1024xf32> to vector<1024x1xf32>
    %eq3A = vector.broadcast %broadcast_in_dim3A_15 : vector<1024x1xf32> to vector<1024x8xf32>
    %eq3A_16 = arith.cmpf oeq, %div3A_12, %eq3A : vector<1024x8xf32>
    %jit3A = arith.constant 8 : i32
    %broadcast_in_dim3A_17 = vector.broadcast %jit3A : i32 to vector<1024x8xi32>
    %select_n3A = arith.select %eq3A_16, %iota3A, %broadcast_in_dim3A_17 : vector<1024x8xi1>, vector<1024x8xi32>
    %reduce_min3A = arith.constant dense<2147483647> : vector<1024xi32>
    %reduce_min3A_18 = vector.multi_reduction <minsi>, %select_n3A, %reduce_min3A [1] : vector<1024x8xi32> to vector<1024xi32>
    %broadcast_in_dim3A_19 = vector.shape_cast %reduce_min3A_18 : vector<1024xi32> to vector<1024x1xi32>
    %eq3A_20 = vector.broadcast %broadcast_in_dim3A_19 : vector<1024x1xi32> to vector<1024x8xi32>
    %eq3A_21 = arith.cmpi eq, %iota3A, %eq3A_20 : vector<1024x8xi32>
    %jit3A_22 = arith.constant -1.000000e+00 : f32
    %broadcast_in_dim3A_23 = vector.broadcast %jit3A_22 : f32 to vector<1024x8xf32>
    %select_n3A_24 = arith.select %eq3A_21, %broadcast_in_dim3A_23, %div3A_12 : vector<1024x8xi1>, vector<1024x8xf32>
    %reduce_max3A_25 = arith.constant dense<0xFF800000> : vector<1024xf32>
    %reduce_max3A_26 = vector.multi_reduction <maximumf>, %select_n3A_24, %reduce_max3A_25 [1] : vector<1024x8xf32> to vector<1024xf32>
    %broadcast_in_dim3A_27 = vector.shape_cast %reduce_max3A_26 : vector<1024xf32> to vector<1024x1xf32>
    %eq3A_28 = vector.broadcast %broadcast_in_dim3A_27 : vector<1024x1xf32> to vector<1024x8xf32>
    %eq3A_29 = arith.cmpf oeq, %select_n3A_24, %eq3A_28 : vector<1024x8xf32>
    %jit3A_30 = arith.constant 8 : i32
    %broadcast_in_dim3A_31 = vector.broadcast %jit3A_30 : i32 to vector<1024x8xi32>
    %select_n3A_32 = arith.select %eq3A_29, %iota3A, %broadcast_in_dim3A_31 : vector<1024x8xi1>, vector<1024x8xi32>
    %reduce_min3A_33 = arith.constant dense<2147483647> : vector<1024xi32>
    %reduce_min3A_34 = vector.multi_reduction <minsi>, %select_n3A_32, %reduce_min3A_33 [1] : vector<1024x8xi32> to vector<1024xi32>
    %broadcast_in_dim3A_35 = vector.shape_cast %reduce_min3A_34 : vector<1024xi32> to vector<1024x1xi32>
    %add3A = arith.addf %broadcast_in_dim3A_15, %broadcast_in_dim3A_27 : vector<1024x1xf32>
    %lt3A = arith.cmpi slt, %broadcast_in_dim3A_35, %broadcast_in_dim3A_19 : vector<1024x1xi32>
    %select_n3A_36 = arith.select %lt3A, %broadcast_in_dim3A_35, %broadcast_in_dim3A_19 : vector<1024x1xi1>, vector<1024x1xi32>
    %convert_element_type3A = arith.sitofp %select_n3A_36 : vector<1024x1xi32> to vector<1024x1xf32>
    %select_n3A_37 = arith.select %lt3A, %broadcast_in_dim3A_19, %broadcast_in_dim3A_35 : vector<1024x1xi1>, vector<1024x1xi32>
    %convert_element_type3A_38 = arith.sitofp %select_n3A_37 : vector<1024x1xi32> to vector<1024x1xf32>
    %select_n3A_39 = arith.select %lt3A, %broadcast_in_dim3A_27, %broadcast_in_dim3A_15 : vector<1024x1xi1>, vector<1024x1xf32>
    %div3A_40 = arith.divf %select_n3A_39, %add3A : vector<1024x1xf32>
    %select_n3A_41 = arith.select %lt3A, %broadcast_in_dim3A_15, %broadcast_in_dim3A_27 : vector<1024x1xi1>, vector<1024x1xf32>
    %div3A_42 = arith.divf %select_n3A_41, %add3A : vector<1024x1xf32>
    %eq3A_43 = arith.constant 0 : i32
    %eq3A_44 = vector.broadcast %eq3A_43 : i32 to vector<1024x8xi32>
    %eq3A_45 = arith.cmpi eq, %iota3A, %eq3A_44 : vector<1024x8xi32>
    %jit3A_46 = arith.constant 0.000000e+00 : f32
    %broadcast_in_dim3A_47 = vector.shape_cast %convert_element_type3A : vector<1024x1xf32> to vector<1024x1xf32>
    %broadcast_in_dim3A_48 = vector.broadcast %broadcast_in_dim3A_47 : vector<1024x1xf32> to vector<1024x8xf32>
    %broadcast_in_dim3A_49 = vector.broadcast %jit3A_46 : f32 to vector<1024x8xf32>
    %select_n3A_50 = arith.select %eq3A_45, %broadcast_in_dim3A_48, %broadcast_in_dim3A_49 : vector<1024x8xi1>, vector<1024x8xf32>
    %eq3A_51 = arith.constant 1 : i32
    %eq3A_52 = vector.broadcast %eq3A_51 : i32 to vector<1024x8xi32>
    %eq3A_53 = arith.cmpi eq, %iota3A, %eq3A_52 : vector<1024x8xi32>
    %jit3A_54 = arith.constant 0.000000e+00 : f32
    %broadcast_in_dim3A_55 = vector.shape_cast %convert_element_type3A_38 : vector<1024x1xf32> to vector<1024x1xf32>
    %broadcast_in_dim3A_56 = vector.broadcast %broadcast_in_dim3A_55 : vector<1024x1xf32> to vector<1024x8xf32>
    %broadcast_in_dim3A_57 = vector.broadcast %jit3A_54 : f32 to vector<1024x8xf32>
    %select_n3A_58 = arith.select %eq3A_53, %broadcast_in_dim3A_56, %broadcast_in_dim3A_57 : vector<1024x8xi1>, vector<1024x8xf32>
    %add3A_59 = arith.addf %select_n3A_50, %select_n3A_58 : vector<1024x8xf32>
    %eq3A_60 = arith.constant 2 : i32
    %eq3A_61 = vector.broadcast %eq3A_60 : i32 to vector<1024x8xi32>
    %eq3A_62 = arith.cmpi eq, %iota3A, %eq3A_61 : vector<1024x8xi32>
    %jit3A_63 = arith.constant 0.000000e+00 : f32
    %broadcast_in_dim3A_64 = vector.shape_cast %div3A_40 : vector<1024x1xf32> to vector<1024x1xf32>
    %broadcast_in_dim3A_65 = vector.broadcast %broadcast_in_dim3A_64 : vector<1024x1xf32> to vector<1024x8xf32>
    %broadcast_in_dim3A_66 = vector.broadcast %jit3A_63 : f32 to vector<1024x8xf32>
    %select_n3A_67 = arith.select %eq3A_62, %broadcast_in_dim3A_65, %broadcast_in_dim3A_66 : vector<1024x8xi1>, vector<1024x8xf32>
    %add3A_68 = arith.addf %add3A_59, %select_n3A_67 : vector<1024x8xf32>
    %eq3A_69 = arith.constant 3 : i32
    %eq3A_70 = vector.broadcast %eq3A_69 : i32 to vector<1024x8xi32>
    %eq3A_71 = arith.cmpi eq, %iota3A, %eq3A_70 : vector<1024x8xi32>
    %jit3A_72 = arith.constant 0.000000e+00 : f32
    %broadcast_in_dim3A_73 = vector.shape_cast %div3A_42 : vector<1024x1xf32> to vector<1024x1xf32>
    %broadcast_in_dim3A_74 = vector.broadcast %broadcast_in_dim3A_73 : vector<1024x1xf32> to vector<1024x8xf32>
    %broadcast_in_dim3A_75 = vector.broadcast %jit3A_72 : f32 to vector<1024x8xf32>
    %select_n3A_76 = arith.select %eq3A_71, %broadcast_in_dim3A_74, %broadcast_in_dim3A_75 : vector<1024x8xi1>, vector<1024x8xf32>
    %add3A_77 = arith.addf %add3A_68, %select_n3A_76 : vector<1024x8xf32>
    %swap3A = arith.constant 0 : index
    %swap3A_78 = arith.constant 0 : index
    %swap3A_79 = vector.load %arg3[%swap3A, %swap3A_78] : memref<1024x8xf32, #tpu.memory_space<vmem>>, vector<1024x8xf32>
    tpu.vector_store %arg3[%swap3A, %swap3A_78], %add3A_77 {strides = array<i32>} : memref<1024x8xf32, #tpu.memory_space<vmem>>, vector<1024x8xf32>,
    %slice3A = vector.extract_strided_slice %get3A_1 {offsets = [0, 0], sizes = [1024, 1024], strides = [1, 1]} : vector<1024x2048xf32> to vector<1024x1024xf32>
    %slice3A_80 = vector.extract_strided_slice %slice3A {offsets = [0, 0], sizes = [1024, 512], strides = [1, 1]} : vector<1024x1024xf32> to vector<1024x512xf32>
    %convert_element_type3A_81 = arith.truncf %slice3A_80 : vector<1024x512xf32> to vector<1024x512xbf16>
    %convert_element_type3A_82 = arith.extf %convert_element_type3A_81 : vector<1024x512xbf16> to vector<1024x512xf32>
    %bitcast_convert_type3A = tpu.bitcast %convert_element_type3A_82 : vector<1024x512xf32> -> vector<1024x512xi32>
    %slice3A_83 = vector.extract_strided_slice %slice3A {offsets = [0, 512], sizes = [1024, 512], strides = [1, 1]} : vector<1024x1024xf32> to vector<1024x512xf32>
    %convert_element_type3A_84 = arith.truncf %slice3A_83 : vector<1024x512xf32> to vector<1024x512xbf16>
    %convert_element_type3A_85 = arith.extf %convert_element_type3A_84 : vector<1024x512xbf16> to vector<1024x512xf32>
    %bitcast_convert_type3A_86 = tpu.bitcast %convert_element_type3A_85 : vector<1024x512xf32> -> vector<1024x512xi32>
    %shift_right_logical3A = arith.constant 16 : i32
    %shift_right_logical3A_87 = vector.broadcast %shift_right_logical3A : i32 to vector<1024x512xi32>
    %shift_right_logical3A_88 = arith.shrui %bitcast_convert_type3A, %shift_right_logical3A_87 : vector<1024x512xi32>
    %and3A = arith.constant -65536 : i32
    %and3A_89 = vector.broadcast %and3A : i32 to vector<1024x512xi32>
    %and3A_90 = arith.andi %bitcast_convert_type3A_86, %and3A_89 : vector<1024x512xi32>
    %or3A = arith.ori %shift_right_logical3A_88, %and3A_90 : vector<1024x512xi32>
    %swap3A_91 = arith.constant 0 : index
    %swap3A_92 = arith.constant 0 : index
    %swap3A_93 = vector.load %arg4[%swap3A_91, %swap3A_92] : memref<1024x512xi32, #tpu.memory_space<vmem>>, vector<1024x512xi32>
    tpu.vector_store %arg4[%swap3A_91, %swap3A_92], %or3A {strides = array<i32>} : memref<1024x512xi32, #tpu.memory_space<vmem>>, vector<1024x512xi32>,
    %slice3A_94 = vector.extract_strided_slice %get3A_1 {offsets = [0, 1024], sizes = [1024, 1024], strides = [1, 1]} : vector<1024x2048xf32> to vector<1024x1024xf32>
    %slice3A_95 = vector.extract_strided_slice %slice3A_94 {offsets = [0, 0], sizes = [1024, 512], strides = [1, 1]} : vector<1024x1024xf32> to vector<1024x512xf32>
    %convert_element_type3A_96 = arith.truncf %slice3A_95 : vector<1024x512xf32> to vector<1024x512xbf16>
    %convert_element_type3A_97 = arith.extf %convert_element_type3A_96 : vector<1024x512xbf16> to vector<1024x512xf32>
    %bitcast_convert_type3A_98 = tpu.bitcast %convert_element_type3A_97 : vector<1024x512xf32> -> vector<1024x512xi32>
    %slice3A_99 = vector.extract_strided_slice %slice3A_94 {offsets = [0, 512], sizes = [1024, 512], strides = [1, 1]} : vector<1024x1024xf32> to vector<1024x512xf32>
    %convert_element_type3A_100 = arith.truncf %slice3A_99 : vector<1024x512xf32> to vector<1024x512xbf16>
    %convert_element_type3A_101 = arith.extf %convert_element_type3A_100 : vector<1024x512xbf16> to vector<1024x512xf32>
    %bitcast_convert_type3A_102 = tpu.bitcast %convert_element_type3A_101 : vector<1024x512xf32> -> vector<1024x512xi32>
    %shift_right_logical3A_103 = arith.constant 16 : i32
    %shift_right_logical3A_104 = vector.broadcast %shift_right_logical3A_103 : i32 to vector<1024x512xi32>
    %shift_right_logical3A_105 = arith.shrui %bitcast_convert_type3A_98, %shift_right_logical3A_104 : vector<1024x512xi32>
    %and3A_106 = arith.constant -65536 : i32
    %and3A_107 = vector.broadcast %and3A_106 : i32 to vector<1024x512xi32>
    %and3A_108 = arith.andi %bitcast_convert_type3A_102, %and3A_107 : vector<1024x512xi32>
    %or3A_109 = arith.ori %shift_right_logical3A_105, %and3A_108 : vector<1024x512xi32>
    %swap3A_110 = arith.constant 0 : index
    %swap3A_111 = arith.constant 0 : index
    %swap3A_112 = vector.load %arg5[%swap3A_110, %swap3A_111] : memref<1024x512xi32, #tpu.memory_space<vmem>>, vector<1024x512xi32>
    tpu.vector_store %arg5[%swap3A_110, %swap3A_111], %or3A_109 {strides = array<i32>} : memref<1024x512xi32, #tpu.memory_space<vmem>>, vector<1024x512xi32>,
    return
  }
  func.func @transform_0(%arg0: i32) -> (i32, i32) {
    %c0_i32 = arith.constant 0 : i32
    %c0_i32_0 = arith.constant 0 : i32
    return %arg0, %c0_i32 : i32, i32
  }
  func.func @transform_1(%arg0: i32) -> (i32, i32) {
    %c0_i32 = arith.constant 0 : i32
    %c0_i32_0 = arith.constant 0 : i32
    %c0_i32_1 = arith.constant 0 : i32
    return %c0_i32, %c0_i32_0 : i32, i32
  }
  func.func @transform_2(%arg0: i32) -> (i32, i32) {
    %c0_i32 = arith.constant 0 : i32
    %c0_i32_0 = arith.constant 0 : i32
    return %arg0, %c0_i32 : i32, i32
  }
  func.func @transform_3(%arg0: i32) -> (i32, i32) {
    %c0_i32 = arith.constant 0 : i32
    %c0_i32_0 = arith.constant 0 : i32
    return %arg0, %c0_i32 : i32, i32
  }
  func.func @transform_4(%arg0: i32) -> (i32, i32) {
    %c0_i32 = arith.constant 0 : i32
    %c0_i32_0 = arith.constant 0 : i32
    return %arg0, %c0_i32 : i32, i32
  }
}

module attributes {stable_mosaic.version = 14 : i64} {
  func.func @_slots_body(%arg0: memref<8192x8xf32, #tpu.memory_space<vmem>>, %arg1: memref<64x128xi32, #tpu.memory_space<vmem>>, %arg2: memref<64x128xi32, #tpu.memory_space<vmem>>, %arg3: memref<48x128xf32, #tpu.memory_space<vmem>>) attributes {dimension_semantics = [], scalar_prefetch = 0 : i64, scratch_operands = 0 : i64, tpu.core_type = #tpu.core_type<tc>} {
    %get3A = arith.constant 0 : index
    %get3A_0 = arith.constant 0 : index
    %get3A_1 = vector.load %arg0[%get3A, %get3A_0] : memref<8192x8xf32, #tpu.memory_space<vmem>>, vector<8192x8xf32>
    %iota3A = tpu.iota {dimensions = array<i32: 1>} : vector<8192x8xi32>
    %slice3A = vector.extract_strided_slice %get3A_1 {offsets = [0, 0], sizes = [8192, 1], strides = [1, 1]} : vector<8192x8xf32> to vector<8192x1xf32>
    %convert_element_type3A = arith.fptosi %slice3A : vector<8192x1xf32> to vector<8192x1xi32>
    %eq3A = vector.broadcast %convert_element_type3A : vector<8192x1xi32> to vector<8192x8xi32>
    %eq3A_2 = arith.cmpi eq, %iota3A, %eq3A : vector<8192x8xi32>
    %convert_element_type3A_3 = arith.extui %eq3A_2 : vector<8192x8xi1> to vector<8192x8xi32>
    %convert_element_type3A_4 = arith.sitofp %convert_element_type3A_3 : vector<8192x8xi32> to vector<8192x8xf32>
    %slice3A_5 = vector.extract_strided_slice %get3A_1 {offsets = [0, 1], sizes = [8192, 1], strides = [1, 1]} : vector<8192x8xf32> to vector<8192x1xf32>
    %convert_element_type3A_6 = arith.fptosi %slice3A_5 : vector<8192x1xf32> to vector<8192x1xi32>
    %eq3A_7 = vector.broadcast %convert_element_type3A_6 : vector<8192x1xi32> to vector<8192x8xi32>
    %eq3A_8 = arith.cmpi eq, %iota3A, %eq3A_7 : vector<8192x8xi32>
    %convert_element_type3A_9 = arith.extui %eq3A_8 : vector<8192x8xi1> to vector<8192x8xi32>
    %convert_element_type3A_10 = arith.sitofp %convert_element_type3A_9 : vector<8192x8xi32> to vector<8192x8xf32>
    %reshape3A = vector.shape_cast %convert_element_type3A_4 : vector<8192x8xf32> to vector<64x128x8xf32>
    %reshape3A_11 = vector.shape_cast %convert_element_type3A_10 : vector<8192x8xf32> to vector<64x128x8xf32>
    %iota3A_12 = tpu.iota {dimensions = array<i32: 1>} : vector<64x128x128xi32>
    %iota3A_13 = tpu.iota {dimensions = array<i32: 2>} : vector<64x128x128xi32>
    %lt3A = arith.cmpi slt, %iota3A_13, %iota3A_12 : vector<64x128x128xi32>
    %convert_element_type3A_14 = arith.extui %lt3A : vector<64x128x128xi1> to vector<64x128x128xi32>
    %convert_element_type3A_15 = arith.sitofp %convert_element_type3A_14 : vector<64x128x128xi32> to vector<64x128x128xf32>
    %dot_general3A = arith.constant dense<0.000000e+00> : vector<64x128x8xf32>
    %dot_general3A_16 = tpu.matmul %convert_element_type3A_15, %reshape3A, %dot_general3A {dimension_numbers = #tpu.dot_dimension_numbers<[2], [1], [1], [2], [0, 0, 0, 1, 1, 2], [0], [0]>, transpose_lhs_hint = false} : vector<64x128x128xf32>, vector<64x128x8xf32>, vector<64x128x8xf32> -> vector<64x128x8xf32>
    %dot_general3A_17 = arith.constant dense<0.000000e+00> : vector<64x128x8xf32>
    %dot_general3A_18 = tpu.matmul %convert_element_type3A_15, %reshape3A_11, %dot_general3A_17 {dimension_numbers = #tpu.dot_dimension_numbers<[2], [1], [1], [2], [0, 0, 0, 1, 1, 2], [0], [0]>, transpose_lhs_hint = false} : vector<64x128x128xf32>, vector<64x128x8xf32>, vector<64x128x8xf32> -> vector<64x128x8xf32>
    %reduce_sum3A = arith.constant dense<0.000000e+00> : vector<64x8xf32>
    %reduce_sum3A_19 = vector.multi_reduction <add>, %reshape3A, %reduce_sum3A [1] : vector<64x128x8xf32> to vector<64x8xf32>
    %reduce_sum3A_20 = arith.constant dense<0.000000e+00> : vector<64x8xf32>
    %reduce_sum3A_21 = vector.multi_reduction <add>, %reshape3A_11, %reduce_sum3A_20 [1] : vector<64x128x8xf32> to vector<64x8xf32>
    %iota3A_22 = tpu.iota {dimensions = array<i32: 0>} : vector<64x64xi32>
    %iota3A_23 = tpu.iota {dimensions = array<i32: 1>} : vector<64x64xi32>
    %lt3A_24 = arith.cmpi slt, %iota3A_23, %iota3A_22 : vector<64x64xi32>
    %convert_element_type3A_25 = arith.extui %lt3A_24 : vector<64x64xi1> to vector<64x64xi32>
    %convert_element_type3A_26 = arith.sitofp %convert_element_type3A_25 : vector<64x64xi32> to vector<64x64xf32>
    %dot_general3A_27 = arith.constant dense<0.000000e+00> : vector<64x8xf32>
    %dot_general3A_28 = tpu.matmul %convert_element_type3A_26, %reduce_sum3A_19, %dot_general3A_27 {dimension_numbers = #tpu.dot_dimension_numbers<[1], [0], [0], [1], [0, 0, 1, 1], [], []>, transpose_lhs_hint = false} : vector<64x64xf32>, vector<64x8xf32>, vector<64x8xf32> -> vector<64x8xf32>
    %dot_general3A_29 = arith.constant dense<0.000000e+00> : vector<64x8xf32>
    %dot_general3A_30 = tpu.matmul %convert_element_type3A_26, %reduce_sum3A_21, %dot_general3A_29 {dimension_numbers = #tpu.dot_dimension_numbers<[1], [0], [0], [1], [0, 0, 1, 1], [], []>, transpose_lhs_hint = false} : vector<64x64xf32>, vector<64x8xf32>, vector<64x8xf32> -> vector<64x8xf32>
    %reduce_sum3A_31 = arith.constant dense<0.000000e+00> : vector<8xf32>
    %reduce_sum3A_32 = vector.multi_reduction <add>, %reduce_sum3A_19, %reduce_sum3A_31 [0] : vector<64x8xf32> to vector<8xf32>
    %broadcast_in_dim3A = vector.shape_cast %reduce_sum3A_32 : vector<8xf32> to vector<1x8xf32>
    %reduce_sum3A_33 = arith.constant dense<0.000000e+00> : vector<8xf32>
    %reduce_sum3A_34 = vector.multi_reduction <add>, %reduce_sum3A_21, %reduce_sum3A_33 [0] : vector<64x8xf32> to vector<8xf32>
    %broadcast_in_dim3A_35 = vector.shape_cast %reduce_sum3A_34 : vector<8xf32> to vector<1x8xf32>
    %add3A = arith.addf %broadcast_in_dim3A, %broadcast_in_dim3A_35 : vector<1x8xf32>
    %convert_element_type3A_36 = arith.fptosi %add3A : vector<1x8xf32> to vector<1x8xi32>
    %add3A_37 = arith.constant 512 : i32
    %add3A_38 = vector.broadcast %add3A_37 : i32 to vector<1x8xi32>
    %add3A_39 = arith.addi %convert_element_type3A_36, %add3A_38 : vector<1x8xi32>
    %sub3A = arith.constant 1 : i32
    %sub3A_40 = vector.broadcast %sub3A : i32 to vector<1x8xi32>
    %sub3A_41 = arith.subi %add3A_39, %sub3A_40 : vector<1x8xi32>
    %jit3A = arith.constant 512 : i32
    %div3A = vector.broadcast %jit3A : i32 to vector<1x8xi32>
    %div3A_42 = arith.divsi %sub3A_41, %div3A : vector<1x8xi32>
    %sign3A = arith.constant 0 : i32
    %sign3A_43 = vector.broadcast %sign3A : i32 to vector<1x8xi32>
    %sign3A_44 = arith.cmpi sgt, %sub3A_41, %sign3A_43 : vector<1x8xi32>
    %sign3A_45 = arith.extui %sign3A_44 : vector<1x8xi1> to vector<1x8xi32>
    %sign3A_46 = arith.constant 0 : i32
    %sign3A_47 = vector.broadcast %sign3A_46 : i32 to vector<1x8xi32>
    %sign3A_48 = arith.cmpi slt, %sub3A_41, %sign3A_47 : vector<1x8xi32>
    %sign3A_49 = arith.extui %sign3A_48 : vector<1x8xi1> to vector<1x8xi32>
    %sign3A_50 = arith.subi %sign3A_45, %sign3A_49 : vector<1x8xi32>
    %sign3A_51 = arith.constant 0 : i32
    %sign3A_52 = arith.cmpi sgt, %jit3A, %sign3A_51 : i32
    %sign3A_53 = arith.extui %sign3A_52 : i1 to i32
    %sign3A_54 = arith.constant 0 : i32
    %sign3A_55 = arith.cmpi slt, %jit3A, %sign3A_54 : i32
    %sign3A_56 = arith.extui %sign3A_55 : i1 to i32
    %sign3A_57 = arith.subi %sign3A_53, %sign3A_56 : i32
    %ne3A = vector.broadcast %sign3A_57 : i32 to vector<1x8xi32>
    %ne3A_58 = arith.cmpi ne, %sign3A_50, %ne3A : vector<1x8xi32>
    %rem3A = vector.broadcast %jit3A : i32 to vector<1x8xi32>
    %rem3A_59 = arith.remsi %sub3A_41, %rem3A : vector<1x8xi32>
    %ne3A_60 = arith.constant 0 : i32
    %ne3A_61 = vector.broadcast %ne3A_60 : i32 to vector<1x8xi32>
    %ne3A_62 = arith.cmpi ne, %rem3A_59, %ne3A_61 : vector<1x8xi32>
    %and3A = arith.andi %ne3A_58, %ne3A_62 : vector<1x8xi1>
    %sub3A_63 = arith.constant 1 : i32
    %sub3A_64 = vector.broadcast %sub3A_63 : i32 to vector<1x8xi32>
    %sub3A_65 = arith.subi %div3A_42, %sub3A_64 : vector<1x8xi32>
    %select_n3A = arith.select %and3A, %sub3A_65, %div3A_42 : vector<1x8xi1>, vector<1x8xi32>
    %mul3A = arith.constant 512 : i32
    %mul3A_66 = vector.broadcast %mul3A : i32 to vector<1x8xi32>
    %mul3A_67 = arith.muli %select_n3A, %mul3A_66 : vector<1x8xi32>
    %convert_element_type3A_68 = arith.sitofp %mul3A_67 : vector<1x8xi32> to vector<1x8xf32>
    %iota3A_69 = tpu.iota {dimensions = array<i32: 0>} : vector<8x8xi32>
    %iota3A_70 = tpu.iota {dimensions = array<i32: 1>} : vector<8x8xi32>
    %lt3A_71 = arith.cmpi slt, %iota3A_69, %iota3A_70 : vector<8x8xi32>
    %convert_element_type3A_72 = arith.extui %lt3A_71 : vector<8x8xi1> to vector<8x8xi32>
    %convert_element_type3A_73 = arith.sitofp %convert_element_type3A_72 : vector<8x8xi32> to vector<8x8xf32>
    %dot_general3A_74 = arith.constant dense<0.000000e+00> : vector<1x8xf32>
    %dot_general3A_75 = tpu.matmul %convert_element_type3A_68, %convert_element_type3A_73, %dot_general3A_74 {dimension_numbers = #tpu.dot_dimension_numbers<[1], [0], [0], [1], [0, 0, 1, 1], [], []>, transpose_lhs_hint = false} : vector<1x8xf32>, vector<8x8xf32>, vector<1x8xf32> -> vector<1x8xf32>
    %reshape3A_76 = vector.shape_cast %dot_general3A_28 : vector<64x8xf32> to vector<64x1x8xf32>
    %add3A_77 = vector.broadcast %reshape3A_76 : vector<64x1x8xf32> to vector<64x128x8xf32>
    %add3A_78 = arith.addf %dot_general3A_16, %add3A_77 : vector<64x128x8xf32>
    %reshape3A_79 = vector.shape_cast %dot_general3A_30 : vector<64x8xf32> to vector<64x1x8xf32>
    %add3A_80 = vector.broadcast %reshape3A_79 : vector<64x1x8xf32> to vector<64x128x8xf32>
    %add3A_81 = arith.addf %dot_general3A_18, %add3A_80 : vector<64x128x8xf32>
    %reshape3A_82 = vector.shape_cast %broadcast_in_dim3A : vector<1x8xf32> to vector<1x1x8xf32>
    %add3A_83 = vector.broadcast %reshape3A_82 : vector<1x1x8xf32> to vector<64x128x8xf32>
    %add3A_84 = arith.addf %add3A_81, %add3A_83 : vector<64x128x8xf32>
    %reshape3A_85 = vector.shape_cast %dot_general3A_75 : vector<1x8xf32> to vector<1x1x8xf32>
    %add3A_86 = vector.broadcast %reshape3A_85 : vector<1x1x8xf32> to vector<64x128x8xf32>
    %add3A_87 = arith.addf %add3A_78, %add3A_86 : vector<64x128x8xf32>
    %mul3A_88 = arith.mulf %add3A_87, %reshape3A : vector<64x128x8xf32>
    %reduce_sum3A_89 = arith.constant dense<0.000000e+00> : vector<64x128xf32>
    %reduce_sum3A_90 = vector.multi_reduction <add>, %mul3A_88, %reduce_sum3A_89 [2] : vector<64x128x8xf32> to vector<64x128xf32>
    %add3A_91 = vector.broadcast %reshape3A_85 : vector<1x1x8xf32> to vector<64x128x8xf32>
    %add3A_92 = arith.addf %add3A_84, %add3A_91 : vector<64x128x8xf32>
    %mul3A_93 = arith.mulf %add3A_92, %reshape3A_11 : vector<64x128x8xf32>
    %reduce_sum3A_94 = arith.constant dense<0.000000e+00> : vector<64x128xf32>
    %reduce_sum3A_95 = vector.multi_reduction <add>, %mul3A_93, %reduce_sum3A_94 [2] : vector<64x128x8xf32> to vector<64x128xf32>
    %convert_element_type3A_96 = arith.fptosi %reduce_sum3A_90 : vector<64x128xf32> to vector<64x128xi32>
    %swap3A = arith.constant 0 : index
    %swap3A_97 = arith.constant 0 : index
    %swap3A_98 = vector.load %arg1[%swap3A, %swap3A_97] : memref<64x128xi32, #tpu.memory_space<vmem>>, vector<64x128xi32>
    tpu.vector_store %arg1[%swap3A, %swap3A_97], %convert_element_type3A_96 {strides = array<i32>} : memref<64x128xi32, #tpu.memory_space<vmem>>, vector<64x128xi32>,
    %convert_element_type3A_99 = arith.fptosi %reduce_sum3A_95 : vector<64x128xf32> to vector<64x128xi32>
    %swap3A_100 = arith.constant 0 : index
    %swap3A_101 = arith.constant 0 : index
    %swap3A_102 = vector.load %arg2[%swap3A_100, %swap3A_101] : memref<64x128xi32, #tpu.memory_space<vmem>>, vector<64x128xi32>
    tpu.vector_store %arg2[%swap3A_100, %swap3A_101], %convert_element_type3A_99 {strides = array<i32>} : memref<64x128xi32, #tpu.memory_space<vmem>>, vector<64x128xi32>,
    %reduce_sum3A_103 = arith.constant dense<0.000000e+00> : vector<1xf32>
    %reduce_sum3A_104 = vector.multi_reduction <add>, %convert_element_type3A_68, %reduce_sum3A_103 [1] : vector<1x8xf32> to vector<1xf32>
    %broadcast_in_dim3A_105 = vector.shape_cast %reduce_sum3A_104 : vector<1xf32> to vector<1x1xf32>
    %iota3A_106 = tpu.iota {dimensions = array<i32: 0>} : vector<48x8xi32>
    %mul3A_107 = arith.constant 512 : i32
    %mul3A_108 = vector.broadcast %mul3A_107 : i32 to vector<48x8xi32>
    %mul3A_109 = arith.muli %iota3A_106, %mul3A_108 : vector<48x8xi32>
    %convert_element_type3A_110 = arith.sitofp %mul3A_109 : vector<48x8xi32> to vector<48x8xf32>
    %sub3A_111 = arith.constant 5.120000e+02 : f32
    %sub3A_112 = vector.broadcast %sub3A_111 : f32 to vector<1x1xf32>
    %sub3A_113 = arith.subf %broadcast_in_dim3A_105, %sub3A_112 : vector<1x1xf32>
    %min3A = vector.broadcast %sub3A_113 : vector<1x1xf32> to vector<48x8xf32>
    %min3A_114 = arith.minimumf %convert_element_type3A_110, %min3A : vector<48x8xf32>
    %le3A = vector.broadcast %dot_general3A_75 : vector<1x8xf32> to vector<48x8xf32>
    %le3A_115 = arith.cmpf ole, %le3A, %min3A_114 : vector<48x8xf32>
    %convert_element_type3A_116 = arith.extui %le3A_115 : vector<48x8xi1> to vector<48x8xi32>
    %convert_element_type3A_117 = arith.sitofp %convert_element_type3A_116 : vector<48x8xi32> to vector<48x8xf32>
    %reduce_sum3A_118 = arith.constant dense<0.000000e+00> : vector<48xf32>
    %reduce_sum3A_119 = vector.multi_reduction <add>, %convert_element_type3A_117, %reduce_sum3A_118 [1] : vector<48x8xf32> to vector<48xf32>
    %broadcast_in_dim3A_120 = vector.shape_cast %reduce_sum3A_119 : vector<48xf32> to vector<48x1xf32>
    %sub3A_121 = arith.constant 1.000000e+00 : f32
    %sub3A_122 = vector.broadcast %sub3A_121 : f32 to vector<48x1xf32>
    %sub3A_123 = arith.subf %broadcast_in_dim3A_120, %sub3A_122 : vector<48x1xf32>
    %iota3A_124 = tpu.iota {dimensions = array<i32: 0>} : vector<48x1xi32>
    %lt3A_125 = arith.constant 40 : i32
    %lt3A_126 = vector.broadcast %lt3A_125 : i32 to vector<48x1xi32>
    %lt3A_127 = arith.cmpi slt, %iota3A_124, %lt3A_126 : vector<48x1xi32>
    %div3A_128 = arith.constant 5.120000e+02 : f32
    %div3A_129 = vector.broadcast %div3A_128 : f32 to vector<1x1xf32>
    %div3A_130 = arith.divf %broadcast_in_dim3A_105, %div3A_129 : vector<1x1xf32>
    %broadcast_in_dim3A_131 = vector.shape_cast %div3A_130 : vector<1x1xf32> to vector<1x1xf32>
    %broadcast_in_dim3A_132 = vector.broadcast %broadcast_in_dim3A_131 : vector<1x1xf32> to vector<48x1xf32>
    %select_n3A_133 = arith.select %lt3A_127, %sub3A_123, %broadcast_in_dim3A_132 : vector<48x1xi1>, vector<48x1xf32>
    %broadcast_in_dim3A_134 = vector.shape_cast %select_n3A_133 : vector<48x1xf32> to vector<48x1xf32>
    %broadcast_in_dim3A_135 = vector.broadcast %broadcast_in_dim3A_134 : vector<48x1xf32> to vector<48x128xf32>
    %swap3A_136 = arith.constant 0 : index
    %swap3A_137 = arith.constant 0 : index
    %swap3A_138 = vector.load %arg3[%swap3A_136, %swap3A_137] : memref<48x128xf32, #tpu.memory_space<vmem>>, vector<48x128xf32>
    tpu.vector_store %arg3[%swap3A_136, %swap3A_137], %broadcast_in_dim3A_135 {strides = array<i32>} : memref<48x128xf32, #tpu.memory_space<vmem>>, vector<48x128xf32>,
    return
  }
}

module attributes {stable_mosaic.version = 14 : i64} {
  func.func @_mlp_body(%arg0: i32, %arg1: memref<48xi32, #tpu.memory_space<smem>>, %arg2: memref<512x512xi32, #tpu.memory_space<vmem>>, %arg3: memref<512x512xi32, #tpu.memory_space<vmem>>, %arg4: memref<1x2048x2816xbf16, #tpu.memory_space<vmem>>, %arg5: memref<1x1408x2048xf32, #tpu.memory_space<vmem>>, %arg6: memref<512x512xi32, #tpu.memory_space<vmem>>, %arg7: memref<512x512xi32, #tpu.memory_space<vmem>>) attributes {dimension_semantics = [#tpu.dimension_semantics<arbitrary>], iteration_bounds = array<i64: 40>, scalar_prefetch = 1 : i64, scratch_operands = 0 : i64, tpu.core_type = #tpu.core_type<tc>, window_params = [{transform_indices = @transform_0, window_bounds = array<i64: 512, 512>}, {transform_indices = @transform_1, window_bounds = array<i64: 512, 512>}, {transform_indices = @transform_2, window_bounds = array<i64: 1, 2048, 2816>}, {transform_indices = @transform_3, window_bounds = array<i64: 1, 1408, 2048>}, {transform_indices = @transform_4, window_bounds = array<i64: 512, 512>}, {transform_indices = @transform_5, window_bounds = array<i64: 512, 512>}]} {
    %get3A = arith.constant 40 : index
    %get3A_0 = memref.load %arg1[%get3A] : memref<48xi32, #tpu.memory_space<smem>>
    %lt3A = arith.cmpi slt, %arg0, %get3A_0 : i32
    %convert_element_type3A = arith.extui %lt3A : i1 to i32
    %cond3A = arith.constant 0 : i32
    %cond3A_1 = arith.cmpi ne, %convert_element_type3A, %cond3A : i32
    scf.if %cond3A_1 {
      %get3A_2 = arith.constant 0 : index
      %get3A_3 = arith.constant 0 : index
      %get3A_4 = vector.load %arg2[%get3A_2, %get3A_3] : memref<512x512xi32, #tpu.memory_space<vmem>>, vector<512x512xi32>
      %shift_left3A = arith.constant 16 : i32
      %shift_left3A_5 = vector.broadcast %shift_left3A : i32 to vector<512x512xi32>
      %shift_left3A_6 = arith.shli %get3A_4, %shift_left3A_5 : vector<512x512xi32>
      %bitcast_convert_type3A = tpu.bitcast %shift_left3A_6 : vector<512x512xi32> -> vector<512x512xf32>
      %and3A = arith.constant -65536 : i32
      %and3A_7 = vector.broadcast %and3A : i32 to vector<512x512xi32>
      %and3A_8 = arith.andi %get3A_4, %and3A_7 : vector<512x512xi32>
      %bitcast_convert_type3A_9 = tpu.bitcast %and3A_8 : vector<512x512xi32> -> vector<512x512xf32>
      %get3A_10 = arith.constant 0 : index
      %get3A_11 = arith.constant 0 : index
      %get3A_12 = vector.load %arg3[%get3A_10, %get3A_11] : memref<512x512xi32, #tpu.memory_space<vmem>>, vector<512x512xi32>
      %shift_left3A_13 = arith.constant 16 : i32
      %shift_left3A_14 = vector.broadcast %shift_left3A_13 : i32 to vector<512x512xi32>
      %shift_left3A_15 = arith.shli %get3A_12, %shift_left3A_14 : vector<512x512xi32>
      %bitcast_convert_type3A_16 = tpu.bitcast %shift_left3A_15 : vector<512x512xi32> -> vector<512x512xf32>
      %and3A_17 = arith.constant -65536 : i32
      %and3A_18 = vector.broadcast %and3A_17 : i32 to vector<512x512xi32>
      %and3A_19 = arith.andi %get3A_12, %and3A_18 : vector<512x512xi32>
      %bitcast_convert_type3A_20 = tpu.bitcast %and3A_19 : vector<512x512xi32> -> vector<512x512xf32>
      %convert_element_type3A_21 = arith.truncf %bitcast_convert_type3A : vector<512x512xf32> to vector<512x512xbf16>
      %convert_element_type3A_22 = arith.truncf %bitcast_convert_type3A_9 : vector<512x512xf32> to vector<512x512xbf16>
      %convert_element_type3A_23 = arith.truncf %bitcast_convert_type3A_16 : vector<512x512xf32> to vector<512x512xbf16>
      %convert_element_type3A_24 = arith.truncf %bitcast_convert_type3A_20 : vector<512x512xf32> to vector<512x512xbf16>
      %concatenate3A = tpu.concatenate %convert_element_type3A_21, %convert_element_type3A_22, %convert_element_type3A_23, %convert_element_type3A_24 in 1 : vector<512x512xbf16>, vector<512x512xbf16>, vector<512x512xbf16>, vector<512x512xbf16> -> vector<512x2048xbf16>
      %get3A_25 = arith.constant 0 : index
      %get3A_26 = arith.constant 0 : index
      %get3A_27 = arith.constant 0 : index
      %get3A_28 = vector.load %arg4[%get3A_25, %get3A_26, %get3A_27] : memref<1x2048x2816xbf16, #tpu.memory_space<vmem>>, vector<1x2048x1408xbf16>
      %get3A_29 = vector.shape_cast %get3A_28 : vector<1x2048x1408xbf16> to vector<2048x1408xbf16>
      %dot_general3A = arith.constant dense<0.000000e+00> : vector<512x1408xf32>
      %dot_general3A_30 = tpu.matmul %concatenate3A, %get3A_29, %dot_general3A {dimension_numbers = #tpu.dot_dimension_numbers<[1], [0], [0], [1], [0, 0, 1, 1], [], []>, transpose_lhs_hint = false} : vector<512x2048xbf16>, vector<2048x1408xbf16>, vector<512x1408xf32> -> vector<512x1408xf32>
      %get3A_31 = arith.constant 0 : index
      %get3A_32 = arith.constant 0 : index
      %get3A_33 = arith.constant 1408 : index
      %get3A_34 = vector.load %arg4[%get3A_31, %get3A_32, %get3A_33] : memref<1x2048x2816xbf16, #tpu.memory_space<vmem>>, vector<1x2048x1408xbf16>
      %get3A_35 = vector.shape_cast %get3A_34 : vector<1x2048x1408xbf16> to vector<2048x1408xbf16>
      %dot_general3A_36 = arith.constant dense<0.000000e+00> : vector<512x1408xf32>
      %dot_general3A_37 = tpu.matmul %concatenate3A, %get3A_35, %dot_general3A_36 {dimension_numbers = #tpu.dot_dimension_numbers<[1], [0], [0], [1], [0, 0, 1, 1], [], []>, transpose_lhs_hint = false} : vector<512x2048xbf16>, vector<2048x1408xbf16>, vector<512x1408xf32> -> vector<512x1408xf32>
      %logistic3A = arith.negf %dot_general3A_30 : vector<512x1408xf32>
      %logistic3A_38 = math.exp %logistic3A : vector<512x1408xf32>
      %logistic3A_39 = arith.constant 1.000000e+00 : f32
      %logistic3A_40 = vector.broadcast %logistic3A_39 : f32 to vector<512x1408xf32>
      %logistic3A_41 = arith.addf %logistic3A_40, %logistic3A_38 : vector<512x1408xf32>
      %logistic3A_42 = arith.divf %logistic3A_40, %logistic3A_41 : vector<512x1408xf32>
      %mul3A = arith.mulf %dot_general3A_30, %logistic3A_42 : vector<512x1408xf32>
      %mul3A_43 = arith.mulf %mul3A, %dot_general3A_37 : vector<512x1408xf32>
      %convert_element_type3A_44 = arith.truncf %mul3A_43 : vector<512x1408xf32> to vector<512x1408xbf16>
      %get3A_45 = arith.constant 0 : index
      %get3A_46 = arith.constant 0 : index
      %get3A_47 = arith.constant 0 : index
      %get3A_48 = vector.load %arg5[%get3A_45, %get3A_46, %get3A_47] : memref<1x1408x2048xf32, #tpu.memory_space<vmem>>, vector<1x1408x2048xf32>
      %get3A_49 = vector.shape_cast %get3A_48 : vector<1x1408x2048xf32> to vector<1408x2048xf32>
      %convert_element_type3A_50 = arith.truncf %get3A_49 : vector<1408x2048xf32> to vector<1408x2048xbf16>
      %dot_general3A_51 = arith.constant dense<0.000000e+00> : vector<512x2048xf32>
      %dot_general3A_52 = tpu.matmul %convert_element_type3A_44, %convert_element_type3A_50, %dot_general3A_51 {dimension_numbers = #tpu.dot_dimension_numbers<[1], [0], [0], [1], [0, 0, 1, 1], [], []>, transpose_lhs_hint = false} : vector<512x1408xbf16>, vector<1408x2048xbf16>, vector<512x2048xf32> -> vector<512x2048xf32>
      %slice3A = vector.extract_strided_slice %dot_general3A_52 {offsets = [0, 0], sizes = [512, 1024], strides = [1, 1]} : vector<512x2048xf32> to vector<512x1024xf32>
      %slice3A_53 = vector.extract_strided_slice %slice3A {offsets = [0, 0], sizes = [512, 512], strides = [1, 1]} : vector<512x1024xf32> to vector<512x512xf32>
      %convert_element_type3A_54 = arith.truncf %slice3A_53 : vector<512x512xf32> to vector<512x512xbf16>
      %convert_element_type3A_55 = arith.extf %convert_element_type3A_54 : vector<512x512xbf16> to vector<512x512xf32>
      %bitcast_convert_type3A_56 = tpu.bitcast %convert_element_type3A_55 : vector<512x512xf32> -> vector<512x512xi32>
      %slice3A_57 = vector.extract_strided_slice %slice3A {offsets = [0, 512], sizes = [512, 512], strides = [1, 1]} : vector<512x1024xf32> to vector<512x512xf32>
      %convert_element_type3A_58 = arith.truncf %slice3A_57 : vector<512x512xf32> to vector<512x512xbf16>
      %convert_element_type3A_59 = arith.extf %convert_element_type3A_58 : vector<512x512xbf16> to vector<512x512xf32>
      %bitcast_convert_type3A_60 = tpu.bitcast %convert_element_type3A_59 : vector<512x512xf32> -> vector<512x512xi32>
      %shift_right_logical3A = arith.constant 16 : i32
      %shift_right_logical3A_61 = vector.broadcast %shift_right_logical3A : i32 to vector<512x512xi32>
      %shift_right_logical3A_62 = arith.shrui %bitcast_convert_type3A_56, %shift_right_logical3A_61 : vector<512x512xi32>
      %and3A_63 = arith.constant -65536 : i32
      %and3A_64 = vector.broadcast %and3A_63 : i32 to vector<512x512xi32>
      %and3A_65 = arith.andi %bitcast_convert_type3A_60, %and3A_64 : vector<512x512xi32>
      %or3A = arith.ori %shift_right_logical3A_62, %and3A_65 : vector<512x512xi32>
      %swap3A = arith.constant 0 : index
      %swap3A_66 = arith.constant 0 : index
      %swap3A_67 = vector.load %arg6[%swap3A, %swap3A_66] : memref<512x512xi32, #tpu.memory_space<vmem>>, vector<512x512xi32>
      tpu.vector_store %arg6[%swap3A, %swap3A_66], %or3A {strides = array<i32>} : memref<512x512xi32, #tpu.memory_space<vmem>>, vector<512x512xi32>,
      %slice3A_68 = vector.extract_strided_slice %dot_general3A_52 {offsets = [0, 1024], sizes = [512, 1024], strides = [1, 1]} : vector<512x2048xf32> to vector<512x1024xf32>
      %slice3A_69 = vector.extract_strided_slice %slice3A_68 {offsets = [0, 0], sizes = [512, 512], strides = [1, 1]} : vector<512x1024xf32> to vector<512x512xf32>
      %convert_element_type3A_70 = arith.truncf %slice3A_69 : vector<512x512xf32> to vector<512x512xbf16>
      %convert_element_type3A_71 = arith.extf %convert_element_type3A_70 : vector<512x512xbf16> to vector<512x512xf32>
      %bitcast_convert_type3A_72 = tpu.bitcast %convert_element_type3A_71 : vector<512x512xf32> -> vector<512x512xi32>
      %slice3A_73 = vector.extract_strided_slice %slice3A_68 {offsets = [0, 512], sizes = [512, 512], strides = [1, 1]} : vector<512x1024xf32> to vector<512x512xf32>
      %convert_element_type3A_74 = arith.truncf %slice3A_73 : vector<512x512xf32> to vector<512x512xbf16>
      %convert_element_type3A_75 = arith.extf %convert_element_type3A_74 : vector<512x512xbf16> to vector<512x512xf32>
      %bitcast_convert_type3A_76 = tpu.bitcast %convert_element_type3A_75 : vector<512x512xf32> -> vector<512x512xi32>
      %shift_right_logical3A_77 = arith.constant 16 : i32
      %shift_right_logical3A_78 = vector.broadcast %shift_right_logical3A_77 : i32 to vector<512x512xi32>
      %shift_right_logical3A_79 = arith.shrui %bitcast_convert_type3A_72, %shift_right_logical3A_78 : vector<512x512xi32>
      %and3A_80 = arith.constant -65536 : i32
      %and3A_81 = vector.broadcast %and3A_80 : i32 to vector<512x512xi32>
      %and3A_82 = arith.andi %bitcast_convert_type3A_76, %and3A_81 : vector<512x512xi32>
      %or3A_83 = arith.ori %shift_right_logical3A_79, %and3A_82 : vector<512x512xi32>
      %swap3A_84 = arith.constant 0 : index
      %swap3A_85 = arith.constant 0 : index
      %swap3A_86 = vector.load %arg7[%swap3A_84, %swap3A_85] : memref<512x512xi32, #tpu.memory_space<vmem>>, vector<512x512xi32>
      tpu.vector_store %arg7[%swap3A_84, %swap3A_85], %or3A_83 {strides = array<i32>} : memref<512x512xi32, #tpu.memory_space<vmem>>, vector<512x512xi32>,
    } else {
    }
    return
  }
  func.func @transform_0(%arg0: i32, %arg1: memref<48xi32, #tpu.memory_space<smem>>) -> (i32, i32) {
    %c0_i32 = arith.constant 0 : i32
    %c0_i32_0 = arith.constant 0 : i32
    return %arg0, %c0_i32 : i32, i32
  }
  func.func @transform_1(%arg0: i32, %arg1: memref<48xi32, #tpu.memory_space<smem>>) -> (i32, i32) {
    %c0_i32 = arith.constant 0 : i32
    %c0_i32_0 = arith.constant 0 : i32
    return %arg0, %c0_i32 : i32, i32
  }
  func.func @transform_2(%arg0: i32, %arg1: memref<48xi32, #tpu.memory_space<smem>>) -> (i32, i32, i32) {
    %get3A = arith.index_cast %arg0 : i32 to index
    %get3A_0 = memref.load %arg1[%get3A] : memref<48xi32, #tpu.memory_space<smem>>
    %c0_i32 = arith.constant 0 : i32
    %c0_i32_1 = arith.constant 0 : i32
    %c0_i32_2 = arith.constant 0 : i32
    return %get3A_0, %c0_i32, %c0_i32_1 : i32, i32, i32
  }
  func.func @transform_3(%arg0: i32, %arg1: memref<48xi32, #tpu.memory_space<smem>>) -> (i32, i32, i32) {
    %get3A = arith.index_cast %arg0 : i32 to index
    %get3A_0 = memref.load %arg1[%get3A] : memref<48xi32, #tpu.memory_space<smem>>
    %c0_i32 = arith.constant 0 : i32
    %c0_i32_1 = arith.constant 0 : i32
    %c0_i32_2 = arith.constant 0 : i32
    return %get3A_0, %c0_i32, %c0_i32_1 : i32, i32, i32
  }
  func.func @transform_4(%arg0: i32, %arg1: memref<48xi32, #tpu.memory_space<smem>>) -> (i32, i32) {
    %c0_i32 = arith.constant 0 : i32
    %c0_i32_0 = arith.constant 0 : i32
    return %arg0, %c0_i32 : i32, i32
  }
  func.func @transform_5(%arg0: i32, %arg1: memref<48xi32, #tpu.memory_space<smem>>) -> (i32, i32) {
    %c0_i32 = arith.constant 0 : i32
    %c0_i32_0 = arith.constant 0 : i32
    return %arg0, %c0_i32 : i32, i32
  }
}

module attributes {stable_mosaic.version = 14 : i64} {
  func.func @_combine_body(%arg0: i32, %arg1: memref<1024x8xf32, #tpu.memory_space<vmem>>, %arg2: memref<1024x512xi32, #tpu.memory_space<vmem>>, %arg3: memref<1024x512xi32, #tpu.memory_space<vmem>>, %arg4: memref<1024x512xi32, #tpu.memory_space<vmem>>, %arg5: memref<1024x512xi32, #tpu.memory_space<vmem>>, %arg6: memref<1024x2048xf32, #tpu.memory_space<vmem>>) attributes {dimension_semantics = [#tpu.dimension_semantics<arbitrary>], iteration_bounds = array<i64: 8>, scalar_prefetch = 0 : i64, scratch_operands = 0 : i64, tpu.core_type = #tpu.core_type<tc>, window_params = [{transform_indices = @transform_0, window_bounds = array<i64: 1024, 8>}, {transform_indices = @transform_1, window_bounds = array<i64: 1024, 512>}, {transform_indices = @transform_2, window_bounds = array<i64: 1024, 512>}, {transform_indices = @transform_3, window_bounds = array<i64: 1024, 512>}, {transform_indices = @transform_4, window_bounds = array<i64: 1024, 512>}, {transform_indices = @transform_5, window_bounds = array<i64: 1024, 2048>}]} {
    %get3A = arith.constant 0 : index
    %get3A_0 = arith.constant 0 : index
    %get3A_1 = vector.load %arg1[%get3A, %get3A_0] : memref<1024x8xf32, #tpu.memory_space<vmem>>, vector<1024x8xf32>
    %iota3A = tpu.iota {dimensions = array<i32: 1>} : vector<1024x8xi32>
    %eq3A = arith.constant 2 : i32
    %eq3A_2 = vector.broadcast %eq3A : i32 to vector<1024x8xi32>
    %eq3A_3 = arith.cmpi eq, %iota3A, %eq3A_2 : vector<1024x8xi32>
    %jit3A = arith.constant 0.000000e+00 : f32
    %broadcast_in_dim3A = vector.broadcast %jit3A : f32 to vector<1024x8xf32>
    %select_n3A = arith.select %eq3A_3, %get3A_1, %broadcast_in_dim3A : vector<1024x8xi1>, vector<1024x8xf32>
    %reduce_sum3A = arith.constant dense<0.000000e+00> : vector<1024xf32>
    %reduce_sum3A_4 = vector.multi_reduction <add>, %select_n3A, %reduce_sum3A [1] : vector<1024x8xf32> to vector<1024xf32>
    %broadcast_in_dim3A_5 = vector.shape_cast %reduce_sum3A_4 : vector<1024xf32> to vector<1024x1xf32>
    %eq3A_6 = arith.constant 3 : i32
    %eq3A_7 = vector.broadcast %eq3A_6 : i32 to vector<1024x8xi32>
    %eq3A_8 = arith.cmpi eq, %iota3A, %eq3A_7 : vector<1024x8xi32>
    %jit3A_9 = arith.constant 0.000000e+00 : f32
    %broadcast_in_dim3A_10 = vector.broadcast %jit3A_9 : f32 to vector<1024x8xf32>
    %select_n3A_11 = arith.select %eq3A_8, %get3A_1, %broadcast_in_dim3A_10 : vector<1024x8xi1>, vector<1024x8xf32>
    %reduce_sum3A_12 = arith.constant dense<0.000000e+00> : vector<1024xf32>
    %reduce_sum3A_13 = vector.multi_reduction <add>, %select_n3A_11, %reduce_sum3A_12 [1] : vector<1024x8xf32> to vector<1024xf32>
    %broadcast_in_dim3A_14 = vector.shape_cast %reduce_sum3A_13 : vector<1024xf32> to vector<1024x1xf32>
    %get3A_15 = arith.constant 0 : index
    %get3A_16 = arith.constant 0 : index
    %get3A_17 = vector.load %arg2[%get3A_15, %get3A_16] : memref<1024x512xi32, #tpu.memory_space<vmem>>, vector<1024x512xi32>
    %shift_left3A = arith.constant 16 : i32
    %shift_left3A_18 = vector.broadcast %shift_left3A : i32 to vector<1024x512xi32>
    %shift_left3A_19 = arith.shli %get3A_17, %shift_left3A_18 : vector<1024x512xi32>
    %bitcast_convert_type3A = tpu.bitcast %shift_left3A_19 : vector<1024x512xi32> -> vector<1024x512xf32>
    %and3A = arith.constant -65536 : i32
    %and3A_20 = vector.broadcast %and3A : i32 to vector<1024x512xi32>
    %and3A_21 = arith.andi %get3A_17, %and3A_20 : vector<1024x512xi32>
    %bitcast_convert_type3A_22 = tpu.bitcast %and3A_21 : vector<1024x512xi32> -> vector<1024x512xf32>
    %get3A_23 = arith.constant 0 : index
    %get3A_24 = arith.constant 0 : index
    %get3A_25 = vector.load %arg3[%get3A_23, %get3A_24] : memref<1024x512xi32, #tpu.memory_space<vmem>>, vector<1024x512xi32>
    %shift_left3A_26 = arith.constant 16 : i32
    %shift_left3A_27 = vector.broadcast %shift_left3A_26 : i32 to vector<1024x512xi32>
    %shift_left3A_28 = arith.shli %get3A_25, %shift_left3A_27 : vector<1024x512xi32>
    %bitcast_convert_type3A_29 = tpu.bitcast %shift_left3A_28 : vector<1024x512xi32> -> vector<1024x512xf32>
    %and3A_30 = arith.constant -65536 : i32
    %and3A_31 = vector.broadcast %and3A_30 : i32 to vector<1024x512xi32>
    %and3A_32 = arith.andi %get3A_25, %and3A_31 : vector<1024x512xi32>
    %bitcast_convert_type3A_33 = tpu.bitcast %and3A_32 : vector<1024x512xi32> -> vector<1024x512xf32>
    %get3A_34 = arith.constant 0 : index
    %get3A_35 = arith.constant 0 : index
    %get3A_36 = vector.load %arg4[%get3A_34, %get3A_35] : memref<1024x512xi32, #tpu.memory_space<vmem>>, vector<1024x512xi32>
    %shift_left3A_37 = arith.constant 16 : i32
    %shift_left3A_38 = vector.broadcast %shift_left3A_37 : i32 to vector<1024x512xi32>
    %shift_left3A_39 = arith.shli %get3A_36, %shift_left3A_38 : vector<1024x512xi32>
    %bitcast_convert_type3A_40 = tpu.bitcast %shift_left3A_39 : vector<1024x512xi32> -> vector<1024x512xf32>
    %and3A_41 = arith.constant -65536 : i32
    %and3A_42 = vector.broadcast %and3A_41 : i32 to vector<1024x512xi32>
    %and3A_43 = arith.andi %get3A_36, %and3A_42 : vector<1024x512xi32>
    %bitcast_convert_type3A_44 = tpu.bitcast %and3A_43 : vector<1024x512xi32> -> vector<1024x512xf32>
    %get3A_45 = arith.constant 0 : index
    %get3A_46 = arith.constant 0 : index
    %get3A_47 = vector.load %arg5[%get3A_45, %get3A_46] : memref<1024x512xi32, #tpu.memory_space<vmem>>, vector<1024x512xi32>
    %shift_left3A_48 = arith.constant 16 : i32
    %shift_left3A_49 = vector.broadcast %shift_left3A_48 : i32 to vector<1024x512xi32>
    %shift_left3A_50 = arith.shli %get3A_47, %shift_left3A_49 : vector<1024x512xi32>
    %bitcast_convert_type3A_51 = tpu.bitcast %shift_left3A_50 : vector<1024x512xi32> -> vector<1024x512xf32>
    %and3A_52 = arith.constant -65536 : i32
    %and3A_53 = vector.broadcast %and3A_52 : i32 to vector<1024x512xi32>
    %and3A_54 = arith.andi %get3A_47, %and3A_53 : vector<1024x512xi32>
    %bitcast_convert_type3A_55 = tpu.bitcast %and3A_54 : vector<1024x512xi32> -> vector<1024x512xf32>
    %mul3A = vector.broadcast %broadcast_in_dim3A_5 : vector<1024x1xf32> to vector<1024x512xf32>
    %mul3A_56 = arith.mulf %mul3A, %bitcast_convert_type3A : vector<1024x512xf32>
    %mul3A_57 = vector.broadcast %broadcast_in_dim3A_14 : vector<1024x1xf32> to vector<1024x512xf32>
    %mul3A_58 = arith.mulf %mul3A_57, %bitcast_convert_type3A_40 : vector<1024x512xf32>
    %add3A = arith.addf %mul3A_56, %mul3A_58 : vector<1024x512xf32>
    %swap3A = arith.constant 0 : index
    %swap3A_59 = arith.constant 0 : index
    %swap3A_60 = vector.load %arg6[%swap3A, %swap3A_59] : memref<1024x2048xf32, #tpu.memory_space<vmem>>, vector<1024x512xf32>
    tpu.vector_store %arg6[%swap3A, %swap3A_59], %add3A {strides = array<i32>} : memref<1024x2048xf32, #tpu.memory_space<vmem>>, vector<1024x512xf32>,
    %mul3A_61 = vector.broadcast %broadcast_in_dim3A_5 : vector<1024x1xf32> to vector<1024x512xf32>
    %mul3A_62 = arith.mulf %mul3A_61, %bitcast_convert_type3A_22 : vector<1024x512xf32>
    %mul3A_63 = vector.broadcast %broadcast_in_dim3A_14 : vector<1024x1xf32> to vector<1024x512xf32>
    %mul3A_64 = arith.mulf %mul3A_63, %bitcast_convert_type3A_44 : vector<1024x512xf32>
    %add3A_65 = arith.addf %mul3A_62, %mul3A_64 : vector<1024x512xf32>
    %swap3A_66 = arith.constant 0 : index
    %swap3A_67 = arith.constant 512 : index
    %swap3A_68 = vector.load %arg6[%swap3A_66, %swap3A_67] : memref<1024x2048xf32, #tpu.memory_space<vmem>>, vector<1024x512xf32>
    tpu.vector_store %arg6[%swap3A_66, %swap3A_67], %add3A_65 {strides = array<i32>} : memref<1024x2048xf32, #tpu.memory_space<vmem>>, vector<1024x512xf32>,
    %mul3A_69 = vector.broadcast %broadcast_in_dim3A_5 : vector<1024x1xf32> to vector<1024x512xf32>
    %mul3A_70 = arith.mulf %mul3A_69, %bitcast_convert_type3A_29 : vector<1024x512xf32>
    %mul3A_71 = vector.broadcast %broadcast_in_dim3A_14 : vector<1024x1xf32> to vector<1024x512xf32>
    %mul3A_72 = arith.mulf %mul3A_71, %bitcast_convert_type3A_51 : vector<1024x512xf32>
    %add3A_73 = arith.addf %mul3A_70, %mul3A_72 : vector<1024x512xf32>
    %swap3A_74 = arith.constant 0 : index
    %swap3A_75 = arith.constant 1024 : index
    %swap3A_76 = vector.load %arg6[%swap3A_74, %swap3A_75] : memref<1024x2048xf32, #tpu.memory_space<vmem>>, vector<1024x512xf32>
    tpu.vector_store %arg6[%swap3A_74, %swap3A_75], %add3A_73 {strides = array<i32>} : memref<1024x2048xf32, #tpu.memory_space<vmem>>, vector<1024x512xf32>,
    %mul3A_77 = vector.broadcast %broadcast_in_dim3A_5 : vector<1024x1xf32> to vector<1024x512xf32>
    %mul3A_78 = arith.mulf %mul3A_77, %bitcast_convert_type3A_33 : vector<1024x512xf32>
    %mul3A_79 = vector.broadcast %broadcast_in_dim3A_14 : vector<1024x1xf32> to vector<1024x512xf32>
    %mul3A_80 = arith.mulf %mul3A_79, %bitcast_convert_type3A_55 : vector<1024x512xf32>
    %add3A_81 = arith.addf %mul3A_78, %mul3A_80 : vector<1024x512xf32>
    %swap3A_82 = arith.constant 0 : index
    %swap3A_83 = arith.constant 1536 : index
    %swap3A_84 = vector.load %arg6[%swap3A_82, %swap3A_83] : memref<1024x2048xf32, #tpu.memory_space<vmem>>, vector<1024x512xf32>
    tpu.vector_store %arg6[%swap3A_82, %swap3A_83], %add3A_81 {strides = array<i32>} : memref<1024x2048xf32, #tpu.memory_space<vmem>>, vector<1024x512xf32>,
    return
  }
  func.func @transform_0(%arg0: i32) -> (i32, i32) {
    %c0_i32 = arith.constant 0 : i32
    %c0_i32_0 = arith.constant 0 : i32
    return %arg0, %c0_i32 : i32, i32
  }
  func.func @transform_1(%arg0: i32) -> (i32, i32) {
    %c0_i32 = arith.constant 0 : i32
    %c0_i32_0 = arith.constant 0 : i32
    return %arg0, %c0_i32 : i32, i32
  }
  func.func @transform_2(%arg0: i32) -> (i32, i32) {
    %c0_i32 = arith.constant 0 : i32
    %c0_i32_0 = arith.constant 0 : i32
    return %arg0, %c0_i32 : i32, i32
  }
  func.func @transform_3(%arg0: i32) -> (i32, i32) {
    %c0_i32 = arith.constant 0 : i32
    %c0_i32_0 = arith.constant 0 : i32
    return %arg0, %c0_i32 : i32, i32
  }
  func.func @transform_4(%arg0: i32) -> (i32, i32) {
    %c0_i32 = arith.constant 0 : i32
    %c0_i32_0 = arith.constant 0 : i32
    return %arg0, %c0_i32 : i32, i32
  }
  func.func @transform_5(%arg0: i32) -> (i32, i32) {
    %c0_i32 = arith.constant 0 : i32
    %c0_i32_0 = arith.constant 0 : i32
    return %arg0, %c0_i32 : i32, i32
  }
}

</mosaic_0001>

<sc_bundles>
// kernel: kernel.11.cloned.1.call-start
scs
__scs_entry_jumppad:
0x0: {  	(pc) =	sbr.rel $0x88, $3  }
0x1: {  	(tag) =	ssettag $0x0;
	lr =	simm.s32 $0x1  }
0x2: {  	[smem:$0x3F9D] =	sst lr;
	_ =	strace $0xD0000000  }
0x3: {  	_ = 	snop  }
0x4: {  	_ = 	snop  }
0x5: {  	_ = 	snop  }
0x6: {  	_ = 	snop  }
0x7: {  	_ = 	snop  }
__scs_overlays_trampoline_lowered:
0x8: {  	[smem:$0x3FAC] =	sst s0  }
0x9: {  	[smem:$0x3FAD] =	sst s1  }
0xa: {  	[smem:$0x3FAE] =	sst s2  }
0xb: {  	[smem:$0x3FAF] =	sst s3  }
0xc: {  	[smem:$0x3FB0] =	sst s4  }
0xd: {  	[smem:$0x3FB1] =	sst s5  }
0xe: {  	[smem:$0x3FB2] =	sst s6  }
0xf: {  	[smem:$0x3FB3] =	sst s7  }
0x10: {  	[smem:$0x3FB4] =	sst s8  }
0x11: {  	[smem:$0x3FB5] =	sst s9;
	s0 =	simm.s32 @!p0 $0x0  }
0x12: {  	s1 =	sld [smem:$0x3F9B];
	s0 =	simm.s32 @p0 $0x1  }
0x13: {  	[smem:$0x3FB6] =	sst s0;
	s0 =	simm.s32 @!p1 $0x0  }
0x14: {  	s2 =	sld [smem:$0x3F9A];
	s0 =	simm.s32 @p1 $0x1  }
0x15: {  	[smem:$0x3FB7] =	sst s0;
	s0 =	simm.s32 @!p2 $0x0  }
0x16: {  	s3 =	sld [smem:$0x3FDB];
	s0 =	simm.s32 @p2 $0x1  }
0x17: {  	s4 =	simm.s32 $0x1BF5;
	[smem:$0x3FB9] =	sst s0  }
0x18: {  	s0 =	sld [smem:$0x3F9C];
	_ =	swait.ge [sflag:s4], $0x0  }
0x19: {  	s7 =	sld [smem:$0x3F9D]  }
0x1a: {  	s8 =	sadd.s32 $0xFFFFE003, lr  }
0x1b: {  	s9 =	sadd.s32 $0xFFFFFEF7, lr;
	s5 =	simm.s32 $0xFFFFFFFF;
	p2 =	slt.u32 s8, $0xFFFFF086  }
0x1c: {  	p1 =	slt.u32 s9, $0xF7A;
	s5 =	simm.s32 @!p2 $0x0  }
0x1d: {  	s5 =	simm.s32 @p1 $0x1;
	p0 =	seq.s32 s7, s2  }
0x1e: {  	s7 =	smul.u32 @!p0 $0xF7A, s2;
	p2 =	seq.s32 @!p0 s5, $0x0  }
0x1f: {  	s9 =	smul.u32 $0xF7A, s1;
	s8 =	simm.s32 @!p0 $0x1BF5;
	p2 =	por !p2, p0  }
0x20: {  	[sflag:s8] =	ssyncset.s32 @!p0 $0xFFFFF086;
	s6 =	sadd.s32 @!p0 s3, s7;
	s7 =	simm.s32 @!p0 $0x108  }
0x21: {  	s3 =	sadd.s32 s3, s9;
	s6 =	sadd.s32 @!p0 $0x88, s6;
	s7 =	simm.s32 @p2 $0x1082  }
0x22: {  	[simem:s7], [sflag:s8] =	dma.local @!p0 [hbm:s6], $0xF7A  }
0x23: {  	s9 =	sor.u32 $0xD0000000, s2;
	s6 =	simm.s32 $0x108;
	_ =	swait.ge @!p0 [sflag:s8], $0x0  }
0x24: {  	s3 =	sadd.s32 $0x88, s3;
	s6 =	simm.s32 @!p1 $0x1082;
	[sflag:s4] =	ssyncset.s32 $0xFFFFF086  }
0x25: {  	[simem:s6], [sflag:s4] =	dma.local [hbm:s3], $0xF7A  }
0x26: {  	[smem:$0x3F9D] =	sst s1;
	(tag) =	ssettag s2;
	_ =	strace s9  }
0x27: {  	s1 =	sld [smem:$0x3FAD]  }
0x28: {  	s2 =	sld [smem:$0x3FAE]  }
0x29: {  	s4 =	sld [smem:$0x3FB0]  }
0x2a: {  	p0 =	seq.s32 s5, $0x0;
	s5 =	sld [smem:$0x3FB1]  }
0x2b: {  	s6 =	sld [smem:$0x3FB2]  }
0x2c: {  	s7 =	sld [smem:$0x3FB3]  }
0x2d: {  	s3 =	simm.s32 $0x108;
	s8 =	sld [smem:$0x3FB4]  }
0x2e: {  	s3 =	simm.s32 @!p0 $0x1082;
	s9 =	sld [smem:$0x3FB5]  }
0x2f: {  	lr =	sadd.s32 s0, s3;
	s0 =	sld [smem:$0x3FAC]  }
0x30: {  	s3 =	sld [smem:$0x3FAF]  }
0x31: {  	[smem:$0x3FB8] =	sst s10  }
0x32: {  	s10 =	sld [smem:$0x3FB6];
	_ =	sdelay $0x3  }
0x33: {  	p0 =	seq.s32 s10, $0x1;
	s10 =	sld [smem:$0x3FB8];
	_ =	sdelay $0x3  }
0x34: {  	[smem:$0x3FB8] =	sst s10  }
0x35: {  	s10 =	sld [smem:$0x3FB7];
	_ =	sdelay $0x3  }
0x36: {  	p1 =	seq.s32 s10, $0x1;
	s10 =	sld [smem:$0x3FB8];
	_ =	sdelay $0x3  }
0x37: {  	[smem:$0x3FB8] =	sst s10  }
0x38: {  	s10 =	sld [smem:$0x3FB9]  }
0x39: {  	_ = 	snop;
	(pc) =	sbr.ind lr, $3  }
0x3a: {  	_ = 	snop  }
0x3b: {  	_ = 	snop  }
0x3c: {  	p2 =	seq.s32 s10, $0x1;
	s10 =	sld [smem:$0x3FB8]  }
0x3d: {  	_ =	shalt  }
0x3e: {  	_ =	shalt  }
0x3f: {  	_ =	shalt  }
0x40: {  	_ =	shalt  }
0x41: {  	_ =	shalt  }
0x42: {  	_ =	shalt  }
0x43: {  	_ =	shalt  }
0x44: {  	_ =	shalt  }
0x45: {  	_ =	shalt  }
0x46: {  	_ =	shalt  }
0x47: {  	_ =	shalt  }
0x48: {  	_ =	shalt  }
0x49: {  	_ =	shalt  }
0x4a: {  	_ =	shalt  }
0x4b: {  	_ =	shalt  }
0x4c: {  	_ =	shalt  }
0x4d: {  	_ =	shalt  }
0x4e: {  	_ =	shalt  }
0x4f: {  	_ =	shalt  }
0x50: {  	_ =	shalt  }
0x51: {  	_ =	shalt  }
0x52: {  	_ =	shalt  }
0x53: {  	_ =	shalt  }
0x54: {  	_ =	shalt  }
0x55: {  	_ =	shalt  }
0x56: {  	_ =	shalt  }
0x57: {  	_ =	shalt  }
0x58: {  	_ =	shalt  }
0x59: {  	_ =	shalt  }
0x5a: {  	_ =	shalt  }
0x5b: {  	_ =	shalt  }
0x5c: {  	_ =	shalt  }
0x5d: {  	_ =	shalt  }
0x5e: {  	_ =	shalt  }
0x5f: {  	_ =	shalt  }
0x60: {  	_ =	shalt  }
0x61: {  	_ =	shalt  }
0x62: {  	_ =	shalt  }
0x63: {  	_ =	shalt  }
0x64: {  	_ =	shalt  }
0x65: {  	_ =	shalt  }
0x66: {  	_ =	shalt  }
0x67: {  	_ =	shalt  }
0x68: {  	_ =	shalt  }
0x69: {  	_ =	shalt  }
0x6a: {  	_ =	shalt  }
0x6b: {  	_ =	shalt  }
0x6c: {  	_ =	shalt  }
0x6d: {  	_ =	shalt  }
0x6e: {  	_ =	shalt  }
0x6f: {  	_ =	shalt  }
0x70: {  	_ =	shalt  }
0x71: {  	_ =	shalt  }
0x72: {  	_ =	shalt  }
0x73: {  	_ =	shalt  }
0x74: {  	_ =	shalt  }
0x75: {  	_ =	shalt  }
0x76: {  	_ =	shalt  }
0x77: {  	_ =	shalt  }
0x78: {  	_ =	shalt  }
0x79: {  	_ =	shalt  }
0x7a: {  	_ =	shalt  }
0x7b: {  	_ =	shalt  }
0x7c: {  	_ =	shalt  }
0x7d: {  	_ =	shalt  }
0x7e: {  	_ =	shalt  }
0x7f: {  	_ =	shalt  }
0x80: {  	_ =	shalt  }
0x81: {  	_ =	shalt  }
0x82: {  	_ =	shalt  }
0x83: {  	_ =	shalt  }
0x84: {  	_ =	shalt  }
0x85: {  	_ =	shalt  }
0x86: {  	_ =	shalt  }
0x87: {  	_ =	shalt  }
.Lfunc_end0:
.L_simem_size_0:
called_computation.1_lowered:
.L_overlay_start_0:
0x88: {  	s2 =	sld [smem:$0x3FD9]  }
0x89: {  	s3 =	sld [smem:$0x3FFE];
	_ =	sdelay $0x1  }
0x8a: {  	s1 =	srdreg.scid  }
0x8b: {  	s0 =	sand.u32 $0x1, s1  }
0x8c: {  	s17 =	sshll.u32 s0, $0xA;
	s2 =	sadd.s32 s3, s2  }
0x8d: {  	s2 =	sadd.s32 s2, s17  }
0x8e: {  	[smem:$0x3FC4] =	sst s2  }
0x8f: {  	_ = 	snop  }
0x90: {  	s2 =	sld [smem:$0x3FD0];
	(tm) =	ssettm $0x1  }
0x91: {  	s18 =	sld [smem:$0x3FFB];
	_ =	sdelay $0x3  }
0x92: {  	_ =	strace s18  }
0x93: {  	s3 =	sld [smem:$0x3FFC];
	_ =	sdelay $0x3  }
0x94: {  	_ =	strace s3  }
0x95: {  	s3 =	sld [smem:$0x3FFD];
	_ =	sdelay $0x3  }
0x96: {  	_ =	strace s3  }
0x97: {  	_ =	strace $0x8FFFFFFF  }
0x98: {  	s19 =	sld [smem:$0x3FDB];
	_ =	sdelay $0x1  }
0x99: {  	s4 =	simm.s32 $_scs_section_size  }
0x9a: {  	s5 =	simm.s32 $_size__tile_overlayer_lowered;
	s6 =	simm.s32 $_tile_overlayer_lowered  }
0x9b: {  	s22 =	simm.s32 $0x1BFF;
	s21 =	sshll.u32 s6, $0x1;
	s3 =	sadd.s32 s4, s19  }
0x9c: {  	s7 =	simm.s32 $0x0;
	s20 =	sshll.u32 s5, $0x1;
	s5 =	sadd.s32 s21, s3  }
0x9d: {  	[timem:s7], [sflag:s22] =	dma.local [hbm:s5], s20  }
0x9e: {  	_ =	swait.ge [sflag:s22], s20  }
0x9f: {  	s4 =	ssub.s32 $0x0, s20;
	[sflag:s22] =	ssyncset.done $0x0  }
0xa0: {  	[sflag:s22] =	ssyncadd.s32 s4;
	_ =	sdelay $0x1  }
0xa1: {  	s23 =	simm.s32 $0x1B8B  }
0xa2: {  	_ =	swait.ge [sflag:s23], $0x1  }
0xa3: {  	[sflag:s23] =	ssyncset.done $0x0  }
0xa4: {  	s25 =	simm.s32 $0x1B8E;
	s24 =	sld [smem:$0x3FFE];
	[sflag:s23] =	ssyncadd.s32 $0xFFFFFFFF  }
0xa5: {  	s26 =	simm.s32 $execute0_lowered;
	[smem:$0x3FD2] =	sst s25  }
0xa6: {  	s5 =	sshll.u32 s26, $0x1;
	_ =	strace $0x80000049;
	[dreg:$0x1] =	wrdreg $0xFFFFFFFF  }
0xa7: {  	s28 =	simm.s32 $_size_execute0_lowered;
	s3 =	sadd.s32 s3, s5;
	[dreg:$0x0] =	wrdreg $0x0  }
0xa8: {  	s5 =	sshll.u32 s28, $0x1;
	[dreg:$0x2] =	wrdreg s3  }
0xa9: {  	[dreg:$0x3] =	wrdreg s5  }
0xaa: {  	[dreg:$0x4] =	wrdreg $0xC0  }
0xab: {  	_ =	task [dreg:s7], $0x5FFFF  }
0xac: {  	[dreg:$0x1] =	wrdreg $0xFFFFFFFF  }
0xad: {  	[dreg:$0x0] =	wrdreg $0x60  }
0xae: {  	[dreg:$0x2] =	wrdreg s2  }
0xaf: {  	[dreg:$0x3] =	wrdreg s24  }
0xb0: {  	[dreg:$0x4] =	wrdreg $0x9  }
0xb1: {  	_ =	task.clear_ibuf [dreg:s7], $0x5FFFF;
	_ =	strace $0x90000049  }
0xb2: {  	s29 =	simm.s32 $0x9;
	_ =	strace $0x8000004B  }
0xb3: {  	_ =	swait.ge [sflag:s29], $0x1  }
0xb4: {  	[sflag:s29] =	ssyncadd.s32 $0xFFFFFFFF  }
0xb5: {  	_ =	strace $0x9000004B  }
0xb6: {  	_ =	sfence  }
0xb7: {  	s30 =	sld [smem:$0x0];
	_ =	sdelay $0x2  }
0xb8: {  	s31 =	sshll.u32 s1, $0xD;
	s1 =	sshrl.u32 s1, $0x2  }
0xb9: {  	s3 =	sand.u32 $0x4000, s31;
	s1 =	sadd.s32 s1, s30  }
0xba: {  	s0 =	sor.u32 s3, s0;
	s1 =	sshll.u32 s1, $0x11  }
0xbb: {  	s0 =	sor.u32 s1, s0  }
0xbc: {  	s0 =	sadd.s32 $0x8F2B, s0  }
0xbd: {  	[sflag:s0] =	ssyncadd.remote.s32 $0x1  }
0xbe: {  	_ =	sfence.sel $0xFFFF  }
0xbf: {  	[dreg:$0x0] =	wrdreg $0xFFFFFFFF;
	(pc) =	sbr.abs _section_cstart, $3  }
0xc0: {  	[dreg:$0x1] =	wrdreg $0xFFFFFFFF  }
0xc1: {  	_ =	task.clear_ibuf [dreg:s7], $0x2FFFF;
	_ =	strace $0x9FFFFFFF  }
0xc2: {  	(tm) =	ssettm $0x7FFFFFFF  }
0xc3: {  	_ =	shalt  }
tec
execute0_lowered:
.L_overlay_start_1:
0x0: {  	(tag) =	ssettag $0x1  }
0x1: {  	s2 =	rddreg [dreg:$0x0]  }
0x2: {  	s0 =	rddreg [dreg:$0x1];
	s1 =	srdreg.scid  }
0x3: {  	s4 =	stileid.u32;
	s3 =	simm.s32 $0x0;
	s1 =	sand.u32 $0x1, s1  }
0x4: {  	s4 =	sshll.u32 s4, $0x1;
	[smem:$0x7FF] =	sst s3;
	s5 =	sadd.s32 $0xA1E00, s0  }
0x5: {  	s14 =	sadd.s32 $0xA2200, s0;
	s22 =	sadd.s32 $0x1E00, s0;
	s4 =	sor.u32 s1, s4  }
0x6: {  	s25 =	sadd.s32 $0xA2600, s0;
	_ =	strace $0x8000004A;
	s7 =	sshll.u32 s4, $0x5  }
0x7: {  	s6 =	sshll.u32 s4, $0x8;
	s4 =	sshll.u32 s4, $0xE;
	s8 =	sadd.s32 s5, s7  }
0x8: {  	s9 =	sor.u32 $0x40, s6;
	s20 =	sadd.s32 s14, s7;
	[dreg:$0x3] =	wrdreg s8  }
0x9: {  	s10 =	sor.u32 $0x80, s6;
	s26 =	sadd.s32 s22, s4;
	[dreg:$0x7] =	wrdreg s20  }
0xa: {  	s6 =	sor.u32 $0xC0, s6;
	s28 =	sadd.s32 s25, s4;
	[dreg:$0xb] =	wrdreg s26  }
0xb: {  	s18 =	sshrl.u32 s9, $0x3;
	[dreg:$0xc] =	wrdreg s28;
	s28 =	simm.s32 $0x200  }
0xc: {  	s12 =	sshrl.u32 s10, $0x3;
	s11 =	sadd.s32 s5, s18;
	[dreg:$0x1e] =	wrdreg s28  }
0xd: {  	s13 =	sshrl.u32 s6, $0x3;
	s19 =	sadd.s32 s5, s12;
	[dreg:$0x4] =	wrdreg s11  }
0xe: {  	s5 =	sadd.s32 s5, s13;
	[dreg:$0x5] =	wrdreg s19  }
0xf: {  	s21 =	sadd.s32 s14, s18;
	[dreg:$0x6] =	wrdreg s5  }
0x10: {  	s23 =	sadd.s32 s14, s12;
	[dreg:$0x8] =	wrdreg s21  }
0x11: {  	s9 =	sshll.u32 s9, $0x6;
	s24 =	sadd.s32 s14, s13;
	[dreg:$0x9] =	wrdreg s23  }
0x12: {  	s29 =	sadd.s32 s22, s9;
	[dreg:$0xa] =	wrdreg s24  }
0x13: {  	s10 =	sshll.u32 s10, $0x6;
	s30 =	sadd.s32 s25, s9;
	[dreg:$0xd] =	wrdreg s29  }
0x14: {  	s6 =	sshll.u32 s6, $0x6;
	s31 =	sadd.s32 s22, s10;
	[dreg:$0xe] =	wrdreg s30  }
0x15: {  	s12 =	sadd.s32 s22, s6;
	[dreg:$0xf] =	wrdreg s31  }
0x16: {  	s15 =	sadd.s32 $0x1A2600, s0;
	s14 =	sadd.s32 s25, s6;
	[dreg:$0x11] =	wrdreg s12  }
0x17: {  	s18 =	sadd.s32 s15, s9;
	[dreg:$0x12] =	wrdreg s14  }
0x18: {  	s20 =	sadd.s32 s15, s10;
	[dreg:$0x16] =	wrdreg s18  }
0x19: {  	s22 =	sadd.s32 s15, s6;
	[dreg:$0x18] =	wrdreg s20  }
0x1a: {  	s13 =	sadd.s32 $0x122600, s0;
	s11 =	sadd.s32 s25, s10;
	[dreg:$0x1a] =	wrdreg s22  }
0x1b: {  	s16 =	sadd.s32 s13, s4;
	[dreg:$0x10] =	wrdreg s11  }
0x1c: {  	s4 =	sadd.s32 s15, s4;
	[dreg:$0x13] =	wrdreg s16  }
0x1d: {  	s1 =	ssub.s32 $0x2, s1;
	s17 =	sadd.s32 s13, s9;
	[dreg:$0x14] =	wrdreg s4  }
0x1e: {  	s26 =	sshrl.u32 s1, $0x1;
	s19 =	sadd.s32 s13, s10;
	[dreg:$0x15] =	wrdreg s17  }
0x1f: {  	s8 =	simm.s32 $0x5;
	s21 =	sadd.s32 s13, s6;
	[dreg:$0x17] =	wrdreg s19  }
0x20: {  	s1 =	ssub.s32 s1, s26;
	s23 =	simm.s32 $0x80;
	[dreg:$0x19] =	wrdreg s21  }
0x21: {  	s24 =	simm.s32 $0x100;
	s25 =	simm.s32 $0x180;
	[dreg:$0x1b] =	wrdreg s23  }
0x22: {  	s29 =	simm.s32 $0x280;
	s5 =	sadd.s32 $0x100, s2;
	[dreg:$0x1c] =	wrdreg s24  }
0x23: {  	s30 =	simm.s32 $0x300;
	s6 =	sadd.s32 $0x5E2900, s0;
	[dreg:$0x1d] =	wrdreg s25  }
0x24: {  	s31 =	simm.s32 $0x380;
	s1 =	smax.u32 s1, $0x1;
	[dreg:$0x1f] =	wrdreg s29  }
0x25: {  	v2 =	vlaneseq.u32;
	s14 =	simm.s32 $0x400;
	s18 =	simm.s32 $0x1;
	[smem:$0x7FC] =	sst s30  }
0x26: {  	vm0 =	vmmov $0xffff;
	v1 =	vshrl.u32 v2, $0x3;
	s20 =	simm.s32 $0x2;
	s4 =	sadd.s32 $0x5E2800, s0;
	[smem:$0x7FD] =	sst s31  }
0x27: {  	v0 =	vand.u32 $0x7, v2;
	v2 =	vor.u32 $0x8, v2;
	v1 =	vmul.u32 $0x8, v1;
	s25 =	simm.s32 $0x8400;
	s19 =	simm.s32 $0x3;
	s21 =	simm.s32 $0x4  }
.LBB2_1:
0x28: {  	[smem:$0x7FB] =	sst s1  }
0x29: {  	s22 =	rddreg [dreg:$0x3]  }
0x2a: {  	[tilespmem:s3], [sflag:$0x5] =	stream.linear.gather [hbm4b:s22+s3], $0x40, $0x38;
	[tilespmem:$0x10400] =	vst v63  }
0x2b: {  	_ =	swait.ge [sflag:s8], $0x40  }
0x2c: {  	s12 =	rddreg [dreg:$0x4];
	[sflag:s8] =	ssyncset.done $0x0  }
0x2d: {  	s23 =	rddreg [dreg:$0x1b];
	[sflag:s8] =	ssyncadd.s32 $0xFFFFFFC0  }
0x2e: {  	[tilespmem:s23], [sflag:$0x5] =	stream.linear.gather [hbm4b:s12+s3], $0x40, $0x38;
	[tilespmem:$0x10400] =	vst v63  }
0x2f: {  	_ =	swait.ge [sflag:s8], $0x40  }
0x30: {  	s13 =	rddreg [dreg:$0x5];
	[sflag:s8] =	ssyncset.done $0x0  }
0x31: {  	s15 =	rddreg [dreg:$0x1c];
	[sflag:s8] =	ssyncadd.s32 $0xFFFFFFC0  }
0x32: {  	[tilespmem:s15], [sflag:$0x5] =	stream.linear.gather [hbm4b:s13+s3], $0x40, $0x38;
	[tilespmem:$0x10400] =	vst v63  }
0x33: {  	_ =	swait.ge [sflag:s8], $0x40  }
0x34: {  	s16 =	rddreg [dreg:$0x6];
	[sflag:s8] =	ssyncset.done $0x0  }
0x35: {  	s17 =	rddreg [dreg:$0x1d];
	[sflag:s8] =	ssyncadd.s32 $0xFFFFFFC0  }
0x36: {  	[tilespmem:s17], [sflag:$0x5] =	stream.linear.gather [hbm4b:s16+s3], $0x40, $0x38;
	[tilespmem:$0x10400] =	vst v63  }
0x37: {  	_ =	swait.ge [sflag:s8], $0x40  }
0x38: {  	s24 =	rddreg [dreg:$0x7];
	[sflag:s8] =	ssyncset.done $0x0  }
0x39: {  	s26 =	rddreg [dreg:$0x1e];
	[sflag:s8] =	ssyncadd.s32 $0xFFFFFFC0  }
0x3a: {  	[tilespmem:s26], [sflag:$0x5] =	stream.linear.gather [hbm4b:s24+s3], $0x40, $0x38;
	[tilespmem:$0x10400] =	vst v63  }
0x3b: {  	_ =	swait.ge [sflag:s8], $0x40  }
0x3c: {  	s28 =	rddreg [dreg:$0x8];
	[sflag:s8] =	ssyncset.done $0x0  }
0x3d: {  	s29 =	rddreg [dreg:$0x1f];
	[sflag:s8] =	ssyncadd.s32 $0xFFFFFFC0  }
0x3e: {  	[tilespmem:s29], [sflag:$0x5] =	stream.linear.gather [hbm4b:s28+s3], $0x40, $0x38;
	[tilespmem:$0x10400] =	vst v63  }
0x3f: {  	_ =	swait.ge [sflag:s8], $0x40  }
0x40: {  	s31 =	sld [smem:$0x7FC]  }
0x41: {  	[sflag:s8] =	ssyncset.done $0x0  }
0x42: {  	s30 =	rddreg [dreg:$0x9];
	[sflag:s8] =	ssyncadd.s32 $0xFFFFFFC0  }
0x43: {  	[tilespmem:s31], [sflag:$0x5] =	stream.linear.gather [hbm4b:s30+s3], $0x40, $0x38;
	[tilespmem:$0x10400] =	vst v63  }
0x44: {  	_ =	swait.ge [sflag:s8], $0x40  }
0x45: {  	s1 =	sld [smem:$0x7FD]  }
0x46: {  	[sflag:s8] =	ssyncset.done $0x0  }
0x47: {  	s0 =	rddreg [dreg:$0xa];
	[sflag:s8] =	ssyncadd.s32 $0xFFFFFFC0  }
0x48: {  	[tilespmem:s1], [sflag:$0x5] =	stream.linear.gather [hbm4b:s0+s3], $0x40, $0x38;
	[tilespmem:$0x10400] =	vst v63  }
0x49: {  	_ =	swait.ge [sflag:s8], $0x40  }
0x4a: {  	[sflag:s8] =	ssyncset.done $0x0  }
0x4b: {  	[sflag:s8] =	ssyncadd.s32 $0xFFFFFFC0  }
0x4c: {  	v3 =	vld [tilespmem:$0x0];
	_ =	sdelay $0x4  }
0x4d: {  	v4 =	vshll.u32 v3, $0x2  }
0x4e: {  	v3 =	vand.u32 $0x7, v3;
	v4 =	vand.u32 $0xFFFFFFE0, v4  }
0x4f: {  	v3 =	vor.u32 v3, v4  }
0x50: {  	v4 =	vperm.xlane v3, v0;
	_ =	sdelay $0x1  }
0x51: {  	v4 =	vadd.s32 v1, v4;
	_ =	sdelay $0x1  }
0x52: {  	v3 =	vperm.xlane v3, v2;
	_ =	sdelay $0x1  }
0x53: {  	v3 =	vadd.s32 v1, v3  }
0x54: {  	[tilespmem:s14], [sflag:$0x1] =	stream.indirect_vreg.gather [hbm4b:s2+s3], $0x80, v4, vm0, $0xb8;
	[tilespmem:$0x10400] =	vst v63  }
0x55: {  	s0 =	simm.s32 $0xC00  }
0x56: {  	[tilespmem:s0], [sflag:$0x1] =	stream.indirect_vreg.gather [hbm4b:s5+s3], $0x80, v4, vm0, $0xb8;
	[tilespmem:$0x10400] =	vst v63  }
0x57: {  	s7 =	simm.s32 $0x1400  }
0x58: {  	[tilespmem:s7], [sflag:$0x1] =	stream.indirect_vreg.gather [hbm4b:s2+s3], $0x80, v3, vm0, $0xb8;
	[tilespmem:$0x10400] =	vst v63  }
0x59: {  	s9 =	simm.s32 $0x1C00  }
0x5a: {  	[tilespmem:s9], [sflag:$0x1] =	stream.indirect_vreg.gather [hbm4b:s5+s3], $0x80, v3, vm0, $0xb8;
	[tilespmem:$0x10400] =	vst v63  }
0x5b: {  	v3 =	vld [tilespmem:$0x10];
	_ =	sdelay $0x4  }
0x5c: {  	v57 =	vshll.u32 v3, $0x2  }
0x5d: {  	v3 =	vand.u32 $0x7, v3;
	v4 =	vand.u32 $0xFFFFFFE0, v57  }
0x5e: {  	v3 =	vor.u32 v3, v4  }
0x5f: {  	v4 =	vperm.xlane v3, v0;
	_ =	sdelay $0x1  }
0x60: {  	v4 =	vadd.s32 v1, v4;
	_ =	sdelay $0x1  }
0x61: {  	v3 =	vperm.xlane v3, v2;
	_ =	sdelay $0x1  }
0x62: {  	s10 =	simm.s32 $0x2400;
	v3 =	vadd.s32 v1, v3  }
0x63: {  	[tilespmem:s10], [sflag:$0x1] =	stream.indirect_vreg.gather [hbm4b:s2+s3], $0x80, v4, vm0, $0xb8;
	[tilespmem:$0x10400] =	vst v63  }
0x64: {  	s11 =	simm.s32 $0x2C00  }
0x65: {  	[tilespmem:s11], [sflag:$0x1] =	stream.indirect_vreg.gather [hbm4b:s5+s3], $0x80, v4, vm0, $0xb8;
	[tilespmem:$0x10400] =	vst v63  }
0x66: {  	s12 =	simm.s32 $0x3400  }
0x67: {  	[tilespmem:s12], [sflag:$0x1] =	stream.indirect_vreg.gather [hbm4b:s2+s3], $0x80, v3, vm0, $0xb8;
	[tilespmem:$0x10400] =	vst v63  }
0x68: {  	s13 =	simm.s32 $0x3C00  }
0x69: {  	[tilespmem:s13], [sflag:$0x1] =	stream.indirect_vreg.gather [hbm4b:s5+s3], $0x80, v3, vm0, $0xb8;
	[tilespmem:$0x10400] =	vst v63  }
0x6a: {  	v3 =	vld [tilespmem:$0x20];
	_ =	sdelay $0x4  }
0x6b: {  	v58 =	vshll.u32 v3, $0x2  }
0x6c: {  	v3 =	vand.u32 $0x7, v3;
	v4 =	vand.u32 $0xFFFFFFE0, v58  }
0x6d: {  	v3 =	vor.u32 v3, v4  }
0x6e: {  	v4 =	vperm.xlane v3, v0;
	_ =	sdelay $0x1  }
0x6f: {  	v4 =	vadd.s32 v1, v4;
	_ =	sdelay $0x1  }
0x70: {  	v3 =	vperm.xlane v3, v2;
	_ =	sdelay $0x1  }
0x71: {  	s15 =	simm.s32 $0x4400;
	v3 =	vadd.s32 v1, v3  }
0x72: {  	[tilespmem:s15], [sflag:$0x1] =	stream.indirect_vreg.gather [hbm4b:s2+s3], $0x80, v4, vm0, $0xb8;
	[tilespmem:$0x10400] =	vst v63  }
0x73: {  	s17 =	simm.s32 $0x4C00  }
0x74: {  	[tilespmem:s17], [sflag:$0x1] =	stream.indirect_vreg.gather [hbm4b:s5+s3], $0x80, v4, vm0, $0xb8;
	[tilespmem:$0x10400] =	vst v63  }
0x75: {  	s22 =	simm.s32 $0x5400  }
0x76: {  	[tilespmem:s22], [sflag:$0x1] =	stream.indirect_vreg.gather [hbm4b:s2+s3], $0x80, v3, vm0, $0xb8;
	[tilespmem:$0x10400] =	vst v63  }
0x77: {  	s23 =	simm.s32 $0x5C00  }
0x78: {  	[tilespmem:s23], [sflag:$0x1] =	stream.indirect_vreg.gather [hbm4b:s5+s3], $0x80, v3, vm0, $0xb8;
	[tilespmem:$0x10400] =	vst v63  }
0x79: {  	v3 =	vld [tilespmem:$0x30];
	_ =	sdelay $0x4  }
0x7a: {  	v59 =	vshll.u32 v3, $0x2  }
0x7b: {  	v3 =	vand.u32 $0x7, v3;
	v4 =	vand.u32 $0xFFFFFFE0, v59  }
0x7c: {  	v3 =	vor.u32 v3, v4  }
0x7d: {  	v4 =	vperm.xlane v3, v0;
	_ =	sdelay $0x1  }
0x7e: {  	v4 =	vadd.s32 v1, v4;
	_ =	sdelay $0x1  }
0x7f: {  	v3 =	vperm.xlane v3, v2;
	_ =	sdelay $0x1  }
0x80: {  	s24 =	simm.s32 $0x6400;
	v3 =	vadd.s32 v1, v3  }
0x81: {  	[tilespmem:s24], [sflag:$0x1] =	stream.indirect_vreg.gather [hbm4b:s2+s3], $0x80, v4, vm0, $0xb8;
	[tilespmem:$0x10400] =	vst v63  }
0x82: {  	s26 =	simm.s32 $0x6C00  }
0x83: {  	[tilespmem:s26], [sflag:$0x1] =	stream.indirect_vreg.gather [hbm4b:s5+s3], $0x80, v4, vm0, $0xb8;
	[tilespmem:$0x10400] =	vst v63  }
0x84: {  	s28 =	simm.s32 $0x7400  }
0x85: {  	[tilespmem:s28], [sflag:$0x1] =	stream.indirect_vreg.gather [hbm4b:s2+s3], $0x80, v3, vm0, $0xb8;
	[tilespmem:$0x10400] =	vst v63  }
0x86: {  	s29 =	simm.s32 $0x7C00  }
0x87: {  	[tilespmem:s29], [sflag:$0x1] =	stream.indirect_vreg.gather [hbm4b:s5+s3], $0x80, v3, vm0, $0xb8;
	[tilespmem:$0x10400] =	vst v63  }
0x88: {  	v3 =	vld [tilespmem:$0x0];
	_ =	sdelay $0x4  }
0x89: {  	v60 =	vshll.u32 v3, $0x2  }
0x8a: {  	v3 =	vand.u32 $0x7, v3;
	v4 =	vand.u32 $0xFFFFFFE0, v60  }
0x8b: {  	v3 =	vor.u32 v3, v4  }
0x8c: {  	v4 =	vperm.xlane v3, v0;
	_ =	sdelay $0x1  }
0x8d: {  	v4 =	vadd.s32 v1, v4;
	_ =	sdelay $0x1  }
0x8e: {  	v3 =	vperm.xlane v3, v2;
	_ =	sdelay $0x1  }
0x8f: {  	v3 =	vadd.s32 v1, v3  }
0x90: {  	[tilespmem:s25], [sflag:$0x2] =	stream.indirect_vreg.gather [hbm4b:s4+s3], $0x80, v4, vm0, $0xb8;
	[tilespmem:$0x10400] =	vst v63  }
0x91: {  	s30 =	simm.s32 $0x8C00  }
0x92: {  	[tilespmem:s30], [sflag:$0x2] =	stream.indirect_vreg.gather [hbm4b:s6+s3], $0x80, v4, vm0, $0xb8;
	[tilespmem:$0x10400] =	vst v63  }
0x93: {  	s31 =	simm.s32 $0x9400  }
0x94: {  	[tilespmem:s31], [sflag:$0x2] =	stream.indirect_vreg.gather [hbm4b:s4+s3], $0x80, v3, vm0, $0xb8;
	[tilespmem:$0x10400] =	vst v63  }
0x95: {  	s11 =	simm.s32 $0x9C00  }
0x96: {  	[tilespmem:s11], [sflag:$0x2] =	stream.indirect_vreg.gather [hbm4b:s6+s3], $0x80, v3, vm0, $0xb8;
	[tilespmem:$0x10400] =	vst v63  }
0x97: {  	v3 =	vld [tilespmem:$0x10];
	_ =	sdelay $0x4  }
0x98: {  	v61 =	vshll.u32 v3, $0x2  }
0x99: {  	v3 =	vand.u32 $0x7, v3;
	v4 =	vand.u32 $0xFFFFFFE0, v61  }
0x9a: {  	v3 =	vor.u32 v3, v4  }
0x9b: {  	v4 =	vperm.xlane v3, v0;
	_ =	sdelay $0x1  }
0x9c: {  	v4 =	vadd.s32 v1, v4;
	_ =	sdelay $0x1  }
0x9d: {  	v3 =	vperm.xlane v3, v2;
	_ =	sdelay $0x1  }
0x9e: {  	s12 =	simm.s32 $0xA400;
	v3 =	vadd.s32 v1, v3  }
0x9f: {  	[tilespmem:s12], [sflag:$0x2] =	stream.indirect_vreg.gather [hbm4b:s4+s3], $0x80, v4, vm0, $0xb8;
	[tilespmem:$0x10400] =	vst v63  }
0xa0: {  	s13 =	simm.s32 $0xAC00  }
0xa1: {  	[tilespmem:s13], [sflag:$0x2] =	stream.indirect_vreg.gather [hbm4b:s6+s3], $0x80, v4, vm0, $0xb8;
	[tilespmem:$0x10400] =	vst v63  }
0xa2: {  	s15 =	simm.s32 $0xB400  }
0xa3: {  	[tilespmem:s15], [sflag:$0x2] =	stream.indirect_vreg.gather [hbm4b:s4+s3], $0x80, v3, vm0, $0xb8;
	[tilespmem:$0x10400] =	vst v63  }
0xa4: {  	s26 =	simm.s32 $0xBC00  }
0xa5: {  	[tilespmem:s26], [sflag:$0x2] =	stream.indirect_vreg.gather [hbm4b:s6+s3], $0x80, v3, vm0, $0xb8;
	[tilespmem:$0x10400] =	vst v63  }
0xa6: {  	v3 =	vld [tilespmem:$0x20];
	_ =	sdelay $0x4  }
0xa7: {  	v62 =	vshll.u32 v3, $0x2  }
0xa8: {  	v3 =	vand.u32 $0x7, v3;
	v4 =	vand.u32 $0xFFFFFFE0, v62  }
0xa9: {  	v3 =	vor.u32 v3, v4  }
0xaa: {  	v4 =	vperm.xlane v3, v0;
	_ =	sdelay $0x1  }
0xab: {  	v4 =	vadd.s32 v1, v4;
	_ =	sdelay $0x1  }
0xac: {  	v3 =	vperm.xlane v3, v2;
	_ =	sdelay $0x1  }
0xad: {  	s28 =	simm.s32 $0xC400;
	v3 =	vadd.s32 v1, v3  }
0xae: {  	[tilespmem:s28], [sflag:$0x2] =	stream.indirect_vreg.gather [hbm4b:s4+s3], $0x80, v4, vm0, $0xb8;
	[tilespmem:$0x10400] =	vst v63  }
0xaf: {  	s29 =	simm.s32 $0xCC00  }
0xb0: {  	[tilespmem:s29], [sflag:$0x2] =	stream.indirect_vreg.gather [hbm4b:s6+s3], $0x80, v4, vm0, $0xb8;
	[tilespmem:$0x10400] =	vst v63  }
0xb1: {  	s30 =	simm.s32 $0xD400  }
0xb2: {  	[tilespmem:s30], [sflag:$0x2] =	stream.indirect_vreg.gather [hbm4b:s4+s3], $0x80, v3, vm0, $0xb8;
	[tilespmem:$0x10400] =	vst v63  }
0xb3: {  	s31 =	simm.s32 $0xDC00  }
0xb4: {  	[tilespmem:s31], [sflag:$0x2] =	stream.indirect_vreg.gather [hbm4b:s6+s3], $0x80, v3, vm0, $0xb8;
	[tilespmem:$0x10400] =	vst v63  }
0xb5: {  	v3 =	vld [tilespmem:$0x30];
	_ =	sdelay $0x4  }
0xb6: {  	v63 =	vshll.u32 v3, $0x2  }
0xb7: {  	v3 =	vand.u32 $0x7, v3;
	v4 =	vand.u32 $0xFFFFFFE0, v63  }
0xb8: {  	v3 =	vor.u32 v3, v4  }
0xb9: {  	v4 =	vperm.xlane v3, v0;
	_ =	sdelay $0x1  }
0xba: {  	v4 =	vadd.s32 v1, v4;
	_ =	sdelay $0x1  }
0xbb: {  	v3 =	vperm.xlane v3, v2;
	_ =	sdelay $0x1  }
0xbc: {  	s0 =	simm.s32 $0xE400;
	v3 =	vadd.s32 v1, v3  }
0xbd: {  	[tilespmem:s0], [sflag:$0x2] =	stream.indirect_vreg.gather [hbm4b:s4+s3], $0x80, v4, vm0, $0xb8;
	[tilespmem:$0x10400] =	vst v63  }
0xbe: {  	s11 =	simm.s32 $0xEC00  }
0xbf: {  	[tilespmem:s11], [sflag:$0x2] =	stream.indirect_vreg.gather [hbm4b:s6+s3], $0x80, v4, vm0, $0xb8;
	[tilespmem:$0x10400] =	vst v63  }
0xc0: {  	s12 =	simm.s32 $0xF400  }
0xc1: {  	[tilespmem:s12], [sflag:$0x2] =	stream.indirect_vreg.gather [hbm4b:s4+s3], $0x80, v3, vm0, $0xb8;
	[tilespmem:$0x10400] =	vst v63  }
0xc2: {  	s13 =	simm.s32 $0xFC00  }
0xc3: {  	[tilespmem:s13], [sflag:$0x2] =	stream.indirect_vreg.gather [hbm4b:s6+s3], $0x80, v3, vm0, $0xb8;
	[tilespmem:$0x10400] =	vst v63  }
0xc4: {  	_ =	swait.ge [sflag:s18], $0x8000  }
0xc5: {  	[sflag:s18] =	ssyncset.done $0x0  }
0xc6: {  	s15 =	rddreg [dreg:$0xb];
	[sflag:s18] =	ssyncadd.s32 $0xFFFF8000  }
0xc7: {  	[hbm4b:s15+s3] =	stream.linear.scatter [tilespmem:s14], [sflag:$0x3], $0x8000, $0x38;
	[tilespmem:$0x10400] =	vst v63  }
0xc8: {  	_ =	swait.ge [sflag:s19], $0x8000  }
0xc9: {  	[sflag:s19] =	ssyncset.done $0x0  }
0xca: {  	[sflag:s19] =	ssyncadd.s32 $0xFFFF8000  }
0xcb: {  	v3 =	vld [tilespmem:$0x80];
	_ =	sdelay $0x4  }
0xcc: {  	v8 =	vshll.u32 v3, $0x2  }
0xcd: {  	v3 =	vand.u32 $0x7, v3;
	v4 =	vand.u32 $0xFFFFFFE0, v8  }
0xce: {  	v3 =	vor.u32 v3, v4  }
0xcf: {  	v4 =	vperm.xlane v3, v0;
	_ =	sdelay $0x1  }
0xd0: {  	v4 =	vadd.s32 v1, v4;
	_ =	sdelay $0x1  }
0xd1: {  	v3 =	vperm.xlane v3, v2;
	_ =	sdelay $0x1  }
0xd2: {  	v3 =	vadd.s32 v1, v3  }
0xd3: {  	[tilespmem:s14], [sflag:$0x1] =	stream.indirect_vreg.gather [hbm4b:s2+s3], $0x80, v4, vm0, $0xb8;
	[tilespmem:$0x10400] =	vst v63  }
0xd4: {  	s1 =	simm.s32 $0xC00  }
0xd5: {  	[tilespmem:s1], [sflag:$0x1] =	stream.indirect_vreg.gather [hbm4b:s5+s3], $0x80, v4, vm0, $0xb8;
	[tilespmem:$0x10400] =	vst v63  }
0xd6: {  	s16 =	simm.s32 $0x1400  }
0xd7: {  	[tilespmem:s16], [sflag:$0x1] =	stream.indirect_vreg.gather [hbm4b:s2+s3], $0x80, v3, vm0, $0xb8;
	[tilespmem:$0x10400] =	vst v63  }
0xd8: {  	s7 =	simm.s32 $0x1C00  }
0xd9: {  	[tilespmem:s7], [sflag:$0x1] =	stream.indirect_vreg.gather [hbm4b:s5+s3], $0x80, v3, vm0, $0xb8;
	[tilespmem:$0x10400] =	vst v63  }
0xda: {  	v3 =	vld [tilespmem:$0x90];
	_ =	sdelay $0x4  }
0xdb: {  	v9 =	vshll.u32 v3, $0x2  }
0xdc: {  	v3 =	vand.u32 $0x7, v3;
	v4 =	vand.u32 $0xFFFFFFE0, v9  }
0xdd: {  	v3 =	vor.u32 v3, v4  }
0xde: {  	v4 =	vperm.xlane v3, v0;
	_ =	sdelay $0x1  }
0xdf: {  	v4 =	vadd.s32 v1, v4;
	_ =	sdelay $0x1  }
0xe0: {  	v3 =	vperm.xlane v3, v2;
	_ =	sdelay $0x1  }
0xe1: {  	s30 =	simm.s32 $0x2400;
	v3 =	vadd.s32 v1, v3  }
0xe2: {  	[tilespmem:s30], [sflag:$0x1] =	stream.indirect_vreg.gather [hbm4b:s2+s3], $0x80, v4, vm0, $0xb8;
	[tilespmem:$0x10400] =	vst v63  }
0xe3: {  	s31 =	simm.s32 $0x2C00  }
0xe4: {  	[tilespmem:s31], [sflag:$0x1] =	stream.indirect_vreg.gather [hbm4b:s5+s3], $0x80, v4, vm0, $0xb8;
	[tilespmem:$0x10400] =	vst v63  }
0xe5: {  	s0 =	simm.s32 $0x3400  }
0xe6: {  	[tilespmem:s0], [sflag:$0x1] =	stream.indirect_vreg.gather [hbm4b:s2+s3], $0x80, v3, vm0, $0xb8;
	[tilespmem:$0x10400] =	vst v63  }
0xe7: {  	s9 =	simm.s32 $0x3C00  }
0xe8: {  	[tilespmem:s9], [sflag:$0x1] =	stream.indirect_vreg.gather [hbm4b:s5+s3], $0x80, v3, vm0, $0xb8;
	[tilespmem:$0x10400] =	vst v63  }
0xe9: {  	v3 =	vld [tilespmem:$0xA0];
	_ =	sdelay $0x4  }
0xea: {  	v10 =	vshll.u32 v3, $0x2  }
0xeb: {  	v3 =	vand.u32 $0x7, v3;
	v4 =	vand.u32 $0xFFFFFFE0, v10  }
0xec: {  	v3 =	vor.u32 v3, v4  }
0xed: {  	v4 =	vperm.xlane v3, v0;
	_ =	sdelay $0x1  }
0xee: {  	v4 =	vadd.s32 v1, v4;
	_ =	sdelay $0x1  }
0xef: {  	v3 =	vperm.xlane v3, v2;
	_ =	sdelay $0x1  }
0xf0: {  	s1 =	simm.s32 $0x4400;
	v3 =	vadd.s32 v1, v3  }
0xf1: {  	[tilespmem:s1], [sflag:$0x1] =	stream.indirect_vreg.gather [hbm4b:s2+s3], $0x80, v4, vm0, $0xb8;
	[tilespmem:$0x10400] =	vst v63  }
0xf2: {  	s7 =	simm.s32 $0x4C00  }
0xf3: {  	[tilespmem:s7], [sflag:$0x1] =	stream.indirect_vreg.gather [hbm4b:s5+s3], $0x80, v4, vm0, $0xb8;
	[tilespmem:$0x10400] =	vst v63  }
0xf4: {  	s9 =	simm.s32 $0x5400  }
0xf5: {  	[tilespmem:s9], [sflag:$0x1] =	stream.indirect_vreg.gather [hbm4b:s2+s3], $0x80, v3, vm0, $0xb8;
	[tilespmem:$0x10400] =	vst v63  }
0xf6: {  	s10 =	simm.s32 $0x5C00  }
0xf7: {  	[tilespmem:s10], [sflag:$0x1] =	stream.indirect_vreg.gather [hbm4b:s5+s3], $0x80, v3, vm0, $0xb8;
	[tilespmem:$0x10400] =	vst v63  }
0xf8: {  	v3 =	vld [tilespmem:$0xB0];
	_ =	sdelay $0x4  }
0xf9: {  	v11 =	vshll.u32 v3, $0x2  }
0xfa: {  	v3 =	vand.u32 $0x7, v3;
	v4 =	vand.u32 $0xFFFFFFE0, v11  }
0xfb: {  	v3 =	vor.u32 v3, v4  }
0xfc: {  	v4 =	vperm.xlane v3, v0;
	_ =	sdelay $0x1  }
0xfd: {  	v4 =	vadd.s32 v1, v4;
	_ =	sdelay $0x1  }
0xfe: {  	v3 =	vperm.xlane v3, v2;
	_ =	sdelay $0x1  }
0xff: {  	s10 =	simm.s32 $0x6400;
	v3 =	vadd.s32 v1, v3  }
0x100: {  	[tilespmem:s10], [sflag:$0x1] =	stream.indirect_vreg.gather [hbm4b:s2+s3], $0x80, v4, vm0, $0xb8;
	[tilespmem:$0x10400] =	vst v63  }
0x101: {  	s11 =	simm.s32 $0x6C00  }
0x102: {  	[tilespmem:s11], [sflag:$0x1] =	stream.indirect_vreg.gather [hbm4b:s5+s3], $0x80, v4, vm0, $0xb8;
	[tilespmem:$0x10400] =	vst v63  }
0x103: {  	s12 =	simm.s32 $0x7400  }
0x104: {  	[tilespmem:s12], [sflag:$0x1] =	stream.indirect_vreg.gather [hbm4b:s2+s3], $0x80, v3, vm0, $0xb8;
	[tilespmem:$0x10400] =	vst v63  }
0x105: {  	s13 =	simm.s32 $0x7C00  }
0x106: {  	[tilespmem:s13], [sflag:$0x1] =	stream.indirect_vreg.gather [hbm4b:s5+s3], $0x80, v3, vm0, $0xb8;
	[tilespmem:$0x10400] =	vst v63  }
0x107: {  	_ =	swait.ge [sflag:s20], $0x8000  }
0x108: {  	[sflag:s20] =	ssyncset.done $0x0  }
0x109: {  	s16 =	rddreg [dreg:$0xc];
	[sflag:s20] =	ssyncadd.s32 $0xFFFF8000  }
0x10a: {  	[hbm4b:s16+s3] =	stream.linear.scatter [tilespmem:s25], [sflag:$0x4], $0x8000, $0x38;
	[tilespmem:$0x10400] =	vst v63  }
0x10b: {  	_ =	swait.ge [sflag:s21], $0x8000  }
0x10c: {  	[sflag:s21] =	ssyncset.done $0x0  }
0x10d: {  	[sflag:s21] =	ssyncadd.s32 $0xFFFF8000  }
0x10e: {  	v3 =	vld [tilespmem:$0x80];
	_ =	sdelay $0x4  }
0x10f: {  	v12 =	vshll.u32 v3, $0x2  }
0x110: {  	v3 =	vand.u32 $0x7, v3;
	v4 =	vand.u32 $0xFFFFFFE0, v12  }
0x111: {  	v3 =	vor.u32 v3, v4  }
0x112: {  	v4 =	vperm.xlane v3, v0;
	_ =	sdelay $0x1  }
0x113: {  	v4 =	vadd.s32 v1, v4;
	_ =	sdelay $0x1  }
0x114: {  	v3 =	vperm.xlane v3, v2;
	_ =	sdelay $0x1  }
0x115: {  	v3 =	vadd.s32 v1, v3  }
0x116: {  	[tilespmem:s25], [sflag:$0x2] =	stream.indirect_vreg.gather [hbm4b:s4+s3], $0x80, v4, vm0, $0xb8;
	[tilespmem:$0x10400] =	vst v63  }
0x117: {  	s16 =	simm.s32 $0x8C00  }
0x118: {  	[tilespmem:s16], [sflag:$0x2] =	stream.indirect_vreg.gather [hbm4b:s6+s3], $0x80, v4, vm0, $0xb8;
	[tilespmem:$0x10400] =	vst v63  }
0x119: {  	s17 =	simm.s32 $0x9400  }
0x11a: {  	[tilespmem:s17], [sflag:$0x2] =	stream.indirect_vreg.gather [hbm4b:s4+s3], $0x80, v3, vm0, $0xb8;
	[tilespmem:$0x10400] =	vst v63  }
0x11b: {  	s24 =	simm.s32 $0x9C00  }
0x11c: {  	[tilespmem:s24], [sflag:$0x2] =	stream.indirect_vreg.gather [hbm4b:s6+s3], $0x80, v3, vm0, $0xb8;
	[tilespmem:$0x10400] =	vst v63  }
0x11d: {  	v3 =	vld [tilespmem:$0x90];
	_ =	sdelay $0x4  }
0x11e: {  	v13 =	vshll.u32 v3, $0x2  }
0x11f: {  	v3 =	vand.u32 $0x7, v3;
	v4 =	vand.u32 $0xFFFFFFE0, v13  }
0x120: {  	v3 =	vor.u32 v3, v4  }
0x121: {  	v4 =	vperm.xlane v3, v0;
	_ =	sdelay $0x1  }
0x122: {  	v4 =	vadd.s32 v1, v4;
	_ =	sdelay $0x1  }
0x123: {  	v3 =	vperm.xlane v3, v2;
	_ =	sdelay $0x1  }
0x124: {  	s23 =	simm.s32 $0xA400;
	v3 =	vadd.s32 v1, v3  }
0x125: {  	[tilespmem:s23], [sflag:$0x2] =	stream.indirect_vreg.gather [hbm4b:s4+s3], $0x80, v4, vm0, $0xb8;
	[tilespmem:$0x10400] =	vst v63  }
0x126: {  	s23 =	simm.s32 $0xAC00  }
0x127: {  	[tilespmem:s23], [sflag:$0x2] =	stream.indirect_vreg.gather [hbm4b:s6+s3], $0x80, v4, vm0, $0xb8;
	[tilespmem:$0x10400] =	vst v63  }
0x128: {  	s24 =	simm.s32 $0xB400  }
0x129: {  	[tilespmem:s24], [sflag:$0x2] =	stream.indirect_vreg.gather [hbm4b:s4+s3], $0x80, v3, vm0, $0xb8;
	[tilespmem:$0x10400] =	vst v63  }
0x12a: {  	s26 =	simm.s32 $0xBC00  }
0x12b: {  	[tilespmem:s26], [sflag:$0x2] =	stream.indirect_vreg.gather [hbm4b:s6+s3], $0x80, v3, vm0, $0xb8;
	[tilespmem:$0x10400] =	vst v63  }
0x12c: {  	v3 =	vld [tilespmem:$0xA0];
	_ =	sdelay $0x4  }
0x12d: {  	v14 =	vshll.u32 v3, $0x2  }
0x12e: {  	v3 =	vand.u32 $0x7, v3;
	v4 =	vand.u32 $0xFFFFFFE0, v14  }
0x12f: {  	v3 =	vor.u32 v3, v4  }
0x130: {  	v4 =	vperm.xlane v3, v0;
	_ =	sdelay $0x1  }
0x131: {  	v4 =	vadd.s32 v1, v4;
	_ =	sdelay $0x1  }
0x132: {  	v3 =	vperm.xlane v3, v2;
	_ =	sdelay $0x1  }
0x133: {  	s23 =	simm.s32 $0xC400;
	v3 =	vadd.s32 v1, v3  }
0x134: {  	[tilespmem:s23], [sflag:$0x2] =	stream.indirect_vreg.gather [hbm4b:s4+s3], $0x80, v4, vm0, $0xb8;
	[tilespmem:$0x10400] =	vst v63  }
0x135: {  	s26 =	simm.s32 $0xCC00  }
0x136: {  	[tilespmem:s26], [sflag:$0x2] =	stream.indirect_vreg.gather [hbm4b:s6+s3], $0x80, v4, vm0, $0xb8;
	[tilespmem:$0x10400] =	vst v63  }
0x137: {  	s22 =	simm.s32 $0xD400  }
0x138: {  	[tilespmem:s22], [sflag:$0x2] =	stream.indirect_vreg.gather [hbm4b:s4+s3], $0x80, v3, vm0, $0xb8;
	[tilespmem:$0x10400] =	vst v63  }
0x139: {  	s28 =	simm.s32 $0xDC00  }
0x13a: {  	[tilespmem:s28], [sflag:$0x2] =	stream.indirect_vreg.gather [hbm4b:s6+s3], $0x80, v3, vm0, $0xb8;
	[tilespmem:$0x10400] =	vst v63  }
0x13b: {  	v3 =	vld [tilespmem:$0xB0];
	_ =	sdelay $0x4  }
0x13c: {  	v15 =	vshll.u32 v3, $0x2  }
0x13d: {  	v3 =	vand.u32 $0x7, v3;
	v4 =	vand.u32 $0xFFFFFFE0, v15  }
0x13e: {  	v3 =	vor.u32 v3, v4  }
0x13f: {  	v4 =	vperm.xlane v3, v0;
	_ =	sdelay $0x1  }
0x140: {  	v4 =	vadd.s32 v1, v4;
	_ =	sdelay $0x1  }
0x141: {  	v3 =	vperm.xlane v3, v2;
	_ =	sdelay $0x1  }
0x142: {  	s28 =	simm.s32 $0xE400;
	v3 =	vadd.s32 v1, v3  }
0x143: {  	[tilespmem:s28], [sflag:$0x2] =	stream.indirect_vreg.gather [hbm4b:s4+s3], $0x80, v4, vm0, $0xb8;
	[tilespmem:$0x10400] =	vst v63  }
0x144: {  	s22 =	simm.s32 $0xEC00  }
0x145: {  	[tilespmem:s22], [sflag:$0x2] =	stream.indirect_vreg.gather [hbm4b:s6+s3], $0x80, v4, vm0, $0xb8;
	[tilespmem:$0x10400] =	vst v63  }
0x146: {  	s22 =	simm.s32 $0xF400  }
0x147: {  	[tilespmem:s22], [sflag:$0x2] =	stream.indirect_vreg.gather [hbm4b:s4+s3], $0x80, v3, vm0, $0xb8;
	[tilespmem:$0x10400] =	vst v63  }
0x148: {  	s29 =	simm.s32 $0xFC00  }
0x149: {  	[tilespmem:s29], [sflag:$0x2] =	stream.indirect_vreg.gather [hbm4b:s6+s3], $0x80, v3, vm0, $0xb8;
	[tilespmem:$0x10400] =	vst v63  }
0x14a: {  	_ =	swait.ge [sflag:s18], $0x8000  }
0x14b: {  	[sflag:s18] =	ssyncset.done $0x0  }
0x14c: {  	s22 =	rddreg [dreg:$0xd];
	[sflag:s18] =	ssyncadd.s32 $0xFFFF8000  }
0x14d: {  	[hbm4b:s22+s3] =	stream.linear.scatter [tilespmem:s14], [sflag:$0x3], $0x8000, $0x38;
	[tilespmem:$0x10400] =	vst v63  }
0x14e: {  	_ =	swait.ge [sflag:s19], $0x8000  }
0x14f: {  	[sflag:s19] =	ssyncset.done $0x0  }
0x150: {  	[sflag:s19] =	ssyncadd.s32 $0xFFFF8000  }
0x151: {  	v3 =	vld [tilespmem:$0x100];
	_ =	sdelay $0x4  }
0x152: {  	v16 =	vshll.u32 v3, $0x2  }
0x153: {  	v3 =	vand.u32 $0x7, v3;
	v4 =	vand.u32 $0xFFFFFFE0, v16  }
0x154: {  	v3 =	vor.u32 v3, v4  }
0x155: {  	v4 =	vperm.xlane v3, v0;
	_ =	sdelay $0x1  }
0x156: {  	v4 =	vadd.s32 v1, v4;
	_ =	sdelay $0x1  }
0x157: {  	v3 =	vperm.xlane v3, v2;
	_ =	sdelay $0x1  }
0x158: {  	v3 =	vadd.s32 v1, v3  }
0x159: {  	[tilespmem:s14], [sflag:$0x1] =	stream.indirect_vreg.gather [hbm4b:s2+s3], $0x80, v4, vm0, $0xb8;
	[tilespmem:$0x10400] =	vst v63  }
0x15a: {  	s22 =	simm.s32 $0xC00  }
0x15b: {  	[tilespmem:s22], [sflag:$0x1] =	stream.indirect_vreg.gather [hbm4b:s5+s3], $0x80, v4, vm0, $0xb8;
	[tilespmem:$0x10400] =	vst v63  }
0x15c: {  	s22 =	simm.s32 $0x1400  }
0x15d: {  	[tilespmem:s22], [sflag:$0x1] =	stream.indirect_vreg.gather [hbm4b:s2+s3], $0x80, v3, vm0, $0xb8;
	[tilespmem:$0x10400] =	vst v63  }
0x15e: {  	s22 =	simm.s32 $0x1C00  }
0x15f: {  	[tilespmem:s22], [sflag:$0x1] =	stream.indirect_vreg.gather [hbm4b:s5+s3], $0x80, v3, vm0, $0xb8;
	[tilespmem:$0x10400] =	vst v63  }
0x160: {  	v3 =	vld [tilespmem:$0x110];
	_ =	sdelay $0x4  }
0x161: {  	v17 =	vshll.u32 v3, $0x2  }
0x162: {  	v3 =	vand.u32 $0x7, v3;
	v4 =	vand.u32 $0xFFFFFFE0, v17  }
0x163: {  	v3 =	vor.u32 v3, v4  }
0x164: {  	v4 =	vperm.xlane v3, v0;
	_ =	sdelay $0x1  }
0x165: {  	v4 =	vadd.s32 v1, v4;
	_ =	sdelay $0x1  }
0x166: {  	v3 =	vperm.xlane v3, v2;
	_ =	sdelay $0x1  }
0x167: {  	v3 =	vadd.s32 v1, v3  }
0x168: {  	[tilespmem:s30], [sflag:$0x1] =	stream.indirect_vreg.gather [hbm4b:s2+s3], $0x80, v4, vm0, $0xb8;
	[tilespmem:$0x10400] =	vst v63  }
0x169: {  	_ = 	snop  }
0x16a: {  	[tilespmem:s31], [sflag:$0x1] =	stream.indirect_vreg.gather [hbm4b:s5+s3], $0x80, v4, vm0, $0xb8;
	[tilespmem:$0x10400] =	vst v63  }
0x16b: {  	_ = 	snop  }
0x16c: {  	[tilespmem:s0], [sflag:$0x1] =	stream.indirect_vreg.gather [hbm4b:s2+s3], $0x80, v3, vm0, $0xb8;
	[tilespmem:$0x10400] =	vst v63  }
0x16d: {  	s22 =	simm.s32 $0x3C00  }
0x16e: {  	[tilespmem:s22], [sflag:$0x1] =	stream.indirect_vreg.gather [hbm4b:s5+s3], $0x80, v3, vm0, $0xb8;
	[tilespmem:$0x10400] =	vst v63  }
0x16f: {  	v3 =	vld [tilespmem:$0x120];
	_ =	sdelay $0x4  }
0x170: {  	v18 =	vshll.u32 v3, $0x2  }
0x171: {  	v3 =	vand.u32 $0x7, v3;
	v4 =	vand.u32 $0xFFFFFFE0, v18  }
0x172: {  	v3 =	vor.u32 v3, v4  }
0x173: {  	v4 =	vperm.xlane v3, v0;
	_ =	sdelay $0x1  }
0x174: {  	v4 =	vadd.s32 v1, v4;
	_ =	sdelay $0x1  }
0x175: {  	v3 =	vperm.xlane v3, v2;
	_ =	sdelay $0x1  }
0x176: {  	v3 =	vadd.s32 v1, v3  }
0x177: {  	[tilespmem:s1], [sflag:$0x1] =	stream.indirect_vreg.gather [hbm4b:s2+s3], $0x80, v4, vm0, $0xb8;
	[tilespmem:$0x10400] =	vst v63  }
0x178: {  	_ = 	snop  }
0x179: {  	[tilespmem:s7], [sflag:$0x1] =	stream.indirect_vreg.gather [hbm4b:s5+s3], $0x80, v4, vm0, $0xb8;
	[tilespmem:$0x10400] =	vst v63  }
0x17a: {  	_ = 	snop  }
0x17b: {  	[tilespmem:s9], [sflag:$0x1] =	stream.indirect_vreg.gather [hbm4b:s2+s3], $0x80, v3, vm0, $0xb8;
	[tilespmem:$0x10400] =	vst v63  }
0x17c: {  	s22 =	simm.s32 $0x5C00  }
0x17d: {  	[tilespmem:s22], [sflag:$0x1] =	stream.indirect_vreg.gather [hbm4b:s5+s3], $0x80, v3, vm0, $0xb8;
	[tilespmem:$0x10400] =	vst v63  }
0x17e: {  	v3 =	vld [tilespmem:$0x130];
	_ =	sdelay $0x4  }
0x17f: {  	v19 =	vshll.u32 v3, $0x2  }
0x180: {  	v3 =	vand.u32 $0x7, v3;
	v4 =	vand.u32 $0xFFFFFFE0, v19  }
0x181: {  	v3 =	vor.u32 v3, v4  }
0x182: {  	v4 =	vperm.xlane v3, v0;
	_ =	sdelay $0x1  }
0x183: {  	v4 =	vadd.s32 v1, v4;
	_ =	sdelay $0x1  }
0x184: {  	v3 =	vperm.xlane v3, v2;
	_ =	sdelay $0x1  }
0x185: {  	v3 =	vadd.s32 v1, v3  }
0x186: {  	[tilespmem:s10], [sflag:$0x1] =	stream.indirect_vreg.gather [hbm4b:s2+s3], $0x80, v4, vm0, $0xb8;
	[tilespmem:$0x10400] =	vst v63  }
0x187: {  	_ = 	snop  }
0x188: {  	[tilespmem:s11], [sflag:$0x1] =	stream.indirect_vreg.gather [hbm4b:s5+s3], $0x80, v4, vm0, $0xb8;
	[tilespmem:$0x10400] =	vst v63  }
0x189: {  	_ = 	snop  }
0x18a: {  	[tilespmem:s12], [sflag:$0x1] =	stream.indirect_vreg.gather [hbm4b:s2+s3], $0x80, v3, vm0, $0xb8;
	[tilespmem:$0x10400] =	vst v63  }
0x18b: {  	_ = 	snop  }
0x18c: {  	[tilespmem:s13], [sflag:$0x1] =	stream.indirect_vreg.gather [hbm4b:s5+s3], $0x80, v3, vm0, $0xb8;
	[tilespmem:$0x10400] =	vst v63  }
0x18d: {  	_ =	swait.ge [sflag:s20], $0x8000  }
0x18e: {  	[sflag:s20] =	ssyncset.done $0x0  }
0x18f: {  	s22 =	rddreg [dreg:$0xe];
	[sflag:s20] =	ssyncadd.s32 $0xFFFF8000  }
0x190: {  	[hbm4b:s22+s3] =	stream.linear.scatter [tilespmem:s25], [sflag:$0x4], $0x8000, $0x38;
	[tilespmem:$0x10400] =	vst v63  }
0x191: {  	_ =	swait.ge [sflag:s21], $0x8000  }
0x192: {  	[sflag:s21] =	ssyncset.done $0x0  }
0x193: {  	[sflag:s21] =	ssyncadd.s32 $0xFFFF8000  }
0x194: {  	v3 =	vld [tilespmem:$0x100];
	_ =	sdelay $0x4  }
0x195: {  	v20 =	vshll.u32 v3, $0x2  }
0x196: {  	v3 =	vand.u32 $0x7, v3;
	v4 =	vand.u32 $0xFFFFFFE0, v20  }
0x197: {  	v3 =	vor.u32 v3, v4  }
0x198: {  	v4 =	vperm.xlane v3, v0;
	_ =	sdelay $0x1  }
0x199: {  	v4 =	vadd.s32 v1, v4;
	_ =	sdelay $0x1  }
0x19a: {  	v3 =	vperm.xlane v3, v2;
	_ =	sdelay $0x1  }
0x19b: {  	v3 =	vadd.s32 v1, v3  }
0x19c: {  	[tilespmem:s25], [sflag:$0x2] =	stream.indirect_vreg.gather [hbm4b:s4+s3], $0x80, v4, vm0, $0xb8;
	[tilespmem:$0x10400] =	vst v63  }
0x19d: {  	_ = 	snop  }
0x19e: {  	[tilespmem:s16], [sflag:$0x2] =	stream.indirect_vreg.gather [hbm4b:s6+s3], $0x80, v4, vm0, $0xb8;
	[tilespmem:$0x10400] =	vst v63  }
0x19f: {  	s22 =	simm.s32 $0x9400  }
0x1a0: {  	[tilespmem:s22], [sflag:$0x2] =	stream.indirect_vreg.gather [hbm4b:s4+s3], $0x80, v3, vm0, $0xb8;
	[tilespmem:$0x10400] =	vst v63  }
0x1a1: {  	s22 =	simm.s32 $0x9C00  }
0x1a2: {  	[tilespmem:s22], [sflag:$0x2] =	stream.indirect_vreg.gather [hbm4b:s6+s3], $0x80, v3, vm0, $0xb8;
	[tilespmem:$0x10400] =	vst v63  }
0x1a3: {  	v3 =	vld [tilespmem:$0x110];
	_ =	sdelay $0x4  }
0x1a4: {  	v21 =	vshll.u32 v3, $0x2  }
0x1a5: {  	v3 =	vand.u32 $0x7, v3;
	v4 =	vand.u32 $0xFFFFFFE0, v21  }
0x1a6: {  	v3 =	vor.u32 v3, v4  }
0x1a7: {  	v4 =	vperm.xlane v3, v0;
	_ =	sdelay $0x1  }
0x1a8: {  	v4 =	vadd.s32 v1, v4;
	_ =	sdelay $0x1  }
0x1a9: {  	v3 =	vperm.xlane v3, v2;
	_ =	sdelay $0x1  }
0x1aa: {  	s15 =	simm.s32 $0xA400;
	v3 =	vadd.s32 v1, v3  }
0x1ab: {  	[tilespmem:s15], [sflag:$0x2] =	stream.indirect_vreg.gather [hbm4b:s4+s3], $0x80, v4, vm0, $0xb8;
	[tilespmem:$0x10400] =	vst v63  }
0x1ac: {  	s17 =	simm.s32 $0xAC00  }
0x1ad: {  	[tilespmem:s17], [sflag:$0x2] =	stream.indirect_vreg.gather [hbm4b:s6+s3], $0x80, v4, vm0, $0xb8;
	[tilespmem:$0x10400] =	vst v63  }
0x1ae: {  	s24 =	simm.s32 $0xB400  }
0x1af: {  	[tilespmem:s24], [sflag:$0x2] =	stream.indirect_vreg.gather [hbm4b:s4+s3], $0x80, v3, vm0, $0xb8;
	[tilespmem:$0x10400] =	vst v63  }
0x1b0: {  	s22 =	simm.s32 $0xBC00  }
0x1b1: {  	[tilespmem:s22], [sflag:$0x2] =	stream.indirect_vreg.gather [hbm4b:s6+s3], $0x80, v3, vm0, $0xb8;
	[tilespmem:$0x10400] =	vst v63  }
0x1b2: {  	v3 =	vld [tilespmem:$0x120];
	_ =	sdelay $0x4  }
0x1b3: {  	v22 =	vshll.u32 v3, $0x2  }
0x1b4: {  	v3 =	vand.u32 $0x7, v3;
	v4 =	vand.u32 $0xFFFFFFE0, v22  }
0x1b5: {  	v3 =	vor.u32 v3, v4  }
0x1b6: {  	v4 =	vperm.xlane v3, v0;
	_ =	sdelay $0x1  }
0x1b7: {  	v4 =	vadd.s32 v1, v4;
	_ =	sdelay $0x1  }
0x1b8: {  	v3 =	vperm.xlane v3, v2;
	_ =	sdelay $0x1  }
0x1b9: {  	s23 =	simm.s32 $0xC400;
	v3 =	vadd.s32 v1, v3  }
0x1ba: {  	[tilespmem:s23], [sflag:$0x2] =	stream.indirect_vreg.gather [hbm4b:s4+s3], $0x80, v4, vm0, $0xb8;
	[tilespmem:$0x10400] =	vst v63  }
0x1bb: {  	s26 =	simm.s32 $0xCC00  }
0x1bc: {  	[tilespmem:s26], [sflag:$0x2] =	stream.indirect_vreg.gather [hbm4b:s6+s3], $0x80, v4, vm0, $0xb8;
	[tilespmem:$0x10400] =	vst v63  }
0x1bd: {  	s26 =	simm.s32 $0xD400  }
0x1be: {  	[tilespmem:s26], [sflag:$0x2] =	stream.indirect_vreg.gather [hbm4b:s4+s3], $0x80, v3, vm0, $0xb8;
	[tilespmem:$0x10400] =	vst v63  }
0x1bf: {  	s22 =	simm.s32 $0xDC00  }
0x1c0: {  	[tilespmem:s22], [sflag:$0x2] =	stream.indirect_vreg.gather [hbm4b:s6+s3], $0x80, v3, vm0, $0xb8;
	[tilespmem:$0x10400] =	vst v63  }
0x1c1: {  	v3 =	vld [tilespmem:$0x130];
	_ =	sdelay $0x4  }
0x1c2: {  	v23 =	vshll.u32 v3, $0x2  }
0x1c3: {  	v3 =	vand.u32 $0x7, v3;
	v4 =	vand.u32 $0xFFFFFFE0, v23  }
0x1c4: {  	v3 =	vor.u32 v3, v4  }
0x1c5: {  	v4 =	vperm.xlane v3, v0;
	_ =	sdelay $0x1  }
0x1c6: {  	v4 =	vadd.s32 v1, v4;
	_ =	sdelay $0x1  }
0x1c7: {  	v3 =	vperm.xlane v3, v2;
	_ =	sdelay $0x1  }
0x1c8: {  	s28 =	simm.s32 $0xE400;
	v3 =	vadd.s32 v1, v3  }
0x1c9: {  	[tilespmem:s28], [sflag:$0x2] =	stream.indirect_vreg.gather [hbm4b:s4+s3], $0x80, v4, vm0, $0xb8;
	[tilespmem:$0x10400] =	vst v63  }
0x1ca: {  	s22 =	simm.s32 $0xEC00  }
0x1cb: {  	[tilespmem:s22], [sflag:$0x2] =	stream.indirect_vreg.gather [hbm4b:s6+s3], $0x80, v4, vm0, $0xb8;
	[tilespmem:$0x10400] =	vst v63  }
0x1cc: {  	s22 =	simm.s32 $0xF400  }
0x1cd: {  	[tilespmem:s22], [sflag:$0x2] =	stream.indirect_vreg.gather [hbm4b:s4+s3], $0x80, v3, vm0, $0xb8;
	[tilespmem:$0x10400] =	vst v63  }
0x1ce: {  	s29 =	simm.s32 $0xFC00  }
0x1cf: {  	[tilespmem:s29], [sflag:$0x2] =	stream.indirect_vreg.gather [hbm4b:s6+s3], $0x80, v3, vm0, $0xb8;
	[tilespmem:$0x10400] =	vst v63  }
0x1d0: {  	_ =	swait.ge [sflag:s18], $0x8000  }
0x1d1: {  	[sflag:s18] =	ssyncset.done $0x0  }
0x1d2: {  	s22 =	rddreg [dreg:$0xf];
	[sflag:s18] =	ssyncadd.s32 $0xFFFF8000  }
0x1d3: {  	[hbm4b:s22+s3] =	stream.linear.scatter [tilespmem:s14], [sflag:$0x3], $0x8000, $0x38;
	[tilespmem:$0x10400] =	vst v63  }
0x1d4: {  	_ =	swait.ge [sflag:s19], $0x8000  }
0x1d5: {  	[sflag:s19] =	ssyncset.done $0x0  }
0x1d6: {  	[sflag:s19] =	ssyncadd.s32 $0xFFFF8000  }
0x1d7: {  	v3 =	vld [tilespmem:$0x180];
	_ =	sdelay $0x4  }
0x1d8: {  	v24 =	vshll.u32 v3, $0x2  }
0x1d9: {  	v3 =	vand.u32 $0x7, v3;
	v4 =	vand.u32 $0xFFFFFFE0, v24  }
0x1da: {  	v3 =	vor.u32 v3, v4  }
0x1db: {  	v4 =	vperm.xlane v3, v0;
	_ =	sdelay $0x1  }
0x1dc: {  	v4 =	vadd.s32 v1, v4;
	_ =	sdelay $0x1  }
0x1dd: {  	v3 =	vperm.xlane v3, v2;
	_ =	sdelay $0x1  }
0x1de: {  	v3 =	vadd.s32 v1, v3  }
0x1df: {  	[tilespmem:s14], [sflag:$0x1] =	stream.indirect_vreg.gather [hbm4b:s2+s3], $0x80, v4, vm0, $0xb8;
	[tilespmem:$0x10400] =	vst v63  }
0x1e0: {  	s22 =	simm.s32 $0xC00  }
0x1e1: {  	[tilespmem:s22], [sflag:$0x1] =	stream.indirect_vreg.gather [hbm4b:s5+s3], $0x80, v4, vm0, $0xb8;
	[tilespmem:$0x10400] =	vst v63  }
0x1e2: {  	s22 =	simm.s32 $0x1400  }
0x1e3: {  	[tilespmem:s22], [sflag:$0x1] =	stream.indirect_vreg.gather [hbm4b:s2+s3], $0x80, v3, vm0, $0xb8;
	[tilespmem:$0x10400] =	vst v63  }
0x1e4: {  	s22 =	simm.s32 $0x1C00  }
0x1e5: {  	[tilespmem:s22], [sflag:$0x1] =	stream.indirect_vreg.gather [hbm4b:s5+s3], $0x80, v3, vm0, $0xb8;
	[tilespmem:$0x10400] =	vst v63  }
0x1e6: {  	v3 =	vld [tilespmem:$0x190];
	_ =	sdelay $0x4  }
0x1e7: {  	v25 =	vshll.u32 v3, $0x2  }
0x1e8: {  	v3 =	vand.u32 $0x7, v3;
	v4 =	vand.u32 $0xFFFFFFE0, v25  }
0x1e9: {  	v3 =	vor.u32 v3, v4  }
0x1ea: {  	v4 =	vperm.xlane v3, v0;
	_ =	sdelay $0x1  }
0x1eb: {  	v4 =	vadd.s32 v1, v4;
	_ =	sdelay $0x1  }
0x1ec: {  	v3 =	vperm.xlane v3, v2;
	_ =	sdelay $0x1  }
0x1ed: {  	s30 =	simm.s32 $0x2400;
	v3 =	vadd.s32 v1, v3  }
0x1ee: {  	[tilespmem:s30], [sflag:$0x1] =	stream.indirect_vreg.gather [hbm4b:s2+s3], $0x80, v4, vm0, $0xb8;
	[tilespmem:$0x10400] =	vst v63  }
0x1ef: {  	s31 =	simm.s32 $0x2C00  }
0x1f0: {  	[tilespmem:s31], [sflag:$0x1] =	stream.indirect_vreg.gather [hbm4b:s5+s3], $0x80, v4, vm0, $0xb8;
	[tilespmem:$0x10400] =	vst v63  }
0x1f1: {  	s0 =	simm.s32 $0x3400  }
0x1f2: {  	[tilespmem:s0], [sflag:$0x1] =	stream.indirect_vreg.gather [hbm4b:s2+s3], $0x80, v3, vm0, $0xb8;
	[tilespmem:$0x10400] =	vst v63  }
0x1f3: {  	s22 =	simm.s32 $0x3C00  }
0x1f4: {  	[tilespmem:s22], [sflag:$0x1] =	stream.indirect_vreg.gather [hbm4b:s5+s3], $0x80, v3, vm0, $0xb8;
	[tilespmem:$0x10400] =	vst v63  }
0x1f5: {  	v3 =	vld [tilespmem:$0x1A0];
	_ =	sdelay $0x4  }
0x1f6: {  	v26 =	vshll.u32 v3, $0x2  }
0x1f7: {  	v3 =	vand.u32 $0x7, v3;
	v4 =	vand.u32 $0xFFFFFFE0, v26  }
0x1f8: {  	v3 =	vor.u32 v3, v4  }
0x1f9: {  	v4 =	vperm.xlane v3, v0;
	_ =	sdelay $0x1  }
0x1fa: {  	v4 =	vadd.s32 v1, v4;
	_ =	sdelay $0x1  }
0x1fb: {  	v3 =	vperm.xlane v3, v2;
	_ =	sdelay $0x1  }
0x1fc: {  	s1 =	simm.s32 $0x4400;
	v3 =	vadd.s32 v1, v3  }
0x1fd: {  	[tilespmem:s1], [sflag:$0x1] =	stream.indirect_vreg.gather [hbm4b:s2+s3], $0x80, v4, vm0, $0xb8;
	[tilespmem:$0x10400] =	vst v63  }
0x1fe: {  	s7 =	simm.s32 $0x4C00  }
0x1ff: {  	[tilespmem:s7], [sflag:$0x1] =	stream.indirect_vreg.gather [hbm4b:s5+s3], $0x80, v4, vm0, $0xb8;
	[tilespmem:$0x10400] =	vst v63  }
0x200: {  	s9 =	simm.s32 $0x5400  }
0x201: {  	[tilespmem:s9], [sflag:$0x1] =	stream.indirect_vreg.gather [hbm4b:s2+s3], $0x80, v3, vm0, $0xb8;
	[tilespmem:$0x10400] =	vst v63  }
0x202: {  	s22 =	simm.s32 $0x5C00  }
0x203: {  	[tilespmem:s22], [sflag:$0x1] =	stream.indirect_vreg.gather [hbm4b:s5+s3], $0x80, v3, vm0, $0xb8;
	[tilespmem:$0x10400] =	vst v63  }
0x204: {  	v3 =	vld [tilespmem:$0x1B0];
	_ =	sdelay $0x4  }
0x205: {  	v27 =	vshll.u32 v3, $0x2  }
0x206: {  	v3 =	vand.u32 $0x7, v3;
	v4 =	vand.u32 $0xFFFFFFE0, v27  }
0x207: {  	v3 =	vor.u32 v3, v4  }
0x208: {  	v4 =	vperm.xlane v3, v0;
	_ =	sdelay $0x1  }
0x209: {  	v4 =	vadd.s32 v1, v4;
	_ =	sdelay $0x1  }
0x20a: {  	v3 =	vperm.xlane v3, v2;
	_ =	sdelay $0x1  }
0x20b: {  	s10 =	simm.s32 $0x6400;
	v3 =	vadd.s32 v1, v3  }
0x20c: {  	[tilespmem:s10], [sflag:$0x1] =	stream.indirect_vreg.gather [hbm4b:s2+s3], $0x80, v4, vm0, $0xb8;
	[tilespmem:$0x10400] =	vst v63  }
0x20d: {  	s11 =	simm.s32 $0x6C00  }
0x20e: {  	[tilespmem:s11], [sflag:$0x1] =	stream.indirect_vreg.gather [hbm4b:s5+s3], $0x80, v4, vm0, $0xb8;
	[tilespmem:$0x10400] =	vst v63  }
0x20f: {  	s12 =	simm.s32 $0x7400  }
0x210: {  	[tilespmem:s12], [sflag:$0x1] =	stream.indirect_vreg.gather [hbm4b:s2+s3], $0x80, v3, vm0, $0xb8;
	[tilespmem:$0x10400] =	vst v63  }
0x211: {  	s13 =	simm.s32 $0x7C00  }
0x212: {  	[tilespmem:s13], [sflag:$0x1] =	stream.indirect_vreg.gather [hbm4b:s5+s3], $0x80, v3, vm0, $0xb8;
	[tilespmem:$0x10400] =	vst v63  }
0x213: {  	_ =	swait.ge [sflag:s20], $0x8000  }
0x214: {  	[sflag:s20] =	ssyncset.done $0x0  }
0x215: {  	s22 =	rddreg [dreg:$0x10];
	[sflag:s20] =	ssyncadd.s32 $0xFFFF8000  }
0x216: {  	[hbm4b:s22+s3] =	stream.linear.scatter [tilespmem:s25], [sflag:$0x4], $0x8000, $0x38;
	[tilespmem:$0x10400] =	vst v63  }
0x217: {  	_ =	swait.ge [sflag:s21], $0x8000  }
0x218: {  	[sflag:s21] =	ssyncset.done $0x0  }
0x219: {  	[sflag:s21] =	ssyncadd.s32 $0xFFFF8000  }
0x21a: {  	v3 =	vld [tilespmem:$0x180];
	_ =	sdelay $0x4  }
0x21b: {  	v28 =	vshll.u32 v3, $0x2  }
0x21c: {  	v3 =	vand.u32 $0x7, v3;
	v4 =	vand.u32 $0xFFFFFFE0, v28  }
0x21d: {  	v3 =	vor.u32 v3, v4  }
0x21e: {  	v4 =	vperm.xlane v3, v0;
	_ =	sdelay $0x1  }
0x21f: {  	v4 =	vadd.s32 v1, v4;
	_ =	sdelay $0x1  }
0x220: {  	v3 =	vperm.xlane v3, v2;
	_ =	sdelay $0x1  }
0x221: {  	v3 =	vadd.s32 v1, v3  }
0x222: {  	[tilespmem:s25], [sflag:$0x2] =	stream.indirect_vreg.gather [hbm4b:s4+s3], $0x80, v4, vm0, $0xb8;
	[tilespmem:$0x10400] =	vst v63  }
0x223: {  	s22 =	simm.s32 $0x8C00  }
0x224: {  	[tilespmem:s22], [sflag:$0x2] =	stream.indirect_vreg.gather [hbm4b:s6+s3], $0x80, v4, vm0, $0xb8;
	[tilespmem:$0x10400] =	vst v63  }
0x225: {  	s22 =	simm.s32 $0x9400  }
0x226: {  	[tilespmem:s22], [sflag:$0x2] =	stream.indirect_vreg.gather [hbm4b:s4+s3], $0x80, v3, vm0, $0xb8;
	[tilespmem:$0x10400] =	vst v63  }
0x227: {  	s22 =	simm.s32 $0x9C00  }
0x228: {  	[tilespmem:s22], [sflag:$0x2] =	stream.indirect_vreg.gather [hbm4b:s6+s3], $0x80, v3, vm0, $0xb8;
	[tilespmem:$0x10400] =	vst v63  }
0x229: {  	v3 =	vld [tilespmem:$0x190];
	_ =	sdelay $0x4  }
0x22a: {  	v29 =	vshll.u32 v3, $0x2  }
0x22b: {  	v3 =	vand.u32 $0x7, v3;
	v4 =	vand.u32 $0xFFFFFFE0, v29  }
0x22c: {  	v3 =	vor.u32 v3, v4  }
0x22d: {  	v4 =	vperm.xlane v3, v0;
	_ =	sdelay $0x1  }
0x22e: {  	v4 =	vadd.s32 v1, v4;
	_ =	sdelay $0x1  }
0x22f: {  	v3 =	vperm.xlane v3, v2;
	_ =	sdelay $0x1  }
0x230: {  	s15 =	simm.s32 $0xA400;
	v3 =	vadd.s32 v1, v3  }
0x231: {  	[tilespmem:s15], [sflag:$0x2] =	stream.indirect_vreg.gather [hbm4b:s4+s3], $0x80, v4, vm0, $0xb8;
	[tilespmem:$0x10400] =	vst v63  }
0x232: {  	s16 =	simm.s32 $0xAC00  }
0x233: {  	[tilespmem:s16], [sflag:$0x2] =	stream.indirect_vreg.gather [hbm4b:s6+s3], $0x80, v4, vm0, $0xb8;
	[tilespmem:$0x10400] =	vst v63  }
0x234: {  	s24 =	simm.s32 $0xB400  }
0x235: {  	[tilespmem:s24], [sflag:$0x2] =	stream.indirect_vreg.gather [hbm4b:s4+s3], $0x80, v3, vm0, $0xb8;
	[tilespmem:$0x10400] =	vst v63  }
0x236: {  	s22 =	simm.s32 $0xBC00  }
0x237: {  	[tilespmem:s22], [sflag:$0x2] =	stream.indirect_vreg.gather [hbm4b:s6+s3], $0x80, v3, vm0, $0xb8;
	[tilespmem:$0x10400] =	vst v63  }
0x238: {  	v3 =	vld [tilespmem:$0x1A0];
	_ =	sdelay $0x4  }
0x239: {  	v30 =	vshll.u32 v3, $0x2  }
0x23a: {  	v3 =	vand.u32 $0x7, v3;
	v4 =	vand.u32 $0xFFFFFFE0, v30  }
0x23b: {  	v3 =	vor.u32 v3, v4  }
0x23c: {  	v4 =	vperm.xlane v3, v0;
	_ =	sdelay $0x1  }
0x23d: {  	v4 =	vadd.s32 v1, v4;
	_ =	sdelay $0x1  }
0x23e: {  	v3 =	vperm.xlane v3, v2;
	_ =	sdelay $0x1  }
0x23f: {  	s17 =	simm.s32 $0xC400;
	v3 =	vadd.s32 v1, v3  }
0x240: {  	[tilespmem:s17], [sflag:$0x2] =	stream.indirect_vreg.gather [hbm4b:s4+s3], $0x80, v4, vm0, $0xb8;
	[tilespmem:$0x10400] =	vst v63  }
0x241: {  	s23 =	simm.s32 $0xCC00  }
0x242: {  	[tilespmem:s23], [sflag:$0x2] =	stream.indirect_vreg.gather [hbm4b:s6+s3], $0x80, v4, vm0, $0xb8;
	[tilespmem:$0x10400] =	vst v63  }
0x243: {  	s26 =	simm.s32 $0xD400  }
0x244: {  	[tilespmem:s26], [sflag:$0x2] =	stream.indirect_vreg.gather [hbm4b:s4+s3], $0x80, v3, vm0, $0xb8;
	[tilespmem:$0x10400] =	vst v63  }
0x245: {  	s22 =	simm.s32 $0xDC00  }
0x246: {  	[tilespmem:s22], [sflag:$0x2] =	stream.indirect_vreg.gather [hbm4b:s6+s3], $0x80, v3, vm0, $0xb8;
	[tilespmem:$0x10400] =	vst v63  }
0x247: {  	v3 =	vld [tilespmem:$0x1B0];
	_ =	sdelay $0x4  }
0x248: {  	v31 =	vshll.u32 v3, $0x2  }
0x249: {  	v3 =	vand.u32 $0x7, v3;
	v4 =	vand.u32 $0xFFFFFFE0, v31  }
0x24a: {  	v3 =	vor.u32 v3, v4  }
0x24b: {  	v4 =	vperm.xlane v3, v0;
	_ =	sdelay $0x1  }
0x24c: {  	v4 =	vadd.s32 v1, v4;
	_ =	sdelay $0x1  }
0x24d: {  	v3 =	vperm.xlane v3, v2;
	_ =	sdelay $0x1  }
0x24e: {  	s28 =	simm.s32 $0xE400;
	v3 =	vadd.s32 v1, v3  }
0x24f: {  	[tilespmem:s28], [sflag:$0x2] =	stream.indirect_vreg.gather [hbm4b:s4+s3], $0x80, v4, vm0, $0xb8;
	[tilespmem:$0x10400] =	vst v63  }
0x250: {  	s22 =	simm.s32 $0xEC00  }
0x251: {  	[tilespmem:s22], [sflag:$0x2] =	stream.indirect_vreg.gather [hbm4b:s6+s3], $0x80, v4, vm0, $0xb8;
	[tilespmem:$0x10400] =	vst v63  }
0x252: {  	s22 =	simm.s32 $0xF400  }
0x253: {  	[tilespmem:s22], [sflag:$0x2] =	stream.indirect_vreg.gather [hbm4b:s4+s3], $0x80, v3, vm0, $0xb8;
	[tilespmem:$0x10400] =	vst v63  }
0x254: {  	s29 =	simm.s32 $0xFC00  }
0x255: {  	[tilespmem:s29], [sflag:$0x2] =	stream.indirect_vreg.gather [hbm4b:s6+s3], $0x80, v3, vm0, $0xb8;
	[tilespmem:$0x10400] =	vst v63  }
0x256: {  	_ =	swait.ge [sflag:s18], $0x8000  }
0x257: {  	[sflag:s18] =	ssyncset.done $0x0  }
0x258: {  	s22 =	rddreg [dreg:$0x11];
	[sflag:s18] =	ssyncadd.s32 $0xFFFF8000  }
0x259: {  	[hbm4b:s22+s3] =	stream.linear.scatter [tilespmem:s14], [sflag:$0x3], $0x8000, $0x38;
	[tilespmem:$0x10400] =	vst v63  }
0x25a: {  	_ =	swait.ge [sflag:s19], $0x8000  }
0x25b: {  	[sflag:s19] =	ssyncset.done $0x0  }
0x25c: {  	[sflag:s19] =	ssyncadd.s32 $0xFFFF8000  }
0x25d: {  	v3 =	vld [tilespmem:$0x200];
	_ =	sdelay $0x4  }
0x25e: {  	v32 =	vshll.u32 v3, $0x2  }
0x25f: {  	v3 =	vand.u32 $0x7, v3;
	v4 =	vand.u32 $0xFFFFFFE0, v32  }
0x260: {  	v3 =	vor.u32 v3, v4  }
0x261: {  	v4 =	vperm.xlane v3, v0;
	_ =	sdelay $0x1  }
0x262: {  	v4 =	vadd.s32 v1, v4;
	_ =	sdelay $0x1  }
0x263: {  	v3 =	vperm.xlane v3, v2;
	_ =	sdelay $0x1  }
0x264: {  	v3 =	vadd.s32 v1, v3  }
0x265: {  	[tilespmem:s14], [sflag:$0x1] =	stream.indirect_vreg.gather [hbm4b:s2+s3], $0x80, v4, vm0, $0xb8;
	[tilespmem:$0x10400] =	vst v63  }
0x266: {  	s22 =	simm.s32 $0xC00  }
0x267: {  	[tilespmem:s22], [sflag:$0x1] =	stream.indirect_vreg.gather [hbm4b:s5+s3], $0x80, v4, vm0, $0xb8;
	[tilespmem:$0x10400] =	vst v63  }
0x268: {  	s22 =	simm.s32 $0x1400  }
0x269: {  	[tilespmem:s22], [sflag:$0x1] =	stream.indirect_vreg.gather [hbm4b:s2+s3], $0x80, v3, vm0, $0xb8;
	[tilespmem:$0x10400] =	vst v63  }
0x26a: {  	s22 =	simm.s32 $0x1C00  }
0x26b: {  	[tilespmem:s22], [sflag:$0x1] =	stream.indirect_vreg.gather [hbm4b:s5+s3], $0x80, v3, vm0, $0xb8;
	[tilespmem:$0x10400] =	vst v63  }
0x26c: {  	v3 =	vld [tilespmem:$0x210];
	_ =	sdelay $0x4  }
0x26d: {  	v33 =	vshll.u32 v3, $0x2  }
0x26e: {  	v3 =	vand.u32 $0x7, v3;
	v4 =	vand.u32 $0xFFFFFFE0, v33  }
0x26f: {  	v3 =	vor.u32 v3, v4  }
0x270: {  	v4 =	vperm.xlane v3, v0;
	_ =	sdelay $0x1  }
0x271: {  	v4 =	vadd.s32 v1, v4;
	_ =	sdelay $0x1  }
0x272: {  	v3 =	vperm.xlane v3, v2;
	_ =	sdelay $0x1  }
0x273: {  	s30 =	simm.s32 $0x2400;
	v3 =	vadd.s32 v1, v3  }
0x274: {  	[tilespmem:s30], [sflag:$0x1] =	stream.indirect_vreg.gather [hbm4b:s2+s3], $0x80, v4, vm0, $0xb8;
	[tilespmem:$0x10400] =	vst v63  }
0x275: {  	s31 =	simm.s32 $0x2C00  }
0x276: {  	[tilespmem:s31], [sflag:$0x1] =	stream.indirect_vreg.gather [hbm4b:s5+s3], $0x80, v4, vm0, $0xb8;
	[tilespmem:$0x10400] =	vst v63  }
0x277: {  	s0 =	simm.s32 $0x3400  }
0x278: {  	[tilespmem:s0], [sflag:$0x1] =	stream.indirect_vreg.gather [hbm4b:s2+s3], $0x80, v3, vm0, $0xb8;
	[tilespmem:$0x10400] =	vst v63  }
0x279: {  	s22 =	simm.s32 $0x3C00  }
0x27a: {  	[tilespmem:s22], [sflag:$0x1] =	stream.indirect_vreg.gather [hbm4b:s5+s3], $0x80, v3, vm0, $0xb8;
	[tilespmem:$0x10400] =	vst v63  }
0x27b: {  	v3 =	vld [tilespmem:$0x220];
	_ =	sdelay $0x4  }
0x27c: {  	v34 =	vshll.u32 v3, $0x2  }
0x27d: {  	v3 =	vand.u32 $0x7, v3;
	v4 =	vand.u32 $0xFFFFFFE0, v34  }
0x27e: {  	v3 =	vor.u32 v3, v4  }
0x27f: {  	v4 =	vperm.xlane v3, v0;
	_ =	sdelay $0x1  }
0x280: {  	v4 =	vadd.s32 v1, v4;
	_ =	sdelay $0x1  }
0x281: {  	v3 =	vperm.xlane v3, v2;
	_ =	sdelay $0x1  }
0x282: {  	s1 =	simm.s32 $0x4400;
	v3 =	vadd.s32 v1, v3  }
0x283: {  	[tilespmem:s1], [sflag:$0x1] =	stream.indirect_vreg.gather [hbm4b:s2+s3], $0x80, v4, vm0, $0xb8;
	[tilespmem:$0x10400] =	vst v63  }
0x284: {  	s7 =	simm.s32 $0x4C00  }
0x285: {  	[tilespmem:s7], [sflag:$0x1] =	stream.indirect_vreg.gather [hbm4b:s5+s3], $0x80, v4, vm0, $0xb8;
	[tilespmem:$0x10400] =	vst v63  }
0x286: {  	s9 =	simm.s32 $0x5400  }
0x287: {  	[tilespmem:s9], [sflag:$0x1] =	stream.indirect_vreg.gather [hbm4b:s2+s3], $0x80, v3, vm0, $0xb8;
	[tilespmem:$0x10400] =	vst v63  }
0x288: {  	s22 =	simm.s32 $0x5C00  }
0x289: {  	[tilespmem:s22], [sflag:$0x1] =	stream.indirect_vreg.gather [hbm4b:s5+s3], $0x80, v3, vm0, $0xb8;
	[tilespmem:$0x10400] =	vst v63  }
0x28a: {  	v3 =	vld [tilespmem:$0x230];
	_ =	sdelay $0x4  }
0x28b: {  	v35 =	vshll.u32 v3, $0x2  }
0x28c: {  	v3 =	vand.u32 $0x7, v3;
	v4 =	vand.u32 $0xFFFFFFE0, v35  }
0x28d: {  	v3 =	vor.u32 v3, v4  }
0x28e: {  	v4 =	vperm.xlane v3, v0;
	_ =	sdelay $0x1  }
0x28f: {  	v4 =	vadd.s32 v1, v4;
	_ =	sdelay $0x1  }
0x290: {  	v3 =	vperm.xlane v3, v2;
	_ =	sdelay $0x1  }
0x291: {  	s10 =	simm.s32 $0x6400;
	v3 =	vadd.s32 v1, v3  }
0x292: {  	[tilespmem:s10], [sflag:$0x1] =	stream.indirect_vreg.gather [hbm4b:s2+s3], $0x80, v4, vm0, $0xb8;
	[tilespmem:$0x10400] =	vst v63  }
0x293: {  	s11 =	simm.s32 $0x6C00  }
0x294: {  	[tilespmem:s11], [sflag:$0x1] =	stream.indirect_vreg.gather [hbm4b:s5+s3], $0x80, v4, vm0, $0xb8;
	[tilespmem:$0x10400] =	vst v63  }
0x295: {  	s12 =	simm.s32 $0x7400  }
0x296: {  	[tilespmem:s12], [sflag:$0x1] =	stream.indirect_vreg.gather [hbm4b:s2+s3], $0x80, v3, vm0, $0xb8;
	[tilespmem:$0x10400] =	vst v63  }
0x297: {  	s13 =	simm.s32 $0x7C00  }
0x298: {  	[tilespmem:s13], [sflag:$0x1] =	stream.indirect_vreg.gather [hbm4b:s5+s3], $0x80, v3, vm0, $0xb8;
	[tilespmem:$0x10400] =	vst v63  }
0x299: {  	_ =	swait.ge [sflag:s20], $0x8000  }
0x29a: {  	[sflag:s20] =	ssyncset.done $0x0  }
0x29b: {  	s22 =	rddreg [dreg:$0x12];
	[sflag:s20] =	ssyncadd.s32 $0xFFFF8000  }
0x29c: {  	[hbm4b:s22+s3] =	stream.linear.scatter [tilespmem:s25], [sflag:$0x4], $0x8000, $0x38;
	[tilespmem:$0x10400] =	vst v63  }
0x29d: {  	_ =	swait.ge [sflag:s21], $0x8000  }
0x29e: {  	[sflag:s21] =	ssyncset.done $0x0  }
0x29f: {  	[sflag:s21] =	ssyncadd.s32 $0xFFFF8000  }
0x2a0: {  	v3 =	vld [tilespmem:$0x200];
	_ =	sdelay $0x4  }
0x2a1: {  	v36 =	vshll.u32 v3, $0x2  }
0x2a2: {  	v3 =	vand.u32 $0x7, v3;
	v4 =	vand.u32 $0xFFFFFFE0, v36  }
0x2a3: {  	v3 =	vor.u32 v3, v4  }
0x2a4: {  	v4 =	vperm.xlane v3, v0;
	_ =	sdelay $0x1  }
0x2a5: {  	v4 =	vadd.s32 v1, v4;
	_ =	sdelay $0x1  }
0x2a6: {  	v3 =	vperm.xlane v3, v2;
	_ =	sdelay $0x1  }
0x2a7: {  	v3 =	vadd.s32 v1, v3  }
0x2a8: {  	[tilespmem:s25], [sflag:$0x2] =	stream.indirect_vreg.gather [hbm4b:s4+s3], $0x80, v4, vm0, $0xb8;
	[tilespmem:$0x10400] =	vst v63  }
0x2a9: {  	s22 =	simm.s32 $0x8C00  }
0x2aa: {  	[tilespmem:s22], [sflag:$0x2] =	stream.indirect_vreg.gather [hbm4b:s6+s3], $0x80, v4, vm0, $0xb8;
	[tilespmem:$0x10400] =	vst v63  }
0x2ab: {  	s22 =	simm.s32 $0x9400  }
0x2ac: {  	[tilespmem:s22], [sflag:$0x2] =	stream.indirect_vreg.gather [hbm4b:s4+s3], $0x80, v3, vm0, $0xb8;
	[tilespmem:$0x10400] =	vst v63  }
0x2ad: {  	s22 =	simm.s32 $0x9C00  }
0x2ae: {  	[tilespmem:s22], [sflag:$0x2] =	stream.indirect_vreg.gather [hbm4b:s6+s3], $0x80, v3, vm0, $0xb8;
	[tilespmem:$0x10400] =	vst v63  }
0x2af: {  	v3 =	vld [tilespmem:$0x210];
	_ =	sdelay $0x4  }
0x2b0: {  	v37 =	vshll.u32 v3, $0x2  }
0x2b1: {  	v3 =	vand.u32 $0x7, v3;
	v4 =	vand.u32 $0xFFFFFFE0, v37  }
0x2b2: {  	v3 =	vor.u32 v3, v4  }
0x2b3: {  	v4 =	vperm.xlane v3, v0;
	_ =	sdelay $0x1  }
0x2b4: {  	v4 =	vadd.s32 v1, v4;
	_ =	sdelay $0x1  }
0x2b5: {  	v3 =	vperm.xlane v3, v2;
	_ =	sdelay $0x1  }
0x2b6: {  	s15 =	simm.s32 $0xA400;
	v3 =	vadd.s32 v1, v3  }
0x2b7: {  	[tilespmem:s15], [sflag:$0x2] =	stream.indirect_vreg.gather [hbm4b:s4+s3], $0x80, v4, vm0, $0xb8;
	[tilespmem:$0x10400] =	vst v63  }
0x2b8: {  	s16 =	simm.s32 $0xAC00  }
0x2b9: {  	[tilespmem:s16], [sflag:$0x2] =	stream.indirect_vreg.gather [hbm4b:s6+s3], $0x80, v4, vm0, $0xb8;
	[tilespmem:$0x10400] =	vst v63  }
0x2ba: {  	s24 =	simm.s32 $0xB400  }
0x2bb: {  	[tilespmem:s24], [sflag:$0x2] =	stream.indirect_vreg.gather [hbm4b:s4+s3], $0x80, v3, vm0, $0xb8;
	[tilespmem:$0x10400] =	vst v63  }
0x2bc: {  	s22 =	simm.s32 $0xBC00  }
0x2bd: {  	[tilespmem:s22], [sflag:$0x2] =	stream.indirect_vreg.gather [hbm4b:s6+s3], $0x80, v3, vm0, $0xb8;
	[tilespmem:$0x10400] =	vst v63  }
0x2be: {  	v3 =	vld [tilespmem:$0x220];
	_ =	sdelay $0x4  }
0x2bf: {  	v38 =	vshll.u32 v3, $0x2  }
0x2c0: {  	v3 =	vand.u32 $0x7, v3;
	v4 =	vand.u32 $0xFFFFFFE0, v38  }
0x2c1: {  	v3 =	vor.u32 v3, v4  }
0x2c2: {  	v4 =	vperm.xlane v3, v0;
	_ =	sdelay $0x1  }
0x2c3: {  	v4 =	vadd.s32 v1, v4;
	_ =	sdelay $0x1  }
0x2c4: {  	v3 =	vperm.xlane v3, v2;
	_ =	sdelay $0x1  }
0x2c5: {  	s17 =	simm.s32 $0xC400;
	v3 =	vadd.s32 v1, v3  }
0x2c6: {  	[tilespmem:s17], [sflag:$0x2] =	stream.indirect_vreg.gather [hbm4b:s4+s3], $0x80, v4, vm0, $0xb8;
	[tilespmem:$0x10400] =	vst v63  }
0x2c7: {  	s23 =	simm.s32 $0xCC00  }
0x2c8: {  	[tilespmem:s23], [sflag:$0x2] =	stream.indirect_vreg.gather [hbm4b:s6+s3], $0x80, v4, vm0, $0xb8;
	[tilespmem:$0x10400] =	vst v63  }
0x2c9: {  	s26 =	simm.s32 $0xD400  }
0x2ca: {  	[tilespmem:s26], [sflag:$0x2] =	stream.indirect_vreg.gather [hbm4b:s4+s3], $0x80, v3, vm0, $0xb8;
	[tilespmem:$0x10400] =	vst v63  }
0x2cb: {  	s22 =	simm.s32 $0xDC00  }
0x2cc: {  	[tilespmem:s22], [sflag:$0x2] =	stream.indirect_vreg.gather [hbm4b:s6+s3], $0x80, v3, vm0, $0xb8;
	[tilespmem:$0x10400] =	vst v63  }
0x2cd: {  	v3 =	vld [tilespmem:$0x230];
	_ =	sdelay $0x4  }
0x2ce: {  	v39 =	vshll.u32 v3, $0x2  }
0x2cf: {  	v3 =	vand.u32 $0x7, v3;
	v4 =	vand.u32 $0xFFFFFFE0, v39  }
0x2d0: {  	v3 =	vor.u32 v3, v4  }
0x2d1: {  	v4 =	vperm.xlane v3, v0;
	_ =	sdelay $0x1  }
0x2d2: {  	v4 =	vadd.s32 v1, v4;
	_ =	sdelay $0x1  }
0x2d3: {  	v3 =	vperm.xlane v3, v2;
	_ =	sdelay $0x1  }
0x2d4: {  	s28 =	simm.s32 $0xE400;
	v3 =	vadd.s32 v1, v3  }
0x2d5: {  	[tilespmem:s28], [sflag:$0x2] =	stream.indirect_vreg.gather [hbm4b:s4+s3], $0x80, v4, vm0, $0xb8;
	[tilespmem:$0x10400] =	vst v63  }
0x2d6: {  	s22 =	simm.s32 $0xEC00  }
0x2d7: {  	[tilespmem:s22], [sflag:$0x2] =	stream.indirect_vreg.gather [hbm4b:s6+s3], $0x80, v4, vm0, $0xb8;
	[tilespmem:$0x10400] =	vst v63  }
0x2d8: {  	s22 =	simm.s32 $0xF400  }
0x2d9: {  	[tilespmem:s22], [sflag:$0x2] =	stream.indirect_vreg.gather [hbm4b:s4+s3], $0x80, v3, vm0, $0xb8;
	[tilespmem:$0x10400] =	vst v63  }
0x2da: {  	s29 =	simm.s32 $0xFC00  }
0x2db: {  	[tilespmem:s29], [sflag:$0x2] =	stream.indirect_vreg.gather [hbm4b:s6+s3], $0x80, v3, vm0, $0xb8;
	[tilespmem:$0x10400] =	vst v63  }
0x2dc: {  	_ =	swait.ge [sflag:s18], $0x8000  }
0x2dd: {  	[sflag:s18] =	ssyncset.done $0x0  }
0x2de: {  	s22 =	rddreg [dreg:$0x13];
	[sflag:s18] =	ssyncadd.s32 $0xFFFF8000  }
0x2df: {  	[hbm4b:s22+s3] =	stream.linear.scatter [tilespmem:s14], [sflag:$0x3], $0x8000, $0x38;
	[tilespmem:$0x10400] =	vst v63  }
0x2e0: {  	_ =	swait.ge [sflag:s19], $0x8000  }
0x2e1: {  	[sflag:s19] =	ssyncset.done $0x0  }
0x2e2: {  	[sflag:s19] =	ssyncadd.s32 $0xFFFF8000  }
0x2e3: {  	v3 =	vld [tilespmem:$0x280];
	_ =	sdelay $0x4  }
0x2e4: {  	v40 =	vshll.u32 v3, $0x2  }
0x2e5: {  	v3 =	vand.u32 $0x7, v3;
	v4 =	vand.u32 $0xFFFFFFE0, v40  }
0x2e6: {  	v3 =	vor.u32 v3, v4  }
0x2e7: {  	v4 =	vperm.xlane v3, v0;
	_ =	sdelay $0x1  }
0x2e8: {  	v4 =	vadd.s32 v1, v4;
	_ =	sdelay $0x1  }
0x2e9: {  	v3 =	vperm.xlane v3, v2;
	_ =	sdelay $0x1  }
0x2ea: {  	v3 =	vadd.s32 v1, v3  }
0x2eb: {  	[tilespmem:s14], [sflag:$0x1] =	stream.indirect_vreg.gather [hbm4b:s2+s3], $0x80, v4, vm0, $0xb8;
	[tilespmem:$0x10400] =	vst v63  }
0x2ec: {  	s22 =	simm.s32 $0xC00  }
0x2ed: {  	[tilespmem:s22], [sflag:$0x1] =	stream.indirect_vreg.gather [hbm4b:s5+s3], $0x80, v4, vm0, $0xb8;
	[tilespmem:$0x10400] =	vst v63  }
0x2ee: {  	s22 =	simm.s32 $0x1400  }
0x2ef: {  	[tilespmem:s22], [sflag:$0x1] =	stream.indirect_vreg.gather [hbm4b:s2+s3], $0x80, v3, vm0, $0xb8;
	[tilespmem:$0x10400] =	vst v63  }
0x2f0: {  	s22 =	simm.s32 $0x1C00  }
0x2f1: {  	[tilespmem:s22], [sflag:$0x1] =	stream.indirect_vreg.gather [hbm4b:s5+s3], $0x80, v3, vm0, $0xb8;
	[tilespmem:$0x10400] =	vst v63  }
0x2f2: {  	v3 =	vld [tilespmem:$0x290];
	_ =	sdelay $0x4  }
0x2f3: {  	v41 =	vshll.u32 v3, $0x2  }
0x2f4: {  	v3 =	vand.u32 $0x7, v3;
	v4 =	vand.u32 $0xFFFFFFE0, v41  }
0x2f5: {  	v3 =	vor.u32 v3, v4  }
0x2f6: {  	v4 =	vperm.xlane v3, v0;
	_ =	sdelay $0x1  }
0x2f7: {  	v4 =	vadd.s32 v1, v4;
	_ =	sdelay $0x1  }
0x2f8: {  	v3 =	vperm.xlane v3, v2;
	_ =	sdelay $0x1  }
0x2f9: {  	s30 =	simm.s32 $0x2400;
	v3 =	vadd.s32 v1, v3  }
0x2fa: {  	[tilespmem:s30], [sflag:$0x1] =	stream.indirect_vreg.gather [hbm4b:s2+s3], $0x80, v4, vm0, $0xb8;
	[tilespmem:$0x10400] =	vst v63  }
0x2fb: {  	s31 =	simm.s32 $0x2C00  }
0x2fc: {  	[tilespmem:s31], [sflag:$0x1] =	stream.indirect_vreg.gather [hbm4b:s5+s3], $0x80, v4, vm0, $0xb8;
	[tilespmem:$0x10400] =	vst v63  }
0x2fd: {  	s0 =	simm.s32 $0x3400  }
0x2fe: {  	[tilespmem:s0], [sflag:$0x1] =	stream.indirect_vreg.gather [hbm4b:s2+s3], $0x80, v3, vm0, $0xb8;
	[tilespmem:$0x10400] =	vst v63  }
0x2ff: {  	s22 =	simm.s32 $0x3C00  }
0x300: {  	[tilespmem:s22], [sflag:$0x1] =	stream.indirect_vreg.gather [hbm4b:s5+s3], $0x80, v3, vm0, $0xb8;
	[tilespmem:$0x10400] =	vst v63  }
0x301: {  	v3 =	vld [tilespmem:$0x2A0];
	_ =	sdelay $0x4  }
0x302: {  	v42 =	vshll.u32 v3, $0x2  }
0x303: {  	v3 =	vand.u32 $0x7, v3;
	v4 =	vand.u32 $0xFFFFFFE0, v42  }
0x304: {  	v3 =	vor.u32 v3, v4  }
0x305: {  	v4 =	vperm.xlane v3, v0;
	_ =	sdelay $0x1  }
0x306: {  	v4 =	vadd.s32 v1, v4;
	_ =	sdelay $0x1  }
0x307: {  	v3 =	vperm.xlane v3, v2;
	_ =	sdelay $0x1  }
0x308: {  	s1 =	simm.s32 $0x4400;
	v3 =	vadd.s32 v1, v3  }
0x309: {  	[tilespmem:s1], [sflag:$0x1] =	stream.indirect_vreg.gather [hbm4b:s2+s3], $0x80, v4, vm0, $0xb8;
	[tilespmem:$0x10400] =	vst v63  }
0x30a: {  	s7 =	simm.s32 $0x4C00  }
0x30b: {  	[tilespmem:s7], [sflag:$0x1] =	stream.indirect_vreg.gather [hbm4b:s5+s3], $0x80, v4, vm0, $0xb8;
	[tilespmem:$0x10400] =	vst v63  }
0x30c: {  	s9 =	simm.s32 $0x5400  }
0x30d: {  	[tilespmem:s9], [sflag:$0x1] =	stream.indirect_vreg.gather [hbm4b:s2+s3], $0x80, v3, vm0, $0xb8;
	[tilespmem:$0x10400] =	vst v63  }
0x30e: {  	s22 =	simm.s32 $0x5C00  }
0x30f: {  	[tilespmem:s22], [sflag:$0x1] =	stream.indirect_vreg.gather [hbm4b:s5+s3], $0x80, v3, vm0, $0xb8;
	[tilespmem:$0x10400] =	vst v63  }
0x310: {  	v3 =	vld [tilespmem:$0x2B0];
	_ =	sdelay $0x4  }
0x311: {  	v43 =	vshll.u32 v3, $0x2  }
0x312: {  	v3 =	vand.u32 $0x7, v3;
	v4 =	vand.u32 $0xFFFFFFE0, v43  }
0x313: {  	v3 =	vor.u32 v3, v4  }
0x314: {  	v4 =	vperm.xlane v3, v0;
	_ =	sdelay $0x1  }
0x315: {  	v4 =	vadd.s32 v1, v4;
	_ =	sdelay $0x1  }
0x316: {  	v3 =	vperm.xlane v3, v2;
	_ =	sdelay $0x1  }
0x317: {  	s10 =	simm.s32 $0x6400;
	v3 =	vadd.s32 v1, v3  }
0x318: {  	[tilespmem:s10], [sflag:$0x1] =	stream.indirect_vreg.gather [hbm4b:s2+s3], $0x80, v4, vm0, $0xb8;
	[tilespmem:$0x10400] =	vst v63  }
0x319: {  	s11 =	simm.s32 $0x6C00  }
0x31a: {  	[tilespmem:s11], [sflag:$0x1] =	stream.indirect_vreg.gather [hbm4b:s5+s3], $0x80, v4, vm0, $0xb8;
	[tilespmem:$0x10400] =	vst v63  }
0x31b: {  	s12 =	simm.s32 $0x7400  }
0x31c: {  	[tilespmem:s12], [sflag:$0x1] =	stream.indirect_vreg.gather [hbm4b:s2+s3], $0x80, v3, vm0, $0xb8;
	[tilespmem:$0x10400] =	vst v63  }
0x31d: {  	s13 =	simm.s32 $0x7C00  }
0x31e: {  	[tilespmem:s13], [sflag:$0x1] =	stream.indirect_vreg.gather [hbm4b:s5+s3], $0x80, v3, vm0, $0xb8;
	[tilespmem:$0x10400] =	vst v63  }
0x31f: {  	_ =	swait.ge [sflag:s20], $0x8000  }
0x320: {  	[sflag:s20] =	ssyncset.done $0x0  }
0x321: {  	s22 =	rddreg [dreg:$0x14];
	[sflag:s20] =	ssyncadd.s32 $0xFFFF8000  }
0x322: {  	[hbm4b:s22+s3] =	stream.linear.scatter [tilespmem:s25], [sflag:$0x4], $0x8000, $0x38;
	[tilespmem:$0x10400] =	vst v63  }
0x323: {  	_ =	swait.ge [sflag:s21], $0x8000  }
0x324: {  	[sflag:s21] =	ssyncset.done $0x0  }
0x325: {  	[sflag:s21] =	ssyncadd.s32 $0xFFFF8000  }
0x326: {  	v3 =	vld [tilespmem:$0x280];
	_ =	sdelay $0x4  }
0x327: {  	v44 =	vshll.u32 v3, $0x2  }
0x328: {  	v3 =	vand.u32 $0x7, v3;
	v4 =	vand.u32 $0xFFFFFFE0, v44  }
0x329: {  	v3 =	vor.u32 v3, v4  }
0x32a: {  	v4 =	vperm.xlane v3, v0;
	_ =	sdelay $0x1  }
0x32b: {  	v4 =	vadd.s32 v1, v4;
	_ =	sdelay $0x1  }
0x32c: {  	v3 =	vperm.xlane v3, v2;
	_ =	sdelay $0x1  }
0x32d: {  	v3 =	vadd.s32 v1, v3  }
0x32e: {  	[tilespmem:s25], [sflag:$0x2] =	stream.indirect_vreg.gather [hbm4b:s4+s3], $0x80, v4, vm0, $0xb8;
	[tilespmem:$0x10400] =	vst v63  }
0x32f: {  	s22 =	simm.s32 $0x8C00  }
0x330: {  	[tilespmem:s22], [sflag:$0x2] =	stream.indirect_vreg.gather [hbm4b:s6+s3], $0x80, v4, vm0, $0xb8;
	[tilespmem:$0x10400] =	vst v63  }
0x331: {  	s22 =	simm.s32 $0x9400  }
0x332: {  	[tilespmem:s22], [sflag:$0x2] =	stream.indirect_vreg.gather [hbm4b:s4+s3], $0x80, v3, vm0, $0xb8;
	[tilespmem:$0x10400] =	vst v63  }
0x333: {  	s22 =	simm.s32 $0x9C00  }
0x334: {  	[tilespmem:s22], [sflag:$0x2] =	stream.indirect_vreg.gather [hbm4b:s6+s3], $0x80, v3, vm0, $0xb8;
	[tilespmem:$0x10400] =	vst v63  }
0x335: {  	v3 =	vld [tilespmem:$0x290];
	_ =	sdelay $0x4  }
0x336: {  	v45 =	vshll.u32 v3, $0x2  }
0x337: {  	v3 =	vand.u32 $0x7, v3;
	v4 =	vand.u32 $0xFFFFFFE0, v45  }
0x338: {  	v3 =	vor.u32 v3, v4  }
0x339: {  	v4 =	vperm.xlane v3, v0;
	_ =	sdelay $0x1  }
0x33a: {  	v4 =	vadd.s32 v1, v4;
	_ =	sdelay $0x1  }
0x33b: {  	v3 =	vperm.xlane v3, v2;
	_ =	sdelay $0x1  }
0x33c: {  	s15 =	simm.s32 $0xA400;
	v3 =	vadd.s32 v1, v3  }
0x33d: {  	[tilespmem:s15], [sflag:$0x2] =	stream.indirect_vreg.gather [hbm4b:s4+s3], $0x80, v4, vm0, $0xb8;
	[tilespmem:$0x10400] =	vst v63  }
0x33e: {  	s16 =	simm.s32 $0xAC00  }
0x33f: {  	[tilespmem:s16], [sflag:$0x2] =	stream.indirect_vreg.gather [hbm4b:s6+s3], $0x80, v4, vm0, $0xb8;
	[tilespmem:$0x10400] =	vst v63  }
0x340: {  	s24 =	simm.s32 $0xB400  }
0x341: {  	[tilespmem:s24], [sflag:$0x2] =	stream.indirect_vreg.gather [hbm4b:s4+s3], $0x80, v3, vm0, $0xb8;
	[tilespmem:$0x10400] =	vst v63  }
0x342: {  	s24 =	simm.s32 $0xBC00  }
0x343: {  	[tilespmem:s24], [sflag:$0x2] =	stream.indirect_vreg.gather [hbm4b:s6+s3], $0x80, v3, vm0, $0xb8;
	[tilespmem:$0x10400] =	vst v63  }
0x344: {  	v3 =	vld [tilespmem:$0x2A0];
	_ =	sdelay $0x4  }
0x345: {  	v46 =	vshll.u32 v3, $0x2  }
0x346: {  	v3 =	vand.u32 $0x7, v3;
	v4 =	vand.u32 $0xFFFFFFE0, v46  }
0x347: {  	v3 =	vor.u32 v3, v4  }
0x348: {  	v4 =	vperm.xlane v3, v0;
	_ =	sdelay $0x1  }
0x349: {  	v4 =	vadd.s32 v1, v4;
	_ =	sdelay $0x1  }
0x34a: {  	v3 =	vperm.xlane v3, v2;
	_ =	sdelay $0x1  }
0x34b: {  	s17 =	simm.s32 $0xC400;
	v3 =	vadd.s32 v1, v3  }
0x34c: {  	[tilespmem:s17], [sflag:$0x2] =	stream.indirect_vreg.gather [hbm4b:s4+s3], $0x80, v4, vm0, $0xb8;
	[tilespmem:$0x10400] =	vst v63  }
0x34d: {  	s23 =	simm.s32 $0xCC00  }
0x34e: {  	[tilespmem:s23], [sflag:$0x2] =	stream.indirect_vreg.gather [hbm4b:s6+s3], $0x80, v4, vm0, $0xb8;
	[tilespmem:$0x10400] =	vst v63  }
0x34f: {  	s26 =	simm.s32 $0xD400  }
0x350: {  	[tilespmem:s26], [sflag:$0x2] =	stream.indirect_vreg.gather [hbm4b:s4+s3], $0x80, v3, vm0, $0xb8;
	[tilespmem:$0x10400] =	vst v63  }
0x351: {  	s26 =	simm.s32 $0xDC00  }
0x352: {  	[tilespmem:s26], [sflag:$0x2] =	stream.indirect_vreg.gather [hbm4b:s6+s3], $0x80, v3, vm0, $0xb8;
	[tilespmem:$0x10400] =	vst v63  }
0x353: {  	v3 =	vld [tilespmem:$0x2B0];
	_ =	sdelay $0x4  }
0x354: {  	v47 =	vshll.u32 v3, $0x2  }
0x355: {  	v3 =	vand.u32 $0x7, v3;
	v4 =	vand.u32 $0xFFFFFFE0, v47  }
0x356: {  	v3 =	vor.u32 v3, v4  }
0x357: {  	v4 =	vperm.xlane v3, v0;
	_ =	sdelay $0x1  }
0x358: {  	v4 =	vadd.s32 v1, v4;
	_ =	sdelay $0x1  }
0x359: {  	v3 =	vperm.xlane v3, v2;
	_ =	sdelay $0x1  }
0x35a: {  	s28 =	simm.s32 $0xE400;
	v3 =	vadd.s32 v1, v3  }
0x35b: {  	[tilespmem:s28], [sflag:$0x2] =	stream.indirect_vreg.gather [hbm4b:s4+s3], $0x80, v4, vm0, $0xb8;
	[tilespmem:$0x10400] =	vst v63  }
0x35c: {  	s22 =	simm.s32 $0xEC00  }
0x35d: {  	[tilespmem:s22], [sflag:$0x2] =	stream.indirect_vreg.gather [hbm4b:s6+s3], $0x80, v4, vm0, $0xb8;
	[tilespmem:$0x10400] =	vst v63  }
0x35e: {  	s26 =	simm.s32 $0xF400  }
0x35f: {  	[tilespmem:s26], [sflag:$0x2] =	stream.indirect_vreg.gather [hbm4b:s4+s3], $0x80, v3, vm0, $0xb8;
	[tilespmem:$0x10400] =	vst v63  }
0x360: {  	s29 =	simm.s32 $0xFC00  }
0x361: {  	[tilespmem:s29], [sflag:$0x2] =	stream.indirect_vreg.gather [hbm4b:s6+s3], $0x80, v3, vm0, $0xb8;
	[tilespmem:$0x10400] =	vst v63  }
0x362: {  	_ =	swait.ge [sflag:s18], $0x8000  }
0x363: {  	[sflag:s18] =	ssyncset.done $0x0  }
0x364: {  	s17 =	rddreg [dreg:$0x15];
	[sflag:s18] =	ssyncadd.s32 $0xFFFF8000  }
0x365: {  	[hbm4b:s17+s3] =	stream.linear.scatter [tilespmem:s14], [sflag:$0x3], $0x8000, $0x38;
	[tilespmem:$0x10400] =	vst v63  }
0x366: {  	_ =	swait.ge [sflag:s19], $0x8000  }
0x367: {  	[sflag:s19] =	ssyncset.done $0x0  }
0x368: {  	[sflag:s19] =	ssyncadd.s32 $0xFFFF8000  }
0x369: {  	v3 =	vld [tilespmem:$0x300];
	_ =	sdelay $0x4  }
0x36a: {  	v48 =	vshll.u32 v3, $0x2  }
0x36b: {  	v3 =	vand.u32 $0x7, v3;
	v4 =	vand.u32 $0xFFFFFFE0, v48  }
0x36c: {  	v3 =	vor.u32 v3, v4  }
0x36d: {  	v4 =	vperm.xlane v3, v0;
	_ =	sdelay $0x1  }
0x36e: {  	v4 =	vadd.s32 v1, v4;
	_ =	sdelay $0x1  }
0x36f: {  	v3 =	vperm.xlane v3, v2;
	_ =	sdelay $0x1  }
0x370: {  	v3 =	vadd.s32 v1, v3  }
0x371: {  	[tilespmem:s14], [sflag:$0x1] =	stream.indirect_vreg.gather [hbm4b:s2+s3], $0x80, v4, vm0, $0xb8;
	[tilespmem:$0x10400] =	vst v63  }
0x372: {  	s22 =	simm.s32 $0xC00  }
0x373: {  	[tilespmem:s22], [sflag:$0x1] =	stream.indirect_vreg.gather [hbm4b:s5+s3], $0x80, v4, vm0, $0xb8;
	[tilespmem:$0x10400] =	vst v63  }
0x374: {  	s26 =	simm.s32 $0x1400  }
0x375: {  	[tilespmem:s26], [sflag:$0x1] =	stream.indirect_vreg.gather [hbm4b:s2+s3], $0x80, v3, vm0, $0xb8;
	[tilespmem:$0x10400] =	vst v63  }
0x376: {  	s29 =	simm.s32 $0x1C00  }
0x377: {  	[tilespmem:s29], [sflag:$0x1] =	stream.indirect_vreg.gather [hbm4b:s5+s3], $0x80, v3, vm0, $0xb8;
	[tilespmem:$0x10400] =	vst v63  }
0x378: {  	v3 =	vld [tilespmem:$0x310];
	_ =	sdelay $0x4  }
0x379: {  	v49 =	vshll.u32 v3, $0x2  }
0x37a: {  	v3 =	vand.u32 $0x7, v3;
	v4 =	vand.u32 $0xFFFFFFE0, v49  }
0x37b: {  	v3 =	vor.u32 v3, v4  }
0x37c: {  	v4 =	vperm.xlane v3, v0;
	_ =	sdelay $0x1  }
0x37d: {  	v4 =	vadd.s32 v1, v4;
	_ =	sdelay $0x1  }
0x37e: {  	v3 =	vperm.xlane v3, v2;
	_ =	sdelay $0x1  }
0x37f: {  	s30 =	simm.s32 $0x2400;
	v3 =	vadd.s32 v1, v3  }
0x380: {  	[tilespmem:s30], [sflag:$0x1] =	stream.indirect_vreg.gather [hbm4b:s2+s3], $0x80, v4, vm0, $0xb8;
	[tilespmem:$0x10400] =	vst v63  }
0x381: {  	s31 =	simm.s32 $0x2C00  }
0x382: {  	[tilespmem:s31], [sflag:$0x1] =	stream.indirect_vreg.gather [hbm4b:s5+s3], $0x80, v4, vm0, $0xb8;
	[tilespmem:$0x10400] =	vst v63  }
0x383: {  	s0 =	simm.s32 $0x3400  }
0x384: {  	[tilespmem:s0], [sflag:$0x1] =	stream.indirect_vreg.gather [hbm4b:s2+s3], $0x80, v3, vm0, $0xb8;
	[tilespmem:$0x10400] =	vst v63  }
0x385: {  	s22 =	simm.s32 $0x3C00  }
0x386: {  	[tilespmem:s22], [sflag:$0x1] =	stream.indirect_vreg.gather [hbm4b:s5+s3], $0x80, v3, vm0, $0xb8;
	[tilespmem:$0x10400] =	vst v63  }
0x387: {  	v3 =	vld [tilespmem:$0x320];
	_ =	sdelay $0x4  }
0x388: {  	v50 =	vshll.u32 v3, $0x2  }
0x389: {  	v3 =	vand.u32 $0x7, v3;
	v4 =	vand.u32 $0xFFFFFFE0, v50  }
0x38a: {  	v3 =	vor.u32 v3, v4  }
0x38b: {  	v4 =	vperm.xlane v3, v0;
	_ =	sdelay $0x1  }
0x38c: {  	v4 =	vadd.s32 v1, v4;
	_ =	sdelay $0x1  }
0x38d: {  	v3 =	vperm.xlane v3, v2;
	_ =	sdelay $0x1  }
0x38e: {  	s1 =	simm.s32 $0x4400;
	v3 =	vadd.s32 v1, v3  }
0x38f: {  	[tilespmem:s1], [sflag:$0x1] =	stream.indirect_vreg.gather [hbm4b:s2+s3], $0x80, v4, vm0, $0xb8;
	[tilespmem:$0x10400] =	vst v63  }
0x390: {  	s7 =	simm.s32 $0x4C00  }
0x391: {  	[tilespmem:s7], [sflag:$0x1] =	stream.indirect_vreg.gather [hbm4b:s5+s3], $0x80, v4, vm0, $0xb8;
	[tilespmem:$0x10400] =	vst v63  }
0x392: {  	s9 =	simm.s32 $0x5400  }
0x393: {  	[tilespmem:s9], [sflag:$0x1] =	stream.indirect_vreg.gather [hbm4b:s2+s3], $0x80, v3, vm0, $0xb8;
	[tilespmem:$0x10400] =	vst v63  }
0x394: {  	s26 =	simm.s32 $0x5C00  }
0x395: {  	[tilespmem:s26], [sflag:$0x1] =	stream.indirect_vreg.gather [hbm4b:s5+s3], $0x80, v3, vm0, $0xb8;
	[tilespmem:$0x10400] =	vst v63  }
0x396: {  	v3 =	vld [tilespmem:$0x330];
	_ =	sdelay $0x4  }
0x397: {  	v51 =	vshll.u32 v3, $0x2  }
0x398: {  	v3 =	vand.u32 $0x7, v3;
	v4 =	vand.u32 $0xFFFFFFE0, v51  }
0x399: {  	v3 =	vor.u32 v3, v4  }
0x39a: {  	v4 =	vperm.xlane v3, v0;
	_ =	sdelay $0x1  }
0x39b: {  	v4 =	vadd.s32 v1, v4;
	_ =	sdelay $0x1  }
0x39c: {  	v3 =	vperm.xlane v3, v2;
	_ =	sdelay $0x1  }
0x39d: {  	s10 =	simm.s32 $0x6400;
	v3 =	vadd.s32 v1, v3  }
0x39e: {  	[tilespmem:s10], [sflag:$0x1] =	stream.indirect_vreg.gather [hbm4b:s2+s3], $0x80, v4, vm0, $0xb8;
	[tilespmem:$0x10400] =	vst v63  }
0x39f: {  	s11 =	simm.s32 $0x6C00  }
0x3a0: {  	[tilespmem:s11], [sflag:$0x1] =	stream.indirect_vreg.gather [hbm4b:s5+s3], $0x80, v4, vm0, $0xb8;
	[tilespmem:$0x10400] =	vst v63  }
0x3a1: {  	s12 =	simm.s32 $0x7400  }
0x3a2: {  	[tilespmem:s12], [sflag:$0x1] =	stream.indirect_vreg.gather [hbm4b:s2+s3], $0x80, v3, vm0, $0xb8;
	[tilespmem:$0x10400] =	vst v63  }
0x3a3: {  	s13 =	simm.s32 $0x7C00  }
0x3a4: {  	[tilespmem:s13], [sflag:$0x1] =	stream.indirect_vreg.gather [hbm4b:s5+s3], $0x80, v3, vm0, $0xb8;
	[tilespmem:$0x10400] =	vst v63  }
0x3a5: {  	_ =	swait.ge [sflag:s20], $0x8000  }
0x3a6: {  	[sflag:s20] =	ssyncset.done $0x0  }
0x3a7: {  	s17 =	rddreg [dreg:$0x16];
	[sflag:s20] =	ssyncadd.s32 $0xFFFF8000  }
0x3a8: {  	[hbm4b:s17+s3] =	stream.linear.scatter [tilespmem:s25], [sflag:$0x4], $0x8000, $0x38;
	[tilespmem:$0x10400] =	vst v63  }
0x3a9: {  	_ =	swait.ge [sflag:s21], $0x8000  }
0x3aa: {  	[sflag:s21] =	ssyncset.done $0x0  }
0x3ab: {  	[sflag:s21] =	ssyncadd.s32 $0xFFFF8000  }
0x3ac: {  	v3 =	vld [tilespmem:$0x300];
	_ =	sdelay $0x4  }
0x3ad: {  	v52 =	vshll.u32 v3, $0x2  }
0x3ae: {  	v3 =	vand.u32 $0x7, v3;
	v4 =	vand.u32 $0xFFFFFFE0, v52  }
0x3af: {  	v3 =	vor.u32 v3, v4  }
0x3b0: {  	v4 =	vperm.xlane v3, v0;
	_ =	sdelay $0x1  }
0x3b1: {  	v4 =	vadd.s32 v1, v4;
	_ =	sdelay $0x1  }
0x3b2: {  	v3 =	vperm.xlane v3, v2;
	_ =	sdelay $0x1  }
0x3b3: {  	v3 =	vadd.s32 v1, v3  }
0x3b4: {  	[tilespmem:s25], [sflag:$0x2] =	stream.indirect_vreg.gather [hbm4b:s4+s3], $0x80, v4, vm0, $0xb8;
	[tilespmem:$0x10400] =	vst v63  }
0x3b5: {  	s22 =	simm.s32 $0x8C00  }
0x3b6: {  	[tilespmem:s22], [sflag:$0x2] =	stream.indirect_vreg.gather [hbm4b:s6+s3], $0x80, v4, vm0, $0xb8;
	[tilespmem:$0x10400] =	vst v63  }
0x3b7: {  	s26 =	simm.s32 $0x9400  }
0x3b8: {  	[tilespmem:s26], [sflag:$0x2] =	stream.indirect_vreg.gather [hbm4b:s4+s3], $0x80, v3, vm0, $0xb8;
	[tilespmem:$0x10400] =	vst v63  }
0x3b9: {  	s22 =	simm.s32 $0x9C00  }
0x3ba: {  	[tilespmem:s22], [sflag:$0x2] =	stream.indirect_vreg.gather [hbm4b:s6+s3], $0x80, v3, vm0, $0xb8;
	[tilespmem:$0x10400] =	vst v63  }
0x3bb: {  	v3 =	vld [tilespmem:$0x310];
	_ =	sdelay $0x4  }
0x3bc: {  	v53 =	vshll.u32 v3, $0x2  }
0x3bd: {  	v3 =	vand.u32 $0x7, v3;
	v4 =	vand.u32 $0xFFFFFFE0, v53  }
0x3be: {  	v3 =	vor.u32 v3, v4  }
0x3bf: {  	v4 =	vperm.xlane v3, v0;
	_ =	sdelay $0x1  }
0x3c0: {  	v4 =	vadd.s32 v1, v4;
	_ =	sdelay $0x1  }
0x3c1: {  	v3 =	vperm.xlane v3, v2;
	_ =	sdelay $0x1  }
0x3c2: {  	s15 =	simm.s32 $0xA400;
	v3 =	vadd.s32 v1, v3  }
0x3c3: {  	[tilespmem:s15], [sflag:$0x2] =	stream.indirect_vreg.gather [hbm4b:s4+s3], $0x80, v4, vm0, $0xb8;
	[tilespmem:$0x10400] =	vst v63  }
0x3c4: {  	s16 =	simm.s32 $0xAC00  }
0x3c5: {  	[tilespmem:s16], [sflag:$0x2] =	stream.indirect_vreg.gather [hbm4b:s6+s3], $0x80, v4, vm0, $0xb8;
	[tilespmem:$0x10400] =	vst v63  }
0x3c6: {  	s26 =	simm.s32 $0xB400  }
0x3c7: {  	[tilespmem:s26], [sflag:$0x2] =	stream.indirect_vreg.gather [hbm4b:s4+s3], $0x80, v3, vm0, $0xb8;
	[tilespmem:$0x10400] =	vst v63  }
0x3c8: {  	s22 =	simm.s32 $0xBC00  }
0x3c9: {  	[tilespmem:s22], [sflag:$0x2] =	stream.indirect_vreg.gather [hbm4b:s6+s3], $0x80, v3, vm0, $0xb8;
	[tilespmem:$0x10400] =	vst v63  }
0x3ca: {  	v3 =	vld [tilespmem:$0x320];
	_ =	sdelay $0x4  }
0x3cb: {  	v54 =	vshll.u32 v3, $0x2  }
0x3cc: {  	v3 =	vand.u32 $0x7, v3;
	v4 =	vand.u32 $0xFFFFFFE0, v54  }
0x3cd: {  	v3 =	vor.u32 v3, v4  }
0x3ce: {  	v4 =	vperm.xlane v3, v0;
	_ =	sdelay $0x1  }
0x3cf: {  	v4 =	vadd.s32 v1, v4;
	_ =	sdelay $0x1  }
0x3d0: {  	v3 =	vperm.xlane v3, v2;
	_ =	sdelay $0x1  }
0x3d1: {  	s24 =	simm.s32 $0xC400;
	v3 =	vadd.s32 v1, v3  }
0x3d2: {  	[tilespmem:s24], [sflag:$0x2] =	stream.indirect_vreg.gather [hbm4b:s4+s3], $0x80, v4, vm0, $0xb8;
	[tilespmem:$0x10400] =	vst v63  }
0x3d3: {  	s23 =	simm.s32 $0xCC00  }
0x3d4: {  	[tilespmem:s23], [sflag:$0x2] =	stream.indirect_vreg.gather [hbm4b:s6+s3], $0x80, v4, vm0, $0xb8;
	[tilespmem:$0x10400] =	vst v63  }
0x3d5: {  	s23 =	simm.s32 $0xD400  }
0x3d6: {  	[tilespmem:s23], [sflag:$0x2] =	stream.indirect_vreg.gather [hbm4b:s4+s3], $0x80, v3, vm0, $0xb8;
	[tilespmem:$0x10400] =	vst v63  }
0x3d7: {  	s22 =	simm.s32 $0xDC00  }
0x3d8: {  	[tilespmem:s22], [sflag:$0x2] =	stream.indirect_vreg.gather [hbm4b:s6+s3], $0x80, v3, vm0, $0xb8;
	[tilespmem:$0x10400] =	vst v63  }
0x3d9: {  	v3 =	vld [tilespmem:$0x330];
	_ =	sdelay $0x4  }
0x3da: {  	v55 =	vshll.u32 v3, $0x2  }
0x3db: {  	v3 =	vand.u32 $0x7, v3;
	v4 =	vand.u32 $0xFFFFFFE0, v55  }
0x3dc: {  	v3 =	vor.u32 v3, v4  }
0x3dd: {  	v4 =	vperm.xlane v3, v0;
	_ =	sdelay $0x1  }
0x3de: {  	v4 =	vadd.s32 v1, v4;
	_ =	sdelay $0x1  }
0x3df: {  	v3 =	vperm.xlane v3, v2;
	_ =	sdelay $0x1  }
0x3e0: {  	s28 =	simm.s32 $0xE400;
	v3 =	vadd.s32 v1, v3  }
0x3e1: {  	[tilespmem:s28], [sflag:$0x2] =	stream.indirect_vreg.gather [hbm4b:s4+s3], $0x80, v4, vm0, $0xb8;
	[tilespmem:$0x10400] =	vst v63  }
0x3e2: {  	s22 =	simm.s32 $0xEC00  }
0x3e3: {  	[tilespmem:s22], [sflag:$0x2] =	stream.indirect_vreg.gather [hbm4b:s6+s3], $0x80, v4, vm0, $0xb8;
	[tilespmem:$0x10400] =	vst v63  }
0x3e4: {  	s22 =	simm.s32 $0xF400  }
0x3e5: {  	[tilespmem:s22], [sflag:$0x2] =	stream.indirect_vreg.gather [hbm4b:s4+s3], $0x80, v3, vm0, $0xb8;
	[tilespmem:$0x10400] =	vst v63  }
0x3e6: {  	s22 =	simm.s32 $0xFC00  }
0x3e7: {  	[tilespmem:s22], [sflag:$0x2] =	stream.indirect_vreg.gather [hbm4b:s6+s3], $0x80, v3, vm0, $0xb8;
	[tilespmem:$0x10400] =	vst v63  }
0x3e8: {  	_ =	swait.ge [sflag:s18], $0x8000  }
0x3e9: {  	[sflag:s18] =	ssyncset.done $0x0  }
0x3ea: {  	s22 =	rddreg [dreg:$0x17];
	[sflag:s18] =	ssyncadd.s32 $0xFFFF8000  }
0x3eb: {  	[hbm4b:s22+s3] =	stream.linear.scatter [tilespmem:s14], [sflag:$0x3], $0x8000, $0x38;
	[tilespmem:$0x10400] =	vst v63  }
0x3ec: {  	_ =	swait.ge [sflag:s19], $0x8000  }
0x3ed: {  	[sflag:s19] =	ssyncset.done $0x0  }
0x3ee: {  	[sflag:s19] =	ssyncadd.s32 $0xFFFF8000  }
0x3ef: {  	v3 =	vld [tilespmem:$0x380];
	_ =	sdelay $0x4  }
0x3f0: {  	v56 =	vshll.u32 v3, $0x2  }
0x3f1: {  	v3 =	vand.u32 $0x7, v3;
	v4 =	vand.u32 $0xFFFFFFE0, v56  }
0x3f2: {  	v3 =	vor.u32 v3, v4  }
0x3f3: {  	v4 =	vperm.xlane v3, v0;
	_ =	sdelay $0x1  }
0x3f4: {  	v4 =	vadd.s32 v1, v4;
	_ =	sdelay $0x1  }
0x3f5: {  	v3 =	vperm.xlane v3, v2;
	_ =	sdelay $0x1  }
0x3f6: {  	v3 =	vadd.s32 v1, v3  }
0x3f7: {  	[tilespmem:s14], [sflag:$0x1] =	stream.indirect_vreg.gather [hbm4b:s2+s3], $0x80, v4, vm0, $0xb8;
	[tilespmem:$0x10400] =	vst v63  }
0x3f8: {  	s22 =	simm.s32 $0xC00  }
0x3f9: {  	[tilespmem:s22], [sflag:$0x1] =	stream.indirect_vreg.gather [hbm4b:s5+s3], $0x80, v4, vm0, $0xb8;
	[tilespmem:$0x10400] =	vst v63  }
0x3fa: {  	s22 =	simm.s32 $0x1400  }
0x3fb: {  	[tilespmem:s22], [sflag:$0x1] =	stream.indirect_vreg.gather [hbm4b:s2+s3], $0x80, v3, vm0, $0xb8;
	[tilespmem:$0x10400] =	vst v63  }
0x3fc: {  	s22 =	simm.s32 $0x1C00  }
0x3fd: {  	[tilespmem:s22], [sflag:$0x1] =	stream.indirect_vreg.gather [hbm4b:s5+s3], $0x80, v3, vm0, $0xb8;
	[tilespmem:$0x10400] =	vst v63  }
0x3fe: {  	v3 =	vld [tilespmem:$0x390];
	_ =	sdelay $0x4  }
0x3ff: {  	v57 =	vshll.u32 v3, $0x2  }
0x400: {  	v3 =	vand.u32 $0x7, v3;
	v4 =	vand.u32 $0xFFFFFFE0, v57  }
0x401: {  	v3 =	vor.u32 v3, v4  }
0x402: {  	v4 =	vperm.xlane v3, v0;
	_ =	sdelay $0x1  }
0x403: {  	v4 =	vadd.s32 v1, v4;
	_ =	sdelay $0x1  }
0x404: {  	v3 =	vperm.xlane v3, v2;
	_ =	sdelay $0x1  }
0x405: {  	s29 =	simm.s32 $0x2400;
	v3 =	vadd.s32 v1, v3  }
0x406: {  	[tilespmem:s29], [sflag:$0x1] =	stream.indirect_vreg.gather [hbm4b:s2+s3], $0x80, v4, vm0, $0xb8;
	[tilespmem:$0x10400] =	vst v63  }
0x407: {  	s30 =	simm.s32 $0x2C00  }
0x408: {  	[tilespmem:s30], [sflag:$0x1] =	stream.indirect_vreg.gather [hbm4b:s5+s3], $0x80, v4, vm0, $0xb8;
	[tilespmem:$0x10400] =	vst v63  }
0x409: {  	s31 =	simm.s32 $0x3400  }
0x40a: {  	[tilespmem:s31], [sflag:$0x1] =	stream.indirect_vreg.gather [hbm4b:s2+s3], $0x80, v3, vm0, $0xb8;
	[tilespmem:$0x10400] =	vst v63  }
0x40b: {  	s31 =	simm.s32 $0x3C00  }
0x40c: {  	[tilespmem:s31], [sflag:$0x1] =	stream.indirect_vreg.gather [hbm4b:s5+s3], $0x80, v3, vm0, $0xb8;
	[tilespmem:$0x10400] =	vst v63  }
0x40d: {  	v3 =	vld [tilespmem:$0x3A0];
	_ =	sdelay $0x4  }
0x40e: {  	v58 =	vshll.u32 v3, $0x2  }
0x40f: {  	v3 =	vand.u32 $0x7, v3;
	v4 =	vand.u32 $0xFFFFFFE0, v58  }
0x410: {  	v3 =	vor.u32 v3, v4  }
0x411: {  	v4 =	vperm.xlane v3, v0;
	_ =	sdelay $0x1  }
0x412: {  	v4 =	vadd.s32 v1, v4;
	_ =	sdelay $0x1  }
0x413: {  	v3 =	vperm.xlane v3, v2;
	_ =	sdelay $0x1  }
0x414: {  	s0 =	simm.s32 $0x4400;
	v3 =	vadd.s32 v1, v3  }
0x415: {  	[tilespmem:s0], [sflag:$0x1] =	stream.indirect_vreg.gather [hbm4b:s2+s3], $0x80, v4, vm0, $0xb8;
	[tilespmem:$0x10400] =	vst v63  }
0x416: {  	s1 =	simm.s32 $0x4C00  }
0x417: {  	[tilespmem:s1], [sflag:$0x1] =	stream.indirect_vreg.gather [hbm4b:s5+s3], $0x80, v4, vm0, $0xb8;
	[tilespmem:$0x10400] =	vst v63  }
0x418: {  	s7 =	simm.s32 $0x5400  }
0x419: {  	[tilespmem:s7], [sflag:$0x1] =	stream.indirect_vreg.gather [hbm4b:s2+s3], $0x80, v3, vm0, $0xb8;
	[tilespmem:$0x10400] =	vst v63  }
0x41a: {  	s7 =	simm.s32 $0x5C00  }
0x41b: {  	[tilespmem:s7], [sflag:$0x1] =	stream.indirect_vreg.gather [hbm4b:s5+s3], $0x80, v3, vm0, $0xb8;
	[tilespmem:$0x10400] =	vst v63  }
0x41c: {  	v3 =	vld [tilespmem:$0x3B0];
	_ =	sdelay $0x4  }
0x41d: {  	v59 =	vshll.u32 v3, $0x2  }
0x41e: {  	v3 =	vand.u32 $0x7, v3;
	v4 =	vand.u32 $0xFFFFFFE0, v59  }
0x41f: {  	v3 =	vor.u32 v3, v4  }
0x420: {  	v4 =	vperm.xlane v3, v0;
	_ =	sdelay $0x1  }
0x421: {  	v4 =	vadd.s32 v1, v4;
	_ =	sdelay $0x1  }
0x422: {  	v3 =	vperm.xlane v3, v2;
	_ =	sdelay $0x1  }
0x423: {  	s9 =	simm.s32 $0x6400;
	v3 =	vadd.s32 v1, v3  }
0x424: {  	[tilespmem:s9], [sflag:$0x1] =	stream.indirect_vreg.gather [hbm4b:s2+s3], $0x80, v4, vm0, $0xb8;
	[tilespmem:$0x10400] =	vst v63  }
0x425: {  	s10 =	simm.s32 $0x6C00  }
0x426: {  	[tilespmem:s10], [sflag:$0x1] =	stream.indirect_vreg.gather [hbm4b:s5+s3], $0x80, v4, vm0, $0xb8;
	[tilespmem:$0x10400] =	vst v63  }
0x427: {  	s11 =	simm.s32 $0x7400  }
0x428: {  	[tilespmem:s11], [sflag:$0x1] =	stream.indirect_vreg.gather [hbm4b:s2+s3], $0x80, v3, vm0, $0xb8;
	[tilespmem:$0x10400] =	vst v63  }
0x429: {  	s12 =	simm.s32 $0x7C00  }
0x42a: {  	[tilespmem:s12], [sflag:$0x1] =	stream.indirect_vreg.gather [hbm4b:s5+s3], $0x80, v3, vm0, $0xb8;
	[tilespmem:$0x10400] =	vst v63  }
0x42b: {  	_ =	swait.ge [sflag:s20], $0x8000  }
0x42c: {  	[sflag:s20] =	ssyncset.done $0x0  }
0x42d: {  	s10 =	rddreg [dreg:$0x18];
	[sflag:s20] =	ssyncadd.s32 $0xFFFF8000  }
0x42e: {  	[hbm4b:s10+s3] =	stream.linear.scatter [tilespmem:s25], [sflag:$0x4], $0x8000, $0x38;
	[tilespmem:$0x10400] =	vst v63  }
0x42f: {  	_ =	swait.ge [sflag:s21], $0x8000  }
0x430: {  	[sflag:s21] =	ssyncset.done $0x0  }
0x431: {  	[sflag:s21] =	ssyncadd.s32 $0xFFFF8000  }
0x432: {  	v3 =	vld [tilespmem:$0x380];
	_ =	sdelay $0x4  }
0x433: {  	v60 =	vshll.u32 v3, $0x2  }
0x434: {  	v3 =	vand.u32 $0x7, v3;
	v4 =	vand.u32 $0xFFFFFFE0, v60  }
0x435: {  	v3 =	vor.u32 v3, v4  }
0x436: {  	v4 =	vperm.xlane v3, v0;
	_ =	sdelay $0x1  }
0x437: {  	v4 =	vadd.s32 v1, v4;
	_ =	sdelay $0x1  }
0x438: {  	v3 =	vperm.xlane v3, v2;
	_ =	sdelay $0x1  }
0x439: {  	v3 =	vadd.s32 v1, v3  }
0x43a: {  	[tilespmem:s25], [sflag:$0x2] =	stream.indirect_vreg.gather [hbm4b:s4+s3], $0x80, v4, vm0, $0xb8;
	[tilespmem:$0x10400] =	vst v63  }
0x43b: {  	s17 =	simm.s32 $0x8C00  }
0x43c: {  	[tilespmem:s17], [sflag:$0x2] =	stream.indirect_vreg.gather [hbm4b:s6+s3], $0x80, v4, vm0, $0xb8;
	[tilespmem:$0x10400] =	vst v63  }
0x43d: {  	s11 =	simm.s32 $0x9400  }
0x43e: {  	[tilespmem:s11], [sflag:$0x2] =	stream.indirect_vreg.gather [hbm4b:s4+s3], $0x80, v3, vm0, $0xb8;
	[tilespmem:$0x10400] =	vst v63  }
0x43f: {  	s12 =	simm.s32 $0x9C00  }
0x440: {  	[tilespmem:s12], [sflag:$0x2] =	stream.indirect_vreg.gather [hbm4b:s6+s3], $0x80, v3, vm0, $0xb8;
	[tilespmem:$0x10400] =	vst v63  }
0x441: {  	v3 =	vld [tilespmem:$0x390];
	_ =	sdelay $0x4  }
0x442: {  	v61 =	vshll.u32 v3, $0x2  }
0x443: {  	v3 =	vand.u32 $0x7, v3;
	v4 =	vand.u32 $0xFFFFFFE0, v61  }
0x444: {  	v3 =	vor.u32 v3, v4  }
0x445: {  	v4 =	vperm.xlane v3, v0;
	_ =	sdelay $0x1  }
0x446: {  	v4 =	vadd.s32 v1, v4;
	_ =	sdelay $0x1  }
0x447: {  	v3 =	vperm.xlane v3, v2;
	_ =	sdelay $0x1  }
0x448: {  	s13 =	simm.s32 $0xA400;
	v3 =	vadd.s32 v1, v3  }
0x449: {  	[tilespmem:s13], [sflag:$0x2] =	stream.indirect_vreg.gather [hbm4b:s4+s3], $0x80, v4, vm0, $0xb8;
	[tilespmem:$0x10400] =	vst v63  }
0x44a: {  	s15 =	simm.s32 $0xAC00  }
0x44b: {  	[tilespmem:s15], [sflag:$0x2] =	stream.indirect_vreg.gather [hbm4b:s6+s3], $0x80, v4, vm0, $0xb8;
	[tilespmem:$0x10400] =	vst v63  }
0x44c: {  	s26 =	simm.s32 $0xB400  }
0x44d: {  	[tilespmem:s26], [sflag:$0x2] =	stream.indirect_vreg.gather [hbm4b:s4+s3], $0x80, v3, vm0, $0xb8;
	[tilespmem:$0x10400] =	vst v63  }
0x44e: {  	s22 =	simm.s32 $0xBC00  }
0x44f: {  	[tilespmem:s22], [sflag:$0x2] =	stream.indirect_vreg.gather [hbm4b:s6+s3], $0x80, v3, vm0, $0xb8;
	[tilespmem:$0x10400] =	vst v63  }
0x450: {  	v3 =	vld [tilespmem:$0x3A0];
	_ =	sdelay $0x4  }
0x451: {  	v62 =	vshll.u32 v3, $0x2  }
0x452: {  	v3 =	vand.u32 $0x7, v3;
	v4 =	vand.u32 $0xFFFFFFE0, v62  }
0x453: {  	v3 =	vor.u32 v3, v4  }
0x454: {  	v4 =	vperm.xlane v3, v0;
	_ =	sdelay $0x1  }
0x455: {  	v4 =	vadd.s32 v1, v4;
	_ =	sdelay $0x1  }
0x456: {  	v3 =	vperm.xlane v3, v2;
	_ =	sdelay $0x1  }
0x457: {  	s16 =	simm.s32 $0xC400;
	v3 =	vadd.s32 v1, v3  }
0x458: {  	[tilespmem:s16], [sflag:$0x2] =	stream.indirect_vreg.gather [hbm4b:s4+s3], $0x80, v4, vm0, $0xb8;
	[tilespmem:$0x10400] =	vst v63  }
0x459: {  	s24 =	simm.s32 $0xCC00  }
0x45a: {  	[tilespmem:s24], [sflag:$0x2] =	stream.indirect_vreg.gather [hbm4b:s6+s3], $0x80, v4, vm0, $0xb8;
	[tilespmem:$0x10400] =	vst v63  }
0x45b: {  	s23 =	simm.s32 $0xD400  }
0x45c: {  	[tilespmem:s23], [sflag:$0x2] =	stream.indirect_vreg.gather [hbm4b:s4+s3], $0x80, v3, vm0, $0xb8;
	[tilespmem:$0x10400] =	vst v63  }
0x45d: {  	s24 =	simm.s32 $0xDC00  }
0x45e: {  	[tilespmem:s24], [sflag:$0x2] =	stream.indirect_vreg.gather [hbm4b:s6+s3], $0x80, v3, vm0, $0xb8;
	[tilespmem:$0x10400] =	vst v63  }
0x45f: {  	v3 =	vld [tilespmem:$0x3B0];
	_ =	sdelay $0x4  }
0x460: {  	v63 =	vshll.u32 v3, $0x2  }
0x461: {  	v3 =	vand.u32 $0x7, v3;
	v4 =	vand.u32 $0xFFFFFFE0, v63  }
0x462: {  	v3 =	vor.u32 v3, v4  }
0x463: {  	v4 =	vperm.xlane v3, v0;
	_ =	sdelay $0x1  }
0x464: {  	v4 =	vadd.s32 v1, v4;
	_ =	sdelay $0x1  }
0x465: {  	v3 =	vperm.xlane v3, v2;
	_ =	sdelay $0x1  }
0x466: {  	s28 =	simm.s32 $0xE400;
	v3 =	vadd.s32 v1, v3  }
0x467: {  	[tilespmem:s28], [sflag:$0x2] =	stream.indirect_vreg.gather [hbm4b:s4+s3], $0x80, v4, vm0, $0xb8;
	[tilespmem:$0x10400] =	vst v63  }
0x468: {  	s26 =	simm.s32 $0xEC00  }
0x469: {  	[tilespmem:s26], [sflag:$0x2] =	stream.indirect_vreg.gather [hbm4b:s6+s3], $0x80, v4, vm0, $0xb8;
	[tilespmem:$0x10400] =	vst v63  }
0x46a: {  	s28 =	simm.s32 $0xF400  }
0x46b: {  	[tilespmem:s28], [sflag:$0x2] =	stream.indirect_vreg.gather [hbm4b:s4+s3], $0x80, v3, vm0, $0xb8;
	[tilespmem:$0x10400] =	vst v63  }
0x46c: {  	s29 =	simm.s32 $0xFC00  }
0x46d: {  	[tilespmem:s29], [sflag:$0x2] =	stream.indirect_vreg.gather [hbm4b:s6+s3], $0x80, v3, vm0, $0xb8;
	[tilespmem:$0x10400] =	vst v63  }
0x46e: {  	s17 =	sld [smem:$0x7FB];
	_ =	swait.ge [sflag:s18], $0x8000  }
0x46f: {  	[sflag:s18] =	ssyncset.done $0x0  }
0x470: {  	s30 =	rddreg [dreg:$0x19];
	[sflag:s18] =	ssyncadd.s32 $0xFFFF8000  }
0x471: {  	[hbm4b:s30+s3] =	stream.linear.scatter [tilespmem:s14], [sflag:$0x3], $0x8000, $0x38;
	[tilespmem:$0x10400] =	vst v63  }
0x472: {  	_ =	swait.ge [sflag:s20], $0x8000  }
0x473: {  	[sflag:s20] =	ssyncset.done $0x0  }
0x474: {  	s31 =	rddreg [dreg:$0x1a];
	[sflag:s20] =	ssyncadd.s32 $0xFFFF8000  }
0x475: {  	[hbm4b:s31+s3] =	stream.linear.scatter [tilespmem:s25], [sflag:$0x4], $0x8000, $0x38;
	[tilespmem:$0x10400] =	vst v63  }
0x476: {  	p0 =	sne.s32 s17, $0x1;
	_ =	swait.ge [sflag:s21], $0x8000  }
.Ltmp0:
0x477: {  	[sflag:s21] =	ssyncset.done $0x0;
	(pc) =	sbr.rel @p0 .LBB2_1-.Ltmp0, $4  }
0x478: {  	[sflag:s21] =	ssyncadd.s32 $0xFFFF8000  }
0x479: {  	_ =	swait.ge [sflag:s19], $0x8000  }
0x47a: {  	[sflag:s19] =	ssyncset.done $0x0  }
0x47b: {  	s1 =	sadd.s32 $0xFFFFFFFF, s17;
	[sflag:s19] =	ssyncadd.s32 $0xFFFF8000  }
0x47c: {  	_ =	sfence.sel $0x180000  }
0x47d: {  	[bflag:$0x0] =	sbarrier.arrive $0xFFFF  }
0x47e: {  	_ =	strace $0x9000004A  }
0x47f: {  	s0 =	stileid.u32;
	[bflag:$0x2] =	sbarrier.arrive $0xFFFF  }
0x480: {  	p0 =	sne.s32 s0, $0x0;
	s0 =	rddreg [dreg:$0x2]  }
0x481: {  	s0 =	sadd.s32 @!p0 $0x100000, s0  }
0x482: {  	[sflag:s0] =	ssyncadd.tile.s32 @!p0 $0x1;
	_ =	shalt  }
.Lfunc_end2:
_tile_overlayer_lowered:
.L_overlay_start_2:
0x483: {  	(tag) =	ssettag $0x2  }
0x484: {  	s0 =	rddreg [dreg:$0x0];
	s2 =	stileid.u32  }
0x485: {  	s1 =	rddreg [dreg:$0x1];
	p0 =	sne.s32 s2, $0x0  }
0x486: {  	s3 =	rddreg [dreg:$0x2];
	[bflag:$0x3] =	sbarrier.arrive $0xFFFF;
	s2 =	simm.s32 @!p0 $0x1C05  }
0x487: {  	[timem:s3], [sflag:s2] =	dma.local @!p0 [hbm:s0], s1  }
0x488: {  	s0 =	simm.s32 @!p0 $0x5  }
0x489: {  	_ =	swait.ge @!p0 [sflag:s0], s1  }
0x48a: {  	s1 =	ssub.s32 @!p0 $0x0, s1;
	[sflag:s0] =	ssyncset.done @!p0 $0x0  }
0x48b: {  	[sflag:s0] =	ssyncadd.s32 @!p0 s1  }
0x48c: {  	[bflag:$0x3] =	sbarrier.arrive $0xFFFF  }
0x48d: {  	_ =	shalt  }

// kernel: kernel.8.cloned.1.call-start
scs
__scs_entry_jumppad:
0x0: {  	(pc) =	sbr.rel $0x88, $3  }
0x1: {  	(tag) =	ssettag $0x0;
	lr =	simm.s32 $0x1  }
0x2: {  	[smem:$0x3F9D] =	sst lr;
	_ =	strace $0xD0000000  }
0x3: {  	_ = 	snop  }
0x4: {  	_ = 	snop  }
0x5: {  	_ = 	snop  }
0x6: {  	_ = 	snop  }
0x7: {  	_ = 	snop  }
__scs_overlays_trampoline_lowered:
0x8: {  	[smem:$0x3FAC] =	sst s0  }
0x9: {  	[smem:$0x3FAD] =	sst s1  }
0xa: {  	[smem:$0x3FAE] =	sst s2  }
0xb: {  	[smem:$0x3FAF] =	sst s3  }
0xc: {  	[smem:$0x3FB0] =	sst s4  }
0xd: {  	[smem:$0x3FB1] =	sst s5  }
0xe: {  	[smem:$0x3FB2] =	sst s6  }
0xf: {  	[smem:$0x3FB3] =	sst s7  }
0x10: {  	[smem:$0x3FB4] =	sst s8  }
0x11: {  	[smem:$0x3FB5] =	sst s9;
	s0 =	simm.s32 @!p0 $0x0  }
0x12: {  	s1 =	sld [smem:$0x3F9B];
	s0 =	simm.s32 @p0 $0x1  }
0x13: {  	[smem:$0x3FB6] =	sst s0;
	s0 =	simm.s32 @!p1 $0x0  }
0x14: {  	s2 =	sld [smem:$0x3F9A];
	s0 =	simm.s32 @p1 $0x1  }
0x15: {  	[smem:$0x3FB7] =	sst s0;
	s0 =	simm.s32 @!p2 $0x0  }
0x16: {  	s3 =	sld [smem:$0x3FDB];
	s0 =	simm.s32 @p2 $0x1  }
0x17: {  	s4 =	simm.s32 $0x1BF5;
	[smem:$0x3FB9] =	sst s0  }
0x18: {  	s0 =	sld [smem:$0x3F9C];
	_ =	swait.ge [sflag:s4], $0x0  }
0x19: {  	s7 =	sld [smem:$0x3F9D]  }
0x1a: {  	s8 =	sadd.s32 $0xFFFFE003, lr  }
0x1b: {  	s9 =	sadd.s32 $0xFFFFFEF7, lr;
	s5 =	simm.s32 $0xFFFFFFFF;
	p2 =	slt.u32 s8, $0xFFFFF086  }
0x1c: {  	p1 =	slt.u32 s9, $0xF7A;
	s5 =	simm.s32 @!p2 $0x0  }
0x1d: {  	s5 =	simm.s32 @p1 $0x1;
	p0 =	seq.s32 s7, s2  }
0x1e: {  	s7 =	smul.u32 @!p0 $0xF7A, s2;
	p2 =	seq.s32 @!p0 s5, $0x0  }
0x1f: {  	s9 =	smul.u32 $0xF7A, s1;
	s8 =	simm.s32 @!p0 $0x1BF5;
	p2 =	por !p2, p0  }
0x20: {  	[sflag:s8] =	ssyncset.s32 @!p0 $0xFFFFF086;
	s6 =	sadd.s32 @!p0 s3, s7;
	s7 =	simm.s32 @!p0 $0x108  }
0x21: {  	s3 =	sadd.s32 s3, s9;
	s6 =	sadd.s32 @!p0 $0x88, s6;
	s7 =	simm.s32 @p2 $0x1082  }
0x22: {  	[simem:s7], [sflag:s8] =	dma.local @!p0 [hbm:s6], $0xF7A  }
0x23: {  	s9 =	sor.u32 $0xD0000000, s2;
	s6 =	simm.s32 $0x108;
	_ =	swait.ge @!p0 [sflag:s8], $0x0  }
0x24: {  	s3 =	sadd.s32 $0x88, s3;
	s6 =	simm.s32 @!p1 $0x1082;
	[sflag:s4] =	ssyncset.s32 $0xFFFFF086  }
0x25: {  	[simem:s6], [sflag:s4] =	dma.local [hbm:s3], $0xF7A  }
0x26: {  	[smem:$0x3F9D] =	sst s1;
	(tag) =	ssettag s2;
	_ =	strace s9  }
0x27: {  	s1 =	sld [smem:$0x3FAD]  }
0x28: {  	s2 =	sld [smem:$0x3FAE]  }
0x29: {  	s4 =	sld [smem:$0x3FB0]  }
0x2a: {  	p0 =	seq.s32 s5, $0x0;
	s5 =	sld [smem:$0x3FB1]  }
0x2b: {  	s6 =	sld [smem:$0x3FB2]  }
0x2c: {  	s7 =	sld [smem:$0x3FB3]  }
0x2d: {  	s3 =	simm.s32 $0x108;
	s8 =	sld [smem:$0x3FB4]  }
0x2e: {  	s3 =	simm.s32 @!p0 $0x1082;
	s9 =	sld [smem:$0x3FB5]  }
0x2f: {  	lr =	sadd.s32 s0, s3;
	s0 =	sld [smem:$0x3FAC]  }
0x30: {  	s3 =	sld [smem:$0x3FAF]  }
0x31: {  	[smem:$0x3FB8] =	sst s10  }
0x32: {  	s10 =	sld [smem:$0x3FB6];
	_ =	sdelay $0x3  }
0x33: {  	p0 =	seq.s32 s10, $0x1;
	s10 =	sld [smem:$0x3FB8];
	_ =	sdelay $0x3  }
0x34: {  	[smem:$0x3FB8] =	sst s10  }
0x35: {  	s10 =	sld [smem:$0x3FB7];
	_ =	sdelay $0x3  }
0x36: {  	p1 =	seq.s32 s10, $0x1;
	s10 =	sld [smem:$0x3FB8];
	_ =	sdelay $0x3  }
0x37: {  	[smem:$0x3FB8] =	sst s10  }
0x38: {  	s10 =	sld [smem:$0x3FB9]  }
0x39: {  	_ = 	snop;
	(pc) =	sbr.ind lr, $3  }
0x3a: {  	_ = 	snop  }
0x3b: {  	_ = 	snop  }
0x3c: {  	p2 =	seq.s32 s10, $0x1;
	s10 =	sld [smem:$0x3FB8]  }
0x3d: {  	_ =	shalt  }
0x3e: {  	_ =	shalt  }
0x3f: {  	_ =	shalt  }
0x40: {  	_ =	shalt  }
0x41: {  	_ =	shalt  }
0x42: {  	_ =	shalt  }
0x43: {  	_ =	shalt  }
0x44: {  	_ =	shalt  }
0x45: {  	_ =	shalt  }
0x46: {  	_ =	shalt  }
0x47: {  	_ =	shalt  }
0x48: {  	_ =	shalt  }
0x49: {  	_ =	shalt  }
0x4a: {  	_ =	shalt  }
0x4b: {  	_ =	shalt  }
0x4c: {  	_ =	shalt  }
0x4d: {  	_ =	shalt  }
0x4e: {  	_ =	shalt  }
0x4f: {  	_ =	shalt  }
0x50: {  	_ =	shalt  }
0x51: {  	_ =	shalt  }
0x52: {  	_ =	shalt  }
0x53: {  	_ =	shalt  }
0x54: {  	_ =	shalt  }
0x55: {  	_ =	shalt  }
0x56: {  	_ =	shalt  }
0x57: {  	_ =	shalt  }
0x58: {  	_ =	shalt  }
0x59: {  	_ =	shalt  }
0x5a: {  	_ =	shalt  }
0x5b: {  	_ =	shalt  }
0x5c: {  	_ =	shalt  }
0x5d: {  	_ =	shalt  }
0x5e: {  	_ =	shalt  }
0x5f: {  	_ =	shalt  }
0x60: {  	_ =	shalt  }
0x61: {  	_ =	shalt  }
0x62: {  	_ =	shalt  }
0x63: {  	_ =	shalt  }
0x64: {  	_ =	shalt  }
0x65: {  	_ =	shalt  }
0x66: {  	_ =	shalt  }
0x67: {  	_ =	shalt  }
0x68: {  	_ =	shalt  }
0x69: {  	_ =	shalt  }
0x6a: {  	_ =	shalt  }
0x6b: {  	_ =	shalt  }
0x6c: {  	_ =	shalt  }
0x6d: {  	_ =	shalt  }
0x6e: {  	_ =	shalt  }
0x6f: {  	_ =	shalt  }
0x70: {  	_ =	shalt  }
0x71: {  	_ =	shalt  }
0x72: {  	_ =	shalt  }
0x73: {  	_ =	shalt  }
0x74: {  	_ =	shalt  }
0x75: {  	_ =	shalt  }
0x76: {  	_ =	shalt  }
0x77: {  	_ =	shalt  }
0x78: {  	_ =	shalt  }
0x79: {  	_ =	shalt  }
0x7a: {  	_ =	shalt  }
0x7b: {  	_ =	shalt  }
0x7c: {  	_ =	shalt  }
0x7d: {  	_ =	shalt  }
0x7e: {  	_ =	shalt  }
0x7f: {  	_ =	shalt  }
0x80: {  	_ =	shalt  }
0x81: {  	_ =	shalt  }
0x82: {  	_ =	shalt  }
0x83: {  	_ =	shalt  }
0x84: {  	_ =	shalt  }
0x85: {  	_ =	shalt  }
0x86: {  	_ =	shalt  }
0x87: {  	_ =	shalt  }
.Lfunc_end0:
.L_simem_size_0:
called_computation_lowered:
.L_overlay_start_0:
0x88: {  	s2 =	sld [smem:$0x3FD9]  }
0x89: {  	s3 =	sld [smem:$0x3FFE];
	_ =	sdelay $0x1  }
0x8a: {  	s1 =	srdreg.scid  }
0x8b: {  	s0 =	sand.u32 $0x1, s1  }
0x8c: {  	s17 =	sshll.u32 s0, $0xA;
	s2 =	sadd.s32 s3, s2  }
0x8d: {  	s2 =	sadd.s32 s2, s17  }
0x8e: {  	[smem:$0x3FC4] =	sst s2  }
0x8f: {  	_ = 	snop  }
0x90: {  	s2 =	sld [smem:$0x3FD0];
	(tm) =	ssettm $0x1  }
0x91: {  	s18 =	sld [smem:$0x3FFB];
	_ =	sdelay $0x3  }
0x92: {  	_ =	strace s18  }
0x93: {  	s3 =	sld [smem:$0x3FFC];
	_ =	sdelay $0x3  }
0x94: {  	_ =	strace s3  }
0x95: {  	s3 =	sld [smem:$0x3FFD];
	_ =	sdelay $0x3  }
0x96: {  	_ =	strace s3  }
0x97: {  	_ =	strace $0x8FFFFFFF  }
0x98: {  	s19 =	sld [smem:$0x3FDB];
	_ =	sdelay $0x1  }
0x99: {  	s4 =	simm.s32 $_scs_section_size  }
0x9a: {  	s5 =	simm.s32 $_size__tile_overlayer_lowered;
	s6 =	simm.s32 $_tile_overlayer_lowered  }
0x9b: {  	s22 =	simm.s32 $0x1BFF;
	s21 =	sshll.u32 s6, $0x1;
	s3 =	sadd.s32 s4, s19  }
0x9c: {  	s7 =	simm.s32 $0x0;
	s20 =	sshll.u32 s5, $0x1;
	s5 =	sadd.s32 s21, s3  }
0x9d: {  	[timem:s7], [sflag:s22] =	dma.local [hbm:s5], s20  }
0x9e: {  	_ =	swait.ge [sflag:s22], s20  }
0x9f: {  	s4 =	ssub.s32 $0x0, s20;
	[sflag:s22] =	ssyncset.done $0x0  }
0xa0: {  	[sflag:s22] =	ssyncadd.s32 s4;
	_ =	sdelay $0x1  }
0xa1: {  	s23 =	simm.s32 $0x1B8B  }
0xa2: {  	_ =	swait.ge [sflag:s23], $0x1  }
0xa3: {  	[sflag:s23] =	ssyncset.done $0x0  }
0xa4: {  	s25 =	simm.s32 $0x1B8E;
	s24 =	sld [smem:$0x3FFE];
	[sflag:s23] =	ssyncadd.s32 $0xFFFFFFFF  }
0xa5: {  	s26 =	simm.s32 $execute0_lowered;
	[smem:$0x3FD2] =	sst s25  }
0xa6: {  	s5 =	sshll.u32 s26, $0x1;
	_ =	strace $0x80000046;
	[dreg:$0x1] =	wrdreg $0xFFFFFFFF  }
0xa7: {  	s28 =	simm.s32 $_size_execute0_lowered;
	s3 =	sadd.s32 s3, s5;
	[dreg:$0x0] =	wrdreg $0x0  }
0xa8: {  	s5 =	sshll.u32 s28, $0x1;
	[dreg:$0x2] =	wrdreg s3  }
0xa9: {  	[dreg:$0x3] =	wrdreg s5  }
0xaa: {  	[dreg:$0x4] =	wrdreg $0xC0  }
0xab: {  	_ =	task [dreg:s7], $0x5FFFF  }
0xac: {  	[dreg:$0x1] =	wrdreg $0xFFFFFFFF  }
0xad: {  	[dreg:$0x0] =	wrdreg $0x60  }
0xae: {  	[dreg:$0x2] =	wrdreg s24  }
0xaf: {  	[dreg:$0x3] =	wrdreg s2  }
0xb0: {  	[dreg:$0x4] =	wrdreg $0x9  }
0xb1: {  	_ =	task.clear_ibuf [dreg:s7], $0x5FFFF;
	_ =	strace $0x90000046  }
0xb2: {  	s29 =	simm.s32 $0x9;
	_ =	strace $0x80000048  }
0xb3: {  	_ =	swait.ge [sflag:s29], $0x1  }
0xb4: {  	[sflag:s29] =	ssyncadd.s32 $0xFFFFFFFF  }
0xb5: {  	_ =	strace $0x90000048  }
0xb6: {  	_ =	sfence  }
0xb7: {  	s30 =	sld [smem:$0x0];
	_ =	sdelay $0x2  }
0xb8: {  	s31 =	sshll.u32 s1, $0xD;
	s1 =	sshrl.u32 s1, $0x2  }
0xb9: {  	s3 =	sand.u32 $0x4000, s31;
	s1 =	sadd.s32 s1, s30  }
0xba: {  	s0 =	sor.u32 s3, s0;
	s1 =	sshll.u32 s1, $0x11  }
0xbb: {  	s0 =	sor.u32 s1, s0  }
0xbc: {  	s0 =	sadd.s32 $0x8F2B, s0  }
0xbd: {  	[sflag:s0] =	ssyncadd.remote.s32 $0x1  }
0xbe: {  	_ =	sfence.sel $0xFFFF  }
0xbf: {  	[dreg:$0x0] =	wrdreg $0xFFFFFFFF;
	(pc) =	sbr.abs _section_cstart, $3  }
0xc0: {  	[dreg:$0x1] =	wrdreg $0xFFFFFFFF  }
0xc1: {  	_ =	task.clear_ibuf [dreg:s7], $0x2FFFF;
	_ =	strace $0x9FFFFFFF  }
0xc2: {  	(tm) =	ssettm $0x7FFFFFFF  }
0xc3: {  	_ =	shalt  }
tec
execute0_lowered:
.L_overlay_start_1:
0x0: {  	(tag) =	ssettag $0x1  }
0x1: {  	s0 =	rddreg [dreg:$0x0]  }
0x2: {  	s2 =	rddreg [dreg:$0x1];
	s1 =	simm.s32 $0x0;
	s3 =	srdreg.scid  }
0x3: {  	s6 =	stileid.u32;
	[smem:$0x7FF] =	sst s1  }
0x4: {  	s5 =	sadd.s32 $0x1E00, s0;
	s7 =	sadd.s32 $0xA1E00, s0;
	s9 =	sadd.s32 $0xA2200, s0  }
0x5: {  	s4 =	sand.u32 $0x1, s3;
	s6 =	sshll.u32 s6, $0x1;
	s3 =	sadd.s32 $0xA2600, s0  }
0x6: {  	_ =	strace $0x80000047;
	s8 =	ssub.s32 $0x2, s4;
	s6 =	sor.u32 s4, s6  }
0x7: {  	s4 =	sadd.s32 $0x1E2600, s0;
	s10 =	sshrl.u32 s8, $0x1;
	s11 =	sshll.u32 s6, $0x5  }
0x8: {  	s12 =	sshll.u32 s6, $0x8;
	s26 =	sshll.u32 s6, $0xE;
	s25 =	sadd.s32 s7, s11  }
0x9: {  	s10 =	ssub.s32 s8, s10;
	s6 =	sadd.s32 s5, s26;
	[dreg:$0x3] =	wrdreg s25  }
0xa: {  	s12 =	sor.u32 $0x80, s12;
	s8 =	sadd.s32 s2, s26;
	[dreg:$0x7] =	wrdreg s6  }
0xb: {  	s30 =	sadd.s32 s9, s11;
	s13 =	sshrl.u32 s12, $0x3;
	[dreg:$0x8] =	wrdreg s8  }
0xc: {  	s29 =	sshll.u32 s12, $0x6;
	[dreg:$0x5] =	wrdreg s30;
	s28 =	sadd.s32 s7, s13  }
0xd: {  	s6 =	sadd.s32 $0xA2700, s0;
	s5 =	sadd.s32 s5, s29;
	[dreg:$0x4] =	wrdreg s28  }
0xe: {  	v2 =	vlaneseq.u32;
	s8 =	sadd.s32 $0x1E2700, s0;
	s0 =	sadd.s32 s2, s29;
	[dreg:$0x9] =	wrdreg s5  }
0xf: {  	vm0 =	vmmov $0xffff;
	v1 =	vshrl.u32 v2, $0x3;
	s31 =	sadd.s32 s9, s13;
	[dreg:$0xa] =	wrdreg s0  }
0x10: {  	v0 =	vand.u32 $0x7, v2;
	v2 =	vor.u32 $0x8, v2;
	v1 =	vmul.u32 $0x8, v1;
	s12 =	simm.s32 $0x1;
	[dreg:$0x6] =	wrdreg s31;
	s0 =	smax.u32 s10, $0x1  }
.LBB2_1:
0x11: {  	[dreg:$0xb] =	wrdreg s0  }
0x12: {  	s22 =	rddreg [dreg:$0x3]  }
0x13: {  	[tilespmem:s1], [sflag:$0x1] =	stream.linear.gather [hbm4b:s22+s1], $0x80, $0x38;
	[tilespmem:$0x10080] =	vst v63  }
0x14: {  	_ =	swait.ge [sflag:s12], $0x80  }
0x15: {  	[sflag:s12] =	ssyncset.done $0x0  }
0x16: {  	s9 =	simm.s32 $0x80;
	s2 =	rddreg [dreg:$0x7];
	[sflag:s12] =	ssyncadd.s32 $0xFFFFFF80  }
0x17: {  	[tilespmem:s9], [sflag:$0x1] =	stream.linear.gather [hbm4b:s2+s1], $0x10000, $0x38;
	[tilespmem:$0x10080] =	vst v63  }
0x18: {  	_ =	swait.ge [sflag:s12], $0x10000  }
0x19: {  	[sflag:s12] =	ssyncset.done $0x0  }
0x1a: {  	[sflag:s12] =	ssyncadd.s32 $0xFFFF0000  }
0x1b: {  	v3 =	vld [tilespmem:$0x0];
	_ =	sdelay $0x4  }
0x1c: {  	v4 =	vshll.u32 v3, $0x2  }
0x1d: {  	v3 =	vand.u32 $0x7, v3;
	v4 =	vand.u32 $0xFFFFFFE0, v4  }
0x1e: {  	v3 =	vor.u32 v3, v4  }
0x1f: {  	v4 =	vperm.xlane v3, v0;
	_ =	sdelay $0x1  }
0x20: {  	v4 =	vadd.s32 v1, v4;
	_ =	sdelay $0x1  }
0x21: {  	v3 =	vperm.xlane v3, v2;
	_ =	sdelay $0x1  }
0x22: {  	s7 =	simm.s32 $0x80;
	v3 =	vadd.s32 v1, v3  }
0x23: {  	[hbm4b:s3+s1] =	stream.indirect_vreg.scatter [tilespmem:s7], [sflag:$0x1], $0x80, v4, vm0, $0xb8;
	[tilespmem:$0x10080] =	vst v63  }
0x24: {  	s10 =	simm.s32 $0x880  }
0x25: {  	[hbm4b:s6+s1] =	stream.indirect_vreg.scatter [tilespmem:s10], [sflag:$0x1], $0x80, v4, vm0, $0xb8;
	[tilespmem:$0x10080] =	vst v63  }
0x26: {  	s11 =	simm.s32 $0x1080  }
0x27: {  	[hbm4b:s3+s1] =	stream.indirect_vreg.scatter [tilespmem:s11], [sflag:$0x1], $0x80, v3, vm0, $0xb8;
	[tilespmem:$0x10080] =	vst v63  }
0x28: {  	s13 =	simm.s32 $0x1880  }
0x29: {  	[hbm4b:s6+s1] =	stream.indirect_vreg.scatter [tilespmem:s13], [sflag:$0x1], $0x80, v3, vm0, $0xb8;
	[tilespmem:$0x10080] =	vst v63  }
0x2a: {  	v3 =	vld [tilespmem:$0x10];
	_ =	sdelay $0x4  }
0x2b: {  	v57 =	vshll.u32 v3, $0x2  }
0x2c: {  	v3 =	vand.u32 $0x7, v3;
	v4 =	vand.u32 $0xFFFFFFE0, v57  }
0x2d: {  	v3 =	vor.u32 v3, v4  }
0x2e: {  	v4 =	vperm.xlane v3, v0;
	_ =	sdelay $0x1  }
0x2f: {  	v4 =	vadd.s32 v1, v4;
	_ =	sdelay $0x1  }
0x30: {  	v3 =	vperm.xlane v3, v2;
	_ =	sdelay $0x1  }
0x31: {  	s14 =	simm.s32 $0x2080;
	v3 =	vadd.s32 v1, v3  }
0x32: {  	[hbm4b:s3+s1] =	stream.indirect_vreg.scatter [tilespmem:s14], [sflag:$0x1], $0x80, v4, vm0, $0xb8;
	[tilespmem:$0x10080] =	vst v63  }
0x33: {  	s16 =	simm.s32 $0x2880  }
0x34: {  	[hbm4b:s6+s1] =	stream.indirect_vreg.scatter [tilespmem:s16], [sflag:$0x1], $0x80, v4, vm0, $0xb8;
	[tilespmem:$0x10080] =	vst v63  }
0x35: {  	s17 =	simm.s32 $0x3080  }
0x36: {  	[hbm4b:s3+s1] =	stream.indirect_vreg.scatter [tilespmem:s17], [sflag:$0x1], $0x80, v3, vm0, $0xb8;
	[tilespmem:$0x10080] =	vst v63  }
0x37: {  	s18 =	simm.s32 $0x3880  }
0x38: {  	[hbm4b:s6+s1] =	stream.indirect_vreg.scatter [tilespmem:s18], [sflag:$0x1], $0x80, v3, vm0, $0xb8;
	[tilespmem:$0x10080] =	vst v63  }
0x39: {  	v3 =	vld [tilespmem:$0x20];
	_ =	sdelay $0x4  }
0x3a: {  	v58 =	vshll.u32 v3, $0x2  }
0x3b: {  	v3 =	vand.u32 $0x7, v3;
	v4 =	vand.u32 $0xFFFFFFE0, v58  }
0x3c: {  	v3 =	vor.u32 v3, v4  }
0x3d: {  	v4 =	vperm.xlane v3, v0;
	_ =	sdelay $0x1  }
0x3e: {  	v4 =	vadd.s32 v1, v4;
	_ =	sdelay $0x1  }
0x3f: {  	v3 =	vperm.xlane v3, v2;
	_ =	sdelay $0x1  }
0x40: {  	s19 =	simm.s32 $0x4080;
	v3 =	vadd.s32 v1, v3  }
0x41: {  	[hbm4b:s3+s1] =	stream.indirect_vreg.scatter [tilespmem:s19], [sflag:$0x1], $0x80, v4, vm0, $0xb8;
	[tilespmem:$0x10080] =	vst v63  }
0x42: {  	s21 =	simm.s32 $0x4880  }
0x43: {  	[hbm4b:s6+s1] =	stream.indirect_vreg.scatter [tilespmem:s21], [sflag:$0x1], $0x80, v4, vm0, $0xb8;
	[tilespmem:$0x10080] =	vst v63  }
0x44: {  	s22 =	simm.s32 $0x5080  }
0x45: {  	[hbm4b:s3+s1] =	stream.indirect_vreg.scatter [tilespmem:s22], [sflag:$0x1], $0x80, v3, vm0, $0xb8;
	[tilespmem:$0x10080] =	vst v63  }
0x46: {  	s23 =	simm.s32 $0x5880  }
0x47: {  	[hbm4b:s6+s1] =	stream.indirect_vreg.scatter [tilespmem:s23], [sflag:$0x1], $0x80, v3, vm0, $0xb8;
	[tilespmem:$0x10080] =	vst v63  }
0x48: {  	v3 =	vld [tilespmem:$0x30];
	_ =	sdelay $0x4  }
0x49: {  	v59 =	vshll.u32 v3, $0x2  }
0x4a: {  	v3 =	vand.u32 $0x7, v3;
	v4 =	vand.u32 $0xFFFFFFE0, v59  }
0x4b: {  	v3 =	vor.u32 v3, v4  }
0x4c: {  	v4 =	vperm.xlane v3, v0;
	_ =	sdelay $0x1  }
0x4d: {  	v4 =	vadd.s32 v1, v4;
	_ =	sdelay $0x1  }
0x4e: {  	v3 =	vperm.xlane v3, v2;
	_ =	sdelay $0x1  }
0x4f: {  	s24 =	simm.s32 $0x6080;
	v3 =	vadd.s32 v1, v3  }
0x50: {  	[hbm4b:s3+s1] =	stream.indirect_vreg.scatter [tilespmem:s24], [sflag:$0x1], $0x80, v4, vm0, $0xb8;
	[tilespmem:$0x10080] =	vst v63  }
0x51: {  	s25 =	simm.s32 $0x6880  }
0x52: {  	[hbm4b:s6+s1] =	stream.indirect_vreg.scatter [tilespmem:s25], [sflag:$0x1], $0x80, v4, vm0, $0xb8;
	[tilespmem:$0x10080] =	vst v63  }
0x53: {  	s28 =	simm.s32 $0x7080  }
0x54: {  	[hbm4b:s3+s1] =	stream.indirect_vreg.scatter [tilespmem:s28], [sflag:$0x1], $0x80, v3, vm0, $0xb8;
	[tilespmem:$0x10080] =	vst v63  }
0x55: {  	s2 =	simm.s32 $0x7880  }
0x56: {  	[hbm4b:s6+s1] =	stream.indirect_vreg.scatter [tilespmem:s2], [sflag:$0x1], $0x80, v3, vm0, $0xb8;
	[tilespmem:$0x10080] =	vst v63  }
0x57: {  	v3 =	vld [tilespmem:$0x40];
	_ =	sdelay $0x4  }
0x58: {  	v60 =	vshll.u32 v3, $0x2  }
0x59: {  	v3 =	vand.u32 $0x7, v3;
	v4 =	vand.u32 $0xFFFFFFE0, v60  }
0x5a: {  	v3 =	vor.u32 v3, v4  }
0x5b: {  	v4 =	vperm.xlane v3, v0;
	_ =	sdelay $0x1  }
0x5c: {  	v4 =	vadd.s32 v1, v4;
	_ =	sdelay $0x1  }
0x5d: {  	v3 =	vperm.xlane v3, v2;
	_ =	sdelay $0x1  }
0x5e: {  	s5 =	simm.s32 $0x8080;
	v3 =	vadd.s32 v1, v3  }
0x5f: {  	[hbm4b:s3+s1] =	stream.indirect_vreg.scatter [tilespmem:s5], [sflag:$0x1], $0x80, v4, vm0, $0xb8;
	[tilespmem:$0x10080] =	vst v63  }
0x60: {  	s9 =	simm.s32 $0x8880  }
0x61: {  	[hbm4b:s6+s1] =	stream.indirect_vreg.scatter [tilespmem:s9], [sflag:$0x1], $0x80, v4, vm0, $0xb8;
	[tilespmem:$0x10080] =	vst v63  }
0x62: {  	s10 =	simm.s32 $0x9080  }
0x63: {  	[hbm4b:s3+s1] =	stream.indirect_vreg.scatter [tilespmem:s10], [sflag:$0x1], $0x80, v3, vm0, $0xb8;
	[tilespmem:$0x10080] =	vst v63  }
0x64: {  	s21 =	simm.s32 $0x9880  }
0x65: {  	[hbm4b:s6+s1] =	stream.indirect_vreg.scatter [tilespmem:s21], [sflag:$0x1], $0x80, v3, vm0, $0xb8;
	[tilespmem:$0x10080] =	vst v63  }
0x66: {  	v3 =	vld [tilespmem:$0x50];
	_ =	sdelay $0x4  }
0x67: {  	v61 =	vshll.u32 v3, $0x2  }
0x68: {  	v3 =	vand.u32 $0x7, v3;
	v4 =	vand.u32 $0xFFFFFFE0, v61  }
0x69: {  	v3 =	vor.u32 v3, v4  }
0x6a: {  	v4 =	vperm.xlane v3, v0;
	_ =	sdelay $0x1  }
0x6b: {  	v4 =	vadd.s32 v1, v4;
	_ =	sdelay $0x1  }
0x6c: {  	v3 =	vperm.xlane v3, v2;
	_ =	sdelay $0x1  }
0x6d: {  	s23 =	simm.s32 $0xA080;
	v3 =	vadd.s32 v1, v3  }
0x6e: {  	[hbm4b:s3+s1] =	stream.indirect_vreg.scatter [tilespmem:s23], [sflag:$0x1], $0x80, v4, vm0, $0xb8;
	[tilespmem:$0x10080] =	vst v63  }
0x6f: {  	s25 =	simm.s32 $0xA880  }
0x70: {  	[hbm4b:s6+s1] =	stream.indirect_vreg.scatter [tilespmem:s25], [sflag:$0x1], $0x80, v4, vm0, $0xb8;
	[tilespmem:$0x10080] =	vst v63  }
0x71: {  	s28 =	simm.s32 $0xB080  }
0x72: {  	[hbm4b:s3+s1] =	stream.indirect_vreg.scatter [tilespmem:s28], [sflag:$0x1], $0x80, v3, vm0, $0xb8;
	[tilespmem:$0x10080] =	vst v63  }
0x73: {  	s0 =	simm.s32 $0xB880  }
0x74: {  	[hbm4b:s6+s1] =	stream.indirect_vreg.scatter [tilespmem:s0], [sflag:$0x1], $0x80, v3, vm0, $0xb8;
	[tilespmem:$0x10080] =	vst v63  }
0x75: {  	v3 =	vld [tilespmem:$0x60];
	_ =	sdelay $0x4  }
0x76: {  	v62 =	vshll.u32 v3, $0x2  }
0x77: {  	v3 =	vand.u32 $0x7, v3;
	v4 =	vand.u32 $0xFFFFFFE0, v62  }
0x78: {  	v3 =	vor.u32 v3, v4  }
0x79: {  	v4 =	vperm.xlane v3, v0;
	_ =	sdelay $0x1  }
0x7a: {  	v4 =	vadd.s32 v1, v4;
	_ =	sdelay $0x1  }
0x7b: {  	v3 =	vperm.xlane v3, v2;
	_ =	sdelay $0x1  }
0x7c: {  	s9 =	simm.s32 $0xC080;
	v3 =	vadd.s32 v1, v3  }
0x7d: {  	[hbm4b:s3+s1] =	stream.indirect_vreg.scatter [tilespmem:s9], [sflag:$0x1], $0x80, v4, vm0, $0xb8;
	[tilespmem:$0x10080] =	vst v63  }
0x7e: {  	s21 =	simm.s32 $0xC880  }
0x7f: {  	[hbm4b:s6+s1] =	stream.indirect_vreg.scatter [tilespmem:s21], [sflag:$0x1], $0x80, v4, vm0, $0xb8;
	[tilespmem:$0x10080] =	vst v63  }
0x80: {  	s23 =	simm.s32 $0xD080  }
0x81: {  	[hbm4b:s3+s1] =	stream.indirect_vreg.scatter [tilespmem:s23], [sflag:$0x1], $0x80, v3, vm0, $0xb8;
	[tilespmem:$0x10080] =	vst v63  }
0x82: {  	s25 =	simm.s32 $0xD880  }
0x83: {  	[hbm4b:s6+s1] =	stream.indirect_vreg.scatter [tilespmem:s25], [sflag:$0x1], $0x80, v3, vm0, $0xb8;
	[tilespmem:$0x10080] =	vst v63  }
0x84: {  	v3 =	vld [tilespmem:$0x70];
	_ =	sdelay $0x4  }
0x85: {  	v63 =	vshll.u32 v3, $0x2  }
0x86: {  	v3 =	vand.u32 $0x7, v3;
	v4 =	vand.u32 $0xFFFFFFE0, v63  }
0x87: {  	v3 =	vor.u32 v3, v4  }
0x88: {  	v4 =	vperm.xlane v3, v0;
	_ =	sdelay $0x1  }
0x89: {  	v4 =	vadd.s32 v1, v4;
	_ =	sdelay $0x1  }
0x8a: {  	v3 =	vperm.xlane v3, v2;
	_ =	sdelay $0x1  }
0x8b: {  	s28 =	simm.s32 $0xE080;
	v3 =	vadd.s32 v1, v3  }
0x8c: {  	[hbm4b:s3+s1] =	stream.indirect_vreg.scatter [tilespmem:s28], [sflag:$0x1], $0x80, v4, vm0, $0xb8;
	[tilespmem:$0x10080] =	vst v63  }
0x8d: {  	s0 =	simm.s32 $0xE880  }
0x8e: {  	[hbm4b:s6+s1] =	stream.indirect_vreg.scatter [tilespmem:s0], [sflag:$0x1], $0x80, v4, vm0, $0xb8;
	[tilespmem:$0x10080] =	vst v63  }
0x8f: {  	s23 =	simm.s32 $0xF080  }
0x90: {  	[hbm4b:s3+s1] =	stream.indirect_vreg.scatter [tilespmem:s23], [sflag:$0x1], $0x80, v3, vm0, $0xb8;
	[tilespmem:$0x10080] =	vst v63  }
0x91: {  	s25 =	simm.s32 $0xF880  }
0x92: {  	[hbm4b:s6+s1] =	stream.indirect_vreg.scatter [tilespmem:s25], [sflag:$0x1], $0x80, v3, vm0, $0xb8;
	[tilespmem:$0x10080] =	vst v63  }
0x93: {  	_ =	swait.ge [sflag:s12], $0x10000  }
0x94: {  	[sflag:s12] =	ssyncset.done $0x0  }
0x95: {  	s28 =	rddreg [dreg:$0x8];
	[sflag:s12] =	ssyncadd.s32 $0xFFFF0000  }
0x96: {  	[tilespmem:s7], [sflag:$0x1] =	stream.linear.gather [hbm4b:s28+s1], $0x10000, $0x38;
	[tilespmem:$0x10080] =	vst v63  }
0x97: {  	_ =	swait.ge [sflag:s12], $0x10000  }
0x98: {  	[sflag:s12] =	ssyncset.done $0x0  }
0x99: {  	[sflag:s12] =	ssyncadd.s32 $0xFFFF0000  }
0x9a: {  	v3 =	vld [tilespmem:$0x0];
	_ =	sdelay $0x4  }
0x9b: {  	v8 =	vshll.u32 v3, $0x2  }
0x9c: {  	v3 =	vand.u32 $0x7, v3;
	v4 =	vand.u32 $0xFFFFFFE0, v8  }
0x9d: {  	v3 =	vor.u32 v3, v4  }
0x9e: {  	v4 =	vperm.xlane v3, v0;
	_ =	sdelay $0x1  }
0x9f: {  	v4 =	vadd.s32 v1, v4;
	_ =	sdelay $0x1  }
0xa0: {  	v3 =	vperm.xlane v3, v2;
	_ =	sdelay $0x1  }
0xa1: {  	v3 =	vadd.s32 v1, v3  }
0xa2: {  	[hbm4b:s4+s1] =	stream.indirect_vreg.scatter [tilespmem:s7], [sflag:$0x1], $0x80, v4, vm0, $0xb8;
	[tilespmem:$0x10080] =	vst v63  }
0xa3: {  	s26 =	simm.s32 $0x880  }
0xa4: {  	[hbm4b:s8+s1] =	stream.indirect_vreg.scatter [tilespmem:s26], [sflag:$0x1], $0x80, v4, vm0, $0xb8;
	[tilespmem:$0x10080] =	vst v63  }
0xa5: {  	s11 =	simm.s32 $0x1080  }
0xa6: {  	[hbm4b:s4+s1] =	stream.indirect_vreg.scatter [tilespmem:s11], [sflag:$0x1], $0x80, v3, vm0, $0xb8;
	[tilespmem:$0x10080] =	vst v63  }
0xa7: {  	s15 =	simm.s32 $0x1880  }
0xa8: {  	[hbm4b:s8+s1] =	stream.indirect_vreg.scatter [tilespmem:s15], [sflag:$0x1], $0x80, v3, vm0, $0xb8;
	[tilespmem:$0x10080] =	vst v63  }
0xa9: {  	v3 =	vld [tilespmem:$0x10];
	_ =	sdelay $0x4  }
0xaa: {  	v9 =	vshll.u32 v3, $0x2  }
0xab: {  	v3 =	vand.u32 $0x7, v3;
	v4 =	vand.u32 $0xFFFFFFE0, v9  }
0xac: {  	v3 =	vor.u32 v3, v4  }
0xad: {  	v4 =	vperm.xlane v3, v0;
	_ =	sdelay $0x1  }
0xae: {  	v4 =	vadd.s32 v1, v4;
	_ =	sdelay $0x1  }
0xaf: {  	v3 =	vperm.xlane v3, v2;
	_ =	sdelay $0x1  }
0xb0: {  	s20 =	simm.s32 $0x2080;
	v3 =	vadd.s32 v1, v3  }
0xb1: {  	[hbm4b:s4+s1] =	stream.indirect_vreg.scatter [tilespmem:s20], [sflag:$0x1], $0x80, v4, vm0, $0xb8;
	[tilespmem:$0x10080] =	vst v63  }
0xb2: {  	s16 =	simm.s32 $0x2880  }
0xb3: {  	[hbm4b:s8+s1] =	stream.indirect_vreg.scatter [tilespmem:s16], [sflag:$0x1], $0x80, v4, vm0, $0xb8;
	[tilespmem:$0x10080] =	vst v63  }
0xb4: {  	s17 =	simm.s32 $0x3080  }
0xb5: {  	[hbm4b:s4+s1] =	stream.indirect_vreg.scatter [tilespmem:s17], [sflag:$0x1], $0x80, v3, vm0, $0xb8;
	[tilespmem:$0x10080] =	vst v63  }
0xb6: {  	s30 =	simm.s32 $0x3880  }
0xb7: {  	[hbm4b:s8+s1] =	stream.indirect_vreg.scatter [tilespmem:s30], [sflag:$0x1], $0x80, v3, vm0, $0xb8;
	[tilespmem:$0x10080] =	vst v63  }
0xb8: {  	v3 =	vld [tilespmem:$0x20];
	_ =	sdelay $0x4  }
0xb9: {  	v10 =	vshll.u32 v3, $0x2  }
0xba: {  	v3 =	vand.u32 $0x7, v3;
	v4 =	vand.u32 $0xFFFFFFE0, v10  }
0xbb: {  	v3 =	vor.u32 v3, v4  }
0xbc: {  	v4 =	vperm.xlane v3, v0;
	_ =	sdelay $0x1  }
0xbd: {  	v4 =	vadd.s32 v1, v4;
	_ =	sdelay $0x1  }
0xbe: {  	v3 =	vperm.xlane v3, v2;
	_ =	sdelay $0x1  }
0xbf: {  	s18 =	simm.s32 $0x4080;
	v3 =	vadd.s32 v1, v3  }
0xc0: {  	[hbm4b:s4+s1] =	stream.indirect_vreg.scatter [tilespmem:s18], [sflag:$0x1], $0x80, v4, vm0, $0xb8;
	[tilespmem:$0x10080] =	vst v63  }
0xc1: {  	s19 =	simm.s32 $0x4880  }
0xc2: {  	[hbm4b:s8+s1] =	stream.indirect_vreg.scatter [tilespmem:s19], [sflag:$0x1], $0x80, v4, vm0, $0xb8;
	[tilespmem:$0x10080] =	vst v63  }
0xc3: {  	s29 =	simm.s32 $0x5080  }
0xc4: {  	[hbm4b:s4+s1] =	stream.indirect_vreg.scatter [tilespmem:s29], [sflag:$0x1], $0x80, v3, vm0, $0xb8;
	[tilespmem:$0x10080] =	vst v63  }
0xc5: {  	s14 =	simm.s32 $0x5880  }
0xc6: {  	[hbm4b:s8+s1] =	stream.indirect_vreg.scatter [tilespmem:s14], [sflag:$0x1], $0x80, v3, vm0, $0xb8;
	[tilespmem:$0x10080] =	vst v63  }
0xc7: {  	v3 =	vld [tilespmem:$0x30];
	_ =	sdelay $0x4  }
0xc8: {  	v11 =	vshll.u32 v3, $0x2  }
0xc9: {  	v3 =	vand.u32 $0x7, v3;
	v4 =	vand.u32 $0xFFFFFFE0, v11  }
0xca: {  	v3 =	vor.u32 v3, v4  }
0xcb: {  	v4 =	vperm.xlane v3, v0;
	_ =	sdelay $0x1  }
0xcc: {  	v4 =	vadd.s32 v1, v4;
	_ =	sdelay $0x1  }
0xcd: {  	v3 =	vperm.xlane v3, v2;
	_ =	sdelay $0x1  }
0xce: {  	s31 =	simm.s32 $0x6080;
	v3 =	vadd.s32 v1, v3  }
0xcf: {  	[hbm4b:s4+s1] =	stream.indirect_vreg.scatter [tilespmem:s31], [sflag:$0x1], $0x80, v4, vm0, $0xb8;
	[tilespmem:$0x10080] =	vst v63  }
0xd0: {  	s13 =	simm.s32 $0x6880  }
0xd1: {  	[hbm4b:s8+s1] =	stream.indirect_vreg.scatter [tilespmem:s13], [sflag:$0x1], $0x80, v4, vm0, $0xb8;
	[tilespmem:$0x10080] =	vst v63  }
0xd2: {  	s26 =	simm.s32 $0x7080  }
0xd3: {  	[hbm4b:s4+s1] =	stream.indirect_vreg.scatter [tilespmem:s26], [sflag:$0x1], $0x80, v3, vm0, $0xb8;
	[tilespmem:$0x10080] =	vst v63  }
0xd4: {  	s24 =	simm.s32 $0x7880  }
0xd5: {  	[hbm4b:s8+s1] =	stream.indirect_vreg.scatter [tilespmem:s24], [sflag:$0x1], $0x80, v3, vm0, $0xb8;
	[tilespmem:$0x10080] =	vst v63  }
0xd6: {  	v3 =	vld [tilespmem:$0x40];
	_ =	sdelay $0x4  }
0xd7: {  	v12 =	vshll.u32 v3, $0x2  }
0xd8: {  	v3 =	vand.u32 $0x7, v3;
	v4 =	vand.u32 $0xFFFFFFE0, v12  }
0xd9: {  	v3 =	vor.u32 v3, v4  }
0xda: {  	v4 =	vperm.xlane v3, v0;
	_ =	sdelay $0x1  }
0xdb: {  	v4 =	vadd.s32 v1, v4;
	_ =	sdelay $0x1  }
0xdc: {  	v3 =	vperm.xlane v3, v2;
	_ =	sdelay $0x1  }
0xdd: {  	s0 =	simm.s32 $0x8080;
	v3 =	vadd.s32 v1, v3  }
0xde: {  	[hbm4b:s4+s1] =	stream.indirect_vreg.scatter [tilespmem:s0], [sflag:$0x1], $0x80, v4, vm0, $0xb8;
	[tilespmem:$0x10080] =	vst v63  }
0xdf: {  	s5 =	simm.s32 $0x8880  }
0xe0: {  	[hbm4b:s8+s1] =	stream.indirect_vreg.scatter [tilespmem:s5], [sflag:$0x1], $0x80, v4, vm0, $0xb8;
	[tilespmem:$0x10080] =	vst v63  }
0xe1: {  	s16 =	simm.s32 $0x9080  }
0xe2: {  	[hbm4b:s4+s1] =	stream.indirect_vreg.scatter [tilespmem:s16], [sflag:$0x1], $0x80, v3, vm0, $0xb8;
	[tilespmem:$0x10080] =	vst v63  }
0xe3: {  	s18 =	simm.s32 $0x9880  }
0xe4: {  	[hbm4b:s8+s1] =	stream.indirect_vreg.scatter [tilespmem:s18], [sflag:$0x1], $0x80, v3, vm0, $0xb8;
	[tilespmem:$0x10080] =	vst v63  }
0xe5: {  	v3 =	vld [tilespmem:$0x50];
	_ =	sdelay $0x4  }
0xe6: {  	v13 =	vshll.u32 v3, $0x2  }
0xe7: {  	v3 =	vand.u32 $0x7, v3;
	v4 =	vand.u32 $0xFFFFFFE0, v13  }
0xe8: {  	v3 =	vor.u32 v3, v4  }
0xe9: {  	v4 =	vperm.xlane v3, v0;
	_ =	sdelay $0x1  }
0xea: {  	v4 =	vadd.s32 v1, v4;
	_ =	sdelay $0x1  }
0xeb: {  	v3 =	vperm.xlane v3, v2;
	_ =	sdelay $0x1  }
0xec: {  	s10 =	simm.s32 $0xA080;
	v3 =	vadd.s32 v1, v3  }
0xed: {  	[hbm4b:s4+s1] =	stream.indirect_vreg.scatter [tilespmem:s10], [sflag:$0x1], $0x80, v4, vm0, $0xb8;
	[tilespmem:$0x10080] =	vst v63  }
0xee: {  	s30 =	simm.s32 $0xA880  }
0xef: {  	[hbm4b:s8+s1] =	stream.indirect_vreg.scatter [tilespmem:s30], [sflag:$0x1], $0x80, v4, vm0, $0xb8;
	[tilespmem:$0x10080] =	vst v63  }
0xf0: {  	s2 =	simm.s32 $0xB080  }
0xf1: {  	[hbm4b:s4+s1] =	stream.indirect_vreg.scatter [tilespmem:s2], [sflag:$0x1], $0x80, v3, vm0, $0xb8;
	[tilespmem:$0x10080] =	vst v63  }
0xf2: {  	s10 =	simm.s32 $0xB880  }
0xf3: {  	[hbm4b:s8+s1] =	stream.indirect_vreg.scatter [tilespmem:s10], [sflag:$0x1], $0x80, v3, vm0, $0xb8;
	[tilespmem:$0x10080] =	vst v63  }
0xf4: {  	v3 =	vld [tilespmem:$0x60];
	_ =	sdelay $0x4  }
0xf5: {  	v14 =	vshll.u32 v3, $0x2  }
0xf6: {  	v3 =	vand.u32 $0x7, v3;
	v4 =	vand.u32 $0xFFFFFFE0, v14  }
0xf7: {  	v3 =	vor.u32 v3, v4  }
0xf8: {  	v4 =	vperm.xlane v3, v0;
	_ =	sdelay $0x1  }
0xf9: {  	v4 =	vadd.s32 v1, v4;
	_ =	sdelay $0x1  }
0xfa: {  	v3 =	vperm.xlane v3, v2;
	_ =	sdelay $0x1  }
0xfb: {  	s14 =	simm.s32 $0xC080;
	v3 =	vadd.s32 v1, v3  }
0xfc: {  	[hbm4b:s4+s1] =	stream.indirect_vreg.scatter [tilespmem:s14], [sflag:$0x1], $0x80, v4, vm0, $0xb8;
	[tilespmem:$0x10080] =	vst v63  }
0xfd: {  	s21 =	simm.s32 $0xC880  }
0xfe: {  	[hbm4b:s8+s1] =	stream.indirect_vreg.scatter [tilespmem:s21], [sflag:$0x1], $0x80, v4, vm0, $0xb8;
	[tilespmem:$0x10080] =	vst v63  }
0xff: {  	s11 =	simm.s32 $0xD080  }
0x100: {  	[hbm4b:s4+s1] =	stream.indirect_vreg.scatter [tilespmem:s11], [sflag:$0x1], $0x80, v3, vm0, $0xb8;
	[tilespmem:$0x10080] =	vst v63  }
0x101: {  	s15 =	simm.s32 $0xD880  }
0x102: {  	[hbm4b:s8+s1] =	stream.indirect_vreg.scatter [tilespmem:s15], [sflag:$0x1], $0x80, v3, vm0, $0xb8;
	[tilespmem:$0x10080] =	vst v63  }
0x103: {  	v3 =	vld [tilespmem:$0x70];
	_ =	sdelay $0x4  }
0x104: {  	v15 =	vshll.u32 v3, $0x2  }
0x105: {  	v3 =	vand.u32 $0x7, v3;
	v4 =	vand.u32 $0xFFFFFFE0, v15  }
0x106: {  	v3 =	vor.u32 v3, v4  }
0x107: {  	v4 =	vperm.xlane v3, v0;
	_ =	sdelay $0x1  }
0x108: {  	v4 =	vadd.s32 v1, v4;
	_ =	sdelay $0x1  }
0x109: {  	v3 =	vperm.xlane v3, v2;
	_ =	sdelay $0x1  }
0x10a: {  	s9 =	simm.s32 $0xE080;
	v3 =	vadd.s32 v1, v3  }
0x10b: {  	[hbm4b:s4+s1] =	stream.indirect_vreg.scatter [tilespmem:s9], [sflag:$0x1], $0x80, v4, vm0, $0xb8;
	[tilespmem:$0x10080] =	vst v63  }
0x10c: {  	s9 =	simm.s32 $0xE880  }
0x10d: {  	[hbm4b:s8+s1] =	stream.indirect_vreg.scatter [tilespmem:s9], [sflag:$0x1], $0x80, v4, vm0, $0xb8;
	[tilespmem:$0x10080] =	vst v63  }
0x10e: {  	s23 =	simm.s32 $0xF080  }
0x10f: {  	[hbm4b:s4+s1] =	stream.indirect_vreg.scatter [tilespmem:s23], [sflag:$0x1], $0x80, v3, vm0, $0xb8;
	[tilespmem:$0x10080] =	vst v63  }
0x110: {  	s22 =	simm.s32 $0xF880  }
0x111: {  	[hbm4b:s8+s1] =	stream.indirect_vreg.scatter [tilespmem:s22], [sflag:$0x1], $0x80, v3, vm0, $0xb8;
	[tilespmem:$0x10080] =	vst v63  }
0x112: {  	_ =	swait.ge [sflag:s12], $0x10000  }
0x113: {  	[sflag:s12] =	ssyncset.done $0x0  }
0x114: {  	s29 =	rddreg [dreg:$0x4];
	[sflag:s12] =	ssyncadd.s32 $0xFFFF0000  }
0x115: {  	[tilespmem:s1], [sflag:$0x1] =	stream.linear.gather [hbm4b:s29+s1], $0x80, $0x38;
	[tilespmem:$0x10080] =	vst v63  }
0x116: {  	_ =	swait.ge [sflag:s12], $0x80  }
0x117: {  	[sflag:s12] =	ssyncset.done $0x0  }
0x118: {  	s2 =	rddreg [dreg:$0x9];
	[sflag:s12] =	ssyncadd.s32 $0xFFFFFF80  }
0x119: {  	[tilespmem:s7], [sflag:$0x1] =	stream.linear.gather [hbm4b:s2+s1], $0x10000, $0x38;
	[tilespmem:$0x10080] =	vst v63  }
0x11a: {  	_ =	swait.ge [sflag:s12], $0x10000  }
0x11b: {  	[sflag:s12] =	ssyncset.done $0x0  }
0x11c: {  	[sflag:s12] =	ssyncadd.s32 $0xFFFF0000  }
0x11d: {  	v3 =	vld [tilespmem:$0x0];
	_ =	sdelay $0x4  }
0x11e: {  	v16 =	vshll.u32 v3, $0x2  }
0x11f: {  	v3 =	vand.u32 $0x7, v3;
	v4 =	vand.u32 $0xFFFFFFE0, v16  }
0x120: {  	v3 =	vor.u32 v3, v4  }
0x121: {  	v4 =	vperm.xlane v3, v0;
	_ =	sdelay $0x1  }
0x122: {  	v4 =	vadd.s32 v1, v4;
	_ =	sdelay $0x1  }
0x123: {  	v3 =	vperm.xlane v3, v2;
	_ =	sdelay $0x1  }
0x124: {  	v3 =	vadd.s32 v1, v3  }
0x125: {  	[hbm4b:s3+s1] =	stream.indirect_vreg.scatter [tilespmem:s7], [sflag:$0x1], $0x80, v4, vm0, $0xb8;
	[tilespmem:$0x10080] =	vst v63  }
0x126: {  	s28 =	simm.s32 $0x880  }
0x127: {  	[hbm4b:s6+s1] =	stream.indirect_vreg.scatter [tilespmem:s28], [sflag:$0x1], $0x80, v4, vm0, $0xb8;
	[tilespmem:$0x10080] =	vst v63  }
0x128: {  	s5 =	simm.s32 $0x1080  }
0x129: {  	[hbm4b:s3+s1] =	stream.indirect_vreg.scatter [tilespmem:s5], [sflag:$0x1], $0x80, v3, vm0, $0xb8;
	[tilespmem:$0x10080] =	vst v63  }
0x12a: {  	s13 =	simm.s32 $0x1880  }
0x12b: {  	[hbm4b:s6+s1] =	stream.indirect_vreg.scatter [tilespmem:s13], [sflag:$0x1], $0x80, v3, vm0, $0xb8;
	[tilespmem:$0x10080] =	vst v63  }
0x12c: {  	v3 =	vld [tilespmem:$0x10];
	_ =	sdelay $0x4  }
0x12d: {  	v17 =	vshll.u32 v3, $0x2  }
0x12e: {  	v3 =	vand.u32 $0x7, v3;
	v4 =	vand.u32 $0xFFFFFFE0, v17  }
0x12f: {  	v3 =	vor.u32 v3, v4  }
0x130: {  	v4 =	vperm.xlane v3, v0;
	_ =	sdelay $0x1  }
0x131: {  	v4 =	vadd.s32 v1, v4;
	_ =	sdelay $0x1  }
0x132: {  	v3 =	vperm.xlane v3, v2;
	_ =	sdelay $0x1  }
0x133: {  	s21 =	simm.s32 $0x2080;
	v3 =	vadd.s32 v1, v3  }
0x134: {  	[hbm4b:s3+s1] =	stream.indirect_vreg.scatter [tilespmem:s21], [sflag:$0x1], $0x80, v4, vm0, $0xb8;
	[tilespmem:$0x10080] =	vst v63  }
0x135: {  	s29 =	simm.s32 $0x2880  }
0x136: {  	[hbm4b:s6+s1] =	stream.indirect_vreg.scatter [tilespmem:s29], [sflag:$0x1], $0x80, v4, vm0, $0xb8;
	[tilespmem:$0x10080] =	vst v63  }
0x137: {  	s13 =	simm.s32 $0x3080  }
0x138: {  	[hbm4b:s3+s1] =	stream.indirect_vreg.scatter [tilespmem:s13], [sflag:$0x1], $0x80, v3, vm0, $0xb8;
	[tilespmem:$0x10080] =	vst v63  }
0x139: {  	s25 =	simm.s32 $0x3880  }
0x13a: {  	[hbm4b:s6+s1] =	stream.indirect_vreg.scatter [tilespmem:s25], [sflag:$0x1], $0x80, v3, vm0, $0xb8;
	[tilespmem:$0x10080] =	vst v63  }
0x13b: {  	v3 =	vld [tilespmem:$0x20];
	_ =	sdelay $0x4  }
0x13c: {  	v18 =	vshll.u32 v3, $0x2  }
0x13d: {  	v3 =	vand.u32 $0x7, v3;
	v4 =	vand.u32 $0xFFFFFFE0, v18  }
0x13e: {  	v3 =	vor.u32 v3, v4  }
0x13f: {  	v4 =	vperm.xlane v3, v0;
	_ =	sdelay $0x1  }
0x140: {  	v4 =	vadd.s32 v1, v4;
	_ =	sdelay $0x1  }
0x141: {  	v3 =	vperm.xlane v3, v2;
	_ =	sdelay $0x1  }
0x142: {  	s2 =	simm.s32 $0x4080;
	v3 =	vadd.s32 v1, v3  }
0x143: {  	[hbm4b:s3+s1] =	stream.indirect_vreg.scatter [tilespmem:s2], [sflag:$0x1], $0x80, v4, vm0, $0xb8;
	[tilespmem:$0x10080] =	vst v63  }
0x144: {  	s5 =	simm.s32 $0x4880  }
0x145: {  	[hbm4b:s6+s1] =	stream.indirect_vreg.scatter [tilespmem:s5], [sflag:$0x1], $0x80, v4, vm0, $0xb8;
	[tilespmem:$0x10080] =	vst v63  }
0x146: {  	s17 =	simm.s32 $0x5080  }
0x147: {  	[hbm4b:s3+s1] =	stream.indirect_vreg.scatter [tilespmem:s17], [sflag:$0x1], $0x80, v3, vm0, $0xb8;
	[tilespmem:$0x10080] =	vst v63  }
0x148: {  	s22 =	simm.s32 $0x5880  }
0x149: {  	[hbm4b:s6+s1] =	stream.indirect_vreg.scatter [tilespmem:s22], [sflag:$0x1], $0x80, v3, vm0, $0xb8;
	[tilespmem:$0x10080] =	vst v63  }
0x14a: {  	v3 =	vld [tilespmem:$0x30];
	_ =	sdelay $0x4  }
0x14b: {  	v19 =	vshll.u32 v3, $0x2  }
0x14c: {  	v3 =	vand.u32 $0x7, v3;
	v4 =	vand.u32 $0xFFFFFFE0, v19  }
0x14d: {  	v3 =	vor.u32 v3, v4  }
0x14e: {  	v4 =	vperm.xlane v3, v0;
	_ =	sdelay $0x1  }
0x14f: {  	v4 =	vadd.s32 v1, v4;
	_ =	sdelay $0x1  }
0x150: {  	v3 =	vperm.xlane v3, v2;
	_ =	sdelay $0x1  }
0x151: {  	s23 =	simm.s32 $0x6080;
	v3 =	vadd.s32 v1, v3  }
0x152: {  	[hbm4b:s3+s1] =	stream.indirect_vreg.scatter [tilespmem:s23], [sflag:$0x1], $0x80, v4, vm0, $0xb8;
	[tilespmem:$0x10080] =	vst v63  }
0x153: {  	s22 =	simm.s32 $0x6880  }
0x154: {  	[hbm4b:s6+s1] =	stream.indirect_vreg.scatter [tilespmem:s22], [sflag:$0x1], $0x80, v4, vm0, $0xb8;
	[tilespmem:$0x10080] =	vst v63  }
0x155: {  	_ = 	snop  }
0x156: {  	[hbm4b:s3+s1] =	stream.indirect_vreg.scatter [tilespmem:s26], [sflag:$0x1], $0x80, v3, vm0, $0xb8;
	[tilespmem:$0x10080] =	vst v63  }
0x157: {  	s24 =	simm.s32 $0x7880  }
0x158: {  	[hbm4b:s6+s1] =	stream.indirect_vreg.scatter [tilespmem:s24], [sflag:$0x1], $0x80, v3, vm0, $0xb8;
	[tilespmem:$0x10080] =	vst v63  }
0x159: {  	v3 =	vld [tilespmem:$0x40];
	_ =	sdelay $0x4  }
0x15a: {  	v20 =	vshll.u32 v3, $0x2  }
0x15b: {  	v3 =	vand.u32 $0x7, v3;
	v4 =	vand.u32 $0xFFFFFFE0, v20  }
0x15c: {  	v3 =	vor.u32 v3, v4  }
0x15d: {  	v4 =	vperm.xlane v3, v0;
	_ =	sdelay $0x1  }
0x15e: {  	v4 =	vadd.s32 v1, v4;
	_ =	sdelay $0x1  }
0x15f: {  	v3 =	vperm.xlane v3, v2;
	_ =	sdelay $0x1  }
0x160: {  	v3 =	vadd.s32 v1, v3  }
0x161: {  	[hbm4b:s3+s1] =	stream.indirect_vreg.scatter [tilespmem:s0], [sflag:$0x1], $0x80, v4, vm0, $0xb8;
	[tilespmem:$0x10080] =	vst v63  }
0x162: {  	s0 =	simm.s32 $0x8880  }
0x163: {  	[hbm4b:s6+s1] =	stream.indirect_vreg.scatter [tilespmem:s0], [sflag:$0x1], $0x80, v4, vm0, $0xb8;
	[tilespmem:$0x10080] =	vst v63  }
0x164: {  	_ = 	snop  }
0x165: {  	[hbm4b:s3+s1] =	stream.indirect_vreg.scatter [tilespmem:s16], [sflag:$0x1], $0x80, v3, vm0, $0xb8;
	[tilespmem:$0x10080] =	vst v63  }
0x166: {  	_ = 	snop  }
0x167: {  	[hbm4b:s6+s1] =	stream.indirect_vreg.scatter [tilespmem:s18], [sflag:$0x1], $0x80, v3, vm0, $0xb8;
	[tilespmem:$0x10080] =	vst v63  }
0x168: {  	v3 =	vld [tilespmem:$0x50];
	_ =	sdelay $0x4  }
0x169: {  	v21 =	vshll.u32 v3, $0x2  }
0x16a: {  	v3 =	vand.u32 $0x7, v3;
	v4 =	vand.u32 $0xFFFFFFE0, v21  }
0x16b: {  	v3 =	vor.u32 v3, v4  }
0x16c: {  	v4 =	vperm.xlane v3, v0;
	_ =	sdelay $0x1  }
0x16d: {  	v4 =	vadd.s32 v1, v4;
	_ =	sdelay $0x1  }
0x16e: {  	v3 =	vperm.xlane v3, v2;
	_ =	sdelay $0x1  }
0x16f: {  	s17 =	simm.s32 $0xA080;
	v3 =	vadd.s32 v1, v3  }
0x170: {  	[hbm4b:s3+s1] =	stream.indirect_vreg.scatter [tilespmem:s17], [sflag:$0x1], $0x80, v4, vm0, $0xb8;
	[tilespmem:$0x10080] =	vst v63  }
0x171: {  	_ = 	snop  }
0x172: {  	[hbm4b:s6+s1] =	stream.indirect_vreg.scatter [tilespmem:s30], [sflag:$0x1], $0x80, v4, vm0, $0xb8;
	[tilespmem:$0x10080] =	vst v63  }
0x173: {  	s18 =	simm.s32 $0xB080  }
0x174: {  	[hbm4b:s3+s1] =	stream.indirect_vreg.scatter [tilespmem:s18], [sflag:$0x1], $0x80, v3, vm0, $0xb8;
	[tilespmem:$0x10080] =	vst v63  }
0x175: {  	_ = 	snop  }
0x176: {  	[hbm4b:s6+s1] =	stream.indirect_vreg.scatter [tilespmem:s10], [sflag:$0x1], $0x80, v3, vm0, $0xb8;
	[tilespmem:$0x10080] =	vst v63  }
0x177: {  	v3 =	vld [tilespmem:$0x60];
	_ =	sdelay $0x4  }
0x178: {  	v22 =	vshll.u32 v3, $0x2  }
0x179: {  	v3 =	vand.u32 $0x7, v3;
	v4 =	vand.u32 $0xFFFFFFE0, v22  }
0x17a: {  	v3 =	vor.u32 v3, v4  }
0x17b: {  	v4 =	vperm.xlane v3, v0;
	_ =	sdelay $0x1  }
0x17c: {  	v4 =	vadd.s32 v1, v4;
	_ =	sdelay $0x1  }
0x17d: {  	v3 =	vperm.xlane v3, v2;
	_ =	sdelay $0x1  }
0x17e: {  	v3 =	vadd.s32 v1, v3  }
0x17f: {  	[hbm4b:s3+s1] =	stream.indirect_vreg.scatter [tilespmem:s14], [sflag:$0x1], $0x80, v4, vm0, $0xb8;
	[tilespmem:$0x10080] =	vst v63  }
0x180: {  	s20 =	simm.s32 $0xC880  }
0x181: {  	[hbm4b:s6+s1] =	stream.indirect_vreg.scatter [tilespmem:s20], [sflag:$0x1], $0x80, v4, vm0, $0xb8;
	[tilespmem:$0x10080] =	vst v63  }
0x182: {  	_ = 	snop  }
0x183: {  	[hbm4b:s3+s1] =	stream.indirect_vreg.scatter [tilespmem:s11], [sflag:$0x1], $0x80, v3, vm0, $0xb8;
	[tilespmem:$0x10080] =	vst v63  }
0x184: {  	_ = 	snop  }
0x185: {  	[hbm4b:s6+s1] =	stream.indirect_vreg.scatter [tilespmem:s15], [sflag:$0x1], $0x80, v3, vm0, $0xb8;
	[tilespmem:$0x10080] =	vst v63  }
0x186: {  	v3 =	vld [tilespmem:$0x70];
	_ =	sdelay $0x4  }
0x187: {  	v23 =	vshll.u32 v3, $0x2  }
0x188: {  	v3 =	vand.u32 $0x7, v3;
	v4 =	vand.u32 $0xFFFFFFE0, v23  }
0x189: {  	v3 =	vor.u32 v3, v4  }
0x18a: {  	v4 =	vperm.xlane v3, v0;
	_ =	sdelay $0x1  }
0x18b: {  	v4 =	vadd.s32 v1, v4;
	_ =	sdelay $0x1  }
0x18c: {  	v3 =	vperm.xlane v3, v2;
	_ =	sdelay $0x1  }
0x18d: {  	s19 =	simm.s32 $0xE080;
	v3 =	vadd.s32 v1, v3  }
0x18e: {  	[hbm4b:s3+s1] =	stream.indirect_vreg.scatter [tilespmem:s19], [sflag:$0x1], $0x80, v4, vm0, $0xb8;
	[tilespmem:$0x10080] =	vst v63  }
0x18f: {  	_ = 	snop  }
0x190: {  	[hbm4b:s6+s1] =	stream.indirect_vreg.scatter [tilespmem:s9], [sflag:$0x1], $0x80, v4, vm0, $0xb8;
	[tilespmem:$0x10080] =	vst v63  }
0x191: {  	s20 =	simm.s32 $0xF080  }
0x192: {  	[hbm4b:s3+s1] =	stream.indirect_vreg.scatter [tilespmem:s20], [sflag:$0x1], $0x80, v3, vm0, $0xb8;
	[tilespmem:$0x10080] =	vst v63  }
0x193: {  	s31 =	simm.s32 $0xF880  }
0x194: {  	[hbm4b:s6+s1] =	stream.indirect_vreg.scatter [tilespmem:s31], [sflag:$0x1], $0x80, v3, vm0, $0xb8;
	[tilespmem:$0x10080] =	vst v63  }
0x195: {  	_ =	swait.ge [sflag:s12], $0x10000  }
0x196: {  	[sflag:s12] =	ssyncset.done $0x0  }
0x197: {  	s30 =	rddreg [dreg:$0xa];
	[sflag:s12] =	ssyncadd.s32 $0xFFFF0000  }
0x198: {  	[tilespmem:s7], [sflag:$0x1] =	stream.linear.gather [hbm4b:s30+s1], $0x10000, $0x38;
	[tilespmem:$0x10080] =	vst v63  }
0x199: {  	_ =	swait.ge [sflag:s12], $0x10000  }
0x19a: {  	[sflag:s12] =	ssyncset.done $0x0  }
0x19b: {  	[sflag:s12] =	ssyncadd.s32 $0xFFFF0000  }
0x19c: {  	v3 =	vld [tilespmem:$0x0];
	_ =	sdelay $0x4  }
0x19d: {  	v24 =	vshll.u32 v3, $0x2  }
0x19e: {  	v3 =	vand.u32 $0x7, v3;
	v4 =	vand.u32 $0xFFFFFFE0, v24  }
0x19f: {  	v3 =	vor.u32 v3, v4  }
0x1a0: {  	v4 =	vperm.xlane v3, v0;
	_ =	sdelay $0x1  }
0x1a1: {  	v4 =	vadd.s32 v1, v4;
	_ =	sdelay $0x1  }
0x1a2: {  	v3 =	vperm.xlane v3, v2;
	_ =	sdelay $0x1  }
0x1a3: {  	v3 =	vadd.s32 v1, v3  }
0x1a4: {  	[hbm4b:s4+s1] =	stream.indirect_vreg.scatter [tilespmem:s7], [sflag:$0x1], $0x80, v4, vm0, $0xb8;
	[tilespmem:$0x10080] =	vst v63  }
0x1a5: {  	s28 =	simm.s32 $0x880  }
0x1a6: {  	[hbm4b:s8+s1] =	stream.indirect_vreg.scatter [tilespmem:s28], [sflag:$0x1], $0x80, v4, vm0, $0xb8;
	[tilespmem:$0x10080] =	vst v63  }
0x1a7: {  	s30 =	simm.s32 $0x1080  }
0x1a8: {  	[hbm4b:s4+s1] =	stream.indirect_vreg.scatter [tilespmem:s30], [sflag:$0x1], $0x80, v3, vm0, $0xb8;
	[tilespmem:$0x10080] =	vst v63  }
0x1a9: {  	s28 =	simm.s32 $0x1880  }
0x1aa: {  	[hbm4b:s8+s1] =	stream.indirect_vreg.scatter [tilespmem:s28], [sflag:$0x1], $0x80, v3, vm0, $0xb8;
	[tilespmem:$0x10080] =	vst v63  }
0x1ab: {  	v3 =	vld [tilespmem:$0x10];
	_ =	sdelay $0x4  }
0x1ac: {  	v25 =	vshll.u32 v3, $0x2  }
0x1ad: {  	v3 =	vand.u32 $0x7, v3;
	v4 =	vand.u32 $0xFFFFFFE0, v25  }
0x1ae: {  	v3 =	vor.u32 v3, v4  }
0x1af: {  	v4 =	vperm.xlane v3, v0;
	_ =	sdelay $0x1  }
0x1b0: {  	v4 =	vadd.s32 v1, v4;
	_ =	sdelay $0x1  }
0x1b1: {  	v3 =	vperm.xlane v3, v2;
	_ =	sdelay $0x1  }
0x1b2: {  	s30 =	simm.s32 $0x2080;
	v3 =	vadd.s32 v1, v3  }
0x1b3: {  	[hbm4b:s4+s1] =	stream.indirect_vreg.scatter [tilespmem:s30], [sflag:$0x1], $0x80, v4, vm0, $0xb8;
	[tilespmem:$0x10080] =	vst v63  }
0x1b4: {  	_ = 	snop  }
0x1b5: {  	[hbm4b:s8+s1] =	stream.indirect_vreg.scatter [tilespmem:s29], [sflag:$0x1], $0x80, v4, vm0, $0xb8;
	[tilespmem:$0x10080] =	vst v63  }
0x1b6: {  	_ = 	snop  }
0x1b7: {  	[hbm4b:s4+s1] =	stream.indirect_vreg.scatter [tilespmem:s13], [sflag:$0x1], $0x80, v3, vm0, $0xb8;
	[tilespmem:$0x10080] =	vst v63  }
0x1b8: {  	s25 =	simm.s32 $0x3880  }
0x1b9: {  	[hbm4b:s8+s1] =	stream.indirect_vreg.scatter [tilespmem:s25], [sflag:$0x1], $0x80, v3, vm0, $0xb8;
	[tilespmem:$0x10080] =	vst v63  }
0x1ba: {  	v3 =	vld [tilespmem:$0x20];
	_ =	sdelay $0x4  }
0x1bb: {  	v26 =	vshll.u32 v3, $0x2  }
0x1bc: {  	v3 =	vand.u32 $0x7, v3;
	v4 =	vand.u32 $0xFFFFFFE0, v26  }
0x1bd: {  	v3 =	vor.u32 v3, v4  }
0x1be: {  	v4 =	vperm.xlane v3, v0;
	_ =	sdelay $0x1  }
0x1bf: {  	v4 =	vadd.s32 v1, v4;
	_ =	sdelay $0x1  }
0x1c0: {  	v3 =	vperm.xlane v3, v2;
	_ =	sdelay $0x1  }
0x1c1: {  	v3 =	vadd.s32 v1, v3  }
0x1c2: {  	[hbm4b:s4+s1] =	stream.indirect_vreg.scatter [tilespmem:s2], [sflag:$0x1], $0x80, v4, vm0, $0xb8;
	[tilespmem:$0x10080] =	vst v63  }
0x1c3: {  	_ = 	snop  }
0x1c4: {  	[hbm4b:s8+s1] =	stream.indirect_vreg.scatter [tilespmem:s5], [sflag:$0x1], $0x80, v4, vm0, $0xb8;
	[tilespmem:$0x10080] =	vst v63  }
0x1c5: {  	s13 =	simm.s32 $0x5080  }
0x1c6: {  	[hbm4b:s4+s1] =	stream.indirect_vreg.scatter [tilespmem:s13], [sflag:$0x1], $0x80, v3, vm0, $0xb8;
	[tilespmem:$0x10080] =	vst v63  }
0x1c7: {  	s25 =	simm.s32 $0x5880  }
0x1c8: {  	[hbm4b:s8+s1] =	stream.indirect_vreg.scatter [tilespmem:s25], [sflag:$0x1], $0x80, v3, vm0, $0xb8;
	[tilespmem:$0x10080] =	vst v63  }
0x1c9: {  	v3 =	vld [tilespmem:$0x30];
	_ =	sdelay $0x4  }
0x1ca: {  	v27 =	vshll.u32 v3, $0x2  }
0x1cb: {  	v3 =	vand.u32 $0x7, v3;
	v4 =	vand.u32 $0xFFFFFFE0, v27  }
0x1cc: {  	v3 =	vor.u32 v3, v4  }
0x1cd: {  	v4 =	vperm.xlane v3, v0;
	_ =	sdelay $0x1  }
0x1ce: {  	v4 =	vadd.s32 v1, v4;
	_ =	sdelay $0x1  }
0x1cf: {  	v3 =	vperm.xlane v3, v2;
	_ =	sdelay $0x1  }
0x1d0: {  	s28 =	simm.s32 $0x6080;
	v3 =	vadd.s32 v1, v3  }
0x1d1: {  	[hbm4b:s4+s1] =	stream.indirect_vreg.scatter [tilespmem:s28], [sflag:$0x1], $0x80, v4, vm0, $0xb8;
	[tilespmem:$0x10080] =	vst v63  }
0x1d2: {  	_ = 	snop  }
0x1d3: {  	[hbm4b:s8+s1] =	stream.indirect_vreg.scatter [tilespmem:s22], [sflag:$0x1], $0x80, v4, vm0, $0xb8;
	[tilespmem:$0x10080] =	vst v63  }
0x1d4: {  	s29 =	simm.s32 $0x7080  }
0x1d5: {  	[hbm4b:s4+s1] =	stream.indirect_vreg.scatter [tilespmem:s29], [sflag:$0x1], $0x80, v3, vm0, $0xb8;
	[tilespmem:$0x10080] =	vst v63  }
0x1d6: {  	s26 =	simm.s32 $0x7880  }
0x1d7: {  	[hbm4b:s8+s1] =	stream.indirect_vreg.scatter [tilespmem:s26], [sflag:$0x1], $0x80, v3, vm0, $0xb8;
	[tilespmem:$0x10080] =	vst v63  }
0x1d8: {  	v3 =	vld [tilespmem:$0x40];
	_ =	sdelay $0x4  }
0x1d9: {  	v28 =	vshll.u32 v3, $0x2  }
0x1da: {  	v3 =	vand.u32 $0x7, v3;
	v4 =	vand.u32 $0xFFFFFFE0, v28  }
0x1db: {  	v3 =	vor.u32 v3, v4  }
0x1dc: {  	v4 =	vperm.xlane v3, v0;
	_ =	sdelay $0x1  }
0x1dd: {  	v4 =	vadd.s32 v1, v4;
	_ =	sdelay $0x1  }
0x1de: {  	v3 =	vperm.xlane v3, v2;
	_ =	sdelay $0x1  }
0x1df: {  	s24 =	simm.s32 $0x8080;
	v3 =	vadd.s32 v1, v3  }
0x1e0: {  	[hbm4b:s4+s1] =	stream.indirect_vreg.scatter [tilespmem:s24], [sflag:$0x1], $0x80, v4, vm0, $0xb8;
	[tilespmem:$0x10080] =	vst v63  }
0x1e1: {  	_ = 	snop  }
0x1e2: {  	[hbm4b:s8+s1] =	stream.indirect_vreg.scatter [tilespmem:s0], [sflag:$0x1], $0x80, v4, vm0, $0xb8;
	[tilespmem:$0x10080] =	vst v63  }
0x1e3: {  	s21 =	simm.s32 $0x9080  }
0x1e4: {  	[hbm4b:s4+s1] =	stream.indirect_vreg.scatter [tilespmem:s21], [sflag:$0x1], $0x80, v3, vm0, $0xb8;
	[tilespmem:$0x10080] =	vst v63  }
0x1e5: {  	s23 =	simm.s32 $0x9880  }
0x1e6: {  	[hbm4b:s8+s1] =	stream.indirect_vreg.scatter [tilespmem:s23], [sflag:$0x1], $0x80, v3, vm0, $0xb8;
	[tilespmem:$0x10080] =	vst v63  }
0x1e7: {  	v3 =	vld [tilespmem:$0x50];
	_ =	sdelay $0x4  }
0x1e8: {  	v29 =	vshll.u32 v3, $0x2  }
0x1e9: {  	v3 =	vand.u32 $0x7, v3;
	v4 =	vand.u32 $0xFFFFFFE0, v29  }
0x1ea: {  	v3 =	vor.u32 v3, v4  }
0x1eb: {  	v4 =	vperm.xlane v3, v0;
	_ =	sdelay $0x1  }
0x1ec: {  	v4 =	vadd.s32 v1, v4;
	_ =	sdelay $0x1  }
0x1ed: {  	v3 =	vperm.xlane v3, v2;
	_ =	sdelay $0x1  }
0x1ee: {  	s17 =	simm.s32 $0xA080;
	v3 =	vadd.s32 v1, v3  }
0x1ef: {  	[hbm4b:s4+s1] =	stream.indirect_vreg.scatter [tilespmem:s17], [sflag:$0x1], $0x80, v4, vm0, $0xb8;
	[tilespmem:$0x10080] =	vst v63  }
0x1f0: {  	s7 =	simm.s32 $0xA880  }
0x1f1: {  	[hbm4b:s8+s1] =	stream.indirect_vreg.scatter [tilespmem:s7], [sflag:$0x1], $0x80, v4, vm0, $0xb8;
	[tilespmem:$0x10080] =	vst v63  }
0x1f2: {  	s18 =	simm.s32 $0xB080  }
0x1f3: {  	[hbm4b:s4+s1] =	stream.indirect_vreg.scatter [tilespmem:s18], [sflag:$0x1], $0x80, v3, vm0, $0xb8;
	[tilespmem:$0x10080] =	vst v63  }
0x1f4: {  	s16 =	simm.s32 $0xB880  }
0x1f5: {  	[hbm4b:s8+s1] =	stream.indirect_vreg.scatter [tilespmem:s16], [sflag:$0x1], $0x80, v3, vm0, $0xb8;
	[tilespmem:$0x10080] =	vst v63  }
0x1f6: {  	v3 =	vld [tilespmem:$0x60];
	_ =	sdelay $0x4  }
0x1f7: {  	v30 =	vshll.u32 v3, $0x2  }
0x1f8: {  	v3 =	vand.u32 $0x7, v3;
	v4 =	vand.u32 $0xFFFFFFE0, v30  }
0x1f9: {  	v3 =	vor.u32 v3, v4  }
0x1fa: {  	v4 =	vperm.xlane v3, v0;
	_ =	sdelay $0x1  }
0x1fb: {  	v4 =	vadd.s32 v1, v4;
	_ =	sdelay $0x1  }
0x1fc: {  	v3 =	vperm.xlane v3, v2;
	_ =	sdelay $0x1  }
0x1fd: {  	s10 =	simm.s32 $0xC080;
	v3 =	vadd.s32 v1, v3  }
0x1fe: {  	[hbm4b:s4+s1] =	stream.indirect_vreg.scatter [tilespmem:s10], [sflag:$0x1], $0x80, v4, vm0, $0xb8;
	[tilespmem:$0x10080] =	vst v63  }
0x1ff: {  	s14 =	simm.s32 $0xC880  }
0x200: {  	[hbm4b:s8+s1] =	stream.indirect_vreg.scatter [tilespmem:s14], [sflag:$0x1], $0x80, v4, vm0, $0xb8;
	[tilespmem:$0x10080] =	vst v63  }
0x201: {  	s11 =	simm.s32 $0xD080  }
0x202: {  	[hbm4b:s4+s1] =	stream.indirect_vreg.scatter [tilespmem:s11], [sflag:$0x1], $0x80, v3, vm0, $0xb8;
	[tilespmem:$0x10080] =	vst v63  }
0x203: {  	s15 =	simm.s32 $0xD880  }
0x204: {  	[hbm4b:s8+s1] =	stream.indirect_vreg.scatter [tilespmem:s15], [sflag:$0x1], $0x80, v3, vm0, $0xb8;
	[tilespmem:$0x10080] =	vst v63  }
0x205: {  	v3 =	vld [tilespmem:$0x70];
	_ =	sdelay $0x4  }
0x206: {  	v31 =	vshll.u32 v3, $0x2  }
0x207: {  	v3 =	vand.u32 $0x7, v3;
	v4 =	vand.u32 $0xFFFFFFE0, v31  }
0x208: {  	v3 =	vor.u32 v3, v4  }
0x209: {  	v4 =	vperm.xlane v3, v0;
	_ =	sdelay $0x1  }
0x20a: {  	v4 =	vadd.s32 v1, v4;
	_ =	sdelay $0x1  }
0x20b: {  	v3 =	vperm.xlane v3, v2;
	_ =	sdelay $0x1  }
0x20c: {  	s19 =	simm.s32 $0xE080;
	v3 =	vadd.s32 v1, v3  }
0x20d: {  	[hbm4b:s4+s1] =	stream.indirect_vreg.scatter [tilespmem:s19], [sflag:$0x1], $0x80, v4, vm0, $0xb8;
	[tilespmem:$0x10080] =	vst v63  }
0x20e: {  	s9 =	simm.s32 $0xE880  }
0x20f: {  	[hbm4b:s8+s1] =	stream.indirect_vreg.scatter [tilespmem:s9], [sflag:$0x1], $0x80, v4, vm0, $0xb8;
	[tilespmem:$0x10080] =	vst v63  }
0x210: {  	_ = 	snop  }
0x211: {  	[hbm4b:s4+s1] =	stream.indirect_vreg.scatter [tilespmem:s20], [sflag:$0x1], $0x80, v3, vm0, $0xb8;
	[tilespmem:$0x10080] =	vst v63  }
0x212: {  	s31 =	simm.s32 $0xF880  }
0x213: {  	[hbm4b:s8+s1] =	stream.indirect_vreg.scatter [tilespmem:s31], [sflag:$0x1], $0x80, v3, vm0, $0xb8;
	[tilespmem:$0x10080] =	vst v63  }
0x214: {  	_ =	swait.ge [sflag:s12], $0x10000  }
0x215: {  	[sflag:s12] =	ssyncset.done $0x0  }
0x216: {  	s13 =	rddreg [dreg:$0x5];
	[sflag:s12] =	ssyncadd.s32 $0xFFFF0000  }
0x217: {  	[tilespmem:s1], [sflag:$0x1] =	stream.linear.gather [hbm4b:s13+s1], $0x80, $0x38;
	[tilespmem:$0x10080] =	vst v63  }
0x218: {  	_ =	swait.ge [sflag:s12], $0x80  }
0x219: {  	[sflag:s12] =	ssyncset.done $0x0  }
0x21a: {  	s14 =	simm.s32 $0x80;
	s15 =	rddreg [dreg:$0x7];
	[sflag:s12] =	ssyncadd.s32 $0xFFFFFF80  }
0x21b: {  	[tilespmem:s14], [sflag:$0x1] =	stream.linear.gather [hbm4b:s15+s1], $0x10000, $0x38;
	[tilespmem:$0x10080] =	vst v63  }
0x21c: {  	_ =	swait.ge [sflag:s12], $0x10000  }
0x21d: {  	[sflag:s12] =	ssyncset.done $0x0  }
0x21e: {  	[sflag:s12] =	ssyncadd.s32 $0xFFFF0000  }
0x21f: {  	v3 =	vld [tilespmem:$0x0];
	_ =	sdelay $0x4  }
0x220: {  	v32 =	vshll.u32 v3, $0x2  }
0x221: {  	v3 =	vand.u32 $0x7, v3;
	v4 =	vand.u32 $0xFFFFFFE0, v32  }
0x222: {  	v3 =	vor.u32 v3, v4  }
0x223: {  	v4 =	vperm.xlane v3, v0;
	_ =	sdelay $0x1  }
0x224: {  	v4 =	vadd.s32 v1, v4;
	_ =	sdelay $0x1  }
0x225: {  	v3 =	vperm.xlane v3, v2;
	_ =	sdelay $0x1  }
0x226: {  	v3 =	vadd.s32 v1, v3  }
0x227: {  	[hbm4b:s3+s1] =	stream.indirect_vreg.scatter [tilespmem:s14], [sflag:$0x1], $0x80, v4, vm0, $0xb8;
	[tilespmem:$0x10080] =	vst v63  }
0x228: {  	s25 =	simm.s32 $0x880  }
0x229: {  	[hbm4b:s6+s1] =	stream.indirect_vreg.scatter [tilespmem:s25], [sflag:$0x1], $0x80, v4, vm0, $0xb8;
	[tilespmem:$0x10080] =	vst v63  }
0x22a: {  	s23 =	simm.s32 $0x1080  }
0x22b: {  	[hbm4b:s3+s1] =	stream.indirect_vreg.scatter [tilespmem:s23], [sflag:$0x1], $0x80, v3, vm0, $0xb8;
	[tilespmem:$0x10080] =	vst v63  }
0x22c: {  	s13 =	simm.s32 $0x1880  }
0x22d: {  	[hbm4b:s6+s1] =	stream.indirect_vreg.scatter [tilespmem:s13], [sflag:$0x1], $0x80, v3, vm0, $0xb8;
	[tilespmem:$0x10080] =	vst v63  }
0x22e: {  	v3 =	vld [tilespmem:$0x10];
	_ =	sdelay $0x4  }
0x22f: {  	v33 =	vshll.u32 v3, $0x2  }
0x230: {  	v3 =	vand.u32 $0x7, v3;
	v4 =	vand.u32 $0xFFFFFFE0, v33  }
0x231: {  	v3 =	vor.u32 v3, v4  }
0x232: {  	v4 =	vperm.xlane v3, v0;
	_ =	sdelay $0x1  }
0x233: {  	v4 =	vadd.s32 v1, v4;
	_ =	sdelay $0x1  }
0x234: {  	v3 =	vperm.xlane v3, v2;
	_ =	sdelay $0x1  }
0x235: {  	s31 =	simm.s32 $0x2080;
	v3 =	vadd.s32 v1, v3  }
0x236: {  	[hbm4b:s3+s1] =	stream.indirect_vreg.scatter [tilespmem:s31], [sflag:$0x1], $0x80, v4, vm0, $0xb8;
	[tilespmem:$0x10080] =	vst v63  }
0x237: {  	s17 =	simm.s32 $0x2880  }
0x238: {  	[hbm4b:s6+s1] =	stream.indirect_vreg.scatter [tilespmem:s17], [sflag:$0x1], $0x80, v4, vm0, $0xb8;
	[tilespmem:$0x10080] =	vst v63  }
0x239: {  	s18 =	simm.s32 $0x3080  }
0x23a: {  	[hbm4b:s3+s1] =	stream.indirect_vreg.scatter [tilespmem:s18], [sflag:$0x1], $0x80, v3, vm0, $0xb8;
	[tilespmem:$0x10080] =	vst v63  }
0x23b: {  	s30 =	simm.s32 $0x3880  }
0x23c: {  	[hbm4b:s6+s1] =	stream.indirect_vreg.scatter [tilespmem:s30], [sflag:$0x1], $0x80, v3, vm0, $0xb8;
	[tilespmem:$0x10080] =	vst v63  }
0x23d: {  	v3 =	vld [tilespmem:$0x20];
	_ =	sdelay $0x4  }
0x23e: {  	v34 =	vshll.u32 v3, $0x2  }
0x23f: {  	v3 =	vand.u32 $0x7, v3;
	v4 =	vand.u32 $0xFFFFFFE0, v34  }
0x240: {  	v3 =	vor.u32 v3, v4  }
0x241: {  	v4 =	vperm.xlane v3, v0;
	_ =	sdelay $0x1  }
0x242: {  	v4 =	vadd.s32 v1, v4;
	_ =	sdelay $0x1  }
0x243: {  	v3 =	vperm.xlane v3, v2;
	_ =	sdelay $0x1  }
0x244: {  	s19 =	simm.s32 $0x4080;
	v3 =	vadd.s32 v1, v3  }
0x245: {  	[hbm4b:s3+s1] =	stream.indirect_vreg.scatter [tilespmem:s19], [sflag:$0x1], $0x80, v4, vm0, $0xb8;
	[tilespmem:$0x10080] =	vst v63  }
0x246: {  	s20 =	simm.s32 $0x4880  }
0x247: {  	[hbm4b:s6+s1] =	stream.indirect_vreg.scatter [tilespmem:s20], [sflag:$0x1], $0x80, v4, vm0, $0xb8;
	[tilespmem:$0x10080] =	vst v63  }
0x248: {  	s21 =	simm.s32 $0x5080  }
0x249: {  	[hbm4b:s3+s1] =	stream.indirect_vreg.scatter [tilespmem:s21], [sflag:$0x1], $0x80, v3, vm0, $0xb8;
	[tilespmem:$0x10080] =	vst v63  }
0x24a: {  	s24 =	simm.s32 $0x5880  }
0x24b: {  	[hbm4b:s6+s1] =	stream.indirect_vreg.scatter [tilespmem:s24], [sflag:$0x1], $0x80, v3, vm0, $0xb8;
	[tilespmem:$0x10080] =	vst v63  }
0x24c: {  	v3 =	vld [tilespmem:$0x30];
	_ =	sdelay $0x4  }
0x24d: {  	v35 =	vshll.u32 v3, $0x2  }
0x24e: {  	v3 =	vand.u32 $0x7, v3;
	v4 =	vand.u32 $0xFFFFFFE0, v35  }
0x24f: {  	v3 =	vor.u32 v3, v4  }
0x250: {  	v4 =	vperm.xlane v3, v0;
	_ =	sdelay $0x1  }
0x251: {  	v4 =	vadd.s32 v1, v4;
	_ =	sdelay $0x1  }
0x252: {  	v3 =	vperm.xlane v3, v2;
	_ =	sdelay $0x1  }
0x253: {  	s22 =	simm.s32 $0x6080;
	v3 =	vadd.s32 v1, v3  }
0x254: {  	[hbm4b:s3+s1] =	stream.indirect_vreg.scatter [tilespmem:s22], [sflag:$0x1], $0x80, v4, vm0, $0xb8;
	[tilespmem:$0x10080] =	vst v63  }
0x255: {  	s2 =	simm.s32 $0x6880  }
0x256: {  	[hbm4b:s6+s1] =	stream.indirect_vreg.scatter [tilespmem:s2], [sflag:$0x1], $0x80, v4, vm0, $0xb8;
	[tilespmem:$0x10080] =	vst v63  }
0x257: {  	s5 =	simm.s32 $0x7080  }
0x258: {  	[hbm4b:s3+s1] =	stream.indirect_vreg.scatter [tilespmem:s5], [sflag:$0x1], $0x80, v3, vm0, $0xb8;
	[tilespmem:$0x10080] =	vst v63  }
0x259: {  	s26 =	simm.s32 $0x7880  }
0x25a: {  	[hbm4b:s6+s1] =	stream.indirect_vreg.scatter [tilespmem:s26], [sflag:$0x1], $0x80, v3, vm0, $0xb8;
	[tilespmem:$0x10080] =	vst v63  }
0x25b: {  	v3 =	vld [tilespmem:$0x40];
	_ =	sdelay $0x4  }
0x25c: {  	v36 =	vshll.u32 v3, $0x2  }
0x25d: {  	v3 =	vand.u32 $0x7, v3;
	v4 =	vand.u32 $0xFFFFFFE0, v36  }
0x25e: {  	v3 =	vor.u32 v3, v4  }
0x25f: {  	v4 =	vperm.xlane v3, v0;
	_ =	sdelay $0x1  }
0x260: {  	v4 =	vadd.s32 v1, v4;
	_ =	sdelay $0x1  }
0x261: {  	v3 =	vperm.xlane v3, v2;
	_ =	sdelay $0x1  }
0x262: {  	s29 =	simm.s32 $0x8080;
	v3 =	vadd.s32 v1, v3  }
0x263: {  	[hbm4b:s3+s1] =	stream.indirect_vreg.scatter [tilespmem:s29], [sflag:$0x1], $0x80, v4, vm0, $0xb8;
	[tilespmem:$0x10080] =	vst v63  }
0x264: {  	s28 =	simm.s32 $0x8880  }
0x265: {  	[hbm4b:s6+s1] =	stream.indirect_vreg.scatter [tilespmem:s28], [sflag:$0x1], $0x80, v4, vm0, $0xb8;
	[tilespmem:$0x10080] =	vst v63  }
0x266: {  	s29 =	simm.s32 $0x9080  }
0x267: {  	[hbm4b:s3+s1] =	stream.indirect_vreg.scatter [tilespmem:s29], [sflag:$0x1], $0x80, v3, vm0, $0xb8;
	[tilespmem:$0x10080] =	vst v63  }
0x268: {  	s11 =	simm.s32 $0x9880  }
0x269: {  	[hbm4b:s6+s1] =	stream.indirect_vreg.scatter [tilespmem:s11], [sflag:$0x1], $0x80, v3, vm0, $0xb8;
	[tilespmem:$0x10080] =	vst v63  }
0x26a: {  	v3 =	vld [tilespmem:$0x50];
	_ =	sdelay $0x4  }
0x26b: {  	v37 =	vshll.u32 v3, $0x2  }
0x26c: {  	v3 =	vand.u32 $0x7, v3;
	v4 =	vand.u32 $0xFFFFFFE0, v37  }
0x26d: {  	v3 =	vor.u32 v3, v4  }
0x26e: {  	v4 =	vperm.xlane v3, v0;
	_ =	sdelay $0x1  }
0x26f: {  	v4 =	vadd.s32 v1, v4;
	_ =	sdelay $0x1  }
0x270: {  	v3 =	vperm.xlane v3, v2;
	_ =	sdelay $0x1  }
0x271: {  	s26 =	simm.s32 $0xA080;
	v3 =	vadd.s32 v1, v3  }
0x272: {  	[hbm4b:s3+s1] =	stream.indirect_vreg.scatter [tilespmem:s26], [sflag:$0x1], $0x80, v4, vm0, $0xb8;
	[tilespmem:$0x10080] =	vst v63  }
0x273: {  	s16 =	simm.s32 $0xA880  }
0x274: {  	[hbm4b:s6+s1] =	stream.indirect_vreg.scatter [tilespmem:s16], [sflag:$0x1], $0x80, v4, vm0, $0xb8;
	[tilespmem:$0x10080] =	vst v63  }
0x275: {  	s5 =	simm.s32 $0xB080  }
0x276: {  	[hbm4b:s3+s1] =	stream.indirect_vreg.scatter [tilespmem:s5], [sflag:$0x1], $0x80, v3, vm0, $0xb8;
	[tilespmem:$0x10080] =	vst v63  }
0x277: {  	s28 =	simm.s32 $0xB880  }
0x278: {  	[hbm4b:s6+s1] =	stream.indirect_vreg.scatter [tilespmem:s28], [sflag:$0x1], $0x80, v3, vm0, $0xb8;
	[tilespmem:$0x10080] =	vst v63  }
0x279: {  	v3 =	vld [tilespmem:$0x60];
	_ =	sdelay $0x4  }
0x27a: {  	v38 =	vshll.u32 v3, $0x2  }
0x27b: {  	v3 =	vand.u32 $0x7, v3;
	v4 =	vand.u32 $0xFFFFFFE0, v38  }
0x27c: {  	v3 =	vor.u32 v3, v4  }
0x27d: {  	v4 =	vperm.xlane v3, v0;
	_ =	sdelay $0x1  }
0x27e: {  	v4 =	vadd.s32 v1, v4;
	_ =	sdelay $0x1  }
0x27f: {  	v3 =	vperm.xlane v3, v2;
	_ =	sdelay $0x1  }
0x280: {  	s7 =	simm.s32 $0xC080;
	v3 =	vadd.s32 v1, v3  }
0x281: {  	[hbm4b:s3+s1] =	stream.indirect_vreg.scatter [tilespmem:s7], [sflag:$0x1], $0x80, v4, vm0, $0xb8;
	[tilespmem:$0x10080] =	vst v63  }
0x282: {  	s9 =	simm.s32 $0xC880  }
0x283: {  	[hbm4b:s6+s1] =	stream.indirect_vreg.scatter [tilespmem:s9], [sflag:$0x1], $0x80, v4, vm0, $0xb8;
	[tilespmem:$0x10080] =	vst v63  }
0x284: {  	s10 =	simm.s32 $0xD080  }
0x285: {  	[hbm4b:s3+s1] =	stream.indirect_vreg.scatter [tilespmem:s10], [sflag:$0x1], $0x80, v3, vm0, $0xb8;
	[tilespmem:$0x10080] =	vst v63  }
0x286: {  	s30 =	simm.s32 $0xD880  }
0x287: {  	[hbm4b:s6+s1] =	stream.indirect_vreg.scatter [tilespmem:s30], [sflag:$0x1], $0x80, v3, vm0, $0xb8;
	[tilespmem:$0x10080] =	vst v63  }
0x288: {  	v3 =	vld [tilespmem:$0x70];
	_ =	sdelay $0x4  }
0x289: {  	v39 =	vshll.u32 v3, $0x2  }
0x28a: {  	v3 =	vand.u32 $0x7, v3;
	v4 =	vand.u32 $0xFFFFFFE0, v39  }
0x28b: {  	v3 =	vor.u32 v3, v4  }
0x28c: {  	v4 =	vperm.xlane v3, v0;
	_ =	sdelay $0x1  }
0x28d: {  	v4 =	vadd.s32 v1, v4;
	_ =	sdelay $0x1  }
0x28e: {  	v3 =	vperm.xlane v3, v2;
	_ =	sdelay $0x1  }
0x28f: {  	s14 =	simm.s32 $0xE080;
	v3 =	vadd.s32 v1, v3  }
0x290: {  	[hbm4b:s3+s1] =	stream.indirect_vreg.scatter [tilespmem:s14], [sflag:$0x1], $0x80, v4, vm0, $0xb8;
	[tilespmem:$0x10080] =	vst v63  }
0x291: {  	s15 =	simm.s32 $0xE880  }
0x292: {  	[hbm4b:s6+s1] =	stream.indirect_vreg.scatter [tilespmem:s15], [sflag:$0x1], $0x80, v4, vm0, $0xb8;
	[tilespmem:$0x10080] =	vst v63  }
0x293: {  	s16 =	simm.s32 $0xF080  }
0x294: {  	[hbm4b:s3+s1] =	stream.indirect_vreg.scatter [tilespmem:s16], [sflag:$0x1], $0x80, v3, vm0, $0xb8;
	[tilespmem:$0x10080] =	vst v63  }
0x295: {  	s2 =	simm.s32 $0xF880  }
0x296: {  	[hbm4b:s6+s1] =	stream.indirect_vreg.scatter [tilespmem:s2], [sflag:$0x1], $0x80, v3, vm0, $0xb8;
	[tilespmem:$0x10080] =	vst v63  }
0x297: {  	_ =	swait.ge [sflag:s12], $0x10000  }
0x298: {  	[sflag:s12] =	ssyncset.done $0x0  }
0x299: {  	s0 =	simm.s32 $0x80;
	s2 =	rddreg [dreg:$0x8];
	[sflag:s12] =	ssyncadd.s32 $0xFFFF0000  }
0x29a: {  	[tilespmem:s0], [sflag:$0x1] =	stream.linear.gather [hbm4b:s2+s1], $0x10000, $0x38;
	[tilespmem:$0x10080] =	vst v63  }
0x29b: {  	_ =	swait.ge [sflag:s12], $0x10000  }
0x29c: {  	[sflag:s12] =	ssyncset.done $0x0  }
0x29d: {  	[sflag:s12] =	ssyncadd.s32 $0xFFFF0000  }
0x29e: {  	v3 =	vld [tilespmem:$0x0];
	_ =	sdelay $0x4  }
0x29f: {  	v40 =	vshll.u32 v3, $0x2  }
0x2a0: {  	v3 =	vand.u32 $0x7, v3;
	v4 =	vand.u32 $0xFFFFFFE0, v40  }
0x2a1: {  	v3 =	vor.u32 v3, v4  }
0x2a2: {  	v4 =	vperm.xlane v3, v0;
	_ =	sdelay $0x1  }
0x2a3: {  	v4 =	vadd.s32 v1, v4;
	_ =	sdelay $0x1  }
0x2a4: {  	v3 =	vperm.xlane v3, v2;
	_ =	sdelay $0x1  }
0x2a5: {  	v3 =	vadd.s32 v1, v3  }
0x2a6: {  	[hbm4b:s4+s1] =	stream.indirect_vreg.scatter [tilespmem:s0], [sflag:$0x1], $0x80, v4, vm0, $0xb8;
	[tilespmem:$0x10080] =	vst v63  }
0x2a7: {  	_ = 	snop  }
0x2a8: {  	[hbm4b:s8+s1] =	stream.indirect_vreg.scatter [tilespmem:s25], [sflag:$0x1], $0x80, v4, vm0, $0xb8;
	[tilespmem:$0x10080] =	vst v63  }
0x2a9: {  	_ = 	snop  }
0x2aa: {  	[hbm4b:s4+s1] =	stream.indirect_vreg.scatter [tilespmem:s23], [sflag:$0x1], $0x80, v3, vm0, $0xb8;
	[tilespmem:$0x10080] =	vst v63  }
0x2ab: {  	_ = 	snop  }
0x2ac: {  	[hbm4b:s8+s1] =	stream.indirect_vreg.scatter [tilespmem:s13], [sflag:$0x1], $0x80, v3, vm0, $0xb8;
	[tilespmem:$0x10080] =	vst v63  }
0x2ad: {  	v3 =	vld [tilespmem:$0x10];
	_ =	sdelay $0x4  }
0x2ae: {  	v41 =	vshll.u32 v3, $0x2  }
0x2af: {  	v3 =	vand.u32 $0x7, v3;
	v4 =	vand.u32 $0xFFFFFFE0, v41  }
0x2b0: {  	v3 =	vor.u32 v3, v4  }
0x2b1: {  	v4 =	vperm.xlane v3, v0;
	_ =	sdelay $0x1  }
0x2b2: {  	v4 =	vadd.s32 v1, v4;
	_ =	sdelay $0x1  }
0x2b3: {  	v3 =	vperm.xlane v3, v2;
	_ =	sdelay $0x1  }
0x2b4: {  	v3 =	vadd.s32 v1, v3  }
0x2b5: {  	[hbm4b:s4+s1] =	stream.indirect_vreg.scatter [tilespmem:s31], [sflag:$0x1], $0x80, v4, vm0, $0xb8;
	[tilespmem:$0x10080] =	vst v63  }
0x2b6: {  	_ = 	snop  }
0x2b7: {  	[hbm4b:s8+s1] =	stream.indirect_vreg.scatter [tilespmem:s17], [sflag:$0x1], $0x80, v4, vm0, $0xb8;
	[tilespmem:$0x10080] =	vst v63  }
0x2b8: {  	_ = 	snop  }
0x2b9: {  	[hbm4b:s4+s1] =	stream.indirect_vreg.scatter [tilespmem:s18], [sflag:$0x1], $0x80, v3, vm0, $0xb8;
	[tilespmem:$0x10080] =	vst v63  }
0x2ba: {  	s0 =	simm.s32 $0x3880  }
0x2bb: {  	[hbm4b:s8+s1] =	stream.indirect_vreg.scatter [tilespmem:s0], [sflag:$0x1], $0x80, v3, vm0, $0xb8;
	[tilespmem:$0x10080] =	vst v63  }
0x2bc: {  	v3 =	vld [tilespmem:$0x20];
	_ =	sdelay $0x4  }
0x2bd: {  	v42 =	vshll.u32 v3, $0x2  }
0x2be: {  	v3 =	vand.u32 $0x7, v3;
	v4 =	vand.u32 $0xFFFFFFE0, v42  }
0x2bf: {  	v3 =	vor.u32 v3, v4  }
0x2c0: {  	v4 =	vperm.xlane v3, v0;
	_ =	sdelay $0x1  }
0x2c1: {  	v4 =	vadd.s32 v1, v4;
	_ =	sdelay $0x1  }
0x2c2: {  	v3 =	vperm.xlane v3, v2;
	_ =	sdelay $0x1  }
0x2c3: {  	v3 =	vadd.s32 v1, v3  }
0x2c4: {  	[hbm4b:s4+s1] =	stream.indirect_vreg.scatter [tilespmem:s19], [sflag:$0x1], $0x80, v4, vm0, $0xb8;
	[tilespmem:$0x10080] =	vst v63  }
0x2c5: {  	_ = 	snop  }
0x2c6: {  	[hbm4b:s8+s1] =	stream.indirect_vreg.scatter [tilespmem:s20], [sflag:$0x1], $0x80, v4, vm0, $0xb8;
	[tilespmem:$0x10080] =	vst v63  }
0x2c7: {  	_ = 	snop  }
0x2c8: {  	[hbm4b:s4+s1] =	stream.indirect_vreg.scatter [tilespmem:s21], [sflag:$0x1], $0x80, v3, vm0, $0xb8;
	[tilespmem:$0x10080] =	vst v63  }
0x2c9: {  	_ = 	snop  }
0x2ca: {  	[hbm4b:s8+s1] =	stream.indirect_vreg.scatter [tilespmem:s24], [sflag:$0x1], $0x80, v3, vm0, $0xb8;
	[tilespmem:$0x10080] =	vst v63  }
0x2cb: {  	v3 =	vld [tilespmem:$0x30];
	_ =	sdelay $0x4  }
0x2cc: {  	v43 =	vshll.u32 v3, $0x2  }
0x2cd: {  	v3 =	vand.u32 $0x7, v3;
	v4 =	vand.u32 $0xFFFFFFE0, v43  }
0x2ce: {  	v3 =	vor.u32 v3, v4  }
0x2cf: {  	v4 =	vperm.xlane v3, v0;
	_ =	sdelay $0x1  }
0x2d0: {  	v4 =	vadd.s32 v1, v4;
	_ =	sdelay $0x1  }
0x2d1: {  	v3 =	vperm.xlane v3, v2;
	_ =	sdelay $0x1  }
0x2d2: {  	v3 =	vadd.s32 v1, v3  }
0x2d3: {  	[hbm4b:s4+s1] =	stream.indirect_vreg.scatter [tilespmem:s22], [sflag:$0x1], $0x80, v4, vm0, $0xb8;
	[tilespmem:$0x10080] =	vst v63  }
0x2d4: {  	s25 =	simm.s32 $0x6880  }
0x2d5: {  	[hbm4b:s8+s1] =	stream.indirect_vreg.scatter [tilespmem:s25], [sflag:$0x1], $0x80, v4, vm0, $0xb8;
	[tilespmem:$0x10080] =	vst v63  }
0x2d6: {  	s17 =	simm.s32 $0x7080  }
0x2d7: {  	[hbm4b:s4+s1] =	stream.indirect_vreg.scatter [tilespmem:s17], [sflag:$0x1], $0x80, v3, vm0, $0xb8;
	[tilespmem:$0x10080] =	vst v63  }
0x2d8: {  	s18 =	simm.s32 $0x7880  }
0x2d9: {  	[hbm4b:s8+s1] =	stream.indirect_vreg.scatter [tilespmem:s18], [sflag:$0x1], $0x80, v3, vm0, $0xb8;
	[tilespmem:$0x10080] =	vst v63  }
0x2da: {  	v3 =	vld [tilespmem:$0x40];
	_ =	sdelay $0x4  }
0x2db: {  	v44 =	vshll.u32 v3, $0x2  }
0x2dc: {  	v3 =	vand.u32 $0x7, v3;
	v4 =	vand.u32 $0xFFFFFFE0, v44  }
0x2dd: {  	v3 =	vor.u32 v3, v4  }
0x2de: {  	v4 =	vperm.xlane v3, v0;
	_ =	sdelay $0x1  }
0x2df: {  	v4 =	vadd.s32 v1, v4;
	_ =	sdelay $0x1  }
0x2e0: {  	v3 =	vperm.xlane v3, v2;
	_ =	sdelay $0x1  }
0x2e1: {  	s19 =	simm.s32 $0x8080;
	v3 =	vadd.s32 v1, v3  }
0x2e2: {  	[hbm4b:s4+s1] =	stream.indirect_vreg.scatter [tilespmem:s19], [sflag:$0x1], $0x80, v4, vm0, $0xb8;
	[tilespmem:$0x10080] =	vst v63  }
0x2e3: {  	s24 =	simm.s32 $0x8880  }
0x2e4: {  	[hbm4b:s8+s1] =	stream.indirect_vreg.scatter [tilespmem:s24], [sflag:$0x1], $0x80, v4, vm0, $0xb8;
	[tilespmem:$0x10080] =	vst v63  }
0x2e5: {  	_ = 	snop  }
0x2e6: {  	[hbm4b:s4+s1] =	stream.indirect_vreg.scatter [tilespmem:s29], [sflag:$0x1], $0x80, v3, vm0, $0xb8;
	[tilespmem:$0x10080] =	vst v63  }
0x2e7: {  	_ = 	snop  }
0x2e8: {  	[hbm4b:s8+s1] =	stream.indirect_vreg.scatter [tilespmem:s11], [sflag:$0x1], $0x80, v3, vm0, $0xb8;
	[tilespmem:$0x10080] =	vst v63  }
0x2e9: {  	v3 =	vld [tilespmem:$0x50];
	_ =	sdelay $0x4  }
0x2ea: {  	v45 =	vshll.u32 v3, $0x2  }
0x2eb: {  	v3 =	vand.u32 $0x7, v3;
	v4 =	vand.u32 $0xFFFFFFE0, v45  }
0x2ec: {  	v3 =	vor.u32 v3, v4  }
0x2ed: {  	v4 =	vperm.xlane v3, v0;
	_ =	sdelay $0x1  }
0x2ee: {  	v4 =	vadd.s32 v1, v4;
	_ =	sdelay $0x1  }
0x2ef: {  	v3 =	vperm.xlane v3, v2;
	_ =	sdelay $0x1  }
0x2f0: {  	v3 =	vadd.s32 v1, v3  }
0x2f1: {  	[hbm4b:s4+s1] =	stream.indirect_vreg.scatter [tilespmem:s26], [sflag:$0x1], $0x80, v4, vm0, $0xb8;
	[tilespmem:$0x10080] =	vst v63  }
0x2f2: {  	s29 =	simm.s32 $0xA880  }
0x2f3: {  	[hbm4b:s8+s1] =	stream.indirect_vreg.scatter [tilespmem:s29], [sflag:$0x1], $0x80, v4, vm0, $0xb8;
	[tilespmem:$0x10080] =	vst v63  }
0x2f4: {  	_ = 	snop  }
0x2f5: {  	[hbm4b:s4+s1] =	stream.indirect_vreg.scatter [tilespmem:s5], [sflag:$0x1], $0x80, v3, vm0, $0xb8;
	[tilespmem:$0x10080] =	vst v63  }
0x2f6: {  	_ = 	snop  }
0x2f7: {  	[hbm4b:s8+s1] =	stream.indirect_vreg.scatter [tilespmem:s28], [sflag:$0x1], $0x80, v3, vm0, $0xb8;
	[tilespmem:$0x10080] =	vst v63  }
0x2f8: {  	v3 =	vld [tilespmem:$0x60];
	_ =	sdelay $0x4  }
0x2f9: {  	v46 =	vshll.u32 v3, $0x2  }
0x2fa: {  	v3 =	vand.u32 $0x7, v3;
	v4 =	vand.u32 $0xFFFFFFE0, v46  }
0x2fb: {  	v3 =	vor.u32 v3, v4  }
0x2fc: {  	v4 =	vperm.xlane v3, v0;
	_ =	sdelay $0x1  }
0x2fd: {  	v4 =	vadd.s32 v1, v4;
	_ =	sdelay $0x1  }
0x2fe: {  	v3 =	vperm.xlane v3, v2;
	_ =	sdelay $0x1  }
0x2ff: {  	v3 =	vadd.s32 v1, v3  }
0x300: {  	[hbm4b:s4+s1] =	stream.indirect_vreg.scatter [tilespmem:s7], [sflag:$0x1], $0x80, v4, vm0, $0xb8;
	[tilespmem:$0x10080] =	vst v63  }
0x301: {  	_ = 	snop  }
0x302: {  	[hbm4b:s8+s1] =	stream.indirect_vreg.scatter [tilespmem:s9], [sflag:$0x1], $0x80, v4, vm0, $0xb8;
	[tilespmem:$0x10080] =	vst v63  }
0x303: {  	_ = 	snop  }
0x304: {  	[hbm4b:s4+s1] =	stream.indirect_vreg.scatter [tilespmem:s10], [sflag:$0x1], $0x80, v3, vm0, $0xb8;
	[tilespmem:$0x10080] =	vst v63  }
0x305: {  	_ = 	snop  }
0x306: {  	[hbm4b:s8+s1] =	stream.indirect_vreg.scatter [tilespmem:s30], [sflag:$0x1], $0x80, v3, vm0, $0xb8;
	[tilespmem:$0x10080] =	vst v63  }
0x307: {  	v3 =	vld [tilespmem:$0x70];
	_ =	sdelay $0x4  }
0x308: {  	v47 =	vshll.u32 v3, $0x2  }
0x309: {  	v3 =	vand.u32 $0x7, v3;
	v4 =	vand.u32 $0xFFFFFFE0, v47  }
0x30a: {  	v3 =	vor.u32 v3, v4  }
0x30b: {  	v4 =	vperm.xlane v3, v0;
	_ =	sdelay $0x1  }
0x30c: {  	v4 =	vadd.s32 v1, v4;
	_ =	sdelay $0x1  }
0x30d: {  	v3 =	vperm.xlane v3, v2;
	_ =	sdelay $0x1  }
0x30e: {  	v3 =	vadd.s32 v1, v3  }
0x30f: {  	[hbm4b:s4+s1] =	stream.indirect_vreg.scatter [tilespmem:s14], [sflag:$0x1], $0x80, v4, vm0, $0xb8;
	[tilespmem:$0x10080] =	vst v63  }
0x310: {  	_ = 	snop  }
0x311: {  	[hbm4b:s8+s1] =	stream.indirect_vreg.scatter [tilespmem:s15], [sflag:$0x1], $0x80, v4, vm0, $0xb8;
	[tilespmem:$0x10080] =	vst v63  }
0x312: {  	_ = 	snop  }
0x313: {  	[hbm4b:s4+s1] =	stream.indirect_vreg.scatter [tilespmem:s16], [sflag:$0x1], $0x80, v3, vm0, $0xb8;
	[tilespmem:$0x10080] =	vst v63  }
0x314: {  	s13 =	simm.s32 $0xF880  }
0x315: {  	[hbm4b:s8+s1] =	stream.indirect_vreg.scatter [tilespmem:s13], [sflag:$0x1], $0x80, v3, vm0, $0xb8;
	[tilespmem:$0x10080] =	vst v63  }
0x316: {  	_ =	swait.ge [sflag:s12], $0x10000  }
0x317: {  	[sflag:s12] =	ssyncset.done $0x0  }
0x318: {  	s14 =	rddreg [dreg:$0x6];
	[sflag:s12] =	ssyncadd.s32 $0xFFFF0000  }
0x319: {  	[tilespmem:s1], [sflag:$0x1] =	stream.linear.gather [hbm4b:s14+s1], $0x80, $0x38;
	[tilespmem:$0x10080] =	vst v63  }
0x31a: {  	_ =	swait.ge [sflag:s12], $0x80  }
0x31b: {  	[sflag:s12] =	ssyncset.done $0x0  }
0x31c: {  	s15 =	simm.s32 $0x80;
	s16 =	rddreg [dreg:$0x9];
	[sflag:s12] =	ssyncadd.s32 $0xFFFFFF80  }
0x31d: {  	[tilespmem:s15], [sflag:$0x1] =	stream.linear.gather [hbm4b:s16+s1], $0x10000, $0x38;
	[tilespmem:$0x10080] =	vst v63  }
0x31e: {  	_ =	swait.ge [sflag:s12], $0x10000  }
0x31f: {  	[sflag:s12] =	ssyncset.done $0x0  }
0x320: {  	[sflag:s12] =	ssyncadd.s32 $0xFFFF0000  }
0x321: {  	v3 =	vld [tilespmem:$0x0];
	_ =	sdelay $0x4  }
0x322: {  	v48 =	vshll.u32 v3, $0x2  }
0x323: {  	v3 =	vand.u32 $0x7, v3;
	v4 =	vand.u32 $0xFFFFFFE0, v48  }
0x324: {  	v3 =	vor.u32 v3, v4  }
0x325: {  	v4 =	vperm.xlane v3, v0;
	_ =	sdelay $0x1  }
0x326: {  	v4 =	vadd.s32 v1, v4;
	_ =	sdelay $0x1  }
0x327: {  	v3 =	vperm.xlane v3, v2;
	_ =	sdelay $0x1  }
0x328: {  	v3 =	vadd.s32 v1, v3  }
0x329: {  	[hbm4b:s3+s1] =	stream.indirect_vreg.scatter [tilespmem:s15], [sflag:$0x1], $0x80, v4, vm0, $0xb8;
	[tilespmem:$0x10080] =	vst v63  }
0x32a: {  	s26 =	simm.s32 $0x880  }
0x32b: {  	[hbm4b:s6+s1] =	stream.indirect_vreg.scatter [tilespmem:s26], [sflag:$0x1], $0x80, v4, vm0, $0xb8;
	[tilespmem:$0x10080] =	vst v63  }
0x32c: {  	s2 =	simm.s32 $0x1080  }
0x32d: {  	[hbm4b:s3+s1] =	stream.indirect_vreg.scatter [tilespmem:s2], [sflag:$0x1], $0x80, v3, vm0, $0xb8;
	[tilespmem:$0x10080] =	vst v63  }
0x32e: {  	s30 =	simm.s32 $0x1880  }
0x32f: {  	[hbm4b:s6+s1] =	stream.indirect_vreg.scatter [tilespmem:s30], [sflag:$0x1], $0x80, v3, vm0, $0xb8;
	[tilespmem:$0x10080] =	vst v63  }
0x330: {  	v3 =	vld [tilespmem:$0x10];
	_ =	sdelay $0x4  }
0x331: {  	v49 =	vshll.u32 v3, $0x2  }
0x332: {  	v3 =	vand.u32 $0x7, v3;
	v4 =	vand.u32 $0xFFFFFFE0, v49  }
0x333: {  	v3 =	vor.u32 v3, v4  }
0x334: {  	v4 =	vperm.xlane v3, v0;
	_ =	sdelay $0x1  }
0x335: {  	v4 =	vadd.s32 v1, v4;
	_ =	sdelay $0x1  }
0x336: {  	v3 =	vperm.xlane v3, v2;
	_ =	sdelay $0x1  }
0x337: {  	s5 =	simm.s32 $0x2080;
	v3 =	vadd.s32 v1, v3  }
0x338: {  	[hbm4b:s3+s1] =	stream.indirect_vreg.scatter [tilespmem:s5], [sflag:$0x1], $0x80, v4, vm0, $0xb8;
	[tilespmem:$0x10080] =	vst v63  }
0x339: {  	s23 =	simm.s32 $0x2880  }
0x33a: {  	[hbm4b:s6+s1] =	stream.indirect_vreg.scatter [tilespmem:s23], [sflag:$0x1], $0x80, v4, vm0, $0xb8;
	[tilespmem:$0x10080] =	vst v63  }
0x33b: {  	s31 =	simm.s32 $0x3080  }
0x33c: {  	[hbm4b:s3+s1] =	stream.indirect_vreg.scatter [tilespmem:s31], [sflag:$0x1], $0x80, v3, vm0, $0xb8;
	[tilespmem:$0x10080] =	vst v63  }
0x33d: {  	_ = 	snop  }
0x33e: {  	[hbm4b:s6+s1] =	stream.indirect_vreg.scatter [tilespmem:s0], [sflag:$0x1], $0x80, v3, vm0, $0xb8;
	[tilespmem:$0x10080] =	vst v63  }
0x33f: {  	v3 =	vld [tilespmem:$0x20];
	_ =	sdelay $0x4  }
0x340: {  	v50 =	vshll.u32 v3, $0x2  }
0x341: {  	v3 =	vand.u32 $0x7, v3;
	v4 =	vand.u32 $0xFFFFFFE0, v50  }
0x342: {  	v3 =	vor.u32 v3, v4  }
0x343: {  	v4 =	vperm.xlane v3, v0;
	_ =	sdelay $0x1  }
0x344: {  	v4 =	vadd.s32 v1, v4;
	_ =	sdelay $0x1  }
0x345: {  	v3 =	vperm.xlane v3, v2;
	_ =	sdelay $0x1  }
0x346: {  	s7 =	simm.s32 $0x4080;
	v3 =	vadd.s32 v1, v3  }
0x347: {  	[hbm4b:s3+s1] =	stream.indirect_vreg.scatter [tilespmem:s7], [sflag:$0x1], $0x80, v4, vm0, $0xb8;
	[tilespmem:$0x10080] =	vst v63  }
0x348: {  	s0 =	simm.s32 $0x4880  }
0x349: {  	[hbm4b:s6+s1] =	stream.indirect_vreg.scatter [tilespmem:s0], [sflag:$0x1], $0x80, v4, vm0, $0xb8;
	[tilespmem:$0x10080] =	vst v63  }
0x34a: {  	s9 =	simm.s32 $0x5080  }
0x34b: {  	[hbm4b:s3+s1] =	stream.indirect_vreg.scatter [tilespmem:s9], [sflag:$0x1], $0x80, v3, vm0, $0xb8;
	[tilespmem:$0x10080] =	vst v63  }
0x34c: {  	s16 =	simm.s32 $0x5880  }
0x34d: {  	[hbm4b:s6+s1] =	stream.indirect_vreg.scatter [tilespmem:s16], [sflag:$0x1], $0x80, v3, vm0, $0xb8;
	[tilespmem:$0x10080] =	vst v63  }
0x34e: {  	v3 =	vld [tilespmem:$0x30];
	_ =	sdelay $0x4  }
0x34f: {  	v51 =	vshll.u32 v3, $0x2  }
0x350: {  	v3 =	vand.u32 $0x7, v3;
	v4 =	vand.u32 $0xFFFFFFE0, v51  }
0x351: {  	v3 =	vor.u32 v3, v4  }
0x352: {  	v4 =	vperm.xlane v3, v0;
	_ =	sdelay $0x1  }
0x353: {  	v4 =	vadd.s32 v1, v4;
	_ =	sdelay $0x1  }
0x354: {  	v3 =	vperm.xlane v3, v2;
	_ =	sdelay $0x1  }
0x355: {  	s2 =	simm.s32 $0x6080;
	v3 =	vadd.s32 v1, v3  }
0x356: {  	[hbm4b:s3+s1] =	stream.indirect_vreg.scatter [tilespmem:s2], [sflag:$0x1], $0x80, v4, vm0, $0xb8;
	[tilespmem:$0x10080] =	vst v63  }
0x357: {  	_ = 	snop  }
0x358: {  	[hbm4b:s6+s1] =	stream.indirect_vreg.scatter [tilespmem:s25], [sflag:$0x1], $0x80, v4, vm0, $0xb8;
	[tilespmem:$0x10080] =	vst v63  }
0x359: {  	_ = 	snop  }
0x35a: {  	[hbm4b:s3+s1] =	stream.indirect_vreg.scatter [tilespmem:s17], [sflag:$0x1], $0x80, v3, vm0, $0xb8;
	[tilespmem:$0x10080] =	vst v63  }
0x35b: {  	_ = 	snop  }
0x35c: {  	[hbm4b:s6+s1] =	stream.indirect_vreg.scatter [tilespmem:s18], [sflag:$0x1], $0x80, v3, vm0, $0xb8;
	[tilespmem:$0x10080] =	vst v63  }
0x35d: {  	v3 =	vld [tilespmem:$0x40];
	_ =	sdelay $0x4  }
0x35e: {  	v52 =	vshll.u32 v3, $0x2  }
0x35f: {  	v3 =	vand.u32 $0x7, v3;
	v4 =	vand.u32 $0xFFFFFFE0, v52  }
0x360: {  	v3 =	vor.u32 v3, v4  }
0x361: {  	v4 =	vperm.xlane v3, v0;
	_ =	sdelay $0x1  }
0x362: {  	v4 =	vadd.s32 v1, v4;
	_ =	sdelay $0x1  }
0x363: {  	v3 =	vperm.xlane v3, v2;
	_ =	sdelay $0x1  }
0x364: {  	v3 =	vadd.s32 v1, v3  }
0x365: {  	[hbm4b:s3+s1] =	stream.indirect_vreg.scatter [tilespmem:s19], [sflag:$0x1], $0x80, v4, vm0, $0xb8;
	[tilespmem:$0x10080] =	vst v63  }
0x366: {  	s22 =	simm.s32 $0x8880  }
0x367: {  	[hbm4b:s6+s1] =	stream.indirect_vreg.scatter [tilespmem:s22], [sflag:$0x1], $0x80, v4, vm0, $0xb8;
	[tilespmem:$0x10080] =	vst v63  }
0x368: {  	s5 =	simm.s32 $0x9080  }
0x369: {  	[hbm4b:s3+s1] =	stream.indirect_vreg.scatter [tilespmem:s5], [sflag:$0x1], $0x80, v3, vm0, $0xb8;
	[tilespmem:$0x10080] =	vst v63  }
0x36a: {  	s19 =	simm.s32 $0x9880  }
0x36b: {  	[hbm4b:s6+s1] =	stream.indirect_vreg.scatter [tilespmem:s19], [sflag:$0x1], $0x80, v3, vm0, $0xb8;
	[tilespmem:$0x10080] =	vst v63  }
0x36c: {  	v3 =	vld [tilespmem:$0x50];
	_ =	sdelay $0x4  }
0x36d: {  	v53 =	vshll.u32 v3, $0x2  }
0x36e: {  	v3 =	vand.u32 $0x7, v3;
	v4 =	vand.u32 $0xFFFFFFE0, v53  }
0x36f: {  	v3 =	vor.u32 v3, v4  }
0x370: {  	v4 =	vperm.xlane v3, v0;
	_ =	sdelay $0x1  }
0x371: {  	v4 =	vadd.s32 v1, v4;
	_ =	sdelay $0x1  }
0x372: {  	v3 =	vperm.xlane v3, v2;
	_ =	sdelay $0x1  }
0x373: {  	s11 =	simm.s32 $0xA080;
	v3 =	vadd.s32 v1, v3  }
0x374: {  	[hbm4b:s3+s1] =	stream.indirect_vreg.scatter [tilespmem:s11], [sflag:$0x1], $0x80, v4, vm0, $0xb8;
	[tilespmem:$0x10080] =	vst v63  }
0x375: {  	s29 =	simm.s32 $0xA880  }
0x376: {  	[hbm4b:s6+s1] =	stream.indirect_vreg.scatter [tilespmem:s29], [sflag:$0x1], $0x80, v4, vm0, $0xb8;
	[tilespmem:$0x10080] =	vst v63  }
0x377: {  	s20 =	simm.s32 $0xB080  }
0x378: {  	[hbm4b:s3+s1] =	stream.indirect_vreg.scatter [tilespmem:s20], [sflag:$0x1], $0x80, v3, vm0, $0xb8;
	[tilespmem:$0x10080] =	vst v63  }
0x379: {  	s25 =	simm.s32 $0xB880  }
0x37a: {  	[hbm4b:s6+s1] =	stream.indirect_vreg.scatter [tilespmem:s25], [sflag:$0x1], $0x80, v3, vm0, $0xb8;
	[tilespmem:$0x10080] =	vst v63  }
0x37b: {  	v3 =	vld [tilespmem:$0x60];
	_ =	sdelay $0x4  }
0x37c: {  	v54 =	vshll.u32 v3, $0x2  }
0x37d: {  	v3 =	vand.u32 $0x7, v3;
	v4 =	vand.u32 $0xFFFFFFE0, v54  }
0x37e: {  	v3 =	vor.u32 v3, v4  }
0x37f: {  	v4 =	vperm.xlane v3, v0;
	_ =	sdelay $0x1  }
0x380: {  	v4 =	vadd.s32 v1, v4;
	_ =	sdelay $0x1  }
0x381: {  	v3 =	vperm.xlane v3, v2;
	_ =	sdelay $0x1  }
0x382: {  	s21 =	simm.s32 $0xC080;
	v3 =	vadd.s32 v1, v3  }
0x383: {  	[hbm4b:s3+s1] =	stream.indirect_vreg.scatter [tilespmem:s21], [sflag:$0x1], $0x80, v4, vm0, $0xb8;
	[tilespmem:$0x10080] =	vst v63  }
0x384: {  	s24 =	simm.s32 $0xC880  }
0x385: {  	[hbm4b:s6+s1] =	stream.indirect_vreg.scatter [tilespmem:s24], [sflag:$0x1], $0x80, v4, vm0, $0xb8;
	[tilespmem:$0x10080] =	vst v63  }
0x386: {  	s28 =	simm.s32 $0xD080  }
0x387: {  	[hbm4b:s3+s1] =	stream.indirect_vreg.scatter [tilespmem:s28], [sflag:$0x1], $0x80, v3, vm0, $0xb8;
	[tilespmem:$0x10080] =	vst v63  }
0x388: {  	s29 =	simm.s32 $0xD880  }
0x389: {  	[hbm4b:s6+s1] =	stream.indirect_vreg.scatter [tilespmem:s29], [sflag:$0x1], $0x80, v3, vm0, $0xb8;
	[tilespmem:$0x10080] =	vst v63  }
0x38a: {  	v3 =	vld [tilespmem:$0x70];
	_ =	sdelay $0x4  }
0x38b: {  	v55 =	vshll.u32 v3, $0x2  }
0x38c: {  	v3 =	vand.u32 $0x7, v3;
	v4 =	vand.u32 $0xFFFFFFE0, v55  }
0x38d: {  	v3 =	vor.u32 v3, v4  }
0x38e: {  	v4 =	vperm.xlane v3, v0;
	_ =	sdelay $0x1  }
0x38f: {  	v4 =	vadd.s32 v1, v4;
	_ =	sdelay $0x1  }
0x390: {  	v3 =	vperm.xlane v3, v2;
	_ =	sdelay $0x1  }
0x391: {  	s28 =	simm.s32 $0xE080;
	v3 =	vadd.s32 v1, v3  }
0x392: {  	[hbm4b:s3+s1] =	stream.indirect_vreg.scatter [tilespmem:s28], [sflag:$0x1], $0x80, v4, vm0, $0xb8;
	[tilespmem:$0x10080] =	vst v63  }
0x393: {  	s29 =	simm.s32 $0xE880  }
0x394: {  	[hbm4b:s6+s1] =	stream.indirect_vreg.scatter [tilespmem:s29], [sflag:$0x1], $0x80, v4, vm0, $0xb8;
	[tilespmem:$0x10080] =	vst v63  }
0x395: {  	s7 =	simm.s32 $0xF080  }
0x396: {  	[hbm4b:s3+s1] =	stream.indirect_vreg.scatter [tilespmem:s7], [sflag:$0x1], $0x80, v3, vm0, $0xb8;
	[tilespmem:$0x10080] =	vst v63  }
0x397: {  	s25 =	simm.s32 $0xF880  }
0x398: {  	[hbm4b:s6+s1] =	stream.indirect_vreg.scatter [tilespmem:s25], [sflag:$0x1], $0x80, v3, vm0, $0xb8;
	[tilespmem:$0x10080] =	vst v63  }
0x399: {  	_ =	swait.ge [sflag:s12], $0x10000  }
0x39a: {  	[sflag:s12] =	ssyncset.done $0x0  }
0x39b: {  	s13 =	simm.s32 $0x80;
	s25 =	rddreg [dreg:$0xa];
	[sflag:s12] =	ssyncadd.s32 $0xFFFF0000  }
0x39c: {  	[tilespmem:s13], [sflag:$0x1] =	stream.linear.gather [hbm4b:s25+s1], $0x10000, $0x38;
	[tilespmem:$0x10080] =	vst v63  }
0x39d: {  	_ =	swait.ge [sflag:s12], $0x10000  }
0x39e: {  	[sflag:s12] =	ssyncset.done $0x0  }
0x39f: {  	[sflag:s12] =	ssyncadd.s32 $0xFFFF0000  }
0x3a0: {  	v3 =	vld [tilespmem:$0x0];
	_ =	sdelay $0x4  }
0x3a1: {  	v56 =	vshll.u32 v3, $0x2  }
0x3a2: {  	v3 =	vand.u32 $0x7, v3;
	v4 =	vand.u32 $0xFFFFFFE0, v56  }
0x3a3: {  	v3 =	vor.u32 v3, v4  }
0x3a4: {  	v4 =	vperm.xlane v3, v0;
	_ =	sdelay $0x1  }
0x3a5: {  	v4 =	vadd.s32 v1, v4;
	_ =	sdelay $0x1  }
0x3a6: {  	v3 =	vperm.xlane v3, v2;
	_ =	sdelay $0x1  }
0x3a7: {  	v3 =	vadd.s32 v1, v3  }
0x3a8: {  	[hbm4b:s4+s1] =	stream.indirect_vreg.scatter [tilespmem:s13], [sflag:$0x1], $0x80, v4, vm0, $0xb8;
	[tilespmem:$0x10080] =	vst v63  }
0x3a9: {  	s25 =	simm.s32 $0x880  }
0x3aa: {  	[hbm4b:s8+s1] =	stream.indirect_vreg.scatter [tilespmem:s25], [sflag:$0x1], $0x80, v4, vm0, $0xb8;
	[tilespmem:$0x10080] =	vst v63  }
0x3ab: {  	s14 =	simm.s32 $0x1080  }
0x3ac: {  	[hbm4b:s4+s1] =	stream.indirect_vreg.scatter [tilespmem:s14], [sflag:$0x1], $0x80, v3, vm0, $0xb8;
	[tilespmem:$0x10080] =	vst v63  }
0x3ad: {  	s14 =	simm.s32 $0x1880  }
0x3ae: {  	[hbm4b:s8+s1] =	stream.indirect_vreg.scatter [tilespmem:s14], [sflag:$0x1], $0x80, v3, vm0, $0xb8;
	[tilespmem:$0x10080] =	vst v63  }
0x3af: {  	v3 =	vld [tilespmem:$0x10];
	_ =	sdelay $0x4  }
0x3b0: {  	v57 =	vshll.u32 v3, $0x2  }
0x3b1: {  	v3 =	vand.u32 $0x7, v3;
	v4 =	vand.u32 $0xFFFFFFE0, v57  }
0x3b2: {  	v3 =	vor.u32 v3, v4  }
0x3b3: {  	v4 =	vperm.xlane v3, v0;
	_ =	sdelay $0x1  }
0x3b4: {  	v4 =	vadd.s32 v1, v4;
	_ =	sdelay $0x1  }
0x3b5: {  	v3 =	vperm.xlane v3, v2;
	_ =	sdelay $0x1  }
0x3b6: {  	s15 =	simm.s32 $0x2080;
	v3 =	vadd.s32 v1, v3  }
0x3b7: {  	[hbm4b:s4+s1] =	stream.indirect_vreg.scatter [tilespmem:s15], [sflag:$0x1], $0x80, v4, vm0, $0xb8;
	[tilespmem:$0x10080] =	vst v63  }
0x3b8: {  	s23 =	simm.s32 $0x2880  }
0x3b9: {  	[hbm4b:s8+s1] =	stream.indirect_vreg.scatter [tilespmem:s23], [sflag:$0x1], $0x80, v4, vm0, $0xb8;
	[tilespmem:$0x10080] =	vst v63  }
0x3ba: {  	s31 =	simm.s32 $0x3080  }
0x3bb: {  	[hbm4b:s4+s1] =	stream.indirect_vreg.scatter [tilespmem:s31], [sflag:$0x1], $0x80, v3, vm0, $0xb8;
	[tilespmem:$0x10080] =	vst v63  }
0x3bc: {  	s30 =	simm.s32 $0x3880  }
0x3bd: {  	[hbm4b:s8+s1] =	stream.indirect_vreg.scatter [tilespmem:s30], [sflag:$0x1], $0x80, v3, vm0, $0xb8;
	[tilespmem:$0x10080] =	vst v63  }
0x3be: {  	v3 =	vld [tilespmem:$0x20];
	_ =	sdelay $0x4  }
0x3bf: {  	v58 =	vshll.u32 v3, $0x2  }
0x3c0: {  	v3 =	vand.u32 $0x7, v3;
	v4 =	vand.u32 $0xFFFFFFE0, v58  }
0x3c1: {  	v3 =	vor.u32 v3, v4  }
0x3c2: {  	v4 =	vperm.xlane v3, v0;
	_ =	sdelay $0x1  }
0x3c3: {  	v4 =	vadd.s32 v1, v4;
	_ =	sdelay $0x1  }
0x3c4: {  	v3 =	vperm.xlane v3, v2;
	_ =	sdelay $0x1  }
0x3c5: {  	s10 =	simm.s32 $0x4080;
	v3 =	vadd.s32 v1, v3  }
0x3c6: {  	[hbm4b:s4+s1] =	stream.indirect_vreg.scatter [tilespmem:s10], [sflag:$0x1], $0x80, v4, vm0, $0xb8;
	[tilespmem:$0x10080] =	vst v63  }
0x3c7: {  	_ = 	snop  }
0x3c8: {  	[hbm4b:s8+s1] =	stream.indirect_vreg.scatter [tilespmem:s0], [sflag:$0x1], $0x80, v4, vm0, $0xb8;
	[tilespmem:$0x10080] =	vst v63  }
0x3c9: {  	s9 =	simm.s32 $0x5080  }
0x3ca: {  	[hbm4b:s4+s1] =	stream.indirect_vreg.scatter [tilespmem:s9], [sflag:$0x1], $0x80, v3, vm0, $0xb8;
	[tilespmem:$0x10080] =	vst v63  }
0x3cb: {  	s15 =	simm.s32 $0x5880  }
0x3cc: {  	[hbm4b:s8+s1] =	stream.indirect_vreg.scatter [tilespmem:s15], [sflag:$0x1], $0x80, v3, vm0, $0xb8;
	[tilespmem:$0x10080] =	vst v63  }
0x3cd: {  	v3 =	vld [tilespmem:$0x30];
	_ =	sdelay $0x4  }
0x3ce: {  	v59 =	vshll.u32 v3, $0x2  }
0x3cf: {  	v3 =	vand.u32 $0x7, v3;
	v4 =	vand.u32 $0xFFFFFFE0, v59  }
0x3d0: {  	v3 =	vor.u32 v3, v4  }
0x3d1: {  	v4 =	vperm.xlane v3, v0;
	_ =	sdelay $0x1  }
0x3d2: {  	v4 =	vadd.s32 v1, v4;
	_ =	sdelay $0x1  }
0x3d3: {  	v3 =	vperm.xlane v3, v2;
	_ =	sdelay $0x1  }
0x3d4: {  	v3 =	vadd.s32 v1, v3  }
0x3d5: {  	[hbm4b:s4+s1] =	stream.indirect_vreg.scatter [tilespmem:s2], [sflag:$0x1], $0x80, v4, vm0, $0xb8;
	[tilespmem:$0x10080] =	vst v63  }
0x3d6: {  	s26 =	simm.s32 $0x6880  }
0x3d7: {  	[hbm4b:s8+s1] =	stream.indirect_vreg.scatter [tilespmem:s26], [sflag:$0x1], $0x80, v4, vm0, $0xb8;
	[tilespmem:$0x10080] =	vst v63  }
0x3d8: {  	s16 =	simm.s32 $0x7080  }
0x3d9: {  	[hbm4b:s4+s1] =	stream.indirect_vreg.scatter [tilespmem:s16], [sflag:$0x1], $0x80, v3, vm0, $0xb8;
	[tilespmem:$0x10080] =	vst v63  }
0x3da: {  	s17 =	simm.s32 $0x7880  }
0x3db: {  	[hbm4b:s8+s1] =	stream.indirect_vreg.scatter [tilespmem:s17], [sflag:$0x1], $0x80, v3, vm0, $0xb8;
	[tilespmem:$0x10080] =	vst v63  }
0x3dc: {  	v3 =	vld [tilespmem:$0x40];
	_ =	sdelay $0x4  }
0x3dd: {  	v60 =	vshll.u32 v3, $0x2  }
0x3de: {  	v3 =	vand.u32 $0x7, v3;
	v4 =	vand.u32 $0xFFFFFFE0, v60  }
0x3df: {  	v3 =	vor.u32 v3, v4  }
0x3e0: {  	v4 =	vperm.xlane v3, v0;
	_ =	sdelay $0x1  }
0x3e1: {  	v4 =	vadd.s32 v1, v4;
	_ =	sdelay $0x1  }
0x3e2: {  	v3 =	vperm.xlane v3, v2;
	_ =	sdelay $0x1  }
0x3e3: {  	s17 =	simm.s32 $0x8080;
	v3 =	vadd.s32 v1, v3  }
0x3e4: {  	[hbm4b:s4+s1] =	stream.indirect_vreg.scatter [tilespmem:s17], [sflag:$0x1], $0x80, v4, vm0, $0xb8;
	[tilespmem:$0x10080] =	vst v63  }
0x3e5: {  	_ = 	snop  }
0x3e6: {  	[hbm4b:s8+s1] =	stream.indirect_vreg.scatter [tilespmem:s22], [sflag:$0x1], $0x80, v4, vm0, $0xb8;
	[tilespmem:$0x10080] =	vst v63  }
0x3e7: {  	_ = 	snop  }
0x3e8: {  	[hbm4b:s4+s1] =	stream.indirect_vreg.scatter [tilespmem:s5], [sflag:$0x1], $0x80, v3, vm0, $0xb8;
	[tilespmem:$0x10080] =	vst v63  }
0x3e9: {  	s23 =	simm.s32 $0x9880  }
0x3ea: {  	[hbm4b:s8+s1] =	stream.indirect_vreg.scatter [tilespmem:s23], [sflag:$0x1], $0x80, v3, vm0, $0xb8;
	[tilespmem:$0x10080] =	vst v63  }
0x3eb: {  	v3 =	vld [tilespmem:$0x50];
	_ =	sdelay $0x4  }
0x3ec: {  	v61 =	vshll.u32 v3, $0x2  }
0x3ed: {  	v3 =	vand.u32 $0x7, v3;
	v4 =	vand.u32 $0xFFFFFFE0, v61  }
0x3ee: {  	v3 =	vor.u32 v3, v4  }
0x3ef: {  	v4 =	vperm.xlane v3, v0;
	_ =	sdelay $0x1  }
0x3f0: {  	v4 =	vadd.s32 v1, v4;
	_ =	sdelay $0x1  }
0x3f1: {  	v3 =	vperm.xlane v3, v2;
	_ =	sdelay $0x1  }
0x3f2: {  	s11 =	simm.s32 $0xA080;
	v3 =	vadd.s32 v1, v3  }
0x3f3: {  	[hbm4b:s4+s1] =	stream.indirect_vreg.scatter [tilespmem:s11], [sflag:$0x1], $0x80, v4, vm0, $0xb8;
	[tilespmem:$0x10080] =	vst v63  }
0x3f4: {  	s18 =	simm.s32 $0xA880  }
0x3f5: {  	[hbm4b:s8+s1] =	stream.indirect_vreg.scatter [tilespmem:s18], [sflag:$0x1], $0x80, v4, vm0, $0xb8;
	[tilespmem:$0x10080] =	vst v63  }
0x3f6: {  	s19 =	simm.s32 $0xB080  }
0x3f7: {  	[hbm4b:s4+s1] =	stream.indirect_vreg.scatter [tilespmem:s19], [sflag:$0x1], $0x80, v3, vm0, $0xb8;
	[tilespmem:$0x10080] =	vst v63  }
0x3f8: {  	s26 =	simm.s32 $0xB880  }
0x3f9: {  	[hbm4b:s8+s1] =	stream.indirect_vreg.scatter [tilespmem:s26], [sflag:$0x1], $0x80, v3, vm0, $0xb8;
	[tilespmem:$0x10080] =	vst v63  }
0x3fa: {  	v3 =	vld [tilespmem:$0x60];
	_ =	sdelay $0x4  }
0x3fb: {  	v62 =	vshll.u32 v3, $0x2  }
0x3fc: {  	v3 =	vand.u32 $0x7, v3;
	v4 =	vand.u32 $0xFFFFFFE0, v62  }
0x3fd: {  	v3 =	vor.u32 v3, v4  }
0x3fe: {  	v4 =	vperm.xlane v3, v0;
	_ =	sdelay $0x1  }
0x3ff: {  	v4 =	vadd.s32 v1, v4;
	_ =	sdelay $0x1  }
0x400: {  	v3 =	vperm.xlane v3, v2;
	_ =	sdelay $0x1  }
0x401: {  	s20 =	simm.s32 $0xC080;
	v3 =	vadd.s32 v1, v3  }
0x402: {  	[hbm4b:s4+s1] =	stream.indirect_vreg.scatter [tilespmem:s20], [sflag:$0x1], $0x80, v4, vm0, $0xb8;
	[tilespmem:$0x10080] =	vst v63  }
0x403: {  	s21 =	simm.s32 $0xC880  }
0x404: {  	[hbm4b:s8+s1] =	stream.indirect_vreg.scatter [tilespmem:s21], [sflag:$0x1], $0x80, v4, vm0, $0xb8;
	[tilespmem:$0x10080] =	vst v63  }
0x405: {  	s24 =	simm.s32 $0xD080  }
0x406: {  	[hbm4b:s4+s1] =	stream.indirect_vreg.scatter [tilespmem:s24], [sflag:$0x1], $0x80, v3, vm0, $0xb8;
	[tilespmem:$0x10080] =	vst v63  }
0x407: {  	s30 =	simm.s32 $0xD880  }
0x408: {  	[hbm4b:s8+s1] =	stream.indirect_vreg.scatter [tilespmem:s30], [sflag:$0x1], $0x80, v3, vm0, $0xb8;
	[tilespmem:$0x10080] =	vst v63  }
0x409: {  	v3 =	vld [tilespmem:$0x70];
	_ =	sdelay $0x4  }
0x40a: {  	v63 =	vshll.u32 v3, $0x2  }
0x40b: {  	v3 =	vand.u32 $0x7, v3;
	v4 =	vand.u32 $0xFFFFFFE0, v63  }
0x40c: {  	v3 =	vor.u32 v3, v4  }
0x40d: {  	v4 =	vperm.xlane v3, v0;
	_ =	sdelay $0x1  }
0x40e: {  	v4 =	vadd.s32 v1, v4;
	_ =	sdelay $0x1  }
0x40f: {  	v3 =	vperm.xlane v3, v2;
	_ =	sdelay $0x1  }
0x410: {  	v3 =	vadd.s32 v1, v3  }
0x411: {  	[hbm4b:s4+s1] =	stream.indirect_vreg.scatter [tilespmem:s28], [sflag:$0x1], $0x80, v4, vm0, $0xb8;
	[tilespmem:$0x10080] =	vst v63  }
0x412: {  	s25 =	rddreg [dreg:$0xb]  }
0x413: {  	[hbm4b:s8+s1] =	stream.indirect_vreg.scatter [tilespmem:s29], [sflag:$0x1], $0x80, v4, vm0, $0xb8;
	[tilespmem:$0x10080] =	vst v63  }
0x414: {  	p0 =	sne.s32 s25, $0x1  }
0x415: {  	[hbm4b:s4+s1] =	stream.indirect_vreg.scatter [tilespmem:s7], [sflag:$0x1], $0x80, v3, vm0, $0xb8;
	[tilespmem:$0x10080] =	vst v63  }
.Ltmp0:
0x416: {  	s31 =	simm.s32 $0xF880;
	(pc) =	sbr.rel @p0 .LBB2_1-.Ltmp0, $4  }
0x417: {  	[hbm4b:s8+s1] =	stream.indirect_vreg.scatter [tilespmem:s31], [sflag:$0x1], $0x80, v3, vm0, $0xb8;
	[tilespmem:$0x10080] =	vst v63  }
0x418: {  	_ =	swait.ge [sflag:s12], $0x10000  }
0x419: {  	[sflag:s12] =	ssyncset.done $0x0  }
0x41a: {  	s0 =	sadd.s32 $0xFFFFFFFF, s25;
	[sflag:s12] =	ssyncadd.s32 $0xFFFF0000  }
0x41b: {  	_ =	sfence.sel $0x180000  }
0x41c: {  	[bflag:$0x0] =	sbarrier.arrive $0xFFFF  }
0x41d: {  	_ =	strace $0x90000047  }
0x41e: {  	s0 =	stileid.u32;
	[bflag:$0x2] =	sbarrier.arrive $0xFFFF  }
0x41f: {  	p0 =	sne.s32 s0, $0x0;
	s0 =	rddreg [dreg:$0x2]  }
0x420: {  	s0 =	sadd.s32 @!p0 $0x100000, s0  }
0x421: {  	[sflag:s0] =	ssyncadd.tile.s32 @!p0 $0x1;
	_ =	shalt  }
.Lfunc_end2:
_tile_overlayer_lowered:
.L_overlay_start_2:
0x422: {  	(tag) =	ssettag $0x2  }
0x423: {  	s0 =	rddreg [dreg:$0x0];
	s2 =	stileid.u32  }
0x424: {  	s1 =	rddreg [dreg:$0x1];
	p0 =	sne.s32 s2, $0x0  }
0x425: {  	s3 =	rddreg [dreg:$0x2];
	[bflag:$0x3] =	sbarrier.arrive $0xFFFF;
	s2 =	simm.s32 @!p0 $0x1C01  }
0x426: {  	[timem:s3], [sflag:s2] =	dma.local @!p0 [hbm:s0], s1  }
0x427: {  	s0 =	simm.s32 @!p0 $0x1  }
0x428: {  	_ =	swait.ge @!p0 [sflag:s0], s1  }
0x429: {  	s1 =	ssub.s32 @!p0 $0x0, s1;
	[sflag:s0] =	ssyncset.done @!p0 $0x0  }
0x42a: {  	[sflag:s0] =	ssyncadd.s32 @!p0 s1  }
0x42b: {  	[bflag:$0x3] =	sbarrier.arrive $0xFFFF  }
0x42c: {  	_ =	shalt  }

</sc_bundles>
